<compile_context>
chip_gen: v7x
topology: tpu7x:2x2x1
jax: 0.10.2.dev20260603
libtpu: 0.0.44.dev20260713+nightly
codegen_flags: <defaults>
</compile_context>

<pallas_src>
import functools

import jax
import jax.numpy as jnp
from jax import lax
from jax.experimental import pallas as pl
from jax.experimental.pallas import tpu as pltpu
from jax.experimental.pallas import tpu_sc as plsc

N = 10000
E = 320000
HEADS = 8
HID = 16
HH = HID * HEADS
G = 64
RB = 1000
NBLK = N // RB
HALF = 5056
HALF_P = 5120
RPT = HALF_P // 16
CH = 128
CPT = 157
EP = 16 * CPT * CH



def _q_tail(h, W_ref, Ws_ref, bs_ref, Am_ref, Ar_ref, hw_ref, aed_ref,
            aro_ref, sk_ref):
    hw = jnp.dot(h, W_ref[...], preferred_element_type=jnp.float32)
    hw_ref[...] = hw
    aed = jnp.dot(hw, Am_ref[...], preferred_element_type=jnp.float32)
    aro = jnp.dot(hw, Ar_ref[...], preferred_element_type=jnp.float32)
    aed_ref[...] = aed
    aro_ref[...] = jnp.concatenate(
        [aed, aro, jnp.zeros((RB, HH - 32), jnp.float32)], axis=1)
    sk_ref[...] = jnp.dot(h, Ws_ref[...],
                          preferred_element_type=jnp.float32) + bs_ref[...]


def _q_embed_body(x_ref, W0_ref, b0_ref, W_ref, Ws_ref, bs_ref, Am_ref,
                  Ar_ref, hw_ref, aed_ref, aro_ref, sk_ref):
    h = jnp.dot(x_ref[...], W0_ref[...],
                preferred_element_type=jnp.float32) + b0_ref[...]
    _q_tail(h, W_ref, Ws_ref, bs_ref, Am_ref, Ar_ref, hw_ref, aed_ref,
            aro_ref, sk_ref)


def _q_bn_body(z_ref, s_ref, t_ref, W_ref, Ws_ref, bs_ref, Am_ref, Ar_ref,
               hw_ref, aed_ref, aro_ref, sk_ref):
    h = jnp.maximum(z_ref[...] * s_ref[...] + t_ref[...], 0.0)
    _q_tail(h, W_ref, Ws_ref, bs_ref, Am_ref, Ar_ref, hw_ref, aed_ref,
            aro_ref, sk_ref)


def _q_call(body, first, fa, fb, W, Ws, bs, Am, Ar):
    f32 = jnp.float32
    kd = first.shape[1]
    grid = (NBLK,)
    in_specs = [
        pl.BlockSpec((RB, kd), lambda i: (i, 0)),
        pl.BlockSpec((1, kd) if fa.shape[0] == 1 else fa.shape,
                     lambda i: (0, 0)),
        pl.BlockSpec(fb.shape, lambda i: (0, 0)),
        pl.BlockSpec((HH, HH), lambda i: (0, 0)),
        pl.BlockSpec((HH, HH), lambda i: (0, 0)),
        pl.BlockSpec((1, HH), lambda i: (0, 0)),
        pl.BlockSpec((HH, 16), lambda i: (0, 0)),
        pl.BlockSpec((HH, 16), lambda i: (0, 0)),
    ]
    out_specs = [
        pl.BlockSpec((RB, HH), lambda i: (i, 0)),
        pl.BlockSpec((RB, 16), lambda i: (i, 0)),
        pl.BlockSpec((RB, HH), lambda i: (i, 0)),
        pl.BlockSpec((RB, HH), lambda i: (i, 0)),
    ]
    out_shape = [
        jax.ShapeDtypeStruct((N, HH), f32),
        jax.ShapeDtypeStruct((N, 16), f32),
        jax.ShapeDtypeStruct((N, HH), f32),
        jax.ShapeDtypeStruct((N, HH), f32),
    ]
    return pl.pallas_call(
        body, grid=grid, in_specs=in_specs, out_specs=out_specs,
        out_shape=out_shape)(first, fa, fb, W, Ws, bs, Am, Ar)



def _p_body(nu_ref, de_ref, aed_ref, hw_ref, sk_ref, bias_ref, z_ref,
            st_ref):
    i = pl.program_id(0)
    aed = aed_ref[0]
    a_self = aed[:, :8] + aed[:, 8:]
    e_self = jnp.exp(jnp.maximum(a_self, 0.2 * a_self))
    hw = hw_ref[...]
    e_exp = jnp.reshape(
        jnp.broadcast_to(e_self[:, :, None], (RB, HEADS, HID)), (RB, HH))
    numer = nu_ref[...] + e_exp * hw
    d8 = de_ref[...][:, :8] + e_self + 1e-16
    d_exp = jnp.reshape(
        jnp.broadcast_to(d8[:, :, None], (RB, HEADS, HID)), (RB, HH))
    z = numer / d_exp + bias_ref[...] + sk_ref[...]
    z_ref[...] = z

    @pl.when(i == 0)
    def _():
        st_ref[...] = jnp.zeros_like(st_ref)

    st_ref[0, :] += jnp.sum(z, axis=0)
    st_ref[1, :] += jnp.sum(z * z, axis=0)


def _p_call(numer2, denom2, aed, hw, sk, bias):
    f32 = jnp.float32
    grid = (NBLK,)
    return pl.pallas_call(
        _p_body, grid=grid,
        in_specs=[
            pl.BlockSpec((RB, HH), lambda i: (i, 0)),
            pl.BlockSpec((RB, HH), lambda i: (i, 0)),
            pl.BlockSpec((1, RB, 16), lambda i: (0, i, 0)),
            pl.BlockSpec((RB, HH), lambda i: (i, 0)),
            pl.BlockSpec((RB, HH), lambda i: (i, 0)),
            pl.BlockSpec((1, HH), lambda i: (0, 0)),
        ],
        out_specs=[
            pl.BlockSpec((RB, HH), lambda i: (i, 0)),
            pl.BlockSpec((8, HH), lambda i: (0, 0)),
        ],
        out_shape=[
            jax.ShapeDtypeStruct((N, HH), f32),
            jax.ShapeDtypeStruct((8, HH), f32),
        ])(numer2, denom2, aed.reshape(1, N, 16), hw, sk, bias)



def _e_body(z_ref, s_ref, t_ref, b_ref, Wm_ref, bm_ref, out_ref, sums_ref,
            cnts_ref):
    i = pl.program_id(0)
    h = jnp.maximum(z_ref[...] * s_ref[...] + t_ref[...], 0.0)
    bids = b_ref[...]
    onehot = (bids == jax.lax.broadcasted_iota(jnp.int32, (1, G), 1)
              ).astype(jnp.float32)
    part = jax.lax.dot_general(onehot, h, (((0,), (0,)), ((), ())),
                               preferred_element_type=jnp.float32)
    cpart = jnp.broadcast_to(jnp.sum(onehot, axis=0)[:, None], (G, HH))

    @pl.when(i == 0)
    def _():
        sums_ref[...] = jnp.zeros_like(sums_ref)
        cnts_ref[...] = jnp.zeros_like(cnts_ref)

    sums_ref[...] += part
    cnts_ref[...] += cpart

    @pl.when(i == NBLK - 1)
    def _():
        pooled = sums_ref[...] / jnp.maximum(cnts_ref[...], 1.0)
        out_ref[...] = jnp.dot(pooled, Wm_ref[...],
                               preferred_element_type=jnp.float32) + bm_ref[...]


def _e_call(z, s, t, bids, Wm, bm):
    f32 = jnp.float32
    return pl.pallas_call(
        _e_body, grid=(NBLK,),
        in_specs=[
            pl.BlockSpec((RB, HH), lambda i: (i, 0)),
            pl.BlockSpec((1, HH), lambda i: (0, 0)),
            pl.BlockSpec((1, HH), lambda i: (0, 0)),
            pl.BlockSpec((RB, 1), lambda i: (i, 0)),
            pl.BlockSpec((HH, HH), lambda i: (0, 0)),
            pl.BlockSpec((1, HH), lambda i: (0, 0)),
        ],
        out_specs=pl.BlockSpec((G, HH), lambda i: (0, 0)),
        out_shape=jax.ShapeDtypeStruct((G, HH), f32),
        scratch_shapes=[pltpu.VMEM((G, HH), f32), pltpu.VMEM((G, HH), f32)],
    )(z, s, t, bids, Wm, bm)



_GD = lax.GatherDimensionNumbers(
    offset_dims=(), collapsed_slice_dims=(0,), start_index_map=(0,))


def _lane_bcast(v, j):
    idx = jnp.full((16, 1), j, jnp.int32)
    return lax.gather(v, idx, _GD, (1,),
                      mode=lax.GatherScatterMode.PROMISE_IN_BOUNDS)


def _sc_edge_body(hw_hbm, aa_hbm, lidx2_hbm,
                  numer_out, denom_out,
                  lidx, ebuf, scaled,
                  numer_sh, denom_sh):
    f32 = jnp.float32
    c = lax.axis_index("c")
    s = lax.axis_index("s")
    zero16 = jnp.zeros((16,), f32)

    def zrow(i, carry):
        for j in range(HEADS):
            scaled[i, pl.ds(16 * j, 16)] = zero16
        return carry

    lax.fori_loop(0, CH, zrow, 0)
    base_r = s * RPT
    for k in range(RPT // CH):
        pltpu.sync_copy(scaled, numer_sh.at[pl.ds(base_r + CH * k, CH)])
        pltpu.sync_copy(scaled, denom_sh.at[pl.ds(base_r + CH * k, CH)])
    rem = RPT % CH
    if rem:
        pltpu.sync_copy(scaled.at[pl.ds(0, rem)],
                        numer_sh.at[pl.ds(base_r + RPT - rem, rem)])
        pltpu.sync_copy(scaled.at[pl.ds(0, rem)],
                        denom_sh.at[pl.ds(base_r + RPT - rem, rem)])
    plsc.subcore_barrier()

    def chunk(g, carry):
        ci = s * CPT + g
        base_e = ci * CH
        pltpu.sync_copy(lidx2_hbm.at[c, pl.ds(ci, 1)], lidx)
        pltpu.sync_copy(aa_hbm.at[pl.ds(base_e, CH)], ebuf)
        pltpu.sync_copy(hw_hbm.at[pl.ds(base_e, CH)], scaled)
        pltpu.sync_copy(ebuf, denom_sh.at[lidx.at[0]], add=True)
        pltpu.sync_copy(scaled, numer_sh.at[lidx.at[0]], add=True)
        return carry

    lax.fori_loop(0, CPT, chunk, 0)
    plsc.subcore_barrier()
    pltpu.sync_copy(numer_sh.at[pl.ds(base_r, RPT)],
                    numer_out.at[c, pl.ds(base_r, RPT)])
    pltpu.sync_copy(denom_sh.at[pl.ds(base_r, RPT)],
                    denom_out.at[c, pl.ds(base_r, RPT)])


def _edge_phase(scl, e16, lidx2):
    f32 = jnp.float32
    mesh = plsc.VectorSubcoreMesh(core_axis_name="c", subcore_axis_name="s")
    fn = pl.kernel(
        _sc_edge_body,
        mesh=mesh,
        out_type=[
            jax.ShapeDtypeStruct((2, HALF_P, HH), f32),
            jax.ShapeDtypeStruct((2, HALF_P, HH), f32),
        ],
        scratch_types=[
            pltpu.VMEM((1, CH), jnp.int32),
            pltpu.VMEM((CH, HH), f32),
            pltpu.VMEM((CH, HH), f32),
            pltpu.VMEM_SHARED((HALF_P, HH), f32),
            pltpu.VMEM_SHARED((HALF_P, HH), f32),
        ],
    )
    return fn(scl, e16, lidx2.reshape(2, EP // CH, CH))



def kernel(x, edge_index, batch, params):
    f32 = jnp.float32
    x16 = jnp.zeros((N, 16), f32).at[:, :9].set(x.astype(f32))
    src = edge_index[0].astype(jnp.int32)
    dst = edge_index[1].astype(jnp.int32)
    srcp = jnp.concatenate([src, jnp.zeros((EP - E,), jnp.int32)])
    dstp = jnp.concatenate([dst, jnp.full((EP - E,), N, jnp.int32)])
    dstg = jnp.minimum(dstp, N - 1)
    loc0 = jnp.minimum(dstp, HALF)
    l1 = dstp - HALF
    loc1 = jnp.where(l1 >= 0, jnp.minimum(l1, HALF), HALF)
    lidx2 = jnp.stack([loc0, loc1], axis=0)
    bids = batch.astype(jnp.int32).reshape(N, 1)

    emb = params['atom_emb']
    base0 = functools.reduce(lambda a, b: a + b, [e[0] for e in emb])
    W0 = jnp.zeros((16, HH), f32).at[:9, :].set(
        jnp.stack([e[1] - e[0] for e in emb], axis=0))
    base0 = base0.reshape(1, HH)

    def att_mats(cp):
        Am = jnp.zeros((HH, 16), f32)
        Ar = jnp.zeros((HH, 16), f32)
        for j in range(HEADS):
            Am = Am.at[16 * j:16 * j + 16, j].set(cp['att_src'][j])
            Am = Am.at[16 * j:16 * j + 16, 8 + j].set(cp['att_dst'][j])
            Ar = Ar.at[16 * j:16 * j + 16, j].set(cp['att_dst'][j])
            Ar = Ar.at[16 * j:16 * j + 16, 8 + j].set(cp['att_src'][j])
        return Am, Ar

    z = None
    s = t = None
    for li in range(4):
        cp = params['convs'][li]
        sp = params['skips'][li]
        Am, Ar = att_mats(cp)
        bs = sp['b'].reshape(1, HH)
        if li == 0:
            hw, aed, aa, sk = _q_call(_q_embed_body, x16, W0, base0,
                                      cp['W'], sp['W'], bs, Am, Ar)
        else:
            hw, aed, aa, sk = _q_call(_q_bn_body, z, s, t,
                                      cp['W'], sp['W'], bs, Am, Ar)
        al16 = aed[srcp] + (jnp.concatenate(
            [aed[:, 8:], aed[:, :8]], axis=1))[dstg]
        e16 = jnp.exp(jnp.maximum(al16, 0.2 * al16))
        scl = hw[srcp] * jnp.reshape(jnp.broadcast_to(
            e16[:, :8, None], (EP, HEADS, HID)), (EP, HH))
        e16w = jnp.pad(e16, ((0, 0), (0, HH - 16)))
        numer2, denom2 = _edge_phase(scl, e16w, lidx2)
        numer = jnp.concatenate(
            [numer2[0, :HALF], numer2[1, :N - HALF]], axis=0)
        denom = jnp.concatenate(
            [denom2[0, :HALF], denom2[1, :N - HALF]], axis=0)
        z, stats = _p_call(numer, denom, aed, hw, sk,
                           cp['bias'].reshape(1, HH))
        mu = stats[0] / N
        var = stats[1] / N - mu * mu
        bn = params['bns'][li]
        s = (bn['g'] / jnp.sqrt(var + 1e-5)).reshape(1, HH)
        t = (bn['b'] - mu * s[0]).reshape(1, HH)

    return _e_call(z, s, t, bids, params['mlp']['W'],
                   params['mlp']['b'].reshape(1, HH))

# --- scband reference (transcript-rebuilt; emitter-appended) ---
"""Pipeline reference for scband-gatnn-86586540687412 (READ-ONLY COPY).

The authoritative reference and input builder live on the scoring server;
editing this copy changes nothing except your own understanding.
"""

import jax, jax.numpy as jnp
import numpy as np

N = 10000
E = 320000
IN_CH = 128
HID = 16
HEADS = 8
HH = HID * HEADS
OUT_CH = 128
G = 64
ATOM_DIMS = [119, 5, 12, 12, 10, 6, 6, 2, 2]


def _w(key, shape, scale=0.05):
    return jax.random.normal(key, shape, dtype=jnp.float32) * scale


def setup_inputs(seed: int = 0):
    key = jax.random.key(seed)
    ks = jax.random.split(key, 40)
    x = jax.random.randint(ks[0], (N, 9), 0, 2)
    edge_index = jax.random.randint(ks[1], (2, E), 0, N)
    batch = jnp.sort(jax.random.randint(ks[2], (N,), 0, G))
    atom_emb = [_w(ks[3 + j], (d, IN_CH), 0.1) for j, d in enumerate(ATOM_DIMS)]
    in_dims = [IN_CH, HH, HH, HH]
    convs = []
    for li in range(4):
        convs.append({'W': _w(ks[12 + 3 * li], (in_dims[li], HH)),
                      'att_src': _w(ks[13 + 3 * li], (HEADS, HID)),
                      'att_dst': _w(ks[14 + 3 * li], (HEADS, HID)),
                      'bias': jnp.zeros((HH,), jnp.float32)})
    skips = [{'W': _w(ks[24 + li], (in_dims[li], HH)), 'b': jnp.zeros((HH,), jnp.float32)} for li in range(4)]
    bns = [{'g': jnp.ones((HH,), jnp.float32), 'b': jnp.zeros((HH,), jnp.float32)} for _ in range(4)]
    mlp = {'W': _w(ks[28], (HH, OUT_CH)), 'b': jnp.zeros((OUT_CH,), jnp.float32)}
    params = {'atom_emb': atom_emb, 'convs': convs, 'skips': skips, 'bns': bns, 'mlp': mlp}
    return {'x': x, 'edge_index': edge_index, 'batch': batch, 'params': params}


def _gat_conv(h_in, edge_index, cp):
    h = (h_in @ cp['W']).reshape(N, HEADS, HID)
    loop = jnp.arange(N, dtype=edge_index.dtype)
    src = jnp.concatenate([edge_index[0], loop])
    dst = jnp.concatenate([edge_index[1], loop])
    a_src = jnp.sum(h * cp['att_src'][None, :, :], axis=-1)
    a_dst = jnp.sum(h * cp['att_dst'][None, :, :], axis=-1)
    alpha = jax.nn.leaky_relu(a_src[src] + a_dst[dst], 0.2)
    amax = jax.ops.segment_max(alpha, dst, num_segments=N)
    ex = jnp.exp(alpha - amax[dst])
    denom = jax.ops.segment_sum(ex, dst, num_segments=N)
    attn = ex / (denom[dst] + 1e-16)
    out = jax.ops.segment_sum(h[src] * attn[:, :, None], dst, num_segments=N)
    return out.reshape(N, HH) + cp['bias']


def _bn(z, g, b):
    mu = jnp.mean(z, axis=0)
    var = jnp.var(z, axis=0)
    return g * (z - mu) / jnp.sqrt(var + 1e-5) + b


def _forward(params, x, edge_index, batch):
    h = params['atom_emb'][0][x[:, 0]]
    for j in range(1, 9):
        h = h + params['atom_emb'][j][x[:, j]]
    for li in range(4):
        c = _gat_conv(h, edge_index, params['convs'][li])
        s = h @ params['skips'][li]['W'] + params['skips'][li]['b']
        h = jax.nn.relu(_bn(c + s, params['bns'][li]['g'], params['bns'][li]['b']))
    counts = jax.ops.segment_sum(jnp.ones((N,), jnp.float32), batch, num_segments=G)
    sums = jax.ops.segment_sum(h, batch, num_segments=G)
    pooled = sums / jnp.maximum(counts, 1.0)[:, None]
    return pooled @ params['mlp']['W'] + params['mlp']['b']


def reference(x, edge_index, batch, params):
    return _forward(params, x, edge_index, batch)

if __name__ == "__main__":
    import jax
    _d = setup_inputs()
    print(jax.jit(kernel)(*tuple(_d.values())))

</pallas_src>

<mosaic_0001>
#map = affine_map<(d0, d1) -> (0, 0)>
#map1 = affine_map<(d0, d1) -> (0, 0, 0)>
module attributes {stable_mosaic.version = 14 : i64} {
  func.func @_sc_edge_body(%arg0: i32, %arg1: i32, %arg2: memref<321536x128xf32, #tpu.memory_space<hbm>>, %arg3: memref<321536x128xf32, #tpu.memory_space<hbm>>, %arg4: memref<2x2512x128xi32, #tpu.memory_space<hbm>>, %arg5: memref<2x5120x128xf32, #tpu.memory_space<hbm>>, %arg6: memref<2x5120x128xf32, #tpu.memory_space<hbm>>, %arg7: memref<1x128xi32, #tpu.memory_space<vmem>>, %arg8: memref<128x128xf32, #tpu.memory_space<vmem>>, %arg9: memref<128x128xf32, #tpu.memory_space<vmem>>, %arg10: memref<5120x128xf32, #tpu.memory_space<vmem_shared>>, %arg11: memref<5120x128xf32, #tpu.memory_space<vmem_shared>>) attributes {dimension_semantics = [#tpu.dimension_semantics<core_parallel>, #tpu.dimension_semantics<subcore_parallel>], iteration_bounds = array<i64: 2, 16>, scalar_prefetch = 0 : i64, scratch_operands = 5 : i64, tpu.core_type = #tpu.core_type<sc_vector_subcore>, window_params = [{transform_indices = #map}, {transform_indices = #map}, {transform_indices = #map1}, {transform_indices = #map1}, {transform_indices = #map1}]} {
    %broadcast_in_dim3A = arith.constant 0.000000e+00 : f32
    %broadcast_in_dim3A_0 = vector.broadcast %broadcast_in_dim3A : f32 to vector<16xf32>
    %scan3A = arith.constant 0 : i32
    %scan3A_1 = arith.constant 0 : i32
    %scan3A_2 = arith.constant 128 : i32
    %scan3A_3 = arith.addi %scan3A_1, %scan3A_2 : i32
    %scan3A_4 = arith.constant 1 : i32
    scf.for %scan3A_28 = %scan3A_1 to %scan3A_3 step %scan3A_4  : i32 {
      %swap3A = arith.index_cast %scan3A_28 : i32 to index
      %swap3A_29 = arith.constant 0 : index
      %swap3A_30 = tpu.vector_load %arg9[%swap3A, %swap3A_29] {strides = array<i32>} : memref<128x128xf32, #tpu.memory_space<vmem>>, vector<1x16xf32>,
      %swap3A_31 = vector.shape_cast %swap3A_30 : vector<1x16xf32> to vector<16xf32>
      %swap3A_32 = vector.shape_cast %broadcast_in_dim3A_0 : vector<16xf32> to vector<1x16xf32>
      tpu.vector_store %arg9[%swap3A, %swap3A_29], %swap3A_32 {strides = array<i32>} : memref<128x128xf32, #tpu.memory_space<vmem>>, vector<1x16xf32>,
      %swap3A_33 = arith.index_cast %scan3A_28 : i32 to index
      %swap3A_34 = arith.constant 16 : index
      %swap3A_35 = tpu.vector_load %arg9[%swap3A_33, %swap3A_34] {strides = array<i32>} : memref<128x128xf32, #tpu.memory_space<vmem>>, vector<1x16xf32>,
      %swap3A_36 = vector.shape_cast %swap3A_35 : vector<1x16xf32> to vector<16xf32>
      %swap3A_37 = vector.shape_cast %broadcast_in_dim3A_0 : vector<16xf32> to vector<1x16xf32>
      tpu.vector_store %arg9[%swap3A_33, %swap3A_34], %swap3A_37 {strides = array<i32>} : memref<128x128xf32, #tpu.memory_space<vmem>>, vector<1x16xf32>,
      %swap3A_38 = arith.index_cast %scan3A_28 : i32 to index
      %swap3A_39 = arith.constant 32 : index
      %swap3A_40 = tpu.vector_load %arg9[%swap3A_38, %swap3A_39] {strides = array<i32>} : memref<128x128xf32, #tpu.memory_space<vmem>>, vector<1x16xf32>,
      %swap3A_41 = vector.shape_cast %swap3A_40 : vector<1x16xf32> to vector<16xf32>
      %swap3A_42 = vector.shape_cast %broadcast_in_dim3A_0 : vector<16xf32> to vector<1x16xf32>
      tpu.vector_store %arg9[%swap3A_38, %swap3A_39], %swap3A_42 {strides = array<i32>} : memref<128x128xf32, #tpu.memory_space<vmem>>, vector<1x16xf32>,
      %swap3A_43 = arith.index_cast %scan3A_28 : i32 to index
      %swap3A_44 = arith.constant 48 : index
      %swap3A_45 = tpu.vector_load %arg9[%swap3A_43, %swap3A_44] {strides = array<i32>} : memref<128x128xf32, #tpu.memory_space<vmem>>, vector<1x16xf32>,
      %swap3A_46 = vector.shape_cast %swap3A_45 : vector<1x16xf32> to vector<16xf32>
      %swap3A_47 = vector.shape_cast %broadcast_in_dim3A_0 : vector<16xf32> to vector<1x16xf32>
      tpu.vector_store %arg9[%swap3A_43, %swap3A_44], %swap3A_47 {strides = array<i32>} : memref<128x128xf32, #tpu.memory_space<vmem>>, vector<1x16xf32>,
      %swap3A_48 = arith.index_cast %scan3A_28 : i32 to index
      %swap3A_49 = arith.constant 64 : index
      %swap3A_50 = tpu.vector_load %arg9[%swap3A_48, %swap3A_49] {strides = array<i32>} : memref<128x128xf32, #tpu.memory_space<vmem>>, vector<1x16xf32>,
      %swap3A_51 = vector.shape_cast %swap3A_50 : vector<1x16xf32> to vector<16xf32>
      %swap3A_52 = vector.shape_cast %broadcast_in_dim3A_0 : vector<16xf32> to vector<1x16xf32>
      tpu.vector_store %arg9[%swap3A_48, %swap3A_49], %swap3A_52 {strides = array<i32>} : memref<128x128xf32, #tpu.memory_space<vmem>>, vector<1x16xf32>,
      %swap3A_53 = arith.index_cast %scan3A_28 : i32 to index
      %swap3A_54 = arith.constant 80 : index
      %swap3A_55 = tpu.vector_load %arg9[%swap3A_53, %swap3A_54] {strides = array<i32>} : memref<128x128xf32, #tpu.memory_space<vmem>>, vector<1x16xf32>,
      %swap3A_56 = vector.shape_cast %swap3A_55 : vector<1x16xf32> to vector<16xf32>
      %swap3A_57 = vector.shape_cast %broadcast_in_dim3A_0 : vector<16xf32> to vector<1x16xf32>
      tpu.vector_store %arg9[%swap3A_53, %swap3A_54], %swap3A_57 {strides = array<i32>} : memref<128x128xf32, #tpu.memory_space<vmem>>, vector<1x16xf32>,
      %swap3A_58 = arith.index_cast %scan3A_28 : i32 to index
      %swap3A_59 = arith.constant 96 : index
      %swap3A_60 = tpu.vector_load %arg9[%swap3A_58, %swap3A_59] {strides = array<i32>} : memref<128x128xf32, #tpu.memory_space<vmem>>, vector<1x16xf32>,
      %swap3A_61 = vector.shape_cast %swap3A_60 : vector<1x16xf32> to vector<16xf32>
      %swap3A_62 = vector.shape_cast %broadcast_in_dim3A_0 : vector<16xf32> to vector<1x16xf32>
      tpu.vector_store %arg9[%swap3A_58, %swap3A_59], %swap3A_62 {strides = array<i32>} : memref<128x128xf32, #tpu.memory_space<vmem>>, vector<1x16xf32>,
      %swap3A_63 = arith.index_cast %scan3A_28 : i32 to index
      %swap3A_64 = arith.constant 112 : index
      %swap3A_65 = tpu.vector_load %arg9[%swap3A_63, %swap3A_64] {strides = array<i32>} : memref<128x128xf32, #tpu.memory_space<vmem>>, vector<1x16xf32>,
      %swap3A_66 = vector.shape_cast %swap3A_65 : vector<1x16xf32> to vector<16xf32>
      %swap3A_67 = vector.shape_cast %broadcast_in_dim3A_0 : vector<16xf32> to vector<1x16xf32>
      tpu.vector_store %arg9[%swap3A_63, %swap3A_64], %swap3A_67 {strides = array<i32>} : memref<128x128xf32, #tpu.memory_space<vmem>>, vector<1x16xf32>,
    }
    %scan3A_5 = arith.constant 128 : i32
    %mul3A = arith.constant 320 : i32
    %mul3A_6 = arith.muli %arg1, %mul3A : i32
    %add3A = arith.constant 0 : i32
    %add3A_7 = arith.addi %mul3A_6, %add3A : i32
    "tpu.region"() ({
      %run_scoped3A = tpu.sem_alloc : memref<!tpu.dma_semaphore, #tpu.memory_space<semaphore_mem>>
      %dma_start3A = arith.constant 0 : i32
      %dma_start3A_28 = tpu.memref_slice %arg10[%add3A_7, %dma_start3A] : memref<5120x128xf32, #tpu.memory_space<vmem_shared>> -> memref<128x128xf32, #tpu.memory_space<vmem_shared>>
      %dma_start3A_29 = arith.constant 0 : i32
      %dma_start3A_30 = tpu.memref_slice %arg10[%add3A_7, %dma_start3A_29] : memref<5120x128xf32, #tpu.memory_space<vmem_shared>> -> memref<128x128xf32, #tpu.memory_space<vmem_shared>>
      tpu.enqueue_dma source(%arg9 : memref<128x128xf32, #tpu.memory_space<vmem>>) target(%dma_start3A_30 : memref<128x128xf32, #tpu.memory_space<vmem_shared>>) target_semaphore(%run_scoped3A : memref<!tpu.dma_semaphore, #tpu.memory_space<semaphore_mem>>)
      %dma_wait3A = arith.constant 0 : i32
      %dma_wait3A_31 = tpu.memref_slice %arg10[%add3A_7, %dma_wait3A] : memref<5120x128xf32, #tpu.memory_space<vmem_shared>> -> memref<128x128xf32, #tpu.memory_space<vmem_shared>>
      %dma_wait3A_32 = arith.constant 0 : i32
      %dma_wait3A_33 = tpu.memref_slice %arg10[%add3A_7, %dma_wait3A_32] : memref<5120x128xf32, #tpu.memory_space<vmem_shared>> -> memref<128x128xf32, #tpu.memory_space<vmem_shared>>
      tpu.wait_dma2 semaphore(%run_scoped3A : memref<!tpu.dma_semaphore, #tpu.memory_space<semaphore_mem>>) src(%arg9 : memref<128x128xf32, #tpu.memory_space<vmem>>) dst(%dma_wait3A_33 : memref<128x128xf32, #tpu.memory_space<vmem_shared>>)
      tpu.yield
    }) : () -> ()
    %add3A_8 = arith.constant 0 : i32
    %add3A_9 = arith.addi %mul3A_6, %add3A_8 : i32
    "tpu.region"() ({
      %run_scoped3A = tpu.sem_alloc : memref<!tpu.dma_semaphore, #tpu.memory_space<semaphore_mem>>
      %dma_start3A = arith.constant 0 : i32
      %dma_start3A_28 = tpu.memref_slice %arg11[%add3A_9, %dma_start3A] : memref<5120x128xf32, #tpu.memory_space<vmem_shared>> -> memref<128x128xf32, #tpu.memory_space<vmem_shared>>
      %dma_start3A_29 = arith.constant 0 : i32
      %dma_start3A_30 = tpu.memref_slice %arg11[%add3A_9, %dma_start3A_29] : memref<5120x128xf32, #tpu.memory_space<vmem_shared>> -> memref<128x128xf32, #tpu.memory_space<vmem_shared>>
      tpu.enqueue_dma source(%arg9 : memref<128x128xf32, #tpu.memory_space<vmem>>) target(%dma_start3A_30 : memref<128x128xf32, #tpu.memory_space<vmem_shared>>) target_semaphore(%run_scoped3A : memref<!tpu.dma_semaphore, #tpu.memory_space<semaphore_mem>>)
      %dma_wait3A = arith.constant 0 : i32
      %dma_wait3A_31 = tpu.memref_slice %arg11[%add3A_9, %dma_wait3A] : memref<5120x128xf32, #tpu.memory_space<vmem_shared>> -> memref<128x128xf32, #tpu.memory_space<vmem_shared>>
      %dma_wait3A_32 = arith.constant 0 : i32
      %dma_wait3A_33 = tpu.memref_slice %arg11[%add3A_9, %dma_wait3A_32] : memref<5120x128xf32, #tpu.memory_space<vmem_shared>> -> memref<128x128xf32, #tpu.memory_space<vmem_shared>>
      tpu.wait_dma2 semaphore(%run_scoped3A : memref<!tpu.dma_semaphore, #tpu.memory_space<semaphore_mem>>) src(%arg9 : memref<128x128xf32, #tpu.memory_space<vmem>>) dst(%dma_wait3A_33 : memref<128x128xf32, #tpu.memory_space<vmem_shared>>)
      tpu.yield
    }) : () -> ()
    %add3A_10 = arith.constant 128 : i32
    %add3A_11 = arith.addi %mul3A_6, %add3A_10 : i32
    "tpu.region"() ({
      %run_scoped3A = tpu.sem_alloc : memref<!tpu.dma_semaphore, #tpu.memory_space<semaphore_mem>>
      %dma_start3A = arith.constant 0 : i32
      %dma_start3A_28 = tpu.memref_slice %arg10[%add3A_11, %dma_start3A] : memref<5120x128xf32, #tpu.memory_space<vmem_shared>> -> memref<128x128xf32, #tpu.memory_space<vmem_shared>>
      %dma_start3A_29 = arith.constant 0 : i32
      %dma_start3A_30 = tpu.memref_slice %arg10[%add3A_11, %dma_start3A_29] : memref<5120x128xf32, #tpu.memory_space<vmem_shared>> -> memref<128x128xf32, #tpu.memory_space<vmem_shared>>
      tpu.enqueue_dma source(%arg9 : memref<128x128xf32, #tpu.memory_space<vmem>>) target(%dma_start3A_30 : memref<128x128xf32, #tpu.memory_space<vmem_shared>>) target_semaphore(%run_scoped3A : memref<!tpu.dma_semaphore, #tpu.memory_space<semaphore_mem>>)
      %dma_wait3A = arith.constant 0 : i32
      %dma_wait3A_31 = tpu.memref_slice %arg10[%add3A_11, %dma_wait3A] : memref<5120x128xf32, #tpu.memory_space<vmem_shared>> -> memref<128x128xf32, #tpu.memory_space<vmem_shared>>
      %dma_wait3A_32 = arith.constant 0 : i32
      %dma_wait3A_33 = tpu.memref_slice %arg10[%add3A_11, %dma_wait3A_32] : memref<5120x128xf32, #tpu.memory_space<vmem_shared>> -> memref<128x128xf32, #tpu.memory_space<vmem_shared>>
      tpu.wait_dma2 semaphore(%run_scoped3A : memref<!tpu.dma_semaphore, #tpu.memory_space<semaphore_mem>>) src(%arg9 : memref<128x128xf32, #tpu.memory_space<vmem>>) dst(%dma_wait3A_33 : memref<128x128xf32, #tpu.memory_space<vmem_shared>>)
      tpu.yield
    }) : () -> ()
    %add3A_12 = arith.constant 128 : i32
    %add3A_13 = arith.addi %mul3A_6, %add3A_12 : i32
    "tpu.region"() ({
      %run_scoped3A = tpu.sem_alloc : memref<!tpu.dma_semaphore, #tpu.memory_space<semaphore_mem>>
      %dma_start3A = arith.constant 0 : i32
      %dma_start3A_28 = tpu.memref_slice %arg11[%add3A_13, %dma_start3A] : memref<5120x128xf32, #tpu.memory_space<vmem_shared>> -> memref<128x128xf32, #tpu.memory_space<vmem_shared>>
      %dma_start3A_29 = arith.constant 0 : i32
      %dma_start3A_30 = tpu.memref_slice %arg11[%add3A_13, %dma_start3A_29] : memref<5120x128xf32, #tpu.memory_space<vmem_shared>> -> memref<128x128xf32, #tpu.memory_space<vmem_shared>>
      tpu.enqueue_dma source(%arg9 : memref<128x128xf32, #tpu.memory_space<vmem>>) target(%dma_start3A_30 : memref<128x128xf32, #tpu.memory_space<vmem_shared>>) target_semaphore(%run_scoped3A : memref<!tpu.dma_semaphore, #tpu.memory_space<semaphore_mem>>)
      %dma_wait3A = arith.constant 0 : i32
      %dma_wait3A_31 = tpu.memref_slice %arg11[%add3A_13, %dma_wait3A] : memref<5120x128xf32, #tpu.memory_space<vmem_shared>> -> memref<128x128xf32, #tpu.memory_space<vmem_shared>>
      %dma_wait3A_32 = arith.constant 0 : i32
      %dma_wait3A_33 = tpu.memref_slice %arg11[%add3A_13, %dma_wait3A_32] : memref<5120x128xf32, #tpu.memory_space<vmem_shared>> -> memref<128x128xf32, #tpu.memory_space<vmem_shared>>
      tpu.wait_dma2 semaphore(%run_scoped3A : memref<!tpu.dma_semaphore, #tpu.memory_space<semaphore_mem>>) src(%arg9 : memref<128x128xf32, #tpu.memory_space<vmem>>) dst(%dma_wait3A_33 : memref<128x128xf32, #tpu.memory_space<vmem_shared>>)
      tpu.yield
    }) : () -> ()
    %add3A_14 = arith.constant 320 : i32
    %add3A_15 = arith.addi %mul3A_6, %add3A_14 : i32
    %sub3A = arith.constant 64 : i32
    %sub3A_16 = arith.subi %add3A_15, %sub3A : i32
    "tpu.region"() ({
      %run_scoped3A = tpu.sem_alloc : memref<!tpu.dma_semaphore, #tpu.memory_space<semaphore_mem>>
      %dma_start3A = arith.constant 0 : i32
      %dma_start3A_28 = arith.constant 0 : i32
      %dma_start3A_29 = tpu.memref_slice %arg9[%dma_start3A, %dma_start3A_28] : memref<128x128xf32, #tpu.memory_space<vmem>> -> memref<64x128xf32, #tpu.memory_space<vmem>>
      %dma_start3A_30 = arith.constant 0 : i32
      %dma_start3A_31 = tpu.memref_slice %arg10[%sub3A_16, %dma_start3A_30] : memref<5120x128xf32, #tpu.memory_space<vmem_shared>> -> memref<64x128xf32, #tpu.memory_space<vmem_shared>>
      %dma_start3A_32 = arith.constant 0 : i32
      %dma_start3A_33 = tpu.memref_slice %arg10[%sub3A_16, %dma_start3A_32] : memref<5120x128xf32, #tpu.memory_space<vmem_shared>> -> memref<64x128xf32, #tpu.memory_space<vmem_shared>>
      %dma_start3A_34 = arith.constant 0 : i32
      %dma_start3A_35 = arith.constant 0 : i32
      %dma_start3A_36 = tpu.memref_slice %arg9[%dma_start3A_34, %dma_start3A_35] : memref<128x128xf32, #tpu.memory_space<vmem>> -> memref<64x128xf32, #tpu.memory_space<vmem>>
      tpu.enqueue_dma source(%dma_start3A_36 : memref<64x128xf32, #tpu.memory_space<vmem>>) target(%dma_start3A_33 : memref<64x128xf32, #tpu.memory_space<vmem_shared>>) target_semaphore(%run_scoped3A : memref<!tpu.dma_semaphore, #tpu.memory_space<semaphore_mem>>)
      %dma_wait3A = arith.constant 0 : i32
      %dma_wait3A_37 = arith.constant 0 : i32
      %dma_wait3A_38 = tpu.memref_slice %arg9[%dma_wait3A, %dma_wait3A_37] : memref<128x128xf32, #tpu.memory_space<vmem>> -> memref<64x128xf32, #tpu.memory_space<vmem>>
      %dma_wait3A_39 = arith.constant 0 : i32
      %dma_wait3A_40 = tpu.memref_slice %arg10[%sub3A_16, %dma_wait3A_39] : memref<5120x128xf32, #tpu.memory_space<vmem_shared>> -> memref<64x128xf32, #tpu.memory_space<vmem_shared>>
      %dma_wait3A_41 = arith.constant 0 : i32
      %dma_wait3A_42 = tpu.memref_slice %arg10[%sub3A_16, %dma_wait3A_41] : memref<5120x128xf32, #tpu.memory_space<vmem_shared>> -> memref<64x128xf32, #tpu.memory_space<vmem_shared>>
      %dma_wait3A_43 = arith.constant 0 : i32
      %dma_wait3A_44 = arith.constant 0 : i32
      %dma_wait3A_45 = tpu.memref_slice %arg9[%dma_wait3A_43, %dma_wait3A_44] : memref<128x128xf32, #tpu.memory_space<vmem>> -> memref<64x128xf32, #tpu.memory_space<vmem>>
      tpu.wait_dma2 semaphore(%run_scoped3A : memref<!tpu.dma_semaphore, #tpu.memory_space<semaphore_mem>>) src(%dma_wait3A_45 : memref<64x128xf32, #tpu.memory_space<vmem>>) dst(%dma_wait3A_42 : memref<64x128xf32, #tpu.memory_space<vmem_shared>>)
      tpu.yield
    }) : () -> ()
    %add3A_17 = arith.constant 320 : i32
    %add3A_18 = arith.addi %mul3A_6, %add3A_17 : i32
    %sub3A_19 = arith.constant 64 : i32
    %sub3A_20 = arith.subi %add3A_18, %sub3A_19 : i32
    "tpu.region"() ({
      %run_scoped3A = tpu.sem_alloc : memref<!tpu.dma_semaphore, #tpu.memory_space<semaphore_mem>>
      %dma_start3A = arith.constant 0 : i32
      %dma_start3A_28 = arith.constant 0 : i32
      %dma_start3A_29 = tpu.memref_slice %arg9[%dma_start3A, %dma_start3A_28] : memref<128x128xf32, #tpu.memory_space<vmem>> -> memref<64x128xf32, #tpu.memory_space<vmem>>
      %dma_start3A_30 = arith.constant 0 : i32
      %dma_start3A_31 = tpu.memref_slice %arg11[%sub3A_20, %dma_start3A_30] : memref<5120x128xf32, #tpu.memory_space<vmem_shared>> -> memref<64x128xf32, #tpu.memory_space<vmem_shared>>
      %dma_start3A_32 = arith.constant 0 : i32
      %dma_start3A_33 = tpu.memref_slice %arg11[%sub3A_20, %dma_start3A_32] : memref<5120x128xf32, #tpu.memory_space<vmem_shared>> -> memref<64x128xf32, #tpu.memory_space<vmem_shared>>
      %dma_start3A_34 = arith.constant 0 : i32
      %dma_start3A_35 = arith.constant 0 : i32
      %dma_start3A_36 = tpu.memref_slice %arg9[%dma_start3A_34, %dma_start3A_35] : memref<128x128xf32, #tpu.memory_space<vmem>> -> memref<64x128xf32, #tpu.memory_space<vmem>>
      tpu.enqueue_dma source(%dma_start3A_36 : memref<64x128xf32, #tpu.memory_space<vmem>>) target(%dma_start3A_33 : memref<64x128xf32, #tpu.memory_space<vmem_shared>>) target_semaphore(%run_scoped3A : memref<!tpu.dma_semaphore, #tpu.memory_space<semaphore_mem>>)
      %dma_wait3A = arith.constant 0 : i32
      %dma_wait3A_37 = arith.constant 0 : i32
      %dma_wait3A_38 = tpu.memref_slice %arg9[%dma_wait3A, %dma_wait3A_37] : memref<128x128xf32, #tpu.memory_space<vmem>> -> memref<64x128xf32, #tpu.memory_space<vmem>>
      %dma_wait3A_39 = arith.constant 0 : i32
      %dma_wait3A_40 = tpu.memref_slice %arg11[%sub3A_20, %dma_wait3A_39] : memref<5120x128xf32, #tpu.memory_space<vmem_shared>> -> memref<64x128xf32, #tpu.memory_space<vmem_shared>>
      %dma_wait3A_41 = arith.constant 0 : i32
      %dma_wait3A_42 = tpu.memref_slice %arg11[%sub3A_20, %dma_wait3A_41] : memref<5120x128xf32, #tpu.memory_space<vmem_shared>> -> memref<64x128xf32, #tpu.memory_space<vmem_shared>>
      %dma_wait3A_43 = arith.constant 0 : i32
      %dma_wait3A_44 = arith.constant 0 : i32
      %dma_wait3A_45 = tpu.memref_slice %arg9[%dma_wait3A_43, %dma_wait3A_44] : memref<128x128xf32, #tpu.memory_space<vmem>> -> memref<64x128xf32, #tpu.memory_space<vmem>>
      tpu.wait_dma2 semaphore(%run_scoped3A : memref<!tpu.dma_semaphore, #tpu.memory_space<semaphore_mem>>) src(%dma_wait3A_45 : memref<64x128xf32, #tpu.memory_space<vmem>>) dst(%dma_wait3A_42 : memref<64x128xf32, #tpu.memory_space<vmem_shared>>)
      tpu.yield
    }) : () -> ()
    %barrier3A = arith.constant 0 : index
    tpu.barrier barrier_id(%barrier3A)
    %scan3A_21 = arith.constant 0 : i32
    %scan3A_22 = arith.constant 0 : i32
    %scan3A_23 = arith.constant 157 : i32
    %scan3A_24 = arith.addi %scan3A_22, %scan3A_23 : i32
    %scan3A_25 = arith.constant 1 : i32
    scf.for %scan3A_28 = %scan3A_22 to %scan3A_24 step %scan3A_25  : i32 {
      %mul3A_29 = arith.constant 157 : i32
      %mul3A_30 = arith.muli %arg1, %mul3A_29 : i32
      %add3A_31 = arith.addi %mul3A_30, %scan3A_28 : i32
      %mul3A_32 = arith.constant 128 : i32
      %mul3A_33 = arith.muli %add3A_31, %mul3A_32 : i32
      "tpu.region"() ({
        %run_scoped3A_35 = tpu.sem_alloc : memref<!tpu.dma_semaphore, #tpu.memory_space<semaphore_mem>>
        %dma_start3A = arith.constant 0 : i32
        %dma_start3A_36 = tpu.memref_slice %arg4[%arg0, %add3A_31, %dma_start3A] : memref<2x2512x128xi32, #tpu.memory_space<hbm>> -> memref<1x1x128xi32, #tpu.memory_space<hbm>>
        %dma_start3A_37 = tpu.memref_squeeze %dma_start3A_36 : memref<1x1x128xi32, #tpu.memory_space<hbm>> -> memref<1x128xi32, #tpu.memory_space<hbm>>
        %dma_start3A_38 = arith.constant 0 : i32
        %dma_start3A_39 = tpu.memref_slice %arg4[%arg0, %add3A_31, %dma_start3A_38] : memref<2x2512x128xi32, #tpu.memory_space<hbm>> -> memref<1x1x128xi32, #tpu.memory_space<hbm>>
        %dma_start3A_40 = tpu.memref_squeeze %dma_start3A_39 : memref<1x1x128xi32, #tpu.memory_space<hbm>> -> memref<1x128xi32, #tpu.memory_space<hbm>>
        tpu.enqueue_dma source(%dma_start3A_40 : memref<1x128xi32, #tpu.memory_space<hbm>>) target(%arg7 : memref<1x128xi32, #tpu.memory_space<vmem>>) target_semaphore(%run_scoped3A_35 : memref<!tpu.dma_semaphore, #tpu.memory_space<semaphore_mem>>)
        %dma_wait3A = arith.constant 0 : i32
        %dma_wait3A_41 = tpu.memref_slice %arg4[%arg0, %add3A_31, %dma_wait3A] : memref<2x2512x128xi32, #tpu.memory_space<hbm>> -> memref<1x1x128xi32, #tpu.memory_space<hbm>>
        %dma_wait3A_42 = tpu.memref_squeeze %dma_wait3A_41 : memref<1x1x128xi32, #tpu.memory_space<hbm>> -> memref<1x128xi32, #tpu.memory_space<hbm>>
        %dma_wait3A_43 = arith.constant 0 : i32
        %dma_wait3A_44 = tpu.memref_slice %arg4[%arg0, %add3A_31, %dma_wait3A_43] : memref<2x2512x128xi32, #tpu.memory_space<hbm>> -> memref<1x1x128xi32, #tpu.memory_space<hbm>>
        %dma_wait3A_45 = tpu.memref_squeeze %dma_wait3A_44 : memref<1x1x128xi32, #tpu.memory_space<hbm>> -> memref<1x128xi32, #tpu.memory_space<hbm>>
        tpu.wait_dma2 semaphore(%run_scoped3A_35 : memref<!tpu.dma_semaphore, #tpu.memory_space<semaphore_mem>>) src(%dma_wait3A_45 : memref<1x128xi32, #tpu.memory_space<hbm>>) dst(%arg7 : memref<1x128xi32, #tpu.memory_space<vmem>>)
        tpu.yield
      }) : () -> ()
      "tpu.region"() ({
        %run_scoped3A_35 = tpu.sem_alloc : memref<!tpu.dma_semaphore, #tpu.memory_space<semaphore_mem>>
        %dma_start3A = arith.constant 0 : i32
        %dma_start3A_36 = tpu.memref_slice %arg3[%mul3A_33, %dma_start3A] : memref<321536x128xf32, #tpu.memory_space<hbm>> -> memref<128x128xf32, #tpu.memory_space<hbm>>
        %dma_start3A_37 = arith.constant 0 : i32
        %dma_start3A_38 = tpu.memref_slice %arg3[%mul3A_33, %dma_start3A_37] : memref<321536x128xf32, #tpu.memory_space<hbm>> -> memref<128x128xf32, #tpu.memory_space<hbm>>
        tpu.enqueue_dma source(%dma_start3A_38 : memref<128x128xf32, #tpu.memory_space<hbm>>) target(%arg8 : memref<128x128xf32, #tpu.memory_space<vmem>>) target_semaphore(%run_scoped3A_35 : memref<!tpu.dma_semaphore, #tpu.memory_space<semaphore_mem>>)
        %dma_wait3A = arith.constant 0 : i32
        %dma_wait3A_39 = tpu.memref_slice %arg3[%mul3A_33, %dma_wait3A] : memref<321536x128xf32, #tpu.memory_space<hbm>> -> memref<128x128xf32, #tpu.memory_space<hbm>>
        %dma_wait3A_40 = arith.constant 0 : i32
        %dma_wait3A_41 = tpu.memref_slice %arg3[%mul3A_33, %dma_wait3A_40] : memref<321536x128xf32, #tpu.memory_space<hbm>> -> memref<128x128xf32, #tpu.memory_space<hbm>>
        tpu.wait_dma2 semaphore(%run_scoped3A_35 : memref<!tpu.dma_semaphore, #tpu.memory_space<semaphore_mem>>) src(%dma_wait3A_41 : memref<128x128xf32, #tpu.memory_space<hbm>>) dst(%arg8 : memref<128x128xf32, #tpu.memory_space<vmem>>)
        tpu.yield
      }) : () -> ()
      "tpu.region"() ({
        %run_scoped3A_35 = tpu.sem_alloc : memref<!tpu.dma_semaphore, #tpu.memory_space<semaphore_mem>>
        %dma_start3A = arith.constant 0 : i32
        %dma_start3A_36 = tpu.memref_slice %arg2[%mul3A_33, %dma_start3A] : memref<321536x128xf32, #tpu.memory_space<hbm>> -> memref<128x128xf32, #tpu.memory_space<hbm>>
        %dma_start3A_37 = arith.constant 0 : i32
        %dma_start3A_38 = tpu.memref_slice %arg2[%mul3A_33, %dma_start3A_37] : memref<321536x128xf32, #tpu.memory_space<hbm>> -> memref<128x128xf32, #tpu.memory_space<hbm>>
        tpu.enqueue_dma source(%dma_start3A_38 : memref<128x128xf32, #tpu.memory_space<hbm>>) target(%arg9 : memref<128x128xf32, #tpu.memory_space<vmem>>) target_semaphore(%run_scoped3A_35 : memref<!tpu.dma_semaphore, #tpu.memory_space<semaphore_mem>>)
        %dma_wait3A = arith.constant 0 : i32
        %dma_wait3A_39 = tpu.memref_slice %arg2[%mul3A_33, %dma_wait3A] : memref<321536x128xf32, #tpu.memory_space<hbm>> -> memref<128x128xf32, #tpu.memory_space<hbm>>
        %dma_wait3A_40 = arith.constant 0 : i32
        %dma_wait3A_41 = tpu.memref_slice %arg2[%mul3A_33, %dma_wait3A_40] : memref<321536x128xf32, #tpu.memory_space<hbm>> -> memref<128x128xf32, #tpu.memory_space<hbm>>
        tpu.wait_dma2 semaphore(%run_scoped3A_35 : memref<!tpu.dma_semaphore, #tpu.memory_space<semaphore_mem>>) src(%dma_wait3A_41 : memref<128x128xf32, #tpu.memory_space<hbm>>) dst(%arg9 : memref<128x128xf32, #tpu.memory_space<vmem>>)
        tpu.yield
      }) : () -> ()
      %run_scoped3A = arith.constant 0 : i32
      "tpu.region"() ({
        %run_scoped3A_35 = tpu.sem_alloc : memref<!tpu.dma_semaphore, #tpu.memory_space<semaphore_mem>>
        %dma_start3A = arith.constant 0 : i32
        %dma_start3A_36 = tpu.memref_slice %arg7[%run_scoped3A, %dma_start3A] : memref<1x128xi32, #tpu.memory_space<vmem>> -> memref<1x128xi32, #tpu.memory_space<vmem>>
        %dma_start3A_37 = tpu.memref_squeeze %dma_start3A_36 : memref<1x128xi32, #tpu.memory_space<vmem>> -> memref<128xi32, #tpu.memory_space<vmem>>
        %dma_start3A_38 = arith.constant 0 : i32
        %dma_start3A_39 = arith.constant 0 : i32
        %dma_start3A_40 = tpu.memref_slice %arg11[%dma_start3A_38, %dma_start3A_39] : memref<5120x128xf32, #tpu.memory_space<vmem_shared>> -> memref<5120x128xf32, #tpu.memory_space<vmem_shared>>
        tpu.enqueue_indirect_dma source(%arg8 : memref<128x128xf32, #tpu.memory_space<vmem>>) target(%dma_start3A_40 : memref<5120x128xf32, #tpu.memory_space<vmem_shared>>) offsets(%dma_start3A_37 : memref<128xi32, #tpu.memory_space<vmem>>) semaphore(%run_scoped3A_35 : memref<!tpu.dma_semaphore, #tpu.memory_space<semaphore_mem>>) {add = true}
        %dma_wait3A = arith.constant 0 : i32
        %dma_wait3A_41 = tpu.memref_slice %arg7[%run_scoped3A, %dma_wait3A] : memref<1x128xi32, #tpu.memory_space<vmem>> -> memref<1x128xi32, #tpu.memory_space<vmem>>
        %dma_wait3A_42 = tpu.memref_squeeze %dma_wait3A_41 : memref<1x128xi32, #tpu.memory_space<vmem>> -> memref<128xi32, #tpu.memory_space<vmem>>
        %dma_wait3A_43 = arith.constant 0 : i32
        %dma_wait3A_44 = arith.constant 0 : i32
        %dma_wait3A_45 = tpu.memref_slice %arg11[%dma_wait3A_43, %dma_wait3A_44] : memref<5120x128xf32, #tpu.memory_space<vmem_shared>> -> memref<5120x128xf32, #tpu.memory_space<vmem_shared>>
        tpu.wait_indirect_dma semaphore(%run_scoped3A_35 : memref<!tpu.dma_semaphore, #tpu.memory_space<semaphore_mem>>) src(%arg8 : memref<128x128xf32, #tpu.memory_space<vmem>>) dst(%dma_wait3A_45 : memref<5120x128xf32, #tpu.memory_space<vmem_shared>>)
        tpu.yield
      }) : () -> ()
      %run_scoped3A_34 = arith.constant 0 : i32
      "tpu.region"() ({
        %run_scoped3A_35 = tpu.sem_alloc : memref<!tpu.dma_semaphore, #tpu.memory_space<semaphore_mem>>
        %dma_start3A = arith.constant 0 : i32
        %dma_start3A_36 = tpu.memref_slice %arg7[%run_scoped3A_34, %dma_start3A] : memref<1x128xi32, #tpu.memory_space<vmem>> -> memref<1x128xi32, #tpu.memory_space<vmem>>
        %dma_start3A_37 = tpu.memref_squeeze %dma_start3A_36 : memref<1x128xi32, #tpu.memory_space<vmem>> -> memref<128xi32, #tpu.memory_space<vmem>>
        %dma_start3A_38 = arith.constant 0 : i32
        %dma_start3A_39 = arith.constant 0 : i32
        %dma_start3A_40 = tpu.memref_slice %arg10[%dma_start3A_38, %dma_start3A_39] : memref<5120x128xf32, #tpu.memory_space<vmem_shared>> -> memref<5120x128xf32, #tpu.memory_space<vmem_shared>>
        tpu.enqueue_indirect_dma source(%arg9 : memref<128x128xf32, #tpu.memory_space<vmem>>) target(%dma_start3A_40 : memref<5120x128xf32, #tpu.memory_space<vmem_shared>>) offsets(%dma_start3A_37 : memref<128xi32, #tpu.memory_space<vmem>>) semaphore(%run_scoped3A_35 : memref<!tpu.dma_semaphore, #tpu.memory_space<semaphore_mem>>) {add = true}
        %dma_wait3A = arith.constant 0 : i32
        %dma_wait3A_41 = tpu.memref_slice %arg7[%run_scoped3A_34, %dma_wait3A] : memref<1x128xi32, #tpu.memory_space<vmem>> -> memref<1x128xi32, #tpu.memory_space<vmem>>
        %dma_wait3A_42 = tpu.memref_squeeze %dma_wait3A_41 : memref<1x128xi32, #tpu.memory_space<vmem>> -> memref<128xi32, #tpu.memory_space<vmem>>
        %dma_wait3A_43 = arith.constant 0 : i32
        %dma_wait3A_44 = arith.constant 0 : i32
        %dma_wait3A_45 = tpu.memref_slice %arg10[%dma_wait3A_43, %dma_wait3A_44] : memref<5120x128xf32, #tpu.memory_space<vmem_shared>> -> memref<5120x128xf32, #tpu.memory_space<vmem_shared>>
        tpu.wait_indirect_dma semaphore(%run_scoped3A_35 : memref<!tpu.dma_semaphore, #tpu.memory_space<semaphore_mem>>) src(%arg9 : memref<128x128xf32, #tpu.memory_space<vmem>>) dst(%dma_wait3A_45 : memref<5120x128xf32, #tpu.memory_space<vmem_shared>>)
        tpu.yield
      }) : () -> ()
    }
    %scan3A_26 = arith.constant 157 : i32
    %barrier3A_27 = arith.constant 0 : index
    tpu.barrier barrier_id(%barrier3A_27)
    "tpu.region"() ({
      %run_scoped3A = tpu.sem_alloc : memref<!tpu.dma_semaphore, #tpu.memory_space<semaphore_mem>>
      %dma_start3A = arith.constant 0 : i32
      %dma_start3A_28 = tpu.memref_slice %arg5[%arg0, %mul3A_6, %dma_start3A] : memref<2x5120x128xf32, #tpu.memory_space<hbm>> -> memref<1x320x128xf32, #tpu.memory_space<hbm>>
      %dma_start3A_29 = tpu.memref_squeeze %dma_start3A_28 : memref<1x320x128xf32, #tpu.memory_space<hbm>> -> memref<320x128xf32, #tpu.memory_space<hbm>>
      %dma_start3A_30 = arith.constant 0 : i32
      %dma_start3A_31 = tpu.memref_slice %arg10[%mul3A_6, %dma_start3A_30] : memref<5120x128xf32, #tpu.memory_space<vmem_shared>> -> memref<320x128xf32, #tpu.memory_space<vmem_shared>>
      tpu.enqueue_dma source(%dma_start3A_31 : memref<320x128xf32, #tpu.memory_space<vmem_shared>>) target(%dma_start3A_29 : memref<320x128xf32, #tpu.memory_space<hbm>>) target_semaphore(%run_scoped3A : memref<!tpu.dma_semaphore, #tpu.memory_space<semaphore_mem>>)
      %dma_wait3A = arith.constant 0 : i32
      %dma_wait3A_32 = tpu.memref_slice %arg5[%arg0, %mul3A_6, %dma_wait3A] : memref<2x5120x128xf32, #tpu.memory_space<hbm>> -> memref<1x320x128xf32, #tpu.memory_space<hbm>>
      %dma_wait3A_33 = tpu.memref_squeeze %dma_wait3A_32 : memref<1x320x128xf32, #tpu.memory_space<hbm>> -> memref<320x128xf32, #tpu.memory_space<hbm>>
      %dma_wait3A_34 = arith.constant 0 : i32
      %dma_wait3A_35 = tpu.memref_slice %arg10[%mul3A_6, %dma_wait3A_34] : memref<5120x128xf32, #tpu.memory_space<vmem_shared>> -> memref<320x128xf32, #tpu.memory_space<vmem_shared>>
      tpu.wait_dma2 semaphore(%run_scoped3A : memref<!tpu.dma_semaphore, #tpu.memory_space<semaphore_mem>>) src(%dma_wait3A_35 : memref<320x128xf32, #tpu.memory_space<vmem_shared>>) dst(%dma_wait3A_33 : memref<320x128xf32, #tpu.memory_space<hbm>>)
      tpu.yield
    }) : () -> ()
    "tpu.region"() ({
      %run_scoped3A = tpu.sem_alloc : memref<!tpu.dma_semaphore, #tpu.memory_space<semaphore_mem>>
      %dma_start3A = arith.constant 0 : i32
      %dma_start3A_28 = tpu.memref_slice %arg6[%arg0, %mul3A_6, %dma_start3A] : memref<2x5120x128xf32, #tpu.memory_space<hbm>> -> memref<1x320x128xf32, #tpu.memory_space<hbm>>
      %dma_start3A_29 = tpu.memref_squeeze %dma_start3A_28 : memref<1x320x128xf32, #tpu.memory_space<hbm>> -> memref<320x128xf32, #tpu.memory_space<hbm>>
      %dma_start3A_30 = arith.constant 0 : i32
      %dma_start3A_31 = tpu.memref_slice %arg11[%mul3A_6, %dma_start3A_30] : memref<5120x128xf32, #tpu.memory_space<vmem_shared>> -> memref<320x128xf32, #tpu.memory_space<vmem_shared>>
      tpu.enqueue_dma source(%dma_start3A_31 : memref<320x128xf32, #tpu.memory_space<vmem_shared>>) target(%dma_start3A_29 : memref<320x128xf32, #tpu.memory_space<hbm>>) target_semaphore(%run_scoped3A : memref<!tpu.dma_semaphore, #tpu.memory_space<semaphore_mem>>)
      %dma_wait3A = arith.constant 0 : i32
      %dma_wait3A_32 = tpu.memref_slice %arg6[%arg0, %mul3A_6, %dma_wait3A] : memref<2x5120x128xf32, #tpu.memory_space<hbm>> -> memref<1x320x128xf32, #tpu.memory_space<hbm>>
      %dma_wait3A_33 = tpu.memref_squeeze %dma_wait3A_32 : memref<1x320x128xf32, #tpu.memory_space<hbm>> -> memref<320x128xf32, #tpu.memory_space<hbm>>
      %dma_wait3A_34 = arith.constant 0 : i32
      %dma_wait3A_35 = tpu.memref_slice %arg11[%mul3A_6, %dma_wait3A_34] : memref<5120x128xf32, #tpu.memory_space<vmem_shared>> -> memref<320x128xf32, #tpu.memory_space<vmem_shared>>
      tpu.wait_dma2 semaphore(%run_scoped3A : memref<!tpu.dma_semaphore, #tpu.memory_space<semaphore_mem>>) src(%dma_wait3A_35 : memref<320x128xf32, #tpu.memory_space<vmem_shared>>) dst(%dma_wait3A_33 : memref<320x128xf32, #tpu.memory_space<hbm>>)
      tpu.yield
    }) : () -> ()
    return
  }
}

#map = affine_map<(d0, d1) -> (0, 0)>
#map1 = affine_map<(d0, d1) -> (0, 0, 0)>
module attributes {stable_mosaic.version = 14 : i64} {
  func.func @_sc_edge_body(%arg0: i32, %arg1: i32, %arg2: memref<321536x128xf32, #tpu.memory_space<hbm>>, %arg3: memref<321536x128xf32, #tpu.memory_space<hbm>>, %arg4: memref<2x2512x128xi32, #tpu.memory_space<hbm>>, %arg5: memref<2x5120x128xf32, #tpu.memory_space<hbm>>, %arg6: memref<2x5120x128xf32, #tpu.memory_space<hbm>>, %arg7: memref<1x128xi32, #tpu.memory_space<vmem>>, %arg8: memref<128x128xf32, #tpu.memory_space<vmem>>, %arg9: memref<128x128xf32, #tpu.memory_space<vmem>>, %arg10: memref<5120x128xf32, #tpu.memory_space<vmem_shared>>, %arg11: memref<5120x128xf32, #tpu.memory_space<vmem_shared>>) attributes {dimension_semantics = [#tpu.dimension_semantics<core_parallel>, #tpu.dimension_semantics<subcore_parallel>], iteration_bounds = array<i64: 2, 16>, scalar_prefetch = 0 : i64, scratch_operands = 5 : i64, tpu.core_type = #tpu.core_type<sc_vector_subcore>, window_params = [{transform_indices = #map}, {transform_indices = #map}, {transform_indices = #map1}, {transform_indices = #map1}, {transform_indices = #map1}]} {
    %broadcast_in_dim3A = arith.constant 0.000000e+00 : f32
    %broadcast_in_dim3A_0 = vector.broadcast %broadcast_in_dim3A : f32 to vector<16xf32>
    %scan3A = arith.constant 0 : i32
    %scan3A_1 = arith.constant 0 : i32
    %scan3A_2 = arith.constant 128 : i32
    %scan3A_3 = arith.addi %scan3A_1, %scan3A_2 : i32
    %scan3A_4 = arith.constant 1 : i32
    scf.for %scan3A_28 = %scan3A_1 to %scan3A_3 step %scan3A_4  : i32 {
      %swap3A = arith.index_cast %scan3A_28 : i32 to index
      %swap3A_29 = arith.constant 0 : index
      %swap3A_30 = tpu.vector_load %arg9[%swap3A, %swap3A_29] {strides = array<i32>} : memref<128x128xf32, #tpu.memory_space<vmem>>, vector<1x16xf32>,
      %swap3A_31 = vector.shape_cast %swap3A_30 : vector<1x16xf32> to vector<16xf32>
      %swap3A_32 = vector.shape_cast %broadcast_in_dim3A_0 : vector<16xf32> to vector<1x16xf32>
      tpu.vector_store %arg9[%swap3A, %swap3A_29], %swap3A_32 {strides = array<i32>} : memref<128x128xf32, #tpu.memory_space<vmem>>, vector<1x16xf32>,
      %swap3A_33 = arith.index_cast %scan3A_28 : i32 to index
      %swap3A_34 = arith.constant 16 : index
      %swap3A_35 = tpu.vector_load %arg9[%swap3A_33, %swap3A_34] {strides = array<i32>} : memref<128x128xf32, #tpu.memory_space<vmem>>, vector<1x16xf32>,
      %swap3A_36 = vector.shape_cast %swap3A_35 : vector<1x16xf32> to vector<16xf32>
      %swap3A_37 = vector.shape_cast %broadcast_in_dim3A_0 : vector<16xf32> to vector<1x16xf32>
      tpu.vector_store %arg9[%swap3A_33, %swap3A_34], %swap3A_37 {strides = array<i32>} : memref<128x128xf32, #tpu.memory_space<vmem>>, vector<1x16xf32>,
      %swap3A_38 = arith.index_cast %scan3A_28 : i32 to index
      %swap3A_39 = arith.constant 32 : index
      %swap3A_40 = tpu.vector_load %arg9[%swap3A_38, %swap3A_39] {strides = array<i32>} : memref<128x128xf32, #tpu.memory_space<vmem>>, vector<1x16xf32>,
      %swap3A_41 = vector.shape_cast %swap3A_40 : vector<1x16xf32> to vector<16xf32>
      %swap3A_42 = vector.shape_cast %broadcast_in_dim3A_0 : vector<16xf32> to vector<1x16xf32>
      tpu.vector_store %arg9[%swap3A_38, %swap3A_39], %swap3A_42 {strides = array<i32>} : memref<128x128xf32, #tpu.memory_space<vmem>>, vector<1x16xf32>,
      %swap3A_43 = arith.index_cast %scan3A_28 : i32 to index
      %swap3A_44 = arith.constant 48 : index
      %swap3A_45 = tpu.vector_load %arg9[%swap3A_43, %swap3A_44] {strides = array<i32>} : memref<128x128xf32, #tpu.memory_space<vmem>>, vector<1x16xf32>,
      %swap3A_46 = vector.shape_cast %swap3A_45 : vector<1x16xf32> to vector<16xf32>
      %swap3A_47 = vector.shape_cast %broadcast_in_dim3A_0 : vector<16xf32> to vector<1x16xf32>
      tpu.vector_store %arg9[%swap3A_43, %swap3A_44], %swap3A_47 {strides = array<i32>} : memref<128x128xf32, #tpu.memory_space<vmem>>, vector<1x16xf32>,
      %swap3A_48 = arith.index_cast %scan3A_28 : i32 to index
      %swap3A_49 = arith.constant 64 : index
      %swap3A_50 = tpu.vector_load %arg9[%swap3A_48, %swap3A_49] {strides = array<i32>} : memref<128x128xf32, #tpu.memory_space<vmem>>, vector<1x16xf32>,
      %swap3A_51 = vector.shape_cast %swap3A_50 : vector<1x16xf32> to vector<16xf32>
      %swap3A_52 = vector.shape_cast %broadcast_in_dim3A_0 : vector<16xf32> to vector<1x16xf32>
      tpu.vector_store %arg9[%swap3A_48, %swap3A_49], %swap3A_52 {strides = array<i32>} : memref<128x128xf32, #tpu.memory_space<vmem>>, vector<1x16xf32>,
      %swap3A_53 = arith.index_cast %scan3A_28 : i32 to index
      %swap3A_54 = arith.constant 80 : index
      %swap3A_55 = tpu.vector_load %arg9[%swap3A_53, %swap3A_54] {strides = array<i32>} : memref<128x128xf32, #tpu.memory_space<vmem>>, vector<1x16xf32>,
      %swap3A_56 = vector.shape_cast %swap3A_55 : vector<1x16xf32> to vector<16xf32>
      %swap3A_57 = vector.shape_cast %broadcast_in_dim3A_0 : vector<16xf32> to vector<1x16xf32>
      tpu.vector_store %arg9[%swap3A_53, %swap3A_54], %swap3A_57 {strides = array<i32>} : memref<128x128xf32, #tpu.memory_space<vmem>>, vector<1x16xf32>,
      %swap3A_58 = arith.index_cast %scan3A_28 : i32 to index
      %swap3A_59 = arith.constant 96 : index
      %swap3A_60 = tpu.vector_load %arg9[%swap3A_58, %swap3A_59] {strides = array<i32>} : memref<128x128xf32, #tpu.memory_space<vmem>>, vector<1x16xf32>,
      %swap3A_61 = vector.shape_cast %swap3A_60 : vector<1x16xf32> to vector<16xf32>
      %swap3A_62 = vector.shape_cast %broadcast_in_dim3A_0 : vector<16xf32> to vector<1x16xf32>
      tpu.vector_store %arg9[%swap3A_58, %swap3A_59], %swap3A_62 {strides = array<i32>} : memref<128x128xf32, #tpu.memory_space<vmem>>, vector<1x16xf32>,
      %swap3A_63 = arith.index_cast %scan3A_28 : i32 to index
      %swap3A_64 = arith.constant 112 : index
      %swap3A_65 = tpu.vector_load %arg9[%swap3A_63, %swap3A_64] {strides = array<i32>} : memref<128x128xf32, #tpu.memory_space<vmem>>, vector<1x16xf32>,
      %swap3A_66 = vector.shape_cast %swap3A_65 : vector<1x16xf32> to vector<16xf32>
      %swap3A_67 = vector.shape_cast %broadcast_in_dim3A_0 : vector<16xf32> to vector<1x16xf32>
      tpu.vector_store %arg9[%swap3A_63, %swap3A_64], %swap3A_67 {strides = array<i32>} : memref<128x128xf32, #tpu.memory_space<vmem>>, vector<1x16xf32>,
    }
    %scan3A_5 = arith.constant 128 : i32
    %mul3A = arith.constant 320 : i32
    %mul3A_6 = arith.muli %arg1, %mul3A : i32
    %add3A = arith.constant 0 : i32
    %add3A_7 = arith.addi %mul3A_6, %add3A : i32
    "tpu.region"() ({
      %run_scoped3A = tpu.sem_alloc : memref<!tpu.dma_semaphore, #tpu.memory_space<semaphore_mem>>
      %dma_start3A = arith.constant 0 : i32
      %dma_start3A_28 = tpu.memref_slice %arg10[%add3A_7, %dma_start3A] : memref<5120x128xf32, #tpu.memory_space<vmem_shared>> -> memref<128x128xf32, #tpu.memory_space<vmem_shared>>
      %dma_start3A_29 = arith.constant 0 : i32
      %dma_start3A_30 = tpu.memref_slice %arg10[%add3A_7, %dma_start3A_29] : memref<5120x128xf32, #tpu.memory_space<vmem_shared>> -> memref<128x128xf32, #tpu.memory_space<vmem_shared>>
      tpu.enqueue_dma source(%arg9 : memref<128x128xf32, #tpu.memory_space<vmem>>) target(%dma_start3A_30 : memref<128x128xf32, #tpu.memory_space<vmem_shared>>) target_semaphore(%run_scoped3A : memref<!tpu.dma_semaphore, #tpu.memory_space<semaphore_mem>>)
      %dma_wait3A = arith.constant 0 : i32
      %dma_wait3A_31 = tpu.memref_slice %arg10[%add3A_7, %dma_wait3A] : memref<5120x128xf32, #tpu.memory_space<vmem_shared>> -> memref<128x128xf32, #tpu.memory_space<vmem_shared>>
      %dma_wait3A_32 = arith.constant 0 : i32
      %dma_wait3A_33 = tpu.memref_slice %arg10[%add3A_7, %dma_wait3A_32] : memref<5120x128xf32, #tpu.memory_space<vmem_shared>> -> memref<128x128xf32, #tpu.memory_space<vmem_shared>>
      tpu.wait_dma2 semaphore(%run_scoped3A : memref<!tpu.dma_semaphore, #tpu.memory_space<semaphore_mem>>) src(%arg9 : memref<128x128xf32, #tpu.memory_space<vmem>>) dst(%dma_wait3A_33 : memref<128x128xf32, #tpu.memory_space<vmem_shared>>)
      tpu.yield
    }) : () -> ()
    %add3A_8 = arith.constant 0 : i32
    %add3A_9 = arith.addi %mul3A_6, %add3A_8 : i32
    "tpu.region"() ({
      %run_scoped3A = tpu.sem_alloc : memref<!tpu.dma_semaphore, #tpu.memory_space<semaphore_mem>>
      %dma_start3A = arith.constant 0 : i32
      %dma_start3A_28 = tpu.memref_slice %arg11[%add3A_9, %dma_start3A] : memref<5120x128xf32, #tpu.memory_space<vmem_shared>> -> memref<128x128xf32, #tpu.memory_space<vmem_shared>>
      %dma_start3A_29 = arith.constant 0 : i32
      %dma_start3A_30 = tpu.memref_slice %arg11[%add3A_9, %dma_start3A_29] : memref<5120x128xf32, #tpu.memory_space<vmem_shared>> -> memref<128x128xf32, #tpu.memory_space<vmem_shared>>
      tpu.enqueue_dma source(%arg9 : memref<128x128xf32, #tpu.memory_space<vmem>>) target(%dma_start3A_30 : memref<128x128xf32, #tpu.memory_space<vmem_shared>>) target_semaphore(%run_scoped3A : memref<!tpu.dma_semaphore, #tpu.memory_space<semaphore_mem>>)
      %dma_wait3A = arith.constant 0 : i32
      %dma_wait3A_31 = tpu.memref_slice %arg11[%add3A_9, %dma_wait3A] : memref<5120x128xf32, #tpu.memory_space<vmem_shared>> -> memref<128x128xf32, #tpu.memory_space<vmem_shared>>
      %dma_wait3A_32 = arith.constant 0 : i32
      %dma_wait3A_33 = tpu.memref_slice %arg11[%add3A_9, %dma_wait3A_32] : memref<5120x128xf32, #tpu.memory_space<vmem_shared>> -> memref<128x128xf32, #tpu.memory_space<vmem_shared>>
      tpu.wait_dma2 semaphore(%run_scoped3A : memref<!tpu.dma_semaphore, #tpu.memory_space<semaphore_mem>>) src(%arg9 : memref<128x128xf32, #tpu.memory_space<vmem>>) dst(%dma_wait3A_33 : memref<128x128xf32, #tpu.memory_space<vmem_shared>>)
      tpu.yield
    }) : () -> ()
    %add3A_10 = arith.constant 128 : i32
    %add3A_11 = arith.addi %mul3A_6, %add3A_10 : i32
    "tpu.region"() ({
      %run_scoped3A = tpu.sem_alloc : memref<!tpu.dma_semaphore, #tpu.memory_space<semaphore_mem>>
      %dma_start3A = arith.constant 0 : i32
      %dma_start3A_28 = tpu.memref_slice %arg10[%add3A_11, %dma_start3A] : memref<5120x128xf32, #tpu.memory_space<vmem_shared>> -> memref<128x128xf32, #tpu.memory_space<vmem_shared>>
      %dma_start3A_29 = arith.constant 0 : i32
      %dma_start3A_30 = tpu.memref_slice %arg10[%add3A_11, %dma_start3A_29] : memref<5120x128xf32, #tpu.memory_space<vmem_shared>> -> memref<128x128xf32, #tpu.memory_space<vmem_shared>>
      tpu.enqueue_dma source(%arg9 : memref<128x128xf32, #tpu.memory_space<vmem>>) target(%dma_start3A_30 : memref<128x128xf32, #tpu.memory_space<vmem_shared>>) target_semaphore(%run_scoped3A : memref<!tpu.dma_semaphore, #tpu.memory_space<semaphore_mem>>)
      %dma_wait3A = arith.constant 0 : i32
      %dma_wait3A_31 = tpu.memref_slice %arg10[%add3A_11, %dma_wait3A] : memref<5120x128xf32, #tpu.memory_space<vmem_shared>> -> memref<128x128xf32, #tpu.memory_space<vmem_shared>>
      %dma_wait3A_32 = arith.constant 0 : i32
      %dma_wait3A_33 = tpu.memref_slice %arg10[%add3A_11, %dma_wait3A_32] : memref<5120x128xf32, #tpu.memory_space<vmem_shared>> -> memref<128x128xf32, #tpu.memory_space<vmem_shared>>
      tpu.wait_dma2 semaphore(%run_scoped3A : memref<!tpu.dma_semaphore, #tpu.memory_space<semaphore_mem>>) src(%arg9 : memref<128x128xf32, #tpu.memory_space<vmem>>) dst(%dma_wait3A_33 : memref<128x128xf32, #tpu.memory_space<vmem_shared>>)
      tpu.yield
    }) : () -> ()
    %add3A_12 = arith.constant 128 : i32
    %add3A_13 = arith.addi %mul3A_6, %add3A_12 : i32
    "tpu.region"() ({
      %run_scoped3A = tpu.sem_alloc : memref<!tpu.dma_semaphore, #tpu.memory_space<semaphore_mem>>
      %dma_start3A = arith.constant 0 : i32
      %dma_start3A_28 = tpu.memref_slice %arg11[%add3A_13, %dma_start3A] : memref<5120x128xf32, #tpu.memory_space<vmem_shared>> -> memref<128x128xf32, #tpu.memory_space<vmem_shared>>
      %dma_start3A_29 = arith.constant 0 : i32
      %dma_start3A_30 = tpu.memref_slice %arg11[%add3A_13, %dma_start3A_29] : memref<5120x128xf32, #tpu.memory_space<vmem_shared>> -> memref<128x128xf32, #tpu.memory_space<vmem_shared>>
      tpu.enqueue_dma source(%arg9 : memref<128x128xf32, #tpu.memory_space<vmem>>) target(%dma_start3A_30 : memref<128x128xf32, #tpu.memory_space<vmem_shared>>) target_semaphore(%run_scoped3A : memref<!tpu.dma_semaphore, #tpu.memory_space<semaphore_mem>>)
      %dma_wait3A = arith.constant 0 : i32
      %dma_wait3A_31 = tpu.memref_slice %arg11[%add3A_13, %dma_wait3A] : memref<5120x128xf32, #tpu.memory_space<vmem_shared>> -> memref<128x128xf32, #tpu.memory_space<vmem_shared>>
      %dma_wait3A_32 = arith.constant 0 : i32
      %dma_wait3A_33 = tpu.memref_slice %arg11[%add3A_13, %dma_wait3A_32] : memref<5120x128xf32, #tpu.memory_space<vmem_shared>> -> memref<128x128xf32, #tpu.memory_space<vmem_shared>>
      tpu.wait_dma2 semaphore(%run_scoped3A : memref<!tpu.dma_semaphore, #tpu.memory_space<semaphore_mem>>) src(%arg9 : memref<128x128xf32, #tpu.memory_space<vmem>>) dst(%dma_wait3A_33 : memref<128x128xf32, #tpu.memory_space<vmem_shared>>)
      tpu.yield
    }) : () -> ()
    %add3A_14 = arith.constant 320 : i32
    %add3A_15 = arith.addi %mul3A_6, %add3A_14 : i32
    %sub3A = arith.constant 64 : i32
    %sub3A_16 = arith.subi %add3A_15, %sub3A : i32
    "tpu.region"() ({
      %run_scoped3A = tpu.sem_alloc : memref<!tpu.dma_semaphore, #tpu.memory_space<semaphore_mem>>
      %dma_start3A = arith.constant 0 : i32
      %dma_start3A_28 = arith.constant 0 : i32
      %dma_start3A_29 = tpu.memref_slice %arg9[%dma_start3A, %dma_start3A_28] : memref<128x128xf32, #tpu.memory_space<vmem>> -> memref<64x128xf32, #tpu.memory_space<vmem>>
      %dma_start3A_30 = arith.constant 0 : i32
      %dma_start3A_31 = tpu.memref_slice %arg10[%sub3A_16, %dma_start3A_30] : memref<5120x128xf32, #tpu.memory_space<vmem_shared>> -> memref<64x128xf32, #tpu.memory_space<vmem_shared>>
      %dma_start3A_32 = arith.constant 0 : i32
      %dma_start3A_33 = tpu.memref_slice %arg10[%sub3A_16, %dma_start3A_32] : memref<5120x128xf32, #tpu.memory_space<vmem_shared>> -> memref<64x128xf32, #tpu.memory_space<vmem_shared>>
      %dma_start3A_34 = arith.constant 0 : i32
      %dma_start3A_35 = arith.constant 0 : i32
      %dma_start3A_36 = tpu.memref_slice %arg9[%dma_start3A_34, %dma_start3A_35] : memref<128x128xf32, #tpu.memory_space<vmem>> -> memref<64x128xf32, #tpu.memory_space<vmem>>
      tpu.enqueue_dma source(%dma_start3A_36 : memref<64x128xf32, #tpu.memory_space<vmem>>) target(%dma_start3A_33 : memref<64x128xf32, #tpu.memory_space<vmem_shared>>) target_semaphore(%run_scoped3A : memref<!tpu.dma_semaphore, #tpu.memory_space<semaphore_mem>>)
      %dma_wait3A = arith.constant 0 : i32
      %dma_wait3A_37 = arith.constant 0 : i32
      %dma_wait3A_38 = tpu.memref_slice %arg9[%dma_wait3A, %dma_wait3A_37] : memref<128x128xf32, #tpu.memory_space<vmem>> -> memref<64x128xf32, #tpu.memory_space<vmem>>
      %dma_wait3A_39 = arith.constant 0 : i32
      %dma_wait3A_40 = tpu.memref_slice %arg10[%sub3A_16, %dma_wait3A_39] : memref<5120x128xf32, #tpu.memory_space<vmem_shared>> -> memref<64x128xf32, #tpu.memory_space<vmem_shared>>
      %dma_wait3A_41 = arith.constant 0 : i32
      %dma_wait3A_42 = tpu.memref_slice %arg10[%sub3A_16, %dma_wait3A_41] : memref<5120x128xf32, #tpu.memory_space<vmem_shared>> -> memref<64x128xf32, #tpu.memory_space<vmem_shared>>
      %dma_wait3A_43 = arith.constant 0 : i32
      %dma_wait3A_44 = arith.constant 0 : i32
      %dma_wait3A_45 = tpu.memref_slice %arg9[%dma_wait3A_43, %dma_wait3A_44] : memref<128x128xf32, #tpu.memory_space<vmem>> -> memref<64x128xf32, #tpu.memory_space<vmem>>
      tpu.wait_dma2 semaphore(%run_scoped3A : memref<!tpu.dma_semaphore, #tpu.memory_space<semaphore_mem>>) src(%dma_wait3A_45 : memref<64x128xf32, #tpu.memory_space<vmem>>) dst(%dma_wait3A_42 : memref<64x128xf32, #tpu.memory_space<vmem_shared>>)
      tpu.yield
    }) : () -> ()
    %add3A_17 = arith.constant 320 : i32
    %add3A_18 = arith.addi %mul3A_6, %add3A_17 : i32
    %sub3A_19 = arith.constant 64 : i32
    %sub3A_20 = arith.subi %add3A_18, %sub3A_19 : i32
    "tpu.region"() ({
      %run_scoped3A = tpu.sem_alloc : memref<!tpu.dma_semaphore, #tpu.memory_space<semaphore_mem>>
      %dma_start3A = arith.constant 0 : i32
      %dma_start3A_28 = arith.constant 0 : i32
      %dma_start3A_29 = tpu.memref_slice %arg9[%dma_start3A, %dma_start3A_28] : memref<128x128xf32, #tpu.memory_space<vmem>> -> memref<64x128xf32, #tpu.memory_space<vmem>>
      %dma_start3A_30 = arith.constant 0 : i32
      %dma_start3A_31 = tpu.memref_slice %arg11[%sub3A_20, %dma_start3A_30] : memref<5120x128xf32, #tpu.memory_space<vmem_shared>> -> memref<64x128xf32, #tpu.memory_space<vmem_shared>>
      %dma_start3A_32 = arith.constant 0 : i32
      %dma_start3A_33 = tpu.memref_slice %arg11[%sub3A_20, %dma_start3A_32] : memref<5120x128xf32, #tpu.memory_space<vmem_shared>> -> memref<64x128xf32, #tpu.memory_space<vmem_shared>>
      %dma_start3A_34 = arith.constant 0 : i32
      %dma_start3A_35 = arith.constant 0 : i32
      %dma_start3A_36 = tpu.memref_slice %arg9[%dma_start3A_34, %dma_start3A_35] : memref<128x128xf32, #tpu.memory_space<vmem>> -> memref<64x128xf32, #tpu.memory_space<vmem>>
      tpu.enqueue_dma source(%dma_start3A_36 : memref<64x128xf32, #tpu.memory_space<vmem>>) target(%dma_start3A_33 : memref<64x128xf32, #tpu.memory_space<vmem_shared>>) target_semaphore(%run_scoped3A : memref<!tpu.dma_semaphore, #tpu.memory_space<semaphore_mem>>)
      %dma_wait3A = arith.constant 0 : i32
      %dma_wait3A_37 = arith.constant 0 : i32
      %dma_wait3A_38 = tpu.memref_slice %arg9[%dma_wait3A, %dma_wait3A_37] : memref<128x128xf32, #tpu.memory_space<vmem>> -> memref<64x128xf32, #tpu.memory_space<vmem>>
      %dma_wait3A_39 = arith.constant 0 : i32
      %dma_wait3A_40 = tpu.memref_slice %arg11[%sub3A_20, %dma_wait3A_39] : memref<5120x128xf32, #tpu.memory_space<vmem_shared>> -> memref<64x128xf32, #tpu.memory_space<vmem_shared>>
      %dma_wait3A_41 = arith.constant 0 : i32
      %dma_wait3A_42 = tpu.memref_slice %arg11[%sub3A_20, %dma_wait3A_41] : memref<5120x128xf32, #tpu.memory_space<vmem_shared>> -> memref<64x128xf32, #tpu.memory_space<vmem_shared>>
      %dma_wait3A_43 = arith.constant 0 : i32
      %dma_wait3A_44 = arith.constant 0 : i32
      %dma_wait3A_45 = tpu.memref_slice %arg9[%dma_wait3A_43, %dma_wait3A_44] : memref<128x128xf32, #tpu.memory_space<vmem>> -> memref<64x128xf32, #tpu.memory_space<vmem>>
      tpu.wait_dma2 semaphore(%run_scoped3A : memref<!tpu.dma_semaphore, #tpu.memory_space<semaphore_mem>>) src(%dma_wait3A_45 : memref<64x128xf32, #tpu.memory_space<vmem>>) dst(%dma_wait3A_42 : memref<64x128xf32, #tpu.memory_space<vmem_shared>>)
      tpu.yield
    }) : () -> ()
    %barrier3A = arith.constant 0 : index
    tpu.barrier barrier_id(%barrier3A)
    %scan3A_21 = arith.constant 0 : i32
    %scan3A_22 = arith.constant 0 : i32
    %scan3A_23 = arith.constant 157 : i32
    %scan3A_24 = arith.addi %scan3A_22, %scan3A_23 : i32
    %scan3A_25 = arith.constant 1 : i32
    scf.for %scan3A_28 = %scan3A_22 to %scan3A_24 step %scan3A_25  : i32 {
      %mul3A_29 = arith.constant 157 : i32
      %mul3A_30 = arith.muli %arg1, %mul3A_29 : i32
      %add3A_31 = arith.addi %mul3A_30, %scan3A_28 : i32
      %mul3A_32 = arith.constant 128 : i32
      %mul3A_33 = arith.muli %add3A_31, %mul3A_32 : i32
      "tpu.region"() ({
        %run_scoped3A_35 = tpu.sem_alloc : memref<!tpu.dma_semaphore, #tpu.memory_space<semaphore_mem>>
        %dma_start3A = arith.constant 0 : i32
        %dma_start3A_36 = tpu.memref_slice %arg4[%arg0, %add3A_31, %dma_start3A] : memref<2x2512x128xi32, #tpu.memory_space<hbm>> -> memref<1x1x128xi32, #tpu.memory_space<hbm>>
        %dma_start3A_37 = tpu.memref_squeeze %dma_start3A_36 : memref<1x1x128xi32, #tpu.memory_space<hbm>> -> memref<1x128xi32, #tpu.memory_space<hbm>>
        %dma_start3A_38 = arith.constant 0 : i32
        %dma_start3A_39 = tpu.memref_slice %arg4[%arg0, %add3A_31, %dma_start3A_38] : memref<2x2512x128xi32, #tpu.memory_space<hbm>> -> memref<1x1x128xi32, #tpu.memory_space<hbm>>
        %dma_start3A_40 = tpu.memref_squeeze %dma_start3A_39 : memref<1x1x128xi32, #tpu.memory_space<hbm>> -> memref<1x128xi32, #tpu.memory_space<hbm>>
        tpu.enqueue_dma source(%dma_start3A_40 : memref<1x128xi32, #tpu.memory_space<hbm>>) target(%arg7 : memref<1x128xi32, #tpu.memory_space<vmem>>) target_semaphore(%run_scoped3A_35 : memref<!tpu.dma_semaphore, #tpu.memory_space<semaphore_mem>>)
        %dma_wait3A = arith.constant 0 : i32
        %dma_wait3A_41 = tpu.memref_slice %arg4[%arg0, %add3A_31, %dma_wait3A] : memref<2x2512x128xi32, #tpu.memory_space<hbm>> -> memref<1x1x128xi32, #tpu.memory_space<hbm>>
        %dma_wait3A_42 = tpu.memref_squeeze %dma_wait3A_41 : memref<1x1x128xi32, #tpu.memory_space<hbm>> -> memref<1x128xi32, #tpu.memory_space<hbm>>
        %dma_wait3A_43 = arith.constant 0 : i32
        %dma_wait3A_44 = tpu.memref_slice %arg4[%arg0, %add3A_31, %dma_wait3A_43] : memref<2x2512x128xi32, #tpu.memory_space<hbm>> -> memref<1x1x128xi32, #tpu.memory_space<hbm>>
        %dma_wait3A_45 = tpu.memref_squeeze %dma_wait3A_44 : memref<1x1x128xi32, #tpu.memory_space<hbm>> -> memref<1x128xi32, #tpu.memory_space<hbm>>
        tpu.wait_dma2 semaphore(%run_scoped3A_35 : memref<!tpu.dma_semaphore, #tpu.memory_space<semaphore_mem>>) src(%dma_wait3A_45 : memref<1x128xi32, #tpu.memory_space<hbm>>) dst(%arg7 : memref<1x128xi32, #tpu.memory_space<vmem>>)
        tpu.yield
      }) : () -> ()
      "tpu.region"() ({
        %run_scoped3A_35 = tpu.sem_alloc : memref<!tpu.dma_semaphore, #tpu.memory_space<semaphore_mem>>
        %dma_start3A = arith.constant 0 : i32
        %dma_start3A_36 = tpu.memref_slice %arg3[%mul3A_33, %dma_start3A] : memref<321536x128xf32, #tpu.memory_space<hbm>> -> memref<128x128xf32, #tpu.memory_space<hbm>>
        %dma_start3A_37 = arith.constant 0 : i32
        %dma_start3A_38 = tpu.memref_slice %arg3[%mul3A_33, %dma_start3A_37] : memref<321536x128xf32, #tpu.memory_space<hbm>> -> memref<128x128xf32, #tpu.memory_space<hbm>>
        tpu.enqueue_dma source(%dma_start3A_38 : memref<128x128xf32, #tpu.memory_space<hbm>>) target(%arg8 : memref<128x128xf32, #tpu.memory_space<vmem>>) target_semaphore(%run_scoped3A_35 : memref<!tpu.dma_semaphore, #tpu.memory_space<semaphore_mem>>)
        %dma_wait3A = arith.constant 0 : i32
        %dma_wait3A_39 = tpu.memref_slice %arg3[%mul3A_33, %dma_wait3A] : memref<321536x128xf32, #tpu.memory_space<hbm>> -> memref<128x128xf32, #tpu.memory_space<hbm>>
        %dma_wait3A_40 = arith.constant 0 : i32
        %dma_wait3A_41 = tpu.memref_slice %arg3[%mul3A_33, %dma_wait3A_40] : memref<321536x128xf32, #tpu.memory_space<hbm>> -> memref<128x128xf32, #tpu.memory_space<hbm>>
        tpu.wait_dma2 semaphore(%run_scoped3A_35 : memref<!tpu.dma_semaphore, #tpu.memory_space<semaphore_mem>>) src(%dma_wait3A_41 : memref<128x128xf32, #tpu.memory_space<hbm>>) dst(%arg8 : memref<128x128xf32, #tpu.memory_space<vmem>>)
        tpu.yield
      }) : () -> ()
      "tpu.region"() ({
        %run_scoped3A_35 = tpu.sem_alloc : memref<!tpu.dma_semaphore, #tpu.memory_space<semaphore_mem>>
        %dma_start3A = arith.constant 0 : i32
        %dma_start3A_36 = tpu.memref_slice %arg2[%mul3A_33, %dma_start3A] : memref<321536x128xf32, #tpu.memory_space<hbm>> -> memref<128x128xf32, #tpu.memory_space<hbm>>
        %dma_start3A_37 = arith.constant 0 : i32
        %dma_start3A_38 = tpu.memref_slice %arg2[%mul3A_33, %dma_start3A_37] : memref<321536x128xf32, #tpu.memory_space<hbm>> -> memref<128x128xf32, #tpu.memory_space<hbm>>
        tpu.enqueue_dma source(%dma_start3A_38 : memref<128x128xf32, #tpu.memory_space<hbm>>) target(%arg9 : memref<128x128xf32, #tpu.memory_space<vmem>>) target_semaphore(%run_scoped3A_35 : memref<!tpu.dma_semaphore, #tpu.memory_space<semaphore_mem>>)
        %dma_wait3A = arith.constant 0 : i32
        %dma_wait3A_39 = tpu.memref_slice %arg2[%mul3A_33, %dma_wait3A] : memref<321536x128xf32, #tpu.memory_space<hbm>> -> memref<128x128xf32, #tpu.memory_space<hbm>>
        %dma_wait3A_40 = arith.constant 0 : i32
        %dma_wait3A_41 = tpu.memref_slice %arg2[%mul3A_33, %dma_wait3A_40] : memref<321536x128xf32, #tpu.memory_space<hbm>> -> memref<128x128xf32, #tpu.memory_space<hbm>>
        tpu.wait_dma2 semaphore(%run_scoped3A_35 : memref<!tpu.dma_semaphore, #tpu.memory_space<semaphore_mem>>) src(%dma_wait3A_41 : memref<128x128xf32, #tpu.memory_space<hbm>>) dst(%arg9 : memref<128x128xf32, #tpu.memory_space<vmem>>)
        tpu.yield
      }) : () -> ()
      %run_scoped3A = arith.constant 0 : i32
      "tpu.region"() ({
        %run_scoped3A_35 = tpu.sem_alloc : memref<!tpu.dma_semaphore, #tpu.memory_space<semaphore_mem>>
        %dma_start3A = arith.constant 0 : i32
        %dma_start3A_36 = tpu.memref_slice %arg7[%run_scoped3A, %dma_start3A] : memref<1x128xi32, #tpu.memory_space<vmem>> -> memref<1x128xi32, #tpu.memory_space<vmem>>
        %dma_start3A_37 = tpu.memref_squeeze %dma_start3A_36 : memref<1x128xi32, #tpu.memory_space<vmem>> -> memref<128xi32, #tpu.memory_space<vmem>>
        %dma_start3A_38 = arith.constant 0 : i32
        %dma_start3A_39 = arith.constant 0 : i32
        %dma_start3A_40 = tpu.memref_slice %arg11[%dma_start3A_38, %dma_start3A_39] : memref<5120x128xf32, #tpu.memory_space<vmem_shared>> -> memref<5120x128xf32, #tpu.memory_space<vmem_shared>>
        tpu.enqueue_indirect_dma source(%arg8 : memref<128x128xf32, #tpu.memory_space<vmem>>) target(%dma_start3A_40 : memref<5120x128xf32, #tpu.memory_space<vmem_shared>>) offsets(%dma_start3A_37 : memref<128xi32, #tpu.memory_space<vmem>>) semaphore(%run_scoped3A_35 : memref<!tpu.dma_semaphore, #tpu.memory_space<semaphore_mem>>) {add = true}
        %dma_wait3A = arith.constant 0 : i32
        %dma_wait3A_41 = tpu.memref_slice %arg7[%run_scoped3A, %dma_wait3A] : memref<1x128xi32, #tpu.memory_space<vmem>> -> memref<1x128xi32, #tpu.memory_space<vmem>>
        %dma_wait3A_42 = tpu.memref_squeeze %dma_wait3A_41 : memref<1x128xi32, #tpu.memory_space<vmem>> -> memref<128xi32, #tpu.memory_space<vmem>>
        %dma_wait3A_43 = arith.constant 0 : i32
        %dma_wait3A_44 = arith.constant 0 : i32
        %dma_wait3A_45 = tpu.memref_slice %arg11[%dma_wait3A_43, %dma_wait3A_44] : memref<5120x128xf32, #tpu.memory_space<vmem_shared>> -> memref<5120x128xf32, #tpu.memory_space<vmem_shared>>
        tpu.wait_indirect_dma semaphore(%run_scoped3A_35 : memref<!tpu.dma_semaphore, #tpu.memory_space<semaphore_mem>>) src(%arg8 : memref<128x128xf32, #tpu.memory_space<vmem>>) dst(%dma_wait3A_45 : memref<5120x128xf32, #tpu.memory_space<vmem_shared>>)
        tpu.yield
      }) : () -> ()
      %run_scoped3A_34 = arith.constant 0 : i32
      "tpu.region"() ({
        %run_scoped3A_35 = tpu.sem_alloc : memref<!tpu.dma_semaphore, #tpu.memory_space<semaphore_mem>>
        %dma_start3A = arith.constant 0 : i32
        %dma_start3A_36 = tpu.memref_slice %arg7[%run_scoped3A_34, %dma_start3A] : memref<1x128xi32, #tpu.memory_space<vmem>> -> memref<1x128xi32, #tpu.memory_space<vmem>>
        %dma_start3A_37 = tpu.memref_squeeze %dma_start3A_36 : memref<1x128xi32, #tpu.memory_space<vmem>> -> memref<128xi32, #tpu.memory_space<vmem>>
        %dma_start3A_38 = arith.constant 0 : i32
        %dma_start3A_39 = arith.constant 0 : i32
        %dma_start3A_40 = tpu.memref_slice %arg10[%dma_start3A_38, %dma_start3A_39] : memref<5120x128xf32, #tpu.memory_space<vmem_shared>> -> memref<5120x128xf32, #tpu.memory_space<vmem_shared>>
        tpu.enqueue_indirect_dma source(%arg9 : memref<128x128xf32, #tpu.memory_space<vmem>>) target(%dma_start3A_40 : memref<5120x128xf32, #tpu.memory_space<vmem_shared>>) offsets(%dma_start3A_37 : memref<128xi32, #tpu.memory_space<vmem>>) semaphore(%run_scoped3A_35 : memref<!tpu.dma_semaphore, #tpu.memory_space<semaphore_mem>>) {add = true}
        %dma_wait3A = arith.constant 0 : i32
        %dma_wait3A_41 = tpu.memref_slice %arg7[%run_scoped3A_34, %dma_wait3A] : memref<1x128xi32, #tpu.memory_space<vmem>> -> memref<1x128xi32, #tpu.memory_space<vmem>>
        %dma_wait3A_42 = tpu.memref_squeeze %dma_wait3A_41 : memref<1x128xi32, #tpu.memory_space<vmem>> -> memref<128xi32, #tpu.memory_space<vmem>>
        %dma_wait3A_43 = arith.constant 0 : i32
        %dma_wait3A_44 = arith.constant 0 : i32
        %dma_wait3A_45 = tpu.memref_slice %arg10[%dma_wait3A_43, %dma_wait3A_44] : memref<5120x128xf32, #tpu.memory_space<vmem_shared>> -> memref<5120x128xf32, #tpu.memory_space<vmem_shared>>
        tpu.wait_indirect_dma semaphore(%run_scoped3A_35 : memref<!tpu.dma_semaphore, #tpu.memory_space<semaphore_mem>>) src(%arg9 : memref<128x128xf32, #tpu.memory_space<vmem>>) dst(%dma_wait3A_45 : memref<5120x128xf32, #tpu.memory_space<vmem_shared>>)
        tpu.yield
      }) : () -> ()
    }
    %scan3A_26 = arith.constant 157 : i32
    %barrier3A_27 = arith.constant 0 : index
    tpu.barrier barrier_id(%barrier3A_27)
    "tpu.region"() ({
      %run_scoped3A = tpu.sem_alloc : memref<!tpu.dma_semaphore, #tpu.memory_space<semaphore_mem>>
      %dma_start3A = arith.constant 0 : i32
      %dma_start3A_28 = tpu.memref_slice %arg5[%arg0, %mul3A_6, %dma_start3A] : memref<2x5120x128xf32, #tpu.memory_space<hbm>> -> memref<1x320x128xf32, #tpu.memory_space<hbm>>
      %dma_start3A_29 = tpu.memref_squeeze %dma_start3A_28 : memref<1x320x128xf32, #tpu.memory_space<hbm>> -> memref<320x128xf32, #tpu.memory_space<hbm>>
      %dma_start3A_30 = arith.constant 0 : i32
      %dma_start3A_31 = tpu.memref_slice %arg10[%mul3A_6, %dma_start3A_30] : memref<5120x128xf32, #tpu.memory_space<vmem_shared>> -> memref<320x128xf32, #tpu.memory_space<vmem_shared>>
      tpu.enqueue_dma source(%dma_start3A_31 : memref<320x128xf32, #tpu.memory_space<vmem_shared>>) target(%dma_start3A_29 : memref<320x128xf32, #tpu.memory_space<hbm>>) target_semaphore(%run_scoped3A : memref<!tpu.dma_semaphore, #tpu.memory_space<semaphore_mem>>)
      %dma_wait3A = arith.constant 0 : i32
      %dma_wait3A_32 = tpu.memref_slice %arg5[%arg0, %mul3A_6, %dma_wait3A] : memref<2x5120x128xf32, #tpu.memory_space<hbm>> -> memref<1x320x128xf32, #tpu.memory_space<hbm>>
      %dma_wait3A_33 = tpu.memref_squeeze %dma_wait3A_32 : memref<1x320x128xf32, #tpu.memory_space<hbm>> -> memref<320x128xf32, #tpu.memory_space<hbm>>
      %dma_wait3A_34 = arith.constant 0 : i32
      %dma_wait3A_35 = tpu.memref_slice %arg10[%mul3A_6, %dma_wait3A_34] : memref<5120x128xf32, #tpu.memory_space<vmem_shared>> -> memref<320x128xf32, #tpu.memory_space<vmem_shared>>
      tpu.wait_dma2 semaphore(%run_scoped3A : memref<!tpu.dma_semaphore, #tpu.memory_space<semaphore_mem>>) src(%dma_wait3A_35 : memref<320x128xf32, #tpu.memory_space<vmem_shared>>) dst(%dma_wait3A_33 : memref<320x128xf32, #tpu.memory_space<hbm>>)
      tpu.yield
    }) : () -> ()
    "tpu.region"() ({
      %run_scoped3A = tpu.sem_alloc : memref<!tpu.dma_semaphore, #tpu.memory_space<semaphore_mem>>
      %dma_start3A = arith.constant 0 : i32
      %dma_start3A_28 = tpu.memref_slice %arg6[%arg0, %mul3A_6, %dma_start3A] : memref<2x5120x128xf32, #tpu.memory_space<hbm>> -> memref<1x320x128xf32, #tpu.memory_space<hbm>>
      %dma_start3A_29 = tpu.memref_squeeze %dma_start3A_28 : memref<1x320x128xf32, #tpu.memory_space<hbm>> -> memref<320x128xf32, #tpu.memory_space<hbm>>
      %dma_start3A_30 = arith.constant 0 : i32
      %dma_start3A_31 = tpu.memref_slice %arg11[%mul3A_6, %dma_start3A_30] : memref<5120x128xf32, #tpu.memory_space<vmem_shared>> -> memref<320x128xf32, #tpu.memory_space<vmem_shared>>
      tpu.enqueue_dma source(%dma_start3A_31 : memref<320x128xf32, #tpu.memory_space<vmem_shared>>) target(%dma_start3A_29 : memref<320x128xf32, #tpu.memory_space<hbm>>) target_semaphore(%run_scoped3A : memref<!tpu.dma_semaphore, #tpu.memory_space<semaphore_mem>>)
      %dma_wait3A = arith.constant 0 : i32
      %dma_wait3A_32 = tpu.memref_slice %arg6[%arg0, %mul3A_6, %dma_wait3A] : memref<2x5120x128xf32, #tpu.memory_space<hbm>> -> memref<1x320x128xf32, #tpu.memory_space<hbm>>
      %dma_wait3A_33 = tpu.memref_squeeze %dma_wait3A_32 : memref<1x320x128xf32, #tpu.memory_space<hbm>> -> memref<320x128xf32, #tpu.memory_space<hbm>>
      %dma_wait3A_34 = arith.constant 0 : i32
      %dma_wait3A_35 = tpu.memref_slice %arg11[%mul3A_6, %dma_wait3A_34] : memref<5120x128xf32, #tpu.memory_space<vmem_shared>> -> memref<320x128xf32, #tpu.memory_space<vmem_shared>>
      tpu.wait_dma2 semaphore(%run_scoped3A : memref<!tpu.dma_semaphore, #tpu.memory_space<semaphore_mem>>) src(%dma_wait3A_35 : memref<320x128xf32, #tpu.memory_space<vmem_shared>>) dst(%dma_wait3A_33 : memref<320x128xf32, #tpu.memory_space<hbm>>)
      tpu.yield
    }) : () -> ()
    return
  }
}

#map = affine_map<(d0, d1) -> (0, 0)>
#map1 = affine_map<(d0, d1) -> (0, 0, 0)>
module attributes {stable_mosaic.version = 14 : i64} {
  func.func @_sc_edge_body(%arg0: i32, %arg1: i32, %arg2: memref<321536x128xf32, #tpu.memory_space<hbm>>, %arg3: memref<321536x128xf32, #tpu.memory_space<hbm>>, %arg4: memref<2x2512x128xi32, #tpu.memory_space<hbm>>, %arg5: memref<2x5120x128xf32, #tpu.memory_space<hbm>>, %arg6: memref<2x5120x128xf32, #tpu.memory_space<hbm>>, %arg7: memref<1x128xi32, #tpu.memory_space<vmem>>, %arg8: memref<128x128xf32, #tpu.memory_space<vmem>>, %arg9: memref<128x128xf32, #tpu.memory_space<vmem>>, %arg10: memref<5120x128xf32, #tpu.memory_space<vmem_shared>>, %arg11: memref<5120x128xf32, #tpu.memory_space<vmem_shared>>) attributes {dimension_semantics = [#tpu.dimension_semantics<core_parallel>, #tpu.dimension_semantics<subcore_parallel>], iteration_bounds = array<i64: 2, 16>, scalar_prefetch = 0 : i64, scratch_operands = 5 : i64, tpu.core_type = #tpu.core_type<sc_vector_subcore>, window_params = [{transform_indices = #map}, {transform_indices = #map}, {transform_indices = #map1}, {transform_indices = #map1}, {transform_indices = #map1}]} {
    %broadcast_in_dim3A = arith.constant 0.000000e+00 : f32
    %broadcast_in_dim3A_0 = vector.broadcast %broadcast_in_dim3A : f32 to vector<16xf32>
    %scan3A = arith.constant 0 : i32
    %scan3A_1 = arith.constant 0 : i32
    %scan3A_2 = arith.constant 128 : i32
    %scan3A_3 = arith.addi %scan3A_1, %scan3A_2 : i32
    %scan3A_4 = arith.constant 1 : i32
    scf.for %scan3A_28 = %scan3A_1 to %scan3A_3 step %scan3A_4  : i32 {
      %swap3A = arith.index_cast %scan3A_28 : i32 to index
      %swap3A_29 = arith.constant 0 : index
      %swap3A_30 = tpu.vector_load %arg9[%swap3A, %swap3A_29] {strides = array<i32>} : memref<128x128xf32, #tpu.memory_space<vmem>>, vector<1x16xf32>,
      %swap3A_31 = vector.shape_cast %swap3A_30 : vector<1x16xf32> to vector<16xf32>
      %swap3A_32 = vector.shape_cast %broadcast_in_dim3A_0 : vector<16xf32> to vector<1x16xf32>
      tpu.vector_store %arg9[%swap3A, %swap3A_29], %swap3A_32 {strides = array<i32>} : memref<128x128xf32, #tpu.memory_space<vmem>>, vector<1x16xf32>,
      %swap3A_33 = arith.index_cast %scan3A_28 : i32 to index
      %swap3A_34 = arith.constant 16 : index
      %swap3A_35 = tpu.vector_load %arg9[%swap3A_33, %swap3A_34] {strides = array<i32>} : memref<128x128xf32, #tpu.memory_space<vmem>>, vector<1x16xf32>,
      %swap3A_36 = vector.shape_cast %swap3A_35 : vector<1x16xf32> to vector<16xf32>
      %swap3A_37 = vector.shape_cast %broadcast_in_dim3A_0 : vector<16xf32> to vector<1x16xf32>
      tpu.vector_store %arg9[%swap3A_33, %swap3A_34], %swap3A_37 {strides = array<i32>} : memref<128x128xf32, #tpu.memory_space<vmem>>, vector<1x16xf32>,
      %swap3A_38 = arith.index_cast %scan3A_28 : i32 to index
      %swap3A_39 = arith.constant 32 : index
      %swap3A_40 = tpu.vector_load %arg9[%swap3A_38, %swap3A_39] {strides = array<i32>} : memref<128x128xf32, #tpu.memory_space<vmem>>, vector<1x16xf32>,
      %swap3A_41 = vector.shape_cast %swap3A_40 : vector<1x16xf32> to vector<16xf32>
      %swap3A_42 = vector.shape_cast %broadcast_in_dim3A_0 : vector<16xf32> to vector<1x16xf32>
      tpu.vector_store %arg9[%swap3A_38, %swap3A_39], %swap3A_42 {strides = array<i32>} : memref<128x128xf32, #tpu.memory_space<vmem>>, vector<1x16xf32>,
      %swap3A_43 = arith.index_cast %scan3A_28 : i32 to index
      %swap3A_44 = arith.constant 48 : index
      %swap3A_45 = tpu.vector_load %arg9[%swap3A_43, %swap3A_44] {strides = array<i32>} : memref<128x128xf32, #tpu.memory_space<vmem>>, vector<1x16xf32>,
      %swap3A_46 = vector.shape_cast %swap3A_45 : vector<1x16xf32> to vector<16xf32>
      %swap3A_47 = vector.shape_cast %broadcast_in_dim3A_0 : vector<16xf32> to vector<1x16xf32>
      tpu.vector_store %arg9[%swap3A_43, %swap3A_44], %swap3A_47 {strides = array<i32>} : memref<128x128xf32, #tpu.memory_space<vmem>>, vector<1x16xf32>,
      %swap3A_48 = arith.index_cast %scan3A_28 : i32 to index
      %swap3A_49 = arith.constant 64 : index
      %swap3A_50 = tpu.vector_load %arg9[%swap3A_48, %swap3A_49] {strides = array<i32>} : memref<128x128xf32, #tpu.memory_space<vmem>>, vector<1x16xf32>,
      %swap3A_51 = vector.shape_cast %swap3A_50 : vector<1x16xf32> to vector<16xf32>
      %swap3A_52 = vector.shape_cast %broadcast_in_dim3A_0 : vector<16xf32> to vector<1x16xf32>
      tpu.vector_store %arg9[%swap3A_48, %swap3A_49], %swap3A_52 {strides = array<i32>} : memref<128x128xf32, #tpu.memory_space<vmem>>, vector<1x16xf32>,
      %swap3A_53 = arith.index_cast %scan3A_28 : i32 to index
      %swap3A_54 = arith.constant 80 : index
      %swap3A_55 = tpu.vector_load %arg9[%swap3A_53, %swap3A_54] {strides = array<i32>} : memref<128x128xf32, #tpu.memory_space<vmem>>, vector<1x16xf32>,
      %swap3A_56 = vector.shape_cast %swap3A_55 : vector<1x16xf32> to vector<16xf32>
      %swap3A_57 = vector.shape_cast %broadcast_in_dim3A_0 : vector<16xf32> to vector<1x16xf32>
      tpu.vector_store %arg9[%swap3A_53, %swap3A_54], %swap3A_57 {strides = array<i32>} : memref<128x128xf32, #tpu.memory_space<vmem>>, vector<1x16xf32>,
      %swap3A_58 = arith.index_cast %scan3A_28 : i32 to index
      %swap3A_59 = arith.constant 96 : index
      %swap3A_60 = tpu.vector_load %arg9[%swap3A_58, %swap3A_59] {strides = array<i32>} : memref<128x128xf32, #tpu.memory_space<vmem>>, vector<1x16xf32>,
      %swap3A_61 = vector.shape_cast %swap3A_60 : vector<1x16xf32> to vector<16xf32>
      %swap3A_62 = vector.shape_cast %broadcast_in_dim3A_0 : vector<16xf32> to vector<1x16xf32>
      tpu.vector_store %arg9[%swap3A_58, %swap3A_59], %swap3A_62 {strides = array<i32>} : memref<128x128xf32, #tpu.memory_space<vmem>>, vector<1x16xf32>,
      %swap3A_63 = arith.index_cast %scan3A_28 : i32 to index
      %swap3A_64 = arith.constant 112 : index
      %swap3A_65 = tpu.vector_load %arg9[%swap3A_63, %swap3A_64] {strides = array<i32>} : memref<128x128xf32, #tpu.memory_space<vmem>>, vector<1x16xf32>,
      %swap3A_66 = vector.shape_cast %swap3A_65 : vector<1x16xf32> to vector<16xf32>
      %swap3A_67 = vector.shape_cast %broadcast_in_dim3A_0 : vector<16xf32> to vector<1x16xf32>
      tpu.vector_store %arg9[%swap3A_63, %swap3A_64], %swap3A_67 {strides = array<i32>} : memref<128x128xf32, #tpu.memory_space<vmem>>, vector<1x16xf32>,
    }
    %scan3A_5 = arith.constant 128 : i32
    %mul3A = arith.constant 320 : i32
    %mul3A_6 = arith.muli %arg1, %mul3A : i32
    %add3A = arith.constant 0 : i32
    %add3A_7 = arith.addi %mul3A_6, %add3A : i32
    "tpu.region"() ({
      %run_scoped3A = tpu.sem_alloc : memref<!tpu.dma_semaphore, #tpu.memory_space<semaphore_mem>>
      %dma_start3A = arith.constant 0 : i32
      %dma_start3A_28 = tpu.memref_slice %arg10[%add3A_7, %dma_start3A] : memref<5120x128xf32, #tpu.memory_space<vmem_shared>> -> memref<128x128xf32, #tpu.memory_space<vmem_shared>>
      %dma_start3A_29 = arith.constant 0 : i32
      %dma_start3A_30 = tpu.memref_slice %arg10[%add3A_7, %dma_start3A_29] : memref<5120x128xf32, #tpu.memory_space<vmem_shared>> -> memref<128x128xf32, #tpu.memory_space<vmem_shared>>
      tpu.enqueue_dma source(%arg9 : memref<128x128xf32, #tpu.memory_space<vmem>>) target(%dma_start3A_30 : memref<128x128xf32, #tpu.memory_space<vmem_shared>>) target_semaphore(%run_scoped3A : memref<!tpu.dma_semaphore, #tpu.memory_space<semaphore_mem>>)
      %dma_wait3A = arith.constant 0 : i32
      %dma_wait3A_31 = tpu.memref_slice %arg10[%add3A_7, %dma_wait3A] : memref<5120x128xf32, #tpu.memory_space<vmem_shared>> -> memref<128x128xf32, #tpu.memory_space<vmem_shared>>
      %dma_wait3A_32 = arith.constant 0 : i32
      %dma_wait3A_33 = tpu.memref_slice %arg10[%add3A_7, %dma_wait3A_32] : memref<5120x128xf32, #tpu.memory_space<vmem_shared>> -> memref<128x128xf32, #tpu.memory_space<vmem_shared>>
      tpu.wait_dma2 semaphore(%run_scoped3A : memref<!tpu.dma_semaphore, #tpu.memory_space<semaphore_mem>>) src(%arg9 : memref<128x128xf32, #tpu.memory_space<vmem>>) dst(%dma_wait3A_33 : memref<128x128xf32, #tpu.memory_space<vmem_shared>>)
      tpu.yield
    }) : () -> ()
    %add3A_8 = arith.constant 0 : i32
    %add3A_9 = arith.addi %mul3A_6, %add3A_8 : i32
    "tpu.region"() ({
      %run_scoped3A = tpu.sem_alloc : memref<!tpu.dma_semaphore, #tpu.memory_space<semaphore_mem>>
      %dma_start3A = arith.constant 0 : i32
      %dma_start3A_28 = tpu.memref_slice %arg11[%add3A_9, %dma_start3A] : memref<5120x128xf32, #tpu.memory_space<vmem_shared>> -> memref<128x128xf32, #tpu.memory_space<vmem_shared>>
      %dma_start3A_29 = arith.constant 0 : i32
      %dma_start3A_30 = tpu.memref_slice %arg11[%add3A_9, %dma_start3A_29] : memref<5120x128xf32, #tpu.memory_space<vmem_shared>> -> memref<128x128xf32, #tpu.memory_space<vmem_shared>>
      tpu.enqueue_dma source(%arg9 : memref<128x128xf32, #tpu.memory_space<vmem>>) target(%dma_start3A_30 : memref<128x128xf32, #tpu.memory_space<vmem_shared>>) target_semaphore(%run_scoped3A : memref<!tpu.dma_semaphore, #tpu.memory_space<semaphore_mem>>)
      %dma_wait3A = arith.constant 0 : i32
      %dma_wait3A_31 = tpu.memref_slice %arg11[%add3A_9, %dma_wait3A] : memref<5120x128xf32, #tpu.memory_space<vmem_shared>> -> memref<128x128xf32, #tpu.memory_space<vmem_shared>>
      %dma_wait3A_32 = arith.constant 0 : i32
      %dma_wait3A_33 = tpu.memref_slice %arg11[%add3A_9, %dma_wait3A_32] : memref<5120x128xf32, #tpu.memory_space<vmem_shared>> -> memref<128x128xf32, #tpu.memory_space<vmem_shared>>
      tpu.wait_dma2 semaphore(%run_scoped3A : memref<!tpu.dma_semaphore, #tpu.memory_space<semaphore_mem>>) src(%arg9 : memref<128x128xf32, #tpu.memory_space<vmem>>) dst(%dma_wait3A_33 : memref<128x128xf32, #tpu.memory_space<vmem_shared>>)
      tpu.yield
    }) : () -> ()
    %add3A_10 = arith.constant 128 : i32
    %add3A_11 = arith.addi %mul3A_6, %add3A_10 : i32
    "tpu.region"() ({
      %run_scoped3A = tpu.sem_alloc : memref<!tpu.dma_semaphore, #tpu.memory_space<semaphore_mem>>
      %dma_start3A = arith.constant 0 : i32
      %dma_start3A_28 = tpu.memref_slice %arg10[%add3A_11, %dma_start3A] : memref<5120x128xf32, #tpu.memory_space<vmem_shared>> -> memref<128x128xf32, #tpu.memory_space<vmem_shared>>
      %dma_start3A_29 = arith.constant 0 : i32
      %dma_start3A_30 = tpu.memref_slice %arg10[%add3A_11, %dma_start3A_29] : memref<5120x128xf32, #tpu.memory_space<vmem_shared>> -> memref<128x128xf32, #tpu.memory_space<vmem_shared>>
      tpu.enqueue_dma source(%arg9 : memref<128x128xf32, #tpu.memory_space<vmem>>) target(%dma_start3A_30 : memref<128x128xf32, #tpu.memory_space<vmem_shared>>) target_semaphore(%run_scoped3A : memref<!tpu.dma_semaphore, #tpu.memory_space<semaphore_mem>>)
      %dma_wait3A = arith.constant 0 : i32
      %dma_wait3A_31 = tpu.memref_slice %arg10[%add3A_11, %dma_wait3A] : memref<5120x128xf32, #tpu.memory_space<vmem_shared>> -> memref<128x128xf32, #tpu.memory_space<vmem_shared>>
      %dma_wait3A_32 = arith.constant 0 : i32
      %dma_wait3A_33 = tpu.memref_slice %arg10[%add3A_11, %dma_wait3A_32] : memref<5120x128xf32, #tpu.memory_space<vmem_shared>> -> memref<128x128xf32, #tpu.memory_space<vmem_shared>>
      tpu.wait_dma2 semaphore(%run_scoped3A : memref<!tpu.dma_semaphore, #tpu.memory_space<semaphore_mem>>) src(%arg9 : memref<128x128xf32, #tpu.memory_space<vmem>>) dst(%dma_wait3A_33 : memref<128x128xf32, #tpu.memory_space<vmem_shared>>)
      tpu.yield
    }) : () -> ()
    %add3A_12 = arith.constant 128 : i32
    %add3A_13 = arith.addi %mul3A_6, %add3A_12 : i32
    "tpu.region"() ({
      %run_scoped3A = tpu.sem_alloc : memref<!tpu.dma_semaphore, #tpu.memory_space<semaphore_mem>>
      %dma_start3A = arith.constant 0 : i32
      %dma_start3A_28 = tpu.memref_slice %arg11[%add3A_13, %dma_start3A] : memref<5120x128xf32, #tpu.memory_space<vmem_shared>> -> memref<128x128xf32, #tpu.memory_space<vmem_shared>>
      %dma_start3A_29 = arith.constant 0 : i32
      %dma_start3A_30 = tpu.memref_slice %arg11[%add3A_13, %dma_start3A_29] : memref<5120x128xf32, #tpu.memory_space<vmem_shared>> -> memref<128x128xf32, #tpu.memory_space<vmem_shared>>
      tpu.enqueue_dma source(%arg9 : memref<128x128xf32, #tpu.memory_space<vmem>>) target(%dma_start3A_30 : memref<128x128xf32, #tpu.memory_space<vmem_shared>>) target_semaphore(%run_scoped3A : memref<!tpu.dma_semaphore, #tpu.memory_space<semaphore_mem>>)
      %dma_wait3A = arith.constant 0 : i32
      %dma_wait3A_31 = tpu.memref_slice %arg11[%add3A_13, %dma_wait3A] : memref<5120x128xf32, #tpu.memory_space<vmem_shared>> -> memref<128x128xf32, #tpu.memory_space<vmem_shared>>
      %dma_wait3A_32 = arith.constant 0 : i32
      %dma_wait3A_33 = tpu.memref_slice %arg11[%add3A_13, %dma_wait3A_32] : memref<5120x128xf32, #tpu.memory_space<vmem_shared>> -> memref<128x128xf32, #tpu.memory_space<vmem_shared>>
      tpu.wait_dma2 semaphore(%run_scoped3A : memref<!tpu.dma_semaphore, #tpu.memory_space<semaphore_mem>>) src(%arg9 : memref<128x128xf32, #tpu.memory_space<vmem>>) dst(%dma_wait3A_33 : memref<128x128xf32, #tpu.memory_space<vmem_shared>>)
      tpu.yield
    }) : () -> ()
    %add3A_14 = arith.constant 320 : i32
    %add3A_15 = arith.addi %mul3A_6, %add3A_14 : i32
    %sub3A = arith.constant 64 : i32
    %sub3A_16 = arith.subi %add3A_15, %sub3A : i32
    "tpu.region"() ({
      %run_scoped3A = tpu.sem_alloc : memref<!tpu.dma_semaphore, #tpu.memory_space<semaphore_mem>>
      %dma_start3A = arith.constant 0 : i32
      %dma_start3A_28 = arith.constant 0 : i32
      %dma_start3A_29 = tpu.memref_slice %arg9[%dma_start3A, %dma_start3A_28] : memref<128x128xf32, #tpu.memory_space<vmem>> -> memref<64x128xf32, #tpu.memory_space<vmem>>
      %dma_start3A_30 = arith.constant 0 : i32
      %dma_start3A_31 = tpu.memref_slice %arg10[%sub3A_16, %dma_start3A_30] : memref<5120x128xf32, #tpu.memory_space<vmem_shared>> -> memref<64x128xf32, #tpu.memory_space<vmem_shared>>
      %dma_start3A_32 = arith.constant 0 : i32
      %dma_start3A_33 = tpu.memref_slice %arg10[%sub3A_16, %dma_start3A_32] : memref<5120x128xf32, #tpu.memory_space<vmem_shared>> -> memref<64x128xf32, #tpu.memory_space<vmem_shared>>
      %dma_start3A_34 = arith.constant 0 : i32
      %dma_start3A_35 = arith.constant 0 : i32
      %dma_start3A_36 = tpu.memref_slice %arg9[%dma_start3A_34, %dma_start3A_35] : memref<128x128xf32, #tpu.memory_space<vmem>> -> memref<64x128xf32, #tpu.memory_space<vmem>>
      tpu.enqueue_dma source(%dma_start3A_36 : memref<64x128xf32, #tpu.memory_space<vmem>>) target(%dma_start3A_33 : memref<64x128xf32, #tpu.memory_space<vmem_shared>>) target_semaphore(%run_scoped3A : memref<!tpu.dma_semaphore, #tpu.memory_space<semaphore_mem>>)
      %dma_wait3A = arith.constant 0 : i32
      %dma_wait3A_37 = arith.constant 0 : i32
      %dma_wait3A_38 = tpu.memref_slice %arg9[%dma_wait3A, %dma_wait3A_37] : memref<128x128xf32, #tpu.memory_space<vmem>> -> memref<64x128xf32, #tpu.memory_space<vmem>>
      %dma_wait3A_39 = arith.constant 0 : i32
      %dma_wait3A_40 = tpu.memref_slice %arg10[%sub3A_16, %dma_wait3A_39] : memref<5120x128xf32, #tpu.memory_space<vmem_shared>> -> memref<64x128xf32, #tpu.memory_space<vmem_shared>>
      %dma_wait3A_41 = arith.constant 0 : i32
      %dma_wait3A_42 = tpu.memref_slice %arg10[%sub3A_16, %dma_wait3A_41] : memref<5120x128xf32, #tpu.memory_space<vmem_shared>> -> memref<64x128xf32, #tpu.memory_space<vmem_shared>>
      %dma_wait3A_43 = arith.constant 0 : i32
      %dma_wait3A_44 = arith.constant 0 : i32
      %dma_wait3A_45 = tpu.memref_slice %arg9[%dma_wait3A_43, %dma_wait3A_44] : memref<128x128xf32, #tpu.memory_space<vmem>> -> memref<64x128xf32, #tpu.memory_space<vmem>>
      tpu.wait_dma2 semaphore(%run_scoped3A : memref<!tpu.dma_semaphore, #tpu.memory_space<semaphore_mem>>) src(%dma_wait3A_45 : memref<64x128xf32, #tpu.memory_space<vmem>>) dst(%dma_wait3A_42 : memref<64x128xf32, #tpu.memory_space<vmem_shared>>)
      tpu.yield
    }) : () -> ()
    %add3A_17 = arith.constant 320 : i32
    %add3A_18 = arith.addi %mul3A_6, %add3A_17 : i32
    %sub3A_19 = arith.constant 64 : i32
    %sub3A_20 = arith.subi %add3A_18, %sub3A_19 : i32
    "tpu.region"() ({
      %run_scoped3A = tpu.sem_alloc : memref<!tpu.dma_semaphore, #tpu.memory_space<semaphore_mem>>
      %dma_start3A = arith.constant 0 : i32
      %dma_start3A_28 = arith.constant 0 : i32
      %dma_start3A_29 = tpu.memref_slice %arg9[%dma_start3A, %dma_start3A_28] : memref<128x128xf32, #tpu.memory_space<vmem>> -> memref<64x128xf32, #tpu.memory_space<vmem>>
      %dma_start3A_30 = arith.constant 0 : i32
      %dma_start3A_31 = tpu.memref_slice %arg11[%sub3A_20, %dma_start3A_30] : memref<5120x128xf32, #tpu.memory_space<vmem_shared>> -> memref<64x128xf32, #tpu.memory_space<vmem_shared>>
      %dma_start3A_32 = arith.constant 0 : i32
      %dma_start3A_33 = tpu.memref_slice %arg11[%sub3A_20, %dma_start3A_32] : memref<5120x128xf32, #tpu.memory_space<vmem_shared>> -> memref<64x128xf32, #tpu.memory_space<vmem_shared>>
      %dma_start3A_34 = arith.constant 0 : i32
      %dma_start3A_35 = arith.constant 0 : i32
      %dma_start3A_36 = tpu.memref_slice %arg9[%dma_start3A_34, %dma_start3A_35] : memref<128x128xf32, #tpu.memory_space<vmem>> -> memref<64x128xf32, #tpu.memory_space<vmem>>
      tpu.enqueue_dma source(%dma_start3A_36 : memref<64x128xf32, #tpu.memory_space<vmem>>) target(%dma_start3A_33 : memref<64x128xf32, #tpu.memory_space<vmem_shared>>) target_semaphore(%run_scoped3A : memref<!tpu.dma_semaphore, #tpu.memory_space<semaphore_mem>>)
      %dma_wait3A = arith.constant 0 : i32
      %dma_wait3A_37 = arith.constant 0 : i32
      %dma_wait3A_38 = tpu.memref_slice %arg9[%dma_wait3A, %dma_wait3A_37] : memref<128x128xf32, #tpu.memory_space<vmem>> -> memref<64x128xf32, #tpu.memory_space<vmem>>
      %dma_wait3A_39 = arith.constant 0 : i32
      %dma_wait3A_40 = tpu.memref_slice %arg11[%sub3A_20, %dma_wait3A_39] : memref<5120x128xf32, #tpu.memory_space<vmem_shared>> -> memref<64x128xf32, #tpu.memory_space<vmem_shared>>
      %dma_wait3A_41 = arith.constant 0 : i32
      %dma_wait3A_42 = tpu.memref_slice %arg11[%sub3A_20, %dma_wait3A_41] : memref<5120x128xf32, #tpu.memory_space<vmem_shared>> -> memref<64x128xf32, #tpu.memory_space<vmem_shared>>
      %dma_wait3A_43 = arith.constant 0 : i32
      %dma_wait3A_44 = arith.constant 0 : i32
      %dma_wait3A_45 = tpu.memref_slice %arg9[%dma_wait3A_43, %dma_wait3A_44] : memref<128x128xf32, #tpu.memory_space<vmem>> -> memref<64x128xf32, #tpu.memory_space<vmem>>
      tpu.wait_dma2 semaphore(%run_scoped3A : memref<!tpu.dma_semaphore, #tpu.memory_space<semaphore_mem>>) src(%dma_wait3A_45 : memref<64x128xf32, #tpu.memory_space<vmem>>) dst(%dma_wait3A_42 : memref<64x128xf32, #tpu.memory_space<vmem_shared>>)
      tpu.yield
    }) : () -> ()
    %barrier3A = arith.constant 0 : index
    tpu.barrier barrier_id(%barrier3A)
    %scan3A_21 = arith.constant 0 : i32
    %scan3A_22 = arith.constant 0 : i32
    %scan3A_23 = arith.constant 157 : i32
    %scan3A_24 = arith.addi %scan3A_22, %scan3A_23 : i32
    %scan3A_25 = arith.constant 1 : i32
    scf.for %scan3A_28 = %scan3A_22 to %scan3A_24 step %scan3A_25  : i32 {
      %mul3A_29 = arith.constant 157 : i32
      %mul3A_30 = arith.muli %arg1, %mul3A_29 : i32
      %add3A_31 = arith.addi %mul3A_30, %scan3A_28 : i32
      %mul3A_32 = arith.constant 128 : i32
      %mul3A_33 = arith.muli %add3A_31, %mul3A_32 : i32
      "tpu.region"() ({
        %run_scoped3A_35 = tpu.sem_alloc : memref<!tpu.dma_semaphore, #tpu.memory_space<semaphore_mem>>
        %dma_start3A = arith.constant 0 : i32
        %dma_start3A_36 = tpu.memref_slice %arg4[%arg0, %add3A_31, %dma_start3A] : memref<2x2512x128xi32, #tpu.memory_space<hbm>> -> memref<1x1x128xi32, #tpu.memory_space<hbm>>
        %dma_start3A_37 = tpu.memref_squeeze %dma_start3A_36 : memref<1x1x128xi32, #tpu.memory_space<hbm>> -> memref<1x128xi32, #tpu.memory_space<hbm>>
        %dma_start3A_38 = arith.constant 0 : i32
        %dma_start3A_39 = tpu.memref_slice %arg4[%arg0, %add3A_31, %dma_start3A_38] : memref<2x2512x128xi32, #tpu.memory_space<hbm>> -> memref<1x1x128xi32, #tpu.memory_space<hbm>>
        %dma_start3A_40 = tpu.memref_squeeze %dma_start3A_39 : memref<1x1x128xi32, #tpu.memory_space<hbm>> -> memref<1x128xi32, #tpu.memory_space<hbm>>
        tpu.enqueue_dma source(%dma_start3A_40 : memref<1x128xi32, #tpu.memory_space<hbm>>) target(%arg7 : memref<1x128xi32, #tpu.memory_space<vmem>>) target_semaphore(%run_scoped3A_35 : memref<!tpu.dma_semaphore, #tpu.memory_space<semaphore_mem>>)
        %dma_wait3A = arith.constant 0 : i32
        %dma_wait3A_41 = tpu.memref_slice %arg4[%arg0, %add3A_31, %dma_wait3A] : memref<2x2512x128xi32, #tpu.memory_space<hbm>> -> memref<1x1x128xi32, #tpu.memory_space<hbm>>
        %dma_wait3A_42 = tpu.memref_squeeze %dma_wait3A_41 : memref<1x1x128xi32, #tpu.memory_space<hbm>> -> memref<1x128xi32, #tpu.memory_space<hbm>>
        %dma_wait3A_43 = arith.constant 0 : i32
        %dma_wait3A_44 = tpu.memref_slice %arg4[%arg0, %add3A_31, %dma_wait3A_43] : memref<2x2512x128xi32, #tpu.memory_space<hbm>> -> memref<1x1x128xi32, #tpu.memory_space<hbm>>
        %dma_wait3A_45 = tpu.memref_squeeze %dma_wait3A_44 : memref<1x1x128xi32, #tpu.memory_space<hbm>> -> memref<1x128xi32, #tpu.memory_space<hbm>>
        tpu.wait_dma2 semaphore(%run_scoped3A_35 : memref<!tpu.dma_semaphore, #tpu.memory_space<semaphore_mem>>) src(%dma_wait3A_45 : memref<1x128xi32, #tpu.memory_space<hbm>>) dst(%arg7 : memref<1x128xi32, #tpu.memory_space<vmem>>)
        tpu.yield
      }) : () -> ()
      "tpu.region"() ({
        %run_scoped3A_35 = tpu.sem_alloc : memref<!tpu.dma_semaphore, #tpu.memory_space<semaphore_mem>>
        %dma_start3A = arith.constant 0 : i32
        %dma_start3A_36 = tpu.memref_slice %arg3[%mul3A_33, %dma_start3A] : memref<321536x128xf32, #tpu.memory_space<hbm>> -> memref<128x128xf32, #tpu.memory_space<hbm>>
        %dma_start3A_37 = arith.constant 0 : i32
        %dma_start3A_38 = tpu.memref_slice %arg3[%mul3A_33, %dma_start3A_37] : memref<321536x128xf32, #tpu.memory_space<hbm>> -> memref<128x128xf32, #tpu.memory_space<hbm>>
        tpu.enqueue_dma source(%dma_start3A_38 : memref<128x128xf32, #tpu.memory_space<hbm>>) target(%arg8 : memref<128x128xf32, #tpu.memory_space<vmem>>) target_semaphore(%run_scoped3A_35 : memref<!tpu.dma_semaphore, #tpu.memory_space<semaphore_mem>>)
        %dma_wait3A = arith.constant 0 : i32
        %dma_wait3A_39 = tpu.memref_slice %arg3[%mul3A_33, %dma_wait3A] : memref<321536x128xf32, #tpu.memory_space<hbm>> -> memref<128x128xf32, #tpu.memory_space<hbm>>
        %dma_wait3A_40 = arith.constant 0 : i32
        %dma_wait3A_41 = tpu.memref_slice %arg3[%mul3A_33, %dma_wait3A_40] : memref<321536x128xf32, #tpu.memory_space<hbm>> -> memref<128x128xf32, #tpu.memory_space<hbm>>
        tpu.wait_dma2 semaphore(%run_scoped3A_35 : memref<!tpu.dma_semaphore, #tpu.memory_space<semaphore_mem>>) src(%dma_wait3A_41 : memref<128x128xf32, #tpu.memory_space<hbm>>) dst(%arg8 : memref<128x128xf32, #tpu.memory_space<vmem>>)
        tpu.yield
      }) : () -> ()
      "tpu.region"() ({
        %run_scoped3A_35 = tpu.sem_alloc : memref<!tpu.dma_semaphore, #tpu.memory_space<semaphore_mem>>
        %dma_start3A = arith.constant 0 : i32
        %dma_start3A_36 = tpu.memref_slice %arg2[%mul3A_33, %dma_start3A] : memref<321536x128xf32, #tpu.memory_space<hbm>> -> memref<128x128xf32, #tpu.memory_space<hbm>>
        %dma_start3A_37 = arith.constant 0 : i32
        %dma_start3A_38 = tpu.memref_slice %arg2[%mul3A_33, %dma_start3A_37] : memref<321536x128xf32, #tpu.memory_space<hbm>> -> memref<128x128xf32, #tpu.memory_space<hbm>>
        tpu.enqueue_dma source(%dma_start3A_38 : memref<128x128xf32, #tpu.memory_space<hbm>>) target(%arg9 : memref<128x128xf32, #tpu.memory_space<vmem>>) target_semaphore(%run_scoped3A_35 : memref<!tpu.dma_semaphore, #tpu.memory_space<semaphore_mem>>)
        %dma_wait3A = arith.constant 0 : i32
        %dma_wait3A_39 = tpu.memref_slice %arg2[%mul3A_33, %dma_wait3A] : memref<321536x128xf32, #tpu.memory_space<hbm>> -> memref<128x128xf32, #tpu.memory_space<hbm>>
        %dma_wait3A_40 = arith.constant 0 : i32
        %dma_wait3A_41 = tpu.memref_slice %arg2[%mul3A_33, %dma_wait3A_40] : memref<321536x128xf32, #tpu.memory_space<hbm>> -> memref<128x128xf32, #tpu.memory_space<hbm>>
        tpu.wait_dma2 semaphore(%run_scoped3A_35 : memref<!tpu.dma_semaphore, #tpu.memory_space<semaphore_mem>>) src(%dma_wait3A_41 : memref<128x128xf32, #tpu.memory_space<hbm>>) dst(%arg9 : memref<128x128xf32, #tpu.memory_space<vmem>>)
        tpu.yield
      }) : () -> ()
      %run_scoped3A = arith.constant 0 : i32
      "tpu.region"() ({
        %run_scoped3A_35 = tpu.sem_alloc : memref<!tpu.dma_semaphore, #tpu.memory_space<semaphore_mem>>
        %dma_start3A = arith.constant 0 : i32
        %dma_start3A_36 = tpu.memref_slice %arg7[%run_scoped3A, %dma_start3A] : memref<1x128xi32, #tpu.memory_space<vmem>> -> memref<1x128xi32, #tpu.memory_space<vmem>>
        %dma_start3A_37 = tpu.memref_squeeze %dma_start3A_36 : memref<1x128xi32, #tpu.memory_space<vmem>> -> memref<128xi32, #tpu.memory_space<vmem>>
        %dma_start3A_38 = arith.constant 0 : i32
        %dma_start3A_39 = arith.constant 0 : i32
        %dma_start3A_40 = tpu.memref_slice %arg11[%dma_start3A_38, %dma_start3A_39] : memref<5120x128xf32, #tpu.memory_space<vmem_shared>> -> memref<5120x128xf32, #tpu.memory_space<vmem_shared>>
        tpu.enqueue_indirect_dma source(%arg8 : memref<128x128xf32, #tpu.memory_space<vmem>>) target(%dma_start3A_40 : memref<5120x128xf32, #tpu.memory_space<vmem_shared>>) offsets(%dma_start3A_37 : memref<128xi32, #tpu.memory_space<vmem>>) semaphore(%run_scoped3A_35 : memref<!tpu.dma_semaphore, #tpu.memory_space<semaphore_mem>>) {add = true}
        %dma_wait3A = arith.constant 0 : i32
        %dma_wait3A_41 = tpu.memref_slice %arg7[%run_scoped3A, %dma_wait3A] : memref<1x128xi32, #tpu.memory_space<vmem>> -> memref<1x128xi32, #tpu.memory_space<vmem>>
        %dma_wait3A_42 = tpu.memref_squeeze %dma_wait3A_41 : memref<1x128xi32, #tpu.memory_space<vmem>> -> memref<128xi32, #tpu.memory_space<vmem>>
        %dma_wait3A_43 = arith.constant 0 : i32
        %dma_wait3A_44 = arith.constant 0 : i32
        %dma_wait3A_45 = tpu.memref_slice %arg11[%dma_wait3A_43, %dma_wait3A_44] : memref<5120x128xf32, #tpu.memory_space<vmem_shared>> -> memref<5120x128xf32, #tpu.memory_space<vmem_shared>>
        tpu.wait_indirect_dma semaphore(%run_scoped3A_35 : memref<!tpu.dma_semaphore, #tpu.memory_space<semaphore_mem>>) src(%arg8 : memref<128x128xf32, #tpu.memory_space<vmem>>) dst(%dma_wait3A_45 : memref<5120x128xf32, #tpu.memory_space<vmem_shared>>)
        tpu.yield
      }) : () -> ()
      %run_scoped3A_34 = arith.constant 0 : i32
      "tpu.region"() ({
        %run_scoped3A_35 = tpu.sem_alloc : memref<!tpu.dma_semaphore, #tpu.memory_space<semaphore_mem>>
        %dma_start3A = arith.constant 0 : i32
        %dma_start3A_36 = tpu.memref_slice %arg7[%run_scoped3A_34, %dma_start3A] : memref<1x128xi32, #tpu.memory_space<vmem>> -> memref<1x128xi32, #tpu.memory_space<vmem>>
        %dma_start3A_37 = tpu.memref_squeeze %dma_start3A_36 : memref<1x128xi32, #tpu.memory_space<vmem>> -> memref<128xi32, #tpu.memory_space<vmem>>
        %dma_start3A_38 = arith.constant 0 : i32
        %dma_start3A_39 = arith.constant 0 : i32
        %dma_start3A_40 = tpu.memref_slice %arg10[%dma_start3A_38, %dma_start3A_39] : memref<5120x128xf32, #tpu.memory_space<vmem_shared>> -> memref<5120x128xf32, #tpu.memory_space<vmem_shared>>
        tpu.enqueue_indirect_dma source(%arg9 : memref<128x128xf32, #tpu.memory_space<vmem>>) target(%dma_start3A_40 : memref<5120x128xf32, #tpu.memory_space<vmem_shared>>) offsets(%dma_start3A_37 : memref<128xi32, #tpu.memory_space<vmem>>) semaphore(%run_scoped3A_35 : memref<!tpu.dma_semaphore, #tpu.memory_space<semaphore_mem>>) {add = true}
        %dma_wait3A = arith.constant 0 : i32
        %dma_wait3A_41 = tpu.memref_slice %arg7[%run_scoped3A_34, %dma_wait3A] : memref<1x128xi32, #tpu.memory_space<vmem>> -> memref<1x128xi32, #tpu.memory_space<vmem>>
        %dma_wait3A_42 = tpu.memref_squeeze %dma_wait3A_41 : memref<1x128xi32, #tpu.memory_space<vmem>> -> memref<128xi32, #tpu.memory_space<vmem>>
        %dma_wait3A_43 = arith.constant 0 : i32
        %dma_wait3A_44 = arith.constant 0 : i32
        %dma_wait3A_45 = tpu.memref_slice %arg10[%dma_wait3A_43, %dma_wait3A_44] : memref<5120x128xf32, #tpu.memory_space<vmem_shared>> -> memref<5120x128xf32, #tpu.memory_space<vmem_shared>>
        tpu.wait_indirect_dma semaphore(%run_scoped3A_35 : memref<!tpu.dma_semaphore, #tpu.memory_space<semaphore_mem>>) src(%arg9 : memref<128x128xf32, #tpu.memory_space<vmem>>) dst(%dma_wait3A_45 : memref<5120x128xf32, #tpu.memory_space<vmem_shared>>)
        tpu.yield
      }) : () -> ()
    }
    %scan3A_26 = arith.constant 157 : i32
    %barrier3A_27 = arith.constant 0 : index
    tpu.barrier barrier_id(%barrier3A_27)
    "tpu.region"() ({
      %run_scoped3A = tpu.sem_alloc : memref<!tpu.dma_semaphore, #tpu.memory_space<semaphore_mem>>
      %dma_start3A = arith.constant 0 : i32
      %dma_start3A_28 = tpu.memref_slice %arg5[%arg0, %mul3A_6, %dma_start3A] : memref<2x5120x128xf32, #tpu.memory_space<hbm>> -> memref<1x320x128xf32, #tpu.memory_space<hbm>>
      %dma_start3A_29 = tpu.memref_squeeze %dma_start3A_28 : memref<1x320x128xf32, #tpu.memory_space<hbm>> -> memref<320x128xf32, #tpu.memory_space<hbm>>
      %dma_start3A_30 = arith.constant 0 : i32
      %dma_start3A_31 = tpu.memref_slice %arg10[%mul3A_6, %dma_start3A_30] : memref<5120x128xf32, #tpu.memory_space<vmem_shared>> -> memref<320x128xf32, #tpu.memory_space<vmem_shared>>
      tpu.enqueue_dma source(%dma_start3A_31 : memref<320x128xf32, #tpu.memory_space<vmem_shared>>) target(%dma_start3A_29 : memref<320x128xf32, #tpu.memory_space<hbm>>) target_semaphore(%run_scoped3A : memref<!tpu.dma_semaphore, #tpu.memory_space<semaphore_mem>>)
      %dma_wait3A = arith.constant 0 : i32
      %dma_wait3A_32 = tpu.memref_slice %arg5[%arg0, %mul3A_6, %dma_wait3A] : memref<2x5120x128xf32, #tpu.memory_space<hbm>> -> memref<1x320x128xf32, #tpu.memory_space<hbm>>
      %dma_wait3A_33 = tpu.memref_squeeze %dma_wait3A_32 : memref<1x320x128xf32, #tpu.memory_space<hbm>> -> memref<320x128xf32, #tpu.memory_space<hbm>>
      %dma_wait3A_34 = arith.constant 0 : i32
      %dma_wait3A_35 = tpu.memref_slice %arg10[%mul3A_6, %dma_wait3A_34] : memref<5120x128xf32, #tpu.memory_space<vmem_shared>> -> memref<320x128xf32, #tpu.memory_space<vmem_shared>>
      tpu.wait_dma2 semaphore(%run_scoped3A : memref<!tpu.dma_semaphore, #tpu.memory_space<semaphore_mem>>) src(%dma_wait3A_35 : memref<320x128xf32, #tpu.memory_space<vmem_shared>>) dst(%dma_wait3A_33 : memref<320x128xf32, #tpu.memory_space<hbm>>)
      tpu.yield
    }) : () -> ()
    "tpu.region"() ({
      %run_scoped3A = tpu.sem_alloc : memref<!tpu.dma_semaphore, #tpu.memory_space<semaphore_mem>>
      %dma_start3A = arith.constant 0 : i32
      %dma_start3A_28 = tpu.memref_slice %arg6[%arg0, %mul3A_6, %dma_start3A] : memref<2x5120x128xf32, #tpu.memory_space<hbm>> -> memref<1x320x128xf32, #tpu.memory_space<hbm>>
      %dma_start3A_29 = tpu.memref_squeeze %dma_start3A_28 : memref<1x320x128xf32, #tpu.memory_space<hbm>> -> memref<320x128xf32, #tpu.memory_space<hbm>>
      %dma_start3A_30 = arith.constant 0 : i32
      %dma_start3A_31 = tpu.memref_slice %arg11[%mul3A_6, %dma_start3A_30] : memref<5120x128xf32, #tpu.memory_space<vmem_shared>> -> memref<320x128xf32, #tpu.memory_space<vmem_shared>>
      tpu.enqueue_dma source(%dma_start3A_31 : memref<320x128xf32, #tpu.memory_space<vmem_shared>>) target(%dma_start3A_29 : memref<320x128xf32, #tpu.memory_space<hbm>>) target_semaphore(%run_scoped3A : memref<!tpu.dma_semaphore, #tpu.memory_space<semaphore_mem>>)
      %dma_wait3A = arith.constant 0 : i32
      %dma_wait3A_32 = tpu.memref_slice %arg6[%arg0, %mul3A_6, %dma_wait3A] : memref<2x5120x128xf32, #tpu.memory_space<hbm>> -> memref<1x320x128xf32, #tpu.memory_space<hbm>>
      %dma_wait3A_33 = tpu.memref_squeeze %dma_wait3A_32 : memref<1x320x128xf32, #tpu.memory_space<hbm>> -> memref<320x128xf32, #tpu.memory_space<hbm>>
      %dma_wait3A_34 = arith.constant 0 : i32
      %dma_wait3A_35 = tpu.memref_slice %arg11[%mul3A_6, %dma_wait3A_34] : memref<5120x128xf32, #tpu.memory_space<vmem_shared>> -> memref<320x128xf32, #tpu.memory_space<vmem_shared>>
      tpu.wait_dma2 semaphore(%run_scoped3A : memref<!tpu.dma_semaphore, #tpu.memory_space<semaphore_mem>>) src(%dma_wait3A_35 : memref<320x128xf32, #tpu.memory_space<vmem_shared>>) dst(%dma_wait3A_33 : memref<320x128xf32, #tpu.memory_space<hbm>>)
      tpu.yield
    }) : () -> ()
    return
  }
}

#map = affine_map<(d0, d1) -> (0, 0)>
#map1 = affine_map<(d0, d1) -> (0, 0, 0)>
module attributes {stable_mosaic.version = 14 : i64} {
  func.func @_sc_edge_body(%arg0: i32, %arg1: i32, %arg2: memref<321536x128xf32, #tpu.memory_space<hbm>>, %arg3: memref<321536x128xf32, #tpu.memory_space<hbm>>, %arg4: memref<2x2512x128xi32, #tpu.memory_space<hbm>>, %arg5: memref<2x5120x128xf32, #tpu.memory_space<hbm>>, %arg6: memref<2x5120x128xf32, #tpu.memory_space<hbm>>, %arg7: memref<1x128xi32, #tpu.memory_space<vmem>>, %arg8: memref<128x128xf32, #tpu.memory_space<vmem>>, %arg9: memref<128x128xf32, #tpu.memory_space<vmem>>, %arg10: memref<5120x128xf32, #tpu.memory_space<vmem_shared>>, %arg11: memref<5120x128xf32, #tpu.memory_space<vmem_shared>>) attributes {dimension_semantics = [#tpu.dimension_semantics<core_parallel>, #tpu.dimension_semantics<subcore_parallel>], iteration_bounds = array<i64: 2, 16>, scalar_prefetch = 0 : i64, scratch_operands = 5 : i64, tpu.core_type = #tpu.core_type<sc_vector_subcore>, window_params = [{transform_indices = #map}, {transform_indices = #map}, {transform_indices = #map1}, {transform_indices = #map1}, {transform_indices = #map1}]} {
    %broadcast_in_dim3A = arith.constant 0.000000e+00 : f32
    %broadcast_in_dim3A_0 = vector.broadcast %broadcast_in_dim3A : f32 to vector<16xf32>
    %scan3A = arith.constant 0 : i32
    %scan3A_1 = arith.constant 0 : i32
    %scan3A_2 = arith.constant 128 : i32
    %scan3A_3 = arith.addi %scan3A_1, %scan3A_2 : i32
    %scan3A_4 = arith.constant 1 : i32
    scf.for %scan3A_28 = %scan3A_1 to %scan3A_3 step %scan3A_4  : i32 {
      %swap3A = arith.index_cast %scan3A_28 : i32 to index
      %swap3A_29 = arith.constant 0 : index
      %swap3A_30 = tpu.vector_load %arg9[%swap3A, %swap3A_29] {strides = array<i32>} : memref<128x128xf32, #tpu.memory_space<vmem>>, vector<1x16xf32>,
      %swap3A_31 = vector.shape_cast %swap3A_30 : vector<1x16xf32> to vector<16xf32>
      %swap3A_32 = vector.shape_cast %broadcast_in_dim3A_0 : vector<16xf32> to vector<1x16xf32>
      tpu.vector_store %arg9[%swap3A, %swap3A_29], %swap3A_32 {strides = array<i32>} : memref<128x128xf32, #tpu.memory_space<vmem>>, vector<1x16xf32>,
      %swap3A_33 = arith.index_cast %scan3A_28 : i32 to index
      %swap3A_34 = arith.constant 16 : index
      %swap3A_35 = tpu.vector_load %arg9[%swap3A_33, %swap3A_34] {strides = array<i32>} : memref<128x128xf32, #tpu.memory_space<vmem>>, vector<1x16xf32>,
      %swap3A_36 = vector.shape_cast %swap3A_35 : vector<1x16xf32> to vector<16xf32>
      %swap3A_37 = vector.shape_cast %broadcast_in_dim3A_0 : vector<16xf32> to vector<1x16xf32>
      tpu.vector_store %arg9[%swap3A_33, %swap3A_34], %swap3A_37 {strides = array<i32>} : memref<128x128xf32, #tpu.memory_space<vmem>>, vector<1x16xf32>,
      %swap3A_38 = arith.index_cast %scan3A_28 : i32 to index
      %swap3A_39 = arith.constant 32 : index
      %swap3A_40 = tpu.vector_load %arg9[%swap3A_38, %swap3A_39] {strides = array<i32>} : memref<128x128xf32, #tpu.memory_space<vmem>>, vector<1x16xf32>,
      %swap3A_41 = vector.shape_cast %swap3A_40 : vector<1x16xf32> to vector<16xf32>
      %swap3A_42 = vector.shape_cast %broadcast_in_dim3A_0 : vector<16xf32> to vector<1x16xf32>
      tpu.vector_store %arg9[%swap3A_38, %swap3A_39], %swap3A_42 {strides = array<i32>} : memref<128x128xf32, #tpu.memory_space<vmem>>, vector<1x16xf32>,
      %swap3A_43 = arith.index_cast %scan3A_28 : i32 to index
      %swap3A_44 = arith.constant 48 : index
      %swap3A_45 = tpu.vector_load %arg9[%swap3A_43, %swap3A_44] {strides = array<i32>} : memref<128x128xf32, #tpu.memory_space<vmem>>, vector<1x16xf32>,
      %swap3A_46 = vector.shape_cast %swap3A_45 : vector<1x16xf32> to vector<16xf32>
      %swap3A_47 = vector.shape_cast %broadcast_in_dim3A_0 : vector<16xf32> to vector<1x16xf32>
      tpu.vector_store %arg9[%swap3A_43, %swap3A_44], %swap3A_47 {strides = array<i32>} : memref<128x128xf32, #tpu.memory_space<vmem>>, vector<1x16xf32>,
      %swap3A_48 = arith.index_cast %scan3A_28 : i32 to index
      %swap3A_49 = arith.constant 64 : index
      %swap3A_50 = tpu.vector_load %arg9[%swap3A_48, %swap3A_49] {strides = array<i32>} : memref<128x128xf32, #tpu.memory_space<vmem>>, vector<1x16xf32>,
      %swap3A_51 = vector.shape_cast %swap3A_50 : vector<1x16xf32> to vector<16xf32>
      %swap3A_52 = vector.shape_cast %broadcast_in_dim3A_0 : vector<16xf32> to vector<1x16xf32>
      tpu.vector_store %arg9[%swap3A_48, %swap3A_49], %swap3A_52 {strides = array<i32>} : memref<128x128xf32, #tpu.memory_space<vmem>>, vector<1x16xf32>,
      %swap3A_53 = arith.index_cast %scan3A_28 : i32 to index
      %swap3A_54 = arith.constant 80 : index
      %swap3A_55 = tpu.vector_load %arg9[%swap3A_53, %swap3A_54] {strides = array<i32>} : memref<128x128xf32, #tpu.memory_space<vmem>>, vector<1x16xf32>,
      %swap3A_56 = vector.shape_cast %swap3A_55 : vector<1x16xf32> to vector<16xf32>
      %swap3A_57 = vector.shape_cast %broadcast_in_dim3A_0 : vector<16xf32> to vector<1x16xf32>
      tpu.vector_store %arg9[%swap3A_53, %swap3A_54], %swap3A_57 {strides = array<i32>} : memref<128x128xf32, #tpu.memory_space<vmem>>, vector<1x16xf32>,
      %swap3A_58 = arith.index_cast %scan3A_28 : i32 to index
      %swap3A_59 = arith.constant 96 : index
      %swap3A_60 = tpu.vector_load %arg9[%swap3A_58, %swap3A_59] {strides = array<i32>} : memref<128x128xf32, #tpu.memory_space<vmem>>, vector<1x16xf32>,
      %swap3A_61 = vector.shape_cast %swap3A_60 : vector<1x16xf32> to vector<16xf32>
      %swap3A_62 = vector.shape_cast %broadcast_in_dim3A_0 : vector<16xf32> to vector<1x16xf32>
      tpu.vector_store %arg9[%swap3A_58, %swap3A_59], %swap3A_62 {strides = array<i32>} : memref<128x128xf32, #tpu.memory_space<vmem>>, vector<1x16xf32>,
      %swap3A_63 = arith.index_cast %scan3A_28 : i32 to index
      %swap3A_64 = arith.constant 112 : index
      %swap3A_65 = tpu.vector_load %arg9[%swap3A_63, %swap3A_64] {strides = array<i32>} : memref<128x128xf32, #tpu.memory_space<vmem>>, vector<1x16xf32>,
      %swap3A_66 = vector.shape_cast %swap3A_65 : vector<1x16xf32> to vector<16xf32>
      %swap3A_67 = vector.shape_cast %broadcast_in_dim3A_0 : vector<16xf32> to vector<1x16xf32>
      tpu.vector_store %arg9[%swap3A_63, %swap3A_64], %swap3A_67 {strides = array<i32>} : memref<128x128xf32, #tpu.memory_space<vmem>>, vector<1x16xf32>,
    }
    %scan3A_5 = arith.constant 128 : i32
    %mul3A = arith.constant 320 : i32
    %mul3A_6 = arith.muli %arg1, %mul3A : i32
    %add3A = arith.constant 0 : i32
    %add3A_7 = arith.addi %mul3A_6, %add3A : i32
    "tpu.region"() ({
      %run_scoped3A = tpu.sem_alloc : memref<!tpu.dma_semaphore, #tpu.memory_space<semaphore_mem>>
      %dma_start3A = arith.constant 0 : i32
      %dma_start3A_28 = tpu.memref_slice %arg10[%add3A_7, %dma_start3A] : memref<5120x128xf32, #tpu.memory_space<vmem_shared>> -> memref<128x128xf32, #tpu.memory_space<vmem_shared>>
      %dma_start3A_29 = arith.constant 0 : i32
      %dma_start3A_30 = tpu.memref_slice %arg10[%add3A_7, %dma_start3A_29] : memref<5120x128xf32, #tpu.memory_space<vmem_shared>> -> memref<128x128xf32, #tpu.memory_space<vmem_shared>>
      tpu.enqueue_dma source(%arg9 : memref<128x128xf32, #tpu.memory_space<vmem>>) target(%dma_start3A_30 : memref<128x128xf32, #tpu.memory_space<vmem_shared>>) target_semaphore(%run_scoped3A : memref<!tpu.dma_semaphore, #tpu.memory_space<semaphore_mem>>)
      %dma_wait3A = arith.constant 0 : i32
      %dma_wait3A_31 = tpu.memref_slice %arg10[%add3A_7, %dma_wait3A] : memref<5120x128xf32, #tpu.memory_space<vmem_shared>> -> memref<128x128xf32, #tpu.memory_space<vmem_shared>>
      %dma_wait3A_32 = arith.constant 0 : i32
      %dma_wait3A_33 = tpu.memref_slice %arg10[%add3A_7, %dma_wait3A_32] : memref<5120x128xf32, #tpu.memory_space<vmem_shared>> -> memref<128x128xf32, #tpu.memory_space<vmem_shared>>
      tpu.wait_dma2 semaphore(%run_scoped3A : memref<!tpu.dma_semaphore, #tpu.memory_space<semaphore_mem>>) src(%arg9 : memref<128x128xf32, #tpu.memory_space<vmem>>) dst(%dma_wait3A_33 : memref<128x128xf32, #tpu.memory_space<vmem_shared>>)
      tpu.yield
    }) : () -> ()
    %add3A_8 = arith.constant 0 : i32
    %add3A_9 = arith.addi %mul3A_6, %add3A_8 : i32
    "tpu.region"() ({
      %run_scoped3A = tpu.sem_alloc : memref<!tpu.dma_semaphore, #tpu.memory_space<semaphore_mem>>
      %dma_start3A = arith.constant 0 : i32
      %dma_start3A_28 = tpu.memref_slice %arg11[%add3A_9, %dma_start3A] : memref<5120x128xf32, #tpu.memory_space<vmem_shared>> -> memref<128x128xf32, #tpu.memory_space<vmem_shared>>
      %dma_start3A_29 = arith.constant 0 : i32
      %dma_start3A_30 = tpu.memref_slice %arg11[%add3A_9, %dma_start3A_29] : memref<5120x128xf32, #tpu.memory_space<vmem_shared>> -> memref<128x128xf32, #tpu.memory_space<vmem_shared>>
      tpu.enqueue_dma source(%arg9 : memref<128x128xf32, #tpu.memory_space<vmem>>) target(%dma_start3A_30 : memref<128x128xf32, #tpu.memory_space<vmem_shared>>) target_semaphore(%run_scoped3A : memref<!tpu.dma_semaphore, #tpu.memory_space<semaphore_mem>>)
      %dma_wait3A = arith.constant 0 : i32
      %dma_wait3A_31 = tpu.memref_slice %arg11[%add3A_9, %dma_wait3A] : memref<5120x128xf32, #tpu.memory_space<vmem_shared>> -> memref<128x128xf32, #tpu.memory_space<vmem_shared>>
      %dma_wait3A_32 = arith.constant 0 : i32
      %dma_wait3A_33 = tpu.memref_slice %arg11[%add3A_9, %dma_wait3A_32] : memref<5120x128xf32, #tpu.memory_space<vmem_shared>> -> memref<128x128xf32, #tpu.memory_space<vmem_shared>>
      tpu.wait_dma2 semaphore(%run_scoped3A : memref<!tpu.dma_semaphore, #tpu.memory_space<semaphore_mem>>) src(%arg9 : memref<128x128xf32, #tpu.memory_space<vmem>>) dst(%dma_wait3A_33 : memref<128x128xf32, #tpu.memory_space<vmem_shared>>)
      tpu.yield
    }) : () -> ()
    %add3A_10 = arith.constant 128 : i32
    %add3A_11 = arith.addi %mul3A_6, %add3A_10 : i32
    "tpu.region"() ({
      %run_scoped3A = tpu.sem_alloc : memref<!tpu.dma_semaphore, #tpu.memory_space<semaphore_mem>>
      %dma_start3A = arith.constant 0 : i32
      %dma_start3A_28 = tpu.memref_slice %arg10[%add3A_11, %dma_start3A] : memref<5120x128xf32, #tpu.memory_space<vmem_shared>> -> memref<128x128xf32, #tpu.memory_space<vmem_shared>>
      %dma_start3A_29 = arith.constant 0 : i32
      %dma_start3A_30 = tpu.memref_slice %arg10[%add3A_11, %dma_start3A_29] : memref<5120x128xf32, #tpu.memory_space<vmem_shared>> -> memref<128x128xf32, #tpu.memory_space<vmem_shared>>
      tpu.enqueue_dma source(%arg9 : memref<128x128xf32, #tpu.memory_space<vmem>>) target(%dma_start3A_30 : memref<128x128xf32, #tpu.memory_space<vmem_shared>>) target_semaphore(%run_scoped3A : memref<!tpu.dma_semaphore, #tpu.memory_space<semaphore_mem>>)
      %dma_wait3A = arith.constant 0 : i32
      %dma_wait3A_31 = tpu.memref_slice %arg10[%add3A_11, %dma_wait3A] : memref<5120x128xf32, #tpu.memory_space<vmem_shared>> -> memref<128x128xf32, #tpu.memory_space<vmem_shared>>
      %dma_wait3A_32 = arith.constant 0 : i32
      %dma_wait3A_33 = tpu.memref_slice %arg10[%add3A_11, %dma_wait3A_32] : memref<5120x128xf32, #tpu.memory_space<vmem_shared>> -> memref<128x128xf32, #tpu.memory_space<vmem_shared>>
      tpu.wait_dma2 semaphore(%run_scoped3A : memref<!tpu.dma_semaphore, #tpu.memory_space<semaphore_mem>>) src(%arg9 : memref<128x128xf32, #tpu.memory_space<vmem>>) dst(%dma_wait3A_33 : memref<128x128xf32, #tpu.memory_space<vmem_shared>>)
      tpu.yield
    }) : () -> ()
    %add3A_12 = arith.constant 128 : i32
    %add3A_13 = arith.addi %mul3A_6, %add3A_12 : i32
    "tpu.region"() ({
      %run_scoped3A = tpu.sem_alloc : memref<!tpu.dma_semaphore, #tpu.memory_space<semaphore_mem>>
      %dma_start3A = arith.constant 0 : i32
      %dma_start3A_28 = tpu.memref_slice %arg11[%add3A_13, %dma_start3A] : memref<5120x128xf32, #tpu.memory_space<vmem_shared>> -> memref<128x128xf32, #tpu.memory_space<vmem_shared>>
      %dma_start3A_29 = arith.constant 0 : i32
      %dma_start3A_30 = tpu.memref_slice %arg11[%add3A_13, %dma_start3A_29] : memref<5120x128xf32, #tpu.memory_space<vmem_shared>> -> memref<128x128xf32, #tpu.memory_space<vmem_shared>>
      tpu.enqueue_dma source(%arg9 : memref<128x128xf32, #tpu.memory_space<vmem>>) target(%dma_start3A_30 : memref<128x128xf32, #tpu.memory_space<vmem_shared>>) target_semaphore(%run_scoped3A : memref<!tpu.dma_semaphore, #tpu.memory_space<semaphore_mem>>)
      %dma_wait3A = arith.constant 0 : i32
      %dma_wait3A_31 = tpu.memref_slice %arg11[%add3A_13, %dma_wait3A] : memref<5120x128xf32, #tpu.memory_space<vmem_shared>> -> memref<128x128xf32, #tpu.memory_space<vmem_shared>>
      %dma_wait3A_32 = arith.constant 0 : i32
      %dma_wait3A_33 = tpu.memref_slice %arg11[%add3A_13, %dma_wait3A_32] : memref<5120x128xf32, #tpu.memory_space<vmem_shared>> -> memref<128x128xf32, #tpu.memory_space<vmem_shared>>
      tpu.wait_dma2 semaphore(%run_scoped3A : memref<!tpu.dma_semaphore, #tpu.memory_space<semaphore_mem>>) src(%arg9 : memref<128x128xf32, #tpu.memory_space<vmem>>) dst(%dma_wait3A_33 : memref<128x128xf32, #tpu.memory_space<vmem_shared>>)
      tpu.yield
    }) : () -> ()
    %add3A_14 = arith.constant 320 : i32
    %add3A_15 = arith.addi %mul3A_6, %add3A_14 : i32
    %sub3A = arith.constant 64 : i32
    %sub3A_16 = arith.subi %add3A_15, %sub3A : i32
    "tpu.region"() ({
      %run_scoped3A = tpu.sem_alloc : memref<!tpu.dma_semaphore, #tpu.memory_space<semaphore_mem>>
      %dma_start3A = arith.constant 0 : i32
      %dma_start3A_28 = arith.constant 0 : i32
      %dma_start3A_29 = tpu.memref_slice %arg9[%dma_start3A, %dma_start3A_28] : memref<128x128xf32, #tpu.memory_space<vmem>> -> memref<64x128xf32, #tpu.memory_space<vmem>>
      %dma_start3A_30 = arith.constant 0 : i32
      %dma_start3A_31 = tpu.memref_slice %arg10[%sub3A_16, %dma_start3A_30] : memref<5120x128xf32, #tpu.memory_space<vmem_shared>> -> memref<64x128xf32, #tpu.memory_space<vmem_shared>>
      %dma_start3A_32 = arith.constant 0 : i32
      %dma_start3A_33 = tpu.memref_slice %arg10[%sub3A_16, %dma_start3A_32] : memref<5120x128xf32, #tpu.memory_space<vmem_shared>> -> memref<64x128xf32, #tpu.memory_space<vmem_shared>>
      %dma_start3A_34 = arith.constant 0 : i32
      %dma_start3A_35 = arith.constant 0 : i32
      %dma_start3A_36 = tpu.memref_slice %arg9[%dma_start3A_34, %dma_start3A_35] : memref<128x128xf32, #tpu.memory_space<vmem>> -> memref<64x128xf32, #tpu.memory_space<vmem>>
      tpu.enqueue_dma source(%dma_start3A_36 : memref<64x128xf32, #tpu.memory_space<vmem>>) target(%dma_start3A_33 : memref<64x128xf32, #tpu.memory_space<vmem_shared>>) target_semaphore(%run_scoped3A : memref<!tpu.dma_semaphore, #tpu.memory_space<semaphore_mem>>)
      %dma_wait3A = arith.constant 0 : i32
      %dma_wait3A_37 = arith.constant 0 : i32
      %dma_wait3A_38 = tpu.memref_slice %arg9[%dma_wait3A, %dma_wait3A_37] : memref<128x128xf32, #tpu.memory_space<vmem>> -> memref<64x128xf32, #tpu.memory_space<vmem>>
      %dma_wait3A_39 = arith.constant 0 : i32
      %dma_wait3A_40 = tpu.memref_slice %arg10[%sub3A_16, %dma_wait3A_39] : memref<5120x128xf32, #tpu.memory_space<vmem_shared>> -> memref<64x128xf32, #tpu.memory_space<vmem_shared>>
      %dma_wait3A_41 = arith.constant 0 : i32
      %dma_wait3A_42 = tpu.memref_slice %arg10[%sub3A_16, %dma_wait3A_41] : memref<5120x128xf32, #tpu.memory_space<vmem_shared>> -> memref<64x128xf32, #tpu.memory_space<vmem_shared>>
      %dma_wait3A_43 = arith.constant 0 : i32
      %dma_wait3A_44 = arith.constant 0 : i32
      %dma_wait3A_45 = tpu.memref_slice %arg9[%dma_wait3A_43, %dma_wait3A_44] : memref<128x128xf32, #tpu.memory_space<vmem>> -> memref<64x128xf32, #tpu.memory_space<vmem>>
      tpu.wait_dma2 semaphore(%run_scoped3A : memref<!tpu.dma_semaphore, #tpu.memory_space<semaphore_mem>>) src(%dma_wait3A_45 : memref<64x128xf32, #tpu.memory_space<vmem>>) dst(%dma_wait3A_42 : memref<64x128xf32, #tpu.memory_space<vmem_shared>>)
      tpu.yield
    }) : () -> ()
    %add3A_17 = arith.constant 320 : i32
    %add3A_18 = arith.addi %mul3A_6, %add3A_17 : i32
    %sub3A_19 = arith.constant 64 : i32
    %sub3A_20 = arith.subi %add3A_18, %sub3A_19 : i32
    "tpu.region"() ({
      %run_scoped3A = tpu.sem_alloc : memref<!tpu.dma_semaphore, #tpu.memory_space<semaphore_mem>>
      %dma_start3A = arith.constant 0 : i32
      %dma_start3A_28 = arith.constant 0 : i32
      %dma_start3A_29 = tpu.memref_slice %arg9[%dma_start3A, %dma_start3A_28] : memref<128x128xf32, #tpu.memory_space<vmem>> -> memref<64x128xf32, #tpu.memory_space<vmem>>
      %dma_start3A_30 = arith.constant 0 : i32
      %dma_start3A_31 = tpu.memref_slice %arg11[%sub3A_20, %dma_start3A_30] : memref<5120x128xf32, #tpu.memory_space<vmem_shared>> -> memref<64x128xf32, #tpu.memory_space<vmem_shared>>
      %dma_start3A_32 = arith.constant 0 : i32
      %dma_start3A_33 = tpu.memref_slice %arg11[%sub3A_20, %dma_start3A_32] : memref<5120x128xf32, #tpu.memory_space<vmem_shared>> -> memref<64x128xf32, #tpu.memory_space<vmem_shared>>
      %dma_start3A_34 = arith.constant 0 : i32
      %dma_start3A_35 = arith.constant 0 : i32
      %dma_start3A_36 = tpu.memref_slice %arg9[%dma_start3A_34, %dma_start3A_35] : memref<128x128xf32, #tpu.memory_space<vmem>> -> memref<64x128xf32, #tpu.memory_space<vmem>>
      tpu.enqueue_dma source(%dma_start3A_36 : memref<64x128xf32, #tpu.memory_space<vmem>>) target(%dma_start3A_33 : memref<64x128xf32, #tpu.memory_space<vmem_shared>>) target_semaphore(%run_scoped3A : memref<!tpu.dma_semaphore, #tpu.memory_space<semaphore_mem>>)
      %dma_wait3A = arith.constant 0 : i32
      %dma_wait3A_37 = arith.constant 0 : i32
      %dma_wait3A_38 = tpu.memref_slice %arg9[%dma_wait3A, %dma_wait3A_37] : memref<128x128xf32, #tpu.memory_space<vmem>> -> memref<64x128xf32, #tpu.memory_space<vmem>>
      %dma_wait3A_39 = arith.constant 0 : i32
      %dma_wait3A_40 = tpu.memref_slice %arg11[%sub3A_20, %dma_wait3A_39] : memref<5120x128xf32, #tpu.memory_space<vmem_shared>> -> memref<64x128xf32, #tpu.memory_space<vmem_shared>>
      %dma_wait3A_41 = arith.constant 0 : i32
      %dma_wait3A_42 = tpu.memref_slice %arg11[%sub3A_20, %dma_wait3A_41] : memref<5120x128xf32, #tpu.memory_space<vmem_shared>> -> memref<64x128xf32, #tpu.memory_space<vmem_shared>>
      %dma_wait3A_43 = arith.constant 0 : i32
      %dma_wait3A_44 = arith.constant 0 : i32
      %dma_wait3A_45 = tpu.memref_slice %arg9[%dma_wait3A_43, %dma_wait3A_44] : memref<128x128xf32, #tpu.memory_space<vmem>> -> memref<64x128xf32, #tpu.memory_space<vmem>>
      tpu.wait_dma2 semaphore(%run_scoped3A : memref<!tpu.dma_semaphore, #tpu.memory_space<semaphore_mem>>) src(%dma_wait3A_45 : memref<64x128xf32, #tpu.memory_space<vmem>>) dst(%dma_wait3A_42 : memref<64x128xf32, #tpu.memory_space<vmem_shared>>)
      tpu.yield
    }) : () -> ()
    %barrier3A = arith.constant 0 : index
    tpu.barrier barrier_id(%barrier3A)
    %scan3A_21 = arith.constant 0 : i32
    %scan3A_22 = arith.constant 0 : i32
    %scan3A_23 = arith.constant 157 : i32
    %scan3A_24 = arith.addi %scan3A_22, %scan3A_23 : i32
    %scan3A_25 = arith.constant 1 : i32
    scf.for %scan3A_28 = %scan3A_22 to %scan3A_24 step %scan3A_25  : i32 {
      %mul3A_29 = arith.constant 157 : i32
      %mul3A_30 = arith.muli %arg1, %mul3A_29 : i32
      %add3A_31 = arith.addi %mul3A_30, %scan3A_28 : i32
      %mul3A_32 = arith.constant 128 : i32
      %mul3A_33 = arith.muli %add3A_31, %mul3A_32 : i32
      "tpu.region"() ({
        %run_scoped3A_35 = tpu.sem_alloc : memref<!tpu.dma_semaphore, #tpu.memory_space<semaphore_mem>>
        %dma_start3A = arith.constant 0 : i32
        %dma_start3A_36 = tpu.memref_slice %arg4[%arg0, %add3A_31, %dma_start3A] : memref<2x2512x128xi32, #tpu.memory_space<hbm>> -> memref<1x1x128xi32, #tpu.memory_space<hbm>>
        %dma_start3A_37 = tpu.memref_squeeze %dma_start3A_36 : memref<1x1x128xi32, #tpu.memory_space<hbm>> -> memref<1x128xi32, #tpu.memory_space<hbm>>
        %dma_start3A_38 = arith.constant 0 : i32
        %dma_start3A_39 = tpu.memref_slice %arg4[%arg0, %add3A_31, %dma_start3A_38] : memref<2x2512x128xi32, #tpu.memory_space<hbm>> -> memref<1x1x128xi32, #tpu.memory_space<hbm>>
        %dma_start3A_40 = tpu.memref_squeeze %dma_start3A_39 : memref<1x1x128xi32, #tpu.memory_space<hbm>> -> memref<1x128xi32, #tpu.memory_space<hbm>>
        tpu.enqueue_dma source(%dma_start3A_40 : memref<1x128xi32, #tpu.memory_space<hbm>>) target(%arg7 : memref<1x128xi32, #tpu.memory_space<vmem>>) target_semaphore(%run_scoped3A_35 : memref<!tpu.dma_semaphore, #tpu.memory_space<semaphore_mem>>)
        %dma_wait3A = arith.constant 0 : i32
        %dma_wait3A_41 = tpu.memref_slice %arg4[%arg0, %add3A_31, %dma_wait3A] : memref<2x2512x128xi32, #tpu.memory_space<hbm>> -> memref<1x1x128xi32, #tpu.memory_space<hbm>>
        %dma_wait3A_42 = tpu.memref_squeeze %dma_wait3A_41 : memref<1x1x128xi32, #tpu.memory_space<hbm>> -> memref<1x128xi32, #tpu.memory_space<hbm>>
        %dma_wait3A_43 = arith.constant 0 : i32
        %dma_wait3A_44 = tpu.memref_slice %arg4[%arg0, %add3A_31, %dma_wait3A_43] : memref<2x2512x128xi32, #tpu.memory_space<hbm>> -> memref<1x1x128xi32, #tpu.memory_space<hbm>>
        %dma_wait3A_45 = tpu.memref_squeeze %dma_wait3A_44 : memref<1x1x128xi32, #tpu.memory_space<hbm>> -> memref<1x128xi32, #tpu.memory_space<hbm>>
        tpu.wait_dma2 semaphore(%run_scoped3A_35 : memref<!tpu.dma_semaphore, #tpu.memory_space<semaphore_mem>>) src(%dma_wait3A_45 : memref<1x128xi32, #tpu.memory_space<hbm>>) dst(%arg7 : memref<1x128xi32, #tpu.memory_space<vmem>>)
        tpu.yield
      }) : () -> ()
      "tpu.region"() ({
        %run_scoped3A_35 = tpu.sem_alloc : memref<!tpu.dma_semaphore, #tpu.memory_space<semaphore_mem>>
        %dma_start3A = arith.constant 0 : i32
        %dma_start3A_36 = tpu.memref_slice %arg3[%mul3A_33, %dma_start3A] : memref<321536x128xf32, #tpu.memory_space<hbm>> -> memref<128x128xf32, #tpu.memory_space<hbm>>
        %dma_start3A_37 = arith.constant 0 : i32
        %dma_start3A_38 = tpu.memref_slice %arg3[%mul3A_33, %dma_start3A_37] : memref<321536x128xf32, #tpu.memory_space<hbm>> -> memref<128x128xf32, #tpu.memory_space<hbm>>
        tpu.enqueue_dma source(%dma_start3A_38 : memref<128x128xf32, #tpu.memory_space<hbm>>) target(%arg8 : memref<128x128xf32, #tpu.memory_space<vmem>>) target_semaphore(%run_scoped3A_35 : memref<!tpu.dma_semaphore, #tpu.memory_space<semaphore_mem>>)
        %dma_wait3A = arith.constant 0 : i32
        %dma_wait3A_39 = tpu.memref_slice %arg3[%mul3A_33, %dma_wait3A] : memref<321536x128xf32, #tpu.memory_space<hbm>> -> memref<128x128xf32, #tpu.memory_space<hbm>>
        %dma_wait3A_40 = arith.constant 0 : i32
        %dma_wait3A_41 = tpu.memref_slice %arg3[%mul3A_33, %dma_wait3A_40] : memref<321536x128xf32, #tpu.memory_space<hbm>> -> memref<128x128xf32, #tpu.memory_space<hbm>>
        tpu.wait_dma2 semaphore(%run_scoped3A_35 : memref<!tpu.dma_semaphore, #tpu.memory_space<semaphore_mem>>) src(%dma_wait3A_41 : memref<128x128xf32, #tpu.memory_space<hbm>>) dst(%arg8 : memref<128x128xf32, #tpu.memory_space<vmem>>)
        tpu.yield
      }) : () -> ()
      "tpu.region"() ({
        %run_scoped3A_35 = tpu.sem_alloc : memref<!tpu.dma_semaphore, #tpu.memory_space<semaphore_mem>>
        %dma_start3A = arith.constant 0 : i32
        %dma_start3A_36 = tpu.memref_slice %arg2[%mul3A_33, %dma_start3A] : memref<321536x128xf32, #tpu.memory_space<hbm>> -> memref<128x128xf32, #tpu.memory_space<hbm>>
        %dma_start3A_37 = arith.constant 0 : i32
        %dma_start3A_38 = tpu.memref_slice %arg2[%mul3A_33, %dma_start3A_37] : memref<321536x128xf32, #tpu.memory_space<hbm>> -> memref<128x128xf32, #tpu.memory_space<hbm>>
        tpu.enqueue_dma source(%dma_start3A_38 : memref<128x128xf32, #tpu.memory_space<hbm>>) target(%arg9 : memref<128x128xf32, #tpu.memory_space<vmem>>) target_semaphore(%run_scoped3A_35 : memref<!tpu.dma_semaphore, #tpu.memory_space<semaphore_mem>>)
        %dma_wait3A = arith.constant 0 : i32
        %dma_wait3A_39 = tpu.memref_slice %arg2[%mul3A_33, %dma_wait3A] : memref<321536x128xf32, #tpu.memory_space<hbm>> -> memref<128x128xf32, #tpu.memory_space<hbm>>
        %dma_wait3A_40 = arith.constant 0 : i32
        %dma_wait3A_41 = tpu.memref_slice %arg2[%mul3A_33, %dma_wait3A_40] : memref<321536x128xf32, #tpu.memory_space<hbm>> -> memref<128x128xf32, #tpu.memory_space<hbm>>
        tpu.wait_dma2 semaphore(%run_scoped3A_35 : memref<!tpu.dma_semaphore, #tpu.memory_space<semaphore_mem>>) src(%dma_wait3A_41 : memref<128x128xf32, #tpu.memory_space<hbm>>) dst(%arg9 : memref<128x128xf32, #tpu.memory_space<vmem>>)
        tpu.yield
      }) : () -> ()
      %run_scoped3A = arith.constant 0 : i32
      "tpu.region"() ({
        %run_scoped3A_35 = tpu.sem_alloc : memref<!tpu.dma_semaphore, #tpu.memory_space<semaphore_mem>>
        %dma_start3A = arith.constant 0 : i32
        %dma_start3A_36 = tpu.memref_slice %arg7[%run_scoped3A, %dma_start3A] : memref<1x128xi32, #tpu.memory_space<vmem>> -> memref<1x128xi32, #tpu.memory_space<vmem>>
        %dma_start3A_37 = tpu.memref_squeeze %dma_start3A_36 : memref<1x128xi32, #tpu.memory_space<vmem>> -> memref<128xi32, #tpu.memory_space<vmem>>
        %dma_start3A_38 = arith.constant 0 : i32
        %dma_start3A_39 = arith.constant 0 : i32
        %dma_start3A_40 = tpu.memref_slice %arg11[%dma_start3A_38, %dma_start3A_39] : memref<5120x128xf32, #tpu.memory_space<vmem_shared>> -> memref<5120x128xf32, #tpu.memory_space<vmem_shared>>
        tpu.enqueue_indirect_dma source(%arg8 : memref<128x128xf32, #tpu.memory_space<vmem>>) target(%dma_start3A_40 : memref<5120x128xf32, #tpu.memory_space<vmem_shared>>) offsets(%dma_start3A_37 : memref<128xi32, #tpu.memory_space<vmem>>) semaphore(%run_scoped3A_35 : memref<!tpu.dma_semaphore, #tpu.memory_space<semaphore_mem>>) {add = true}
        %dma_wait3A = arith.constant 0 : i32
        %dma_wait3A_41 = tpu.memref_slice %arg7[%run_scoped3A, %dma_wait3A] : memref<1x128xi32, #tpu.memory_space<vmem>> -> memref<1x128xi32, #tpu.memory_space<vmem>>
        %dma_wait3A_42 = tpu.memref_squeeze %dma_wait3A_41 : memref<1x128xi32, #tpu.memory_space<vmem>> -> memref<128xi32, #tpu.memory_space<vmem>>
        %dma_wait3A_43 = arith.constant 0 : i32
        %dma_wait3A_44 = arith.constant 0 : i32
        %dma_wait3A_45 = tpu.memref_slice %arg11[%dma_wait3A_43, %dma_wait3A_44] : memref<5120x128xf32, #tpu.memory_space<vmem_shared>> -> memref<5120x128xf32, #tpu.memory_space<vmem_shared>>
        tpu.wait_indirect_dma semaphore(%run_scoped3A_35 : memref<!tpu.dma_semaphore, #tpu.memory_space<semaphore_mem>>) src(%arg8 : memref<128x128xf32, #tpu.memory_space<vmem>>) dst(%dma_wait3A_45 : memref<5120x128xf32, #tpu.memory_space<vmem_shared>>)
        tpu.yield
      }) : () -> ()
      %run_scoped3A_34 = arith.constant 0 : i32
      "tpu.region"() ({
        %run_scoped3A_35 = tpu.sem_alloc : memref<!tpu.dma_semaphore, #tpu.memory_space<semaphore_mem>>
        %dma_start3A = arith.constant 0 : i32
        %dma_start3A_36 = tpu.memref_slice %arg7[%run_scoped3A_34, %dma_start3A] : memref<1x128xi32, #tpu.memory_space<vmem>> -> memref<1x128xi32, #tpu.memory_space<vmem>>
        %dma_start3A_37 = tpu.memref_squeeze %dma_start3A_36 : memref<1x128xi32, #tpu.memory_space<vmem>> -> memref<128xi32, #tpu.memory_space<vmem>>
        %dma_start3A_38 = arith.constant 0 : i32
        %dma_start3A_39 = arith.constant 0 : i32
        %dma_start3A_40 = tpu.memref_slice %arg10[%dma_start3A_38, %dma_start3A_39] : memref<5120x128xf32, #tpu.memory_space<vmem_shared>> -> memref<5120x128xf32, #tpu.memory_space<vmem_shared>>
        tpu.enqueue_indirect_dma source(%arg9 : memref<128x128xf32, #tpu.memory_space<vmem>>) target(%dma_start3A_40 : memref<5120x128xf32, #tpu.memory_space<vmem_shared>>) offsets(%dma_start3A_37 : memref<128xi32, #tpu.memory_space<vmem>>) semaphore(%run_scoped3A_35 : memref<!tpu.dma_semaphore, #tpu.memory_space<semaphore_mem>>) {add = true}
        %dma_wait3A = arith.constant 0 : i32
        %dma_wait3A_41 = tpu.memref_slice %arg7[%run_scoped3A_34, %dma_wait3A] : memref<1x128xi32, #tpu.memory_space<vmem>> -> memref<1x128xi32, #tpu.memory_space<vmem>>
        %dma_wait3A_42 = tpu.memref_squeeze %dma_wait3A_41 : memref<1x128xi32, #tpu.memory_space<vmem>> -> memref<128xi32, #tpu.memory_space<vmem>>
        %dma_wait3A_43 = arith.constant 0 : i32
        %dma_wait3A_44 = arith.constant 0 : i32
        %dma_wait3A_45 = tpu.memref_slice %arg10[%dma_wait3A_43, %dma_wait3A_44] : memref<5120x128xf32, #tpu.memory_space<vmem_shared>> -> memref<5120x128xf32, #tpu.memory_space<vmem_shared>>
        tpu.wait_indirect_dma semaphore(%run_scoped3A_35 : memref<!tpu.dma_semaphore, #tpu.memory_space<semaphore_mem>>) src(%arg9 : memref<128x128xf32, #tpu.memory_space<vmem>>) dst(%dma_wait3A_45 : memref<5120x128xf32, #tpu.memory_space<vmem_shared>>)
        tpu.yield
      }) : () -> ()
    }
    %scan3A_26 = arith.constant 157 : i32
    %barrier3A_27 = arith.constant 0 : index
    tpu.barrier barrier_id(%barrier3A_27)
    "tpu.region"() ({
      %run_scoped3A = tpu.sem_alloc : memref<!tpu.dma_semaphore, #tpu.memory_space<semaphore_mem>>
      %dma_start3A = arith.constant 0 : i32
      %dma_start3A_28 = tpu.memref_slice %arg5[%arg0, %mul3A_6, %dma_start3A] : memref<2x5120x128xf32, #tpu.memory_space<hbm>> -> memref<1x320x128xf32, #tpu.memory_space<hbm>>
      %dma_start3A_29 = tpu.memref_squeeze %dma_start3A_28 : memref<1x320x128xf32, #tpu.memory_space<hbm>> -> memref<320x128xf32, #tpu.memory_space<hbm>>
      %dma_start3A_30 = arith.constant 0 : i32
      %dma_start3A_31 = tpu.memref_slice %arg10[%mul3A_6, %dma_start3A_30] : memref<5120x128xf32, #tpu.memory_space<vmem_shared>> -> memref<320x128xf32, #tpu.memory_space<vmem_shared>>
      tpu.enqueue_dma source(%dma_start3A_31 : memref<320x128xf32, #tpu.memory_space<vmem_shared>>) target(%dma_start3A_29 : memref<320x128xf32, #tpu.memory_space<hbm>>) target_semaphore(%run_scoped3A : memref<!tpu.dma_semaphore, #tpu.memory_space<semaphore_mem>>)
      %dma_wait3A = arith.constant 0 : i32
      %dma_wait3A_32 = tpu.memref_slice %arg5[%arg0, %mul3A_6, %dma_wait3A] : memref<2x5120x128xf32, #tpu.memory_space<hbm>> -> memref<1x320x128xf32, #tpu.memory_space<hbm>>
      %dma_wait3A_33 = tpu.memref_squeeze %dma_wait3A_32 : memref<1x320x128xf32, #tpu.memory_space<hbm>> -> memref<320x128xf32, #tpu.memory_space<hbm>>
      %dma_wait3A_34 = arith.constant 0 : i32
      %dma_wait3A_35 = tpu.memref_slice %arg10[%mul3A_6, %dma_wait3A_34] : memref<5120x128xf32, #tpu.memory_space<vmem_shared>> -> memref<320x128xf32, #tpu.memory_space<vmem_shared>>
      tpu.wait_dma2 semaphore(%run_scoped3A : memref<!tpu.dma_semaphore, #tpu.memory_space<semaphore_mem>>) src(%dma_wait3A_35 : memref<320x128xf32, #tpu.memory_space<vmem_shared>>) dst(%dma_wait3A_33 : memref<320x128xf32, #tpu.memory_space<hbm>>)
      tpu.yield
    }) : () -> ()
    "tpu.region"() ({
      %run_scoped3A = tpu.sem_alloc : memref<!tpu.dma_semaphore, #tpu.memory_space<semaphore_mem>>
      %dma_start3A = arith.constant 0 : i32
      %dma_start3A_28 = tpu.memref_slice %arg6[%arg0, %mul3A_6, %dma_start3A] : memref<2x5120x128xf32, #tpu.memory_space<hbm>> -> memref<1x320x128xf32, #tpu.memory_space<hbm>>
      %dma_start3A_29 = tpu.memref_squeeze %dma_start3A_28 : memref<1x320x128xf32, #tpu.memory_space<hbm>> -> memref<320x128xf32, #tpu.memory_space<hbm>>
      %dma_start3A_30 = arith.constant 0 : i32
      %dma_start3A_31 = tpu.memref_slice %arg11[%mul3A_6, %dma_start3A_30] : memref<5120x128xf32, #tpu.memory_space<vmem_shared>> -> memref<320x128xf32, #tpu.memory_space<vmem_shared>>
      tpu.enqueue_dma source(%dma_start3A_31 : memref<320x128xf32, #tpu.memory_space<vmem_shared>>) target(%dma_start3A_29 : memref<320x128xf32, #tpu.memory_space<hbm>>) target_semaphore(%run_scoped3A : memref<!tpu.dma_semaphore, #tpu.memory_space<semaphore_mem>>)
      %dma_wait3A = arith.constant 0 : i32
      %dma_wait3A_32 = tpu.memref_slice %arg6[%arg0, %mul3A_6, %dma_wait3A] : memref<2x5120x128xf32, #tpu.memory_space<hbm>> -> memref<1x320x128xf32, #tpu.memory_space<hbm>>
      %dma_wait3A_33 = tpu.memref_squeeze %dma_wait3A_32 : memref<1x320x128xf32, #tpu.memory_space<hbm>> -> memref<320x128xf32, #tpu.memory_space<hbm>>
      %dma_wait3A_34 = arith.constant 0 : i32
      %dma_wait3A_35 = tpu.memref_slice %arg11[%mul3A_6, %dma_wait3A_34] : memref<5120x128xf32, #tpu.memory_space<vmem_shared>> -> memref<320x128xf32, #tpu.memory_space<vmem_shared>>
      tpu.wait_dma2 semaphore(%run_scoped3A : memref<!tpu.dma_semaphore, #tpu.memory_space<semaphore_mem>>) src(%dma_wait3A_35 : memref<320x128xf32, #tpu.memory_space<vmem_shared>>) dst(%dma_wait3A_33 : memref<320x128xf32, #tpu.memory_space<hbm>>)
      tpu.yield
    }) : () -> ()
    return
  }
}

module attributes {stable_mosaic.version = 14 : i64} {
  func.func @_q_embed_body(%arg0: i32, %arg1: memref<1000x16xf32, #tpu.memory_space<vmem>>, %arg2: memref<16x128xf32, #tpu.memory_space<vmem>>, %arg3: memref<1x128xf32, #tpu.memory_space<vmem>>, %arg4: memref<128x128xf32, #tpu.memory_space<vmem>>, %arg5: memref<128x128xf32, #tpu.memory_space<vmem>>, %arg6: memref<1x128xf32, #tpu.memory_space<vmem>>, %arg7: memref<128x16xf32, #tpu.memory_space<vmem>>, %arg8: memref<128x16xf32, #tpu.memory_space<vmem>>, %arg9: memref<1000x128xf32, #tpu.memory_space<vmem>>, %arg10: memref<1000x16xf32, #tpu.memory_space<vmem>>, %arg11: memref<1000x128xf32, #tpu.memory_space<vmem>>, %arg12: memref<1000x128xf32, #tpu.memory_space<vmem>>) attributes {dimension_semantics = [#tpu.dimension_semantics<arbitrary>], iteration_bounds = array<i64: 10>, scalar_prefetch = 0 : i64, scratch_operands = 0 : i64, tpu.core_type = #tpu.core_type<tc>, window_params = [{transform_indices = @transform_0, window_bounds = array<i64: 1000, 16>}, {pipeline_mode = #tpu.pipeline_mode<synchronous>, transform_indices = @transform_1, window_bounds = array<i64: 16, 128>}, {pipeline_mode = #tpu.pipeline_mode<synchronous>, transform_indices = @transform_2, window_bounds = array<i64: 1, 128>}, {pipeline_mode = #tpu.pipeline_mode<synchronous>, transform_indices = @transform_3, window_bounds = array<i64: 128, 128>}, {pipeline_mode = #tpu.pipeline_mode<synchronous>, transform_indices = @transform_4, window_bounds = array<i64: 128, 128>}, {pipeline_mode = #tpu.pipeline_mode<synchronous>, transform_indices = @transform_5, window_bounds = array<i64: 1, 128>}, {pipeline_mode = #tpu.pipeline_mode<synchronous>, transform_indices = @transform_6, window_bounds = array<i64: 128, 16>}, {pipeline_mode = #tpu.pipeline_mode<synchronous>, transform_indices = @transform_7, window_bounds = array<i64: 128, 16>}, {transform_indices = @transform_8, window_bounds = array<i64: 1000, 128>}, {transform_indices = @transform_9, window_bounds = array<i64: 1000, 16>}, {transform_indices = @transform_10, window_bounds = array<i64: 1000, 128>}, {transform_indices = @transform_11, window_bounds = array<i64: 1000, 128>}]} {
    %get3A = arith.constant 0 : index
    %get3A_0 = arith.constant 0 : index
    %get3A_1 = vector.load %arg1[%get3A, %get3A_0] : memref<1000x16xf32, #tpu.memory_space<vmem>>, vector<1000x16xf32>
    %get3A_2 = arith.constant 0 : index
    %get3A_3 = arith.constant 0 : index
    %get3A_4 = vector.load %arg2[%get3A_2, %get3A_3] : memref<16x128xf32, #tpu.memory_space<vmem>>, vector<16x128xf32>
    %dot_general3A = arith.constant dense<0.000000e+00> : vector<1000x128xf32>
    %dot_general3A_5 = tpu.matmul %get3A_1, %get3A_4, %dot_general3A {dimension_numbers = #tpu.dot_dimension_numbers<[1], [0], [0], [1], [0, 0, 1, 1], [], []>, transpose_lhs_hint = false} : vector<1000x16xf32>, vector<16x128xf32>, vector<1000x128xf32> -> vector<1000x128xf32>
    %get3A_6 = arith.constant 0 : index
    %get3A_7 = arith.constant 0 : index
    %get3A_8 = vector.load %arg3[%get3A_6, %get3A_7] : memref<1x128xf32, #tpu.memory_space<vmem>>, vector<1x128xf32>
    %add3A = vector.broadcast %get3A_8 : vector<1x128xf32> to vector<1000x128xf32>
    %add3A_9 = arith.addf %dot_general3A_5, %add3A : vector<1000x128xf32>
    %get3A_10 = arith.constant 0 : index
    %get3A_11 = arith.constant 0 : index
    %get3A_12 = vector.load %arg4[%get3A_10, %get3A_11] : memref<128x128xf32, #tpu.memory_space<vmem>>, vector<128x128xf32>
    %dot_general3A_13 = arith.constant dense<0.000000e+00> : vector<1000x128xf32>
    %dot_general3A_14 = tpu.matmul %add3A_9, %get3A_12, %dot_general3A_13 {dimension_numbers = #tpu.dot_dimension_numbers<[1], [0], [0], [1], [0, 0, 1, 1], [], []>, transpose_lhs_hint = false} : vector<1000x128xf32>, vector<128x128xf32>, vector<1000x128xf32> -> vector<1000x128xf32>
    %swap3A = arith.constant 0 : index
    %swap3A_15 = arith.constant 0 : index
    %swap3A_16 = vector.load %arg9[%swap3A, %swap3A_15] : memref<1000x128xf32, #tpu.memory_space<vmem>>, vector<1000x128xf32>
    tpu.vector_store %arg9[%swap3A, %swap3A_15], %dot_general3A_14 {strides = array<i32>} : memref<1000x128xf32, #tpu.memory_space<vmem>>, vector<1000x128xf32>,
    %get3A_17 = arith.constant 0 : index
    %get3A_18 = arith.constant 0 : index
    %get3A_19 = vector.load %arg7[%get3A_17, %get3A_18] : memref<128x16xf32, #tpu.memory_space<vmem>>, vector<128x16xf32>
    %dot_general3A_20 = arith.constant dense<0.000000e+00> : vector<1000x16xf32>
    %dot_general3A_21 = tpu.matmul %dot_general3A_14, %get3A_19, %dot_general3A_20 {dimension_numbers = #tpu.dot_dimension_numbers<[1], [0], [0], [1], [0, 0, 1, 1], [], []>, transpose_lhs_hint = false} : vector<1000x128xf32>, vector<128x16xf32>, vector<1000x16xf32> -> vector<1000x16xf32>
    %get3A_22 = arith.constant 0 : index
    %get3A_23 = arith.constant 0 : index
    %get3A_24 = vector.load %arg8[%get3A_22, %get3A_23] : memref<128x16xf32, #tpu.memory_space<vmem>>, vector<128x16xf32>
    %dot_general3A_25 = arith.constant dense<0.000000e+00> : vector<1000x16xf32>
    %dot_general3A_26 = tpu.matmul %dot_general3A_14, %get3A_24, %dot_general3A_25 {dimension_numbers = #tpu.dot_dimension_numbers<[1], [0], [0], [1], [0, 0, 1, 1], [], []>, transpose_lhs_hint = false} : vector<1000x128xf32>, vector<128x16xf32>, vector<1000x16xf32> -> vector<1000x16xf32>
    %swap3A_27 = arith.constant 0 : index
    %swap3A_28 = arith.constant 0 : index
    %swap3A_29 = vector.load %arg10[%swap3A_27, %swap3A_28] : memref<1000x16xf32, #tpu.memory_space<vmem>>, vector<1000x16xf32>
    tpu.vector_store %arg10[%swap3A_27, %swap3A_28], %dot_general3A_21 {strides = array<i32>} : memref<1000x16xf32, #tpu.memory_space<vmem>>, vector<1000x16xf32>,
    %broadcast_in_dim3A = arith.constant 0.000000e+00 : f32
    %broadcast_in_dim3A_30 = vector.broadcast %broadcast_in_dim3A : f32 to vector<1000x96xf32>
    %concatenate3A = tpu.concatenate %dot_general3A_21, %dot_general3A_26, %broadcast_in_dim3A_30 in 1 : vector<1000x16xf32>, vector<1000x16xf32>, vector<1000x96xf32> -> vector<1000x128xf32>
    %swap3A_31 = arith.constant 0 : index
    %swap3A_32 = arith.constant 0 : index
    %swap3A_33 = vector.load %arg11[%swap3A_31, %swap3A_32] : memref<1000x128xf32, #tpu.memory_space<vmem>>, vector<1000x128xf32>
    tpu.vector_store %arg11[%swap3A_31, %swap3A_32], %concatenate3A {strides = array<i32>} : memref<1000x128xf32, #tpu.memory_space<vmem>>, vector<1000x128xf32>,
    %get3A_34 = arith.constant 0 : index
    %get3A_35 = arith.constant 0 : index
    %get3A_36 = vector.load %arg5[%get3A_34, %get3A_35] : memref<128x128xf32, #tpu.memory_space<vmem>>, vector<128x128xf32>
    %dot_general3A_37 = arith.constant dense<0.000000e+00> : vector<1000x128xf32>
    %dot_general3A_38 = tpu.matmul %add3A_9, %get3A_36, %dot_general3A_37 {dimension_numbers = #tpu.dot_dimension_numbers<[1], [0], [0], [1], [0, 0, 1, 1], [], []>, transpose_lhs_hint = false} : vector<1000x128xf32>, vector<128x128xf32>, vector<1000x128xf32> -> vector<1000x128xf32>
    %get3A_39 = arith.constant 0 : index
    %get3A_40 = arith.constant 0 : index
    %get3A_41 = vector.load %arg6[%get3A_39, %get3A_40] : memref<1x128xf32, #tpu.memory_space<vmem>>, vector<1x128xf32>
    %add3A_42 = vector.broadcast %get3A_41 : vector<1x128xf32> to vector<1000x128xf32>
    %add3A_43 = arith.addf %dot_general3A_38, %add3A_42 : vector<1000x128xf32>
    %swap3A_44 = arith.constant 0 : index
    %swap3A_45 = arith.constant 0 : index
    %swap3A_46 = vector.load %arg12[%swap3A_44, %swap3A_45] : memref<1000x128xf32, #tpu.memory_space<vmem>>, vector<1000x128xf32>
    tpu.vector_store %arg12[%swap3A_44, %swap3A_45], %add3A_43 {strides = array<i32>} : memref<1000x128xf32, #tpu.memory_space<vmem>>, vector<1000x128xf32>,
    return
  }
  func.func @transform_0(%arg0: i32) -> (i32, i32) {
    %c0_i32 = arith.constant 0 : i32
    %c0_i32_0 = arith.constant 0 : i32
    return %arg0, %c0_i32 : i32, i32
  }
  func.func @transform_1(%arg0: i32) -> (i32, i32) {
    %c0_i32 = arith.constant 0 : i32
    %c0_i32_0 = arith.constant 0 : i32
    %c0_i32_1 = arith.constant 0 : i32
    return %c0_i32, %c0_i32_0 : i32, i32
  }
  func.func @transform_2(%arg0: i32) -> (i32, i32) {
    %c0_i32 = arith.constant 0 : i32
    %c0_i32_0 = arith.constant 0 : i32
    %c0_i32_1 = arith.constant 0 : i32
    return %c0_i32, %c0_i32_0 : i32, i32
  }
  func.func @transform_3(%arg0: i32) -> (i32, i32) {
    %c0_i32 = arith.constant 0 : i32
    %c0_i32_0 = arith.constant 0 : i32
    %c0_i32_1 = arith.constant 0 : i32
    return %c0_i32, %c0_i32_0 : i32, i32
  }
  func.func @transform_4(%arg0: i32) -> (i32, i32) {
    %c0_i32 = arith.constant 0 : i32
    %c0_i32_0 = arith.constant 0 : i32
    %c0_i32_1 = arith.constant 0 : i32
    return %c0_i32, %c0_i32_0 : i32, i32
  }
  func.func @transform_5(%arg0: i32) -> (i32, i32) {
    %c0_i32 = arith.constant 0 : i32
    %c0_i32_0 = arith.constant 0 : i32
    %c0_i32_1 = arith.constant 0 : i32
    return %c0_i32, %c0_i32_0 : i32, i32
  }
  func.func @transform_6(%arg0: i32) -> (i32, i32) {
    %c0_i32 = arith.constant 0 : i32
    %c0_i32_0 = arith.constant 0 : i32
    %c0_i32_1 = arith.constant 0 : i32
    return %c0_i32, %c0_i32_0 : i32, i32
  }
  func.func @transform_7(%arg0: i32) -> (i32, i32) {
    %c0_i32 = arith.constant 0 : i32
    %c0_i32_0 = arith.constant 0 : i32
    %c0_i32_1 = arith.constant 0 : i32
    return %c0_i32, %c0_i32_0 : i32, i32
  }
  func.func @transform_8(%arg0: i32) -> (i32, i32) {
    %c0_i32 = arith.constant 0 : i32
    %c0_i32_0 = arith.constant 0 : i32
    return %arg0, %c0_i32 : i32, i32
  }
  func.func @transform_9(%arg0: i32) -> (i32, i32) {
    %c0_i32 = arith.constant 0 : i32
    %c0_i32_0 = arith.constant 0 : i32
    return %arg0, %c0_i32 : i32, i32
  }
  func.func @transform_10(%arg0: i32) -> (i32, i32) {
    %c0_i32 = arith.constant 0 : i32
    %c0_i32_0 = arith.constant 0 : i32
    return %arg0, %c0_i32 : i32, i32
  }
  func.func @transform_11(%arg0: i32) -> (i32, i32) {
    %c0_i32 = arith.constant 0 : i32
    %c0_i32_0 = arith.constant 0 : i32
    return %arg0, %c0_i32 : i32, i32
  }
}

module attributes {stable_mosaic.version = 14 : i64} {
  func.func @_p_body(%arg0: i32, %arg1: memref<1000x128xf32, #tpu.memory_space<vmem>>, %arg2: memref<1000x128xf32, #tpu.memory_space<vmem>>, %arg3: memref<1x1000x16xf32, #tpu.memory_space<vmem>>, %arg4: memref<1000x128xf32, #tpu.memory_space<vmem>>, %arg5: memref<1000x128xf32, #tpu.memory_space<vmem>>, %arg6: memref<1x128xf32, #tpu.memory_space<vmem>>, %arg7: memref<1000x128xf32, #tpu.memory_space<vmem>>, %arg8: memref<8x128xf32, #tpu.memory_space<vmem>>) attributes {dimension_semantics = [#tpu.dimension_semantics<arbitrary>], iteration_bounds = array<i64: 10>, scalar_prefetch = 0 : i64, scratch_operands = 0 : i64, tpu.core_type = #tpu.core_type<tc>, window_params = [{transform_indices = @transform_0, window_bounds = array<i64: 1000, 128>}, {transform_indices = @transform_1, window_bounds = array<i64: 1000, 128>}, {transform_indices = @transform_2, window_bounds = array<i64: 1, 1000, 16>}, {transform_indices = @transform_3, window_bounds = array<i64: 1000, 128>}, {transform_indices = @transform_4, window_bounds = array<i64: 1000, 128>}, {pipeline_mode = #tpu.pipeline_mode<synchronous>, transform_indices = @transform_5, window_bounds = array<i64: 1, 128>}, {transform_indices = @transform_6, window_bounds = array<i64: 1000, 128>}, {pipeline_mode = #tpu.pipeline_mode<synchronous>, transform_indices = @transform_7, window_bounds = array<i64: 8, 128>}]} {
    %get3A = arith.constant 0 : index
    %get3A_0 = arith.constant 0 : index
    %get3A_1 = arith.constant 0 : index
    %get3A_2 = vector.load %arg3[%get3A, %get3A_0, %get3A_1] : memref<1x1000x16xf32, #tpu.memory_space<vmem>>, vector<1x1000x16xf32>
    %get3A_3 = vector.shape_cast %get3A_2 : vector<1x1000x16xf32> to vector<1000x16xf32>
    %slice3A = vector.extract_strided_slice %get3A_3 {offsets = [0, 0], sizes = [1000, 8], strides = [1, 1]} : vector<1000x16xf32> to vector<1000x8xf32>
    %slice3A_4 = vector.extract_strided_slice %get3A_3 {offsets = [0, 8], sizes = [1000, 8], strides = [1, 1]} : vector<1000x16xf32> to vector<1000x8xf32>
    %add3A = arith.addf %slice3A, %slice3A_4 : vector<1000x8xf32>
    %mul3A = arith.constant 2.000000e-01 : f32
    %mul3A_5 = vector.broadcast %mul3A : f32 to vector<1000x8xf32>
    %mul3A_6 = arith.mulf %mul3A_5, %add3A : vector<1000x8xf32>
    %max3A = arith.maximumf %add3A, %mul3A_6 : vector<1000x8xf32>
    %exp3A = math.exp %max3A : vector<1000x8xf32>
    %get3A_7 = arith.constant 0 : index
    %get3A_8 = arith.constant 0 : index
    %get3A_9 = vector.load %arg4[%get3A_7, %get3A_8] : memref<1000x128xf32, #tpu.memory_space<vmem>>, vector<1000x128xf32>
    %broadcast_in_dim3A = vector.shape_cast %exp3A : vector<1000x8xf32> to vector<1000x8x1xf32>
    %broadcast_in_dim3A_10 = vector.shape_cast %broadcast_in_dim3A : vector<1000x8x1xf32> to vector<1000x8x1xf32>
    %broadcast_in_dim3A_11 = vector.broadcast %broadcast_in_dim3A_10 : vector<1000x8x1xf32> to vector<1000x8x16xf32>
    %reshape3A = vector.shape_cast %broadcast_in_dim3A_11 : vector<1000x8x16xf32> to vector<1000x128xf32>
    %get3A_12 = arith.constant 0 : index
    %get3A_13 = arith.constant 0 : index
    %get3A_14 = vector.load %arg1[%get3A_12, %get3A_13] : memref<1000x128xf32, #tpu.memory_space<vmem>>, vector<1000x128xf32>
    %mul3A_15 = arith.mulf %reshape3A, %get3A_9 : vector<1000x128xf32>
    %add3A_16 = arith.addf %get3A_14, %mul3A_15 : vector<1000x128xf32>
    %get3A_17 = arith.constant 0 : index
    %get3A_18 = arith.constant 0 : index
    %get3A_19 = vector.load %arg2[%get3A_17, %get3A_18] : memref<1000x128xf32, #tpu.memory_space<vmem>>, vector<1000x128xf32>
    %slice3A_20 = vector.extract_strided_slice %get3A_19 {offsets = [0, 0], sizes = [1000, 8], strides = [1, 1]} : vector<1000x128xf32> to vector<1000x8xf32>
    %add3A_21 = arith.addf %slice3A_20, %exp3A : vector<1000x8xf32>
    %add3A_22 = arith.constant 1.000000e-16 : f32
    %add3A_23 = vector.broadcast %add3A_22 : f32 to vector<1000x8xf32>
    %add3A_24 = arith.addf %add3A_21, %add3A_23 : vector<1000x8xf32>
    %broadcast_in_dim3A_25 = vector.shape_cast %add3A_24 : vector<1000x8xf32> to vector<1000x8x1xf32>
    %broadcast_in_dim3A_26 = vector.shape_cast %broadcast_in_dim3A_25 : vector<1000x8x1xf32> to vector<1000x8x1xf32>
    %broadcast_in_dim3A_27 = vector.broadcast %broadcast_in_dim3A_26 : vector<1000x8x1xf32> to vector<1000x8x16xf32>
    %reshape3A_28 = vector.shape_cast %broadcast_in_dim3A_27 : vector<1000x8x16xf32> to vector<1000x128xf32>
    %div3A = arith.divf %add3A_16, %reshape3A_28 : vector<1000x128xf32>
    %get3A_29 = arith.constant 0 : index
    %get3A_30 = arith.constant 0 : index
    %get3A_31 = vector.load %arg6[%get3A_29, %get3A_30] : memref<1x128xf32, #tpu.memory_space<vmem>>, vector<1x128xf32>
    %add3A_32 = vector.broadcast %get3A_31 : vector<1x128xf32> to vector<1000x128xf32>
    %add3A_33 = arith.addf %div3A, %add3A_32 : vector<1000x128xf32>
    %get3A_34 = arith.constant 0 : index
    %get3A_35 = arith.constant 0 : index
    %get3A_36 = vector.load %arg5[%get3A_34, %get3A_35] : memref<1000x128xf32, #tpu.memory_space<vmem>>, vector<1000x128xf32>
    %add3A_37 = arith.addf %add3A_33, %get3A_36 : vector<1000x128xf32>
    %swap3A = arith.constant 0 : index
    %swap3A_38 = arith.constant 0 : index
    %swap3A_39 = vector.load %arg7[%swap3A, %swap3A_38] : memref<1000x128xf32, #tpu.memory_space<vmem>>, vector<1000x128xf32>
    tpu.vector_store %arg7[%swap3A, %swap3A_38], %add3A_37 {strides = array<i32>} : memref<1000x128xf32, #tpu.memory_space<vmem>>, vector<1000x128xf32>,
    %eq3A = arith.constant 0 : i32
    %eq3A_40 = arith.cmpi eq, %arg0, %eq3A : i32
    %convert_element_type3A = arith.extui %eq3A_40 : i1 to i32
    %cond3A = arith.constant 0 : i32
    %cond3A_41 = arith.cmpi ne, %convert_element_type3A, %cond3A : i32
    scf.if %cond3A_41 {
      %broadcast_in_dim3A_66 = arith.constant 0.000000e+00 : f32
      %broadcast_in_dim3A_67 = vector.broadcast %broadcast_in_dim3A_66 : f32 to vector<8x128xf32>
      %swap3A_68 = arith.constant 0 : index
      %swap3A_69 = arith.constant 0 : index
      %swap3A_70 = vector.load %arg8[%swap3A_68, %swap3A_69] : memref<8x128xf32, #tpu.memory_space<vmem>>, vector<8x128xf32>
      tpu.vector_store %arg8[%swap3A_68, %swap3A_69], %broadcast_in_dim3A_67 {strides = array<i32>} : memref<8x128xf32, #tpu.memory_space<vmem>>, vector<8x128xf32>,
    } else {
    }
    %get3A_42 = arith.constant 0 : index
    %get3A_43 = arith.constant 0 : index
    %get3A_44 = vector.load %arg8[%get3A_42, %get3A_43] : memref<8x128xf32, #tpu.memory_space<vmem>>, vector<1x128xf32>
    %get3A_45 = vector.shape_cast %get3A_44 : vector<1x128xf32> to vector<128xf32>
    %reduce_sum3A = arith.constant dense<0.000000e+00> : vector<128xf32>
    %reduce_sum3A_46 = vector.multi_reduction <add>, %add3A_37, %reduce_sum3A [0] : vector<1000x128xf32> to vector<128xf32>
    %add3A_47 = arith.addf %get3A_45, %reduce_sum3A_46 : vector<128xf32>
    %swap3A_48 = arith.constant 0 : index
    %swap3A_49 = arith.constant 0 : index
    %swap3A_50 = vector.load %arg8[%swap3A_48, %swap3A_49] : memref<8x128xf32, #tpu.memory_space<vmem>>, vector<1x128xf32>
    %swap3A_51 = vector.shape_cast %swap3A_50 : vector<1x128xf32> to vector<128xf32>
    %swap3A_52 = vector.shape_cast %add3A_47 : vector<128xf32> to vector<1x128xf32>
    tpu.vector_store %arg8[%swap3A_48, %swap3A_49], %swap3A_52 {strides = array<i32>} : memref<8x128xf32, #tpu.memory_space<vmem>>, vector<1x128xf32>,
    %get3A_53 = arith.constant 1 : index
    %get3A_54 = arith.constant 0 : index
    %get3A_55 = vector.load %arg8[%get3A_53, %get3A_54] : memref<8x128xf32, #tpu.memory_space<vmem>>, vector<1x128xf32>
    %get3A_56 = vector.shape_cast %get3A_55 : vector<1x128xf32> to vector<128xf32>
    %mul3A_57 = arith.mulf %add3A_37, %add3A_37 : vector<1000x128xf32>
    %reduce_sum3A_58 = arith.constant dense<0.000000e+00> : vector<128xf32>
    %reduce_sum3A_59 = vector.multi_reduction <add>, %mul3A_57, %reduce_sum3A_58 [0] : vector<1000x128xf32> to vector<128xf32>
    %add3A_60 = arith.addf %get3A_56, %reduce_sum3A_59 : vector<128xf32>
    %swap3A_61 = arith.constant 1 : index
    %swap3A_62 = arith.constant 0 : index
    %swap3A_63 = vector.load %arg8[%swap3A_61, %swap3A_62] : memref<8x128xf32, #tpu.memory_space<vmem>>, vector<1x128xf32>
    %swap3A_64 = vector.shape_cast %swap3A_63 : vector<1x128xf32> to vector<128xf32>
    %swap3A_65 = vector.shape_cast %add3A_60 : vector<128xf32> to vector<1x128xf32>
    tpu.vector_store %arg8[%swap3A_61, %swap3A_62], %swap3A_65 {strides = array<i32>} : memref<8x128xf32, #tpu.memory_space<vmem>>, vector<1x128xf32>,
    return
  }
  func.func @transform_0(%arg0: i32) -> (i32, i32) {
    %c0_i32 = arith.constant 0 : i32
    %c0_i32_0 = arith.constant 0 : i32
    return %arg0, %c0_i32 : i32, i32
  }
  func.func @transform_1(%arg0: i32) -> (i32, i32) {
    %c0_i32 = arith.constant 0 : i32
    %c0_i32_0 = arith.constant 0 : i32
    return %arg0, %c0_i32 : i32, i32
  }
  func.func @transform_2(%arg0: i32) -> (i32, i32, i32) {
    %c0_i32 = arith.constant 0 : i32
    %c0_i32_0 = arith.constant 0 : i32
    %c0_i32_1 = arith.constant 0 : i32
    return %c0_i32, %arg0, %c0_i32_0 : i32, i32, i32
  }
  func.func @transform_3(%arg0: i32) -> (i32, i32) {
    %c0_i32 = arith.constant 0 : i32
    %c0_i32_0 = arith.constant 0 : i32
    return %arg0, %c0_i32 : i32, i32
  }
  func.func @transform_4(%arg0: i32) -> (i32, i32) {
    %c0_i32 = arith.constant 0 : i32
    %c0_i32_0 = arith.constant 0 : i32
    return %arg0, %c0_i32 : i32, i32
  }
  func.func @transform_5(%arg0: i32) -> (i32, i32) {
    %c0_i32 = arith.constant 0 : i32
    %c0_i32_0 = arith.constant 0 : i32
    %c0_i32_1 = arith.constant 0 : i32
    return %c0_i32, %c0_i32_0 : i32, i32
  }
  func.func @transform_6(%arg0: i32) -> (i32, i32) {
    %c0_i32 = arith.constant 0 : i32
    %c0_i32_0 = arith.constant 0 : i32
    return %arg0, %c0_i32 : i32, i32
  }
  func.func @transform_7(%arg0: i32) -> (i32, i32) {
    %c0_i32 = arith.constant 0 : i32
    %c0_i32_0 = arith.constant 0 : i32
    %c0_i32_1 = arith.constant 0 : i32
    return %c0_i32, %c0_i32_0 : i32, i32
  }
}

module attributes {stable_mosaic.version = 14 : i64} {
  func.func @_q_bn_body(%arg0: i32, %arg1: memref<1000x128xf32, #tpu.memory_space<vmem>>, %arg2: memref<1x128xf32, #tpu.memory_space<vmem>>, %arg3: memref<1x128xf32, #tpu.memory_space<vmem>>, %arg4: memref<128x128xf32, #tpu.memory_space<vmem>>, %arg5: memref<128x128xf32, #tpu.memory_space<vmem>>, %arg6: memref<1x128xf32, #tpu.memory_space<vmem>>, %arg7: memref<128x16xf32, #tpu.memory_space<vmem>>, %arg8: memref<128x16xf32, #tpu.memory_space<vmem>>, %arg9: memref<1000x128xf32, #tpu.memory_space<vmem>>, %arg10: memref<1000x16xf32, #tpu.memory_space<vmem>>, %arg11: memref<1000x128xf32, #tpu.memory_space<vmem>>, %arg12: memref<1000x128xf32, #tpu.memory_space<vmem>>) attributes {dimension_semantics = [#tpu.dimension_semantics<arbitrary>], iteration_bounds = array<i64: 10>, scalar_prefetch = 0 : i64, scratch_operands = 0 : i64, tpu.core_type = #tpu.core_type<tc>, window_params = [{transform_indices = @transform_0, window_bounds = array<i64: 1000, 128>}, {pipeline_mode = #tpu.pipeline_mode<synchronous>, transform_indices = @transform_1, window_bounds = array<i64: 1, 128>}, {pipeline_mode = #tpu.pipeline_mode<synchronous>, transform_indices = @transform_2, window_bounds = array<i64: 1, 128>}, {pipeline_mode = #tpu.pipeline_mode<synchronous>, transform_indices = @transform_3, window_bounds = array<i64: 128, 128>}, {pipeline_mode = #tpu.pipeline_mode<synchronous>, transform_indices = @transform_4, window_bounds = array<i64: 128, 128>}, {pipeline_mode = #tpu.pipeline_mode<synchronous>, transform_indices = @transform_5, window_bounds = array<i64: 1, 128>}, {pipeline_mode = #tpu.pipeline_mode<synchronous>, transform_indices = @transform_6, window_bounds = array<i64: 128, 16>}, {pipeline_mode = #tpu.pipeline_mode<synchronous>, transform_indices = @transform_7, window_bounds = array<i64: 128, 16>}, {transform_indices = @transform_8, window_bounds = array<i64: 1000, 128>}, {transform_indices = @transform_9, window_bounds = array<i64: 1000, 16>}, {transform_indices = @transform_10, window_bounds = array<i64: 1000, 128>}, {transform_indices = @transform_11, window_bounds = array<i64: 1000, 128>}]} {
    %get3A = arith.constant 0 : index
    %get3A_0 = arith.constant 0 : index
    %get3A_1 = vector.load %arg1[%get3A, %get3A_0] : memref<1000x128xf32, #tpu.memory_space<vmem>>, vector<1000x128xf32>
    %get3A_2 = arith.constant 0 : index
    %get3A_3 = arith.constant 0 : index
    %get3A_4 = vector.load %arg2[%get3A_2, %get3A_3] : memref<1x128xf32, #tpu.memory_space<vmem>>, vector<1x128xf32>
    %mul3A = vector.broadcast %get3A_4 : vector<1x128xf32> to vector<1000x128xf32>
    %mul3A_5 = arith.mulf %get3A_1, %mul3A : vector<1000x128xf32>
    %get3A_6 = arith.constant 0 : index
    %get3A_7 = arith.constant 0 : index
    %get3A_8 = vector.load %arg3[%get3A_6, %get3A_7] : memref<1x128xf32, #tpu.memory_space<vmem>>, vector<1x128xf32>
    %add3A = vector.broadcast %get3A_8 : vector<1x128xf32> to vector<1000x128xf32>
    %add3A_9 = arith.addf %mul3A_5, %add3A : vector<1000x128xf32>
    %max3A = arith.constant 0.000000e+00 : f32
    %max3A_10 = vector.broadcast %max3A : f32 to vector<1000x128xf32>
    %max3A_11 = arith.maximumf %add3A_9, %max3A_10 : vector<1000x128xf32>
    %get3A_12 = arith.constant 0 : index
    %get3A_13 = arith.constant 0 : index
    %get3A_14 = vector.load %arg4[%get3A_12, %get3A_13] : memref<128x128xf32, #tpu.memory_space<vmem>>, vector<128x128xf32>
    %dot_general3A = arith.constant dense<0.000000e+00> : vector<1000x128xf32>
    %dot_general3A_15 = tpu.matmul %max3A_11, %get3A_14, %dot_general3A {dimension_numbers = #tpu.dot_dimension_numbers<[1], [0], [0], [1], [0, 0, 1, 1], [], []>, transpose_lhs_hint = false} : vector<1000x128xf32>, vector<128x128xf32>, vector<1000x128xf32> -> vector<1000x128xf32>
    %swap3A = arith.constant 0 : index
    %swap3A_16 = arith.constant 0 : index
    %swap3A_17 = vector.load %arg9[%swap3A, %swap3A_16] : memref<1000x128xf32, #tpu.memory_space<vmem>>, vector<1000x128xf32>
    tpu.vector_store %arg9[%swap3A, %swap3A_16], %dot_general3A_15 {strides = array<i32>} : memref<1000x128xf32, #tpu.memory_space<vmem>>, vector<1000x128xf32>,
    %get3A_18 = arith.constant 0 : index
    %get3A_19 = arith.constant 0 : index
    %get3A_20 = vector.load %arg7[%get3A_18, %get3A_19] : memref<128x16xf32, #tpu.memory_space<vmem>>, vector<128x16xf32>
    %dot_general3A_21 = arith.constant dense<0.000000e+00> : vector<1000x16xf32>
    %dot_general3A_22 = tpu.matmul %dot_general3A_15, %get3A_20, %dot_general3A_21 {dimension_numbers = #tpu.dot_dimension_numbers<[1], [0], [0], [1], [0, 0, 1, 1], [], []>, transpose_lhs_hint = false} : vector<1000x128xf32>, vector<128x16xf32>, vector<1000x16xf32> -> vector<1000x16xf32>
    %get3A_23 = arith.constant 0 : index
    %get3A_24 = arith.constant 0 : index
    %get3A_25 = vector.load %arg8[%get3A_23, %get3A_24] : memref<128x16xf32, #tpu.memory_space<vmem>>, vector<128x16xf32>
    %dot_general3A_26 = arith.constant dense<0.000000e+00> : vector<1000x16xf32>
    %dot_general3A_27 = tpu.matmul %dot_general3A_15, %get3A_25, %dot_general3A_26 {dimension_numbers = #tpu.dot_dimension_numbers<[1], [0], [0], [1], [0, 0, 1, 1], [], []>, transpose_lhs_hint = false} : vector<1000x128xf32>, vector<128x16xf32>, vector<1000x16xf32> -> vector<1000x16xf32>
    %swap3A_28 = arith.constant 0 : index
    %swap3A_29 = arith.constant 0 : index
    %swap3A_30 = vector.load %arg10[%swap3A_28, %swap3A_29] : memref<1000x16xf32, #tpu.memory_space<vmem>>, vector<1000x16xf32>
    tpu.vector_store %arg10[%swap3A_28, %swap3A_29], %dot_general3A_22 {strides = array<i32>} : memref<1000x16xf32, #tpu.memory_space<vmem>>, vector<1000x16xf32>,
    %broadcast_in_dim3A = arith.constant 0.000000e+00 : f32
    %broadcast_in_dim3A_31 = vector.broadcast %broadcast_in_dim3A : f32 to vector<1000x96xf32>
    %concatenate3A = tpu.concatenate %dot_general3A_22, %dot_general3A_27, %broadcast_in_dim3A_31 in 1 : vector<1000x16xf32>, vector<1000x16xf32>, vector<1000x96xf32> -> vector<1000x128xf32>
    %swap3A_32 = arith.constant 0 : index
    %swap3A_33 = arith.constant 0 : index
    %swap3A_34 = vector.load %arg11[%swap3A_32, %swap3A_33] : memref<1000x128xf32, #tpu.memory_space<vmem>>, vector<1000x128xf32>
    tpu.vector_store %arg11[%swap3A_32, %swap3A_33], %concatenate3A {strides = array<i32>} : memref<1000x128xf32, #tpu.memory_space<vmem>>, vector<1000x128xf32>,
    %get3A_35 = arith.constant 0 : index
    %get3A_36 = arith.constant 0 : index
    %get3A_37 = vector.load %arg5[%get3A_35, %get3A_36] : memref<128x128xf32, #tpu.memory_space<vmem>>, vector<128x128xf32>
    %dot_general3A_38 = arith.constant dense<0.000000e+00> : vector<1000x128xf32>
    %dot_general3A_39 = tpu.matmul %max3A_11, %get3A_37, %dot_general3A_38 {dimension_numbers = #tpu.dot_dimension_numbers<[1], [0], [0], [1], [0, 0, 1, 1], [], []>, transpose_lhs_hint = false} : vector<1000x128xf32>, vector<128x128xf32>, vector<1000x128xf32> -> vector<1000x128xf32>
    %get3A_40 = arith.constant 0 : index
    %get3A_41 = arith.constant 0 : index
    %get3A_42 = vector.load %arg6[%get3A_40, %get3A_41] : memref<1x128xf32, #tpu.memory_space<vmem>>, vector<1x128xf32>
    %add3A_43 = vector.broadcast %get3A_42 : vector<1x128xf32> to vector<1000x128xf32>
    %add3A_44 = arith.addf %dot_general3A_39, %add3A_43 : vector<1000x128xf32>
    %swap3A_45 = arith.constant 0 : index
    %swap3A_46 = arith.constant 0 : index
    %swap3A_47 = vector.load %arg12[%swap3A_45, %swap3A_46] : memref<1000x128xf32, #tpu.memory_space<vmem>>, vector<1000x128xf32>
    tpu.vector_store %arg12[%swap3A_45, %swap3A_46], %add3A_44 {strides = array<i32>} : memref<1000x128xf32, #tpu.memory_space<vmem>>, vector<1000x128xf32>,
    return
  }
  func.func @transform_0(%arg0: i32) -> (i32, i32) {
    %c0_i32 = arith.constant 0 : i32
    %c0_i32_0 = arith.constant 0 : i32
    return %arg0, %c0_i32 : i32, i32
  }
  func.func @transform_1(%arg0: i32) -> (i32, i32) {
    %c0_i32 = arith.constant 0 : i32
    %c0_i32_0 = arith.constant 0 : i32
    %c0_i32_1 = arith.constant 0 : i32
    return %c0_i32, %c0_i32_0 : i32, i32
  }
  func.func @transform_2(%arg0: i32) -> (i32, i32) {
    %c0_i32 = arith.constant 0 : i32
    %c0_i32_0 = arith.constant 0 : i32
    %c0_i32_1 = arith.constant 0 : i32
    return %c0_i32, %c0_i32_0 : i32, i32
  }
  func.func @transform_3(%arg0: i32) -> (i32, i32) {
    %c0_i32 = arith.constant 0 : i32
    %c0_i32_0 = arith.constant 0 : i32
    %c0_i32_1 = arith.constant 0 : i32
    return %c0_i32, %c0_i32_0 : i32, i32
  }
  func.func @transform_4(%arg0: i32) -> (i32, i32) {
    %c0_i32 = arith.constant 0 : i32
    %c0_i32_0 = arith.constant 0 : i32
    %c0_i32_1 = arith.constant 0 : i32
    return %c0_i32, %c0_i32_0 : i32, i32
  }
  func.func @transform_5(%arg0: i32) -> (i32, i32) {
    %c0_i32 = arith.constant 0 : i32
    %c0_i32_0 = arith.constant 0 : i32
    %c0_i32_1 = arith.constant 0 : i32
    return %c0_i32, %c0_i32_0 : i32, i32
  }
  func.func @transform_6(%arg0: i32) -> (i32, i32) {
    %c0_i32 = arith.constant 0 : i32
    %c0_i32_0 = arith.constant 0 : i32
    %c0_i32_1 = arith.constant 0 : i32
    return %c0_i32, %c0_i32_0 : i32, i32
  }
  func.func @transform_7(%arg0: i32) -> (i32, i32) {
    %c0_i32 = arith.constant 0 : i32
    %c0_i32_0 = arith.constant 0 : i32
    %c0_i32_1 = arith.constant 0 : i32
    return %c0_i32, %c0_i32_0 : i32, i32
  }
  func.func @transform_8(%arg0: i32) -> (i32, i32) {
    %c0_i32 = arith.constant 0 : i32
    %c0_i32_0 = arith.constant 0 : i32
    return %arg0, %c0_i32 : i32, i32
  }
  func.func @transform_9(%arg0: i32) -> (i32, i32) {
    %c0_i32 = arith.constant 0 : i32
    %c0_i32_0 = arith.constant 0 : i32
    return %arg0, %c0_i32 : i32, i32
  }
  func.func @transform_10(%arg0: i32) -> (i32, i32) {
    %c0_i32 = arith.constant 0 : i32
    %c0_i32_0 = arith.constant 0 : i32
    return %arg0, %c0_i32 : i32, i32
  }
  func.func @transform_11(%arg0: i32) -> (i32, i32) {
    %c0_i32 = arith.constant 0 : i32
    %c0_i32_0 = arith.constant 0 : i32
    return %arg0, %c0_i32 : i32, i32
  }
}

module attributes {stable_mosaic.version = 14 : i64} {
  func.func @_e_body(%arg0: i32, %arg1: memref<1000x128xf32, #tpu.memory_space<vmem>>, %arg2: memref<1x128xf32, #tpu.memory_space<vmem>>, %arg3: memref<1x128xf32, #tpu.memory_space<vmem>>, %arg4: memref<1000x1xi32, #tpu.memory_space<vmem>>, %arg5: memref<128x128xf32, #tpu.memory_space<vmem>>, %arg6: memref<1x128xf32, #tpu.memory_space<vmem>>, %arg7: memref<64x128xf32, #tpu.memory_space<vmem>>, %arg8: memref<64x128xf32, #tpu.memory_space<vmem>>, %arg9: memref<64x128xf32, #tpu.memory_space<vmem>>) attributes {dimension_semantics = [#tpu.dimension_semantics<arbitrary>], iteration_bounds = array<i64: 10>, scalar_prefetch = 0 : i64, scratch_operands = 2 : i64, tpu.core_type = #tpu.core_type<tc>, window_params = [{transform_indices = @transform_0, window_bounds = array<i64: 1000, 128>}, {pipeline_mode = #tpu.pipeline_mode<synchronous>, transform_indices = @transform_1, window_bounds = array<i64: 1, 128>}, {pipeline_mode = #tpu.pipeline_mode<synchronous>, transform_indices = @transform_2, window_bounds = array<i64: 1, 128>}, {transform_indices = @transform_3, window_bounds = array<i64: 1000, 1>}, {pipeline_mode = #tpu.pipeline_mode<synchronous>, transform_indices = @transform_4, window_bounds = array<i64: 128, 128>}, {pipeline_mode = #tpu.pipeline_mode<synchronous>, transform_indices = @transform_5, window_bounds = array<i64: 1, 128>}, {pipeline_mode = #tpu.pipeline_mode<synchronous>, transform_indices = @transform_6, window_bounds = array<i64: 64, 128>}]} {
    %get3A = arith.constant 0 : index
    %get3A_0 = arith.constant 0 : index
    %get3A_1 = vector.load %arg1[%get3A, %get3A_0] : memref<1000x128xf32, #tpu.memory_space<vmem>>, vector<1000x128xf32>
    %get3A_2 = arith.constant 0 : index
    %get3A_3 = arith.constant 0 : index
    %get3A_4 = vector.load %arg2[%get3A_2, %get3A_3] : memref<1x128xf32, #tpu.memory_space<vmem>>, vector<1x128xf32>
    %mul3A = vector.broadcast %get3A_4 : vector<1x128xf32> to vector<1000x128xf32>
    %mul3A_5 = arith.mulf %get3A_1, %mul3A : vector<1000x128xf32>
    %get3A_6 = arith.constant 0 : index
    %get3A_7 = arith.constant 0 : index
    %get3A_8 = vector.load %arg3[%get3A_6, %get3A_7] : memref<1x128xf32, #tpu.memory_space<vmem>>, vector<1x128xf32>
    %add3A = vector.broadcast %get3A_8 : vector<1x128xf32> to vector<1000x128xf32>
    %add3A_9 = arith.addf %mul3A_5, %add3A : vector<1000x128xf32>
    %max3A = arith.constant 0.000000e+00 : f32
    %max3A_10 = vector.broadcast %max3A : f32 to vector<1000x128xf32>
    %max3A_11 = arith.maximumf %add3A_9, %max3A_10 : vector<1000x128xf32>
    %get3A_12 = arith.constant 0 : index
    %get3A_13 = arith.constant 0 : index
    %get3A_14 = vector.load %arg4[%get3A_12, %get3A_13] : memref<1000x1xi32, #tpu.memory_space<vmem>>, vector<1000x1xi32>
    %iota3A = tpu.iota {dimensions = array<i32: 1>} : vector<1x64xi32>
    %eq3A = vector.broadcast %get3A_14 : vector<1000x1xi32> to vector<1000x64xi32>
    %eq3A_15 = vector.broadcast %iota3A : vector<1x64xi32> to vector<1000x64xi32>
    %eq3A_16 = arith.cmpi eq, %eq3A, %eq3A_15 : vector<1000x64xi32>
    %convert_element_type3A = arith.extui %eq3A_16 : vector<1000x64xi1> to vector<1000x64xi32>
    %convert_element_type3A_17 = arith.sitofp %convert_element_type3A : vector<1000x64xi32> to vector<1000x64xf32>
    %dot_general3A = arith.constant dense<0.000000e+00> : vector<64x128xf32>
    %dot_general3A_18 = tpu.matmul %convert_element_type3A_17, %max3A_11, %dot_general3A {dimension_numbers = #tpu.dot_dimension_numbers<[0], [0], [1], [1], [0, 1, 1, 1], [], []>, transpose_lhs_hint = false} : vector<1000x64xf32>, vector<1000x128xf32>, vector<64x128xf32> -> vector<64x128xf32>
    %reduce_sum3A = arith.constant dense<0.000000e+00> : vector<64xf32>
    %reduce_sum3A_19 = vector.multi_reduction <add>, %convert_element_type3A_17, %reduce_sum3A [0] : vector<1000x64xf32> to vector<64xf32>
    %broadcast_in_dim3A = vector.shape_cast %reduce_sum3A_19 : vector<64xf32> to vector<64x1xf32>
    %broadcast_in_dim3A_20 = vector.shape_cast %broadcast_in_dim3A : vector<64x1xf32> to vector<64x1xf32>
    %broadcast_in_dim3A_21 = vector.broadcast %broadcast_in_dim3A_20 : vector<64x1xf32> to vector<64x128xf32>
    %eq3A_22 = arith.constant 0 : i32
    %eq3A_23 = arith.cmpi eq, %arg0, %eq3A_22 : i32
    %convert_element_type3A_24 = arith.extui %eq3A_23 : i1 to i32
    %cond3A = arith.constant 0 : i32
    %cond3A_25 = arith.cmpi ne, %convert_element_type3A_24, %cond3A : i32
    scf.if %cond3A_25 {
      %broadcast_in_dim3A_44 = arith.constant 0.000000e+00 : f32
      %broadcast_in_dim3A_45 = vector.broadcast %broadcast_in_dim3A_44 : f32 to vector<64x128xf32>
      %swap3A_46 = arith.constant 0 : index
      %swap3A_47 = arith.constant 0 : index
      %swap3A_48 = vector.load %arg8[%swap3A_46, %swap3A_47] : memref<64x128xf32, #tpu.memory_space<vmem>>, vector<64x128xf32>
      tpu.vector_store %arg8[%swap3A_46, %swap3A_47], %broadcast_in_dim3A_45 {strides = array<i32>} : memref<64x128xf32, #tpu.memory_space<vmem>>, vector<64x128xf32>,
      %broadcast_in_dim3A_49 = arith.constant 0.000000e+00 : f32
      %broadcast_in_dim3A_50 = vector.broadcast %broadcast_in_dim3A_49 : f32 to vector<64x128xf32>
      %swap3A_51 = arith.constant 0 : index
      %swap3A_52 = arith.constant 0 : index
      %swap3A_53 = vector.load %arg9[%swap3A_51, %swap3A_52] : memref<64x128xf32, #tpu.memory_space<vmem>>, vector<64x128xf32>
      tpu.vector_store %arg9[%swap3A_51, %swap3A_52], %broadcast_in_dim3A_50 {strides = array<i32>} : memref<64x128xf32, #tpu.memory_space<vmem>>, vector<64x128xf32>,
    } else {
    }
    %get3A_26 = arith.constant 0 : index
    %get3A_27 = arith.constant 0 : index
    %get3A_28 = vector.load %arg8[%get3A_26, %get3A_27] : memref<64x128xf32, #tpu.memory_space<vmem>>, vector<64x128xf32>
    %add3A_29 = arith.addf %get3A_28, %dot_general3A_18 : vector<64x128xf32>
    %swap3A = arith.constant 0 : index
    %swap3A_30 = arith.constant 0 : index
    %swap3A_31 = vector.load %arg8[%swap3A, %swap3A_30] : memref<64x128xf32, #tpu.memory_space<vmem>>, vector<64x128xf32>
    tpu.vector_store %arg8[%swap3A, %swap3A_30], %add3A_29 {strides = array<i32>} : memref<64x128xf32, #tpu.memory_space<vmem>>, vector<64x128xf32>,
    %get3A_32 = arith.constant 0 : index
    %get3A_33 = arith.constant 0 : index
    %get3A_34 = vector.load %arg9[%get3A_32, %get3A_33] : memref<64x128xf32, #tpu.memory_space<vmem>>, vector<64x128xf32>
    %add3A_35 = arith.addf %get3A_34, %broadcast_in_dim3A_21 : vector<64x128xf32>
    %swap3A_36 = arith.constant 0 : index
    %swap3A_37 = arith.constant 0 : index
    %swap3A_38 = vector.load %arg9[%swap3A_36, %swap3A_37] : memref<64x128xf32, #tpu.memory_space<vmem>>, vector<64x128xf32>
    tpu.vector_store %arg9[%swap3A_36, %swap3A_37], %add3A_35 {strides = array<i32>} : memref<64x128xf32, #tpu.memory_space<vmem>>, vector<64x128xf32>,
    %eq3A_39 = arith.constant 9 : i32
    %eq3A_40 = arith.cmpi eq, %arg0, %eq3A_39 : i32
    %convert_element_type3A_41 = arith.extui %eq3A_40 : i1 to i32
    %cond3A_42 = arith.constant 0 : i32
    %cond3A_43 = arith.cmpi ne, %convert_element_type3A_41, %cond3A_42 : i32
    scf.if %cond3A_43 {
      %get3A_44 = arith.constant 0 : index
      %get3A_45 = arith.constant 0 : index
      %get3A_46 = vector.load %arg8[%get3A_44, %get3A_45] : memref<64x128xf32, #tpu.memory_space<vmem>>, vector<64x128xf32>
      %get3A_47 = arith.constant 0 : index
      %get3A_48 = arith.constant 0 : index
      %get3A_49 = vector.load %arg9[%get3A_47, %get3A_48] : memref<64x128xf32, #tpu.memory_space<vmem>>, vector<64x128xf32>
      %max3A_50 = arith.constant 1.000000e+00 : f32
      %max3A_51 = vector.broadcast %max3A_50 : f32 to vector<64x128xf32>
      %max3A_52 = arith.maximumf %get3A_49, %max3A_51 : vector<64x128xf32>
      %div3A = arith.divf %get3A_46, %max3A_52 : vector<64x128xf32>
      %get3A_53 = arith.constant 0 : index
      %get3A_54 = arith.constant 0 : index
      %get3A_55 = vector.load %arg5[%get3A_53, %get3A_54] : memref<128x128xf32, #tpu.memory_space<vmem>>, vector<128x128xf32>
      %dot_general3A_56 = arith.constant dense<0.000000e+00> : vector<64x128xf32>
      %dot_general3A_57 = tpu.matmul %div3A, %get3A_55, %dot_general3A_56 {dimension_numbers = #tpu.dot_dimension_numbers<[1], [0], [0], [1], [0, 0, 1, 1], [], []>, transpose_lhs_hint = false} : vector<64x128xf32>, vector<128x128xf32>, vector<64x128xf32> -> vector<64x128xf32>
      %get3A_58 = arith.constant 0 : index
      %get3A_59 = arith.constant 0 : index
      %get3A_60 = vector.load %arg6[%get3A_58, %get3A_59] : memref<1x128xf32, #tpu.memory_space<vmem>>, vector<1x128xf32>
      %add3A_61 = vector.broadcast %get3A_60 : vector<1x128xf32> to vector<64x128xf32>
      %add3A_62 = arith.addf %dot_general3A_57, %add3A_61 : vector<64x128xf32>
      %swap3A_63 = arith.constant 0 : index
      %swap3A_64 = arith.constant 0 : index
      %swap3A_65 = vector.load %arg7[%swap3A_63, %swap3A_64] : memref<64x128xf32, #tpu.memory_space<vmem>>, vector<64x128xf32>
      tpu.vector_store %arg7[%swap3A_63, %swap3A_64], %add3A_62 {strides = array<i32>} : memref<64x128xf32, #tpu.memory_space<vmem>>, vector<64x128xf32>,
    } else {
    }
    return
  }
  func.func @transform_0(%arg0: i32) -> (i32, i32) {
    %c0_i32 = arith.constant 0 : i32
    %c0_i32_0 = arith.constant 0 : i32
    return %arg0, %c0_i32 : i32, i32
  }
  func.func @transform_1(%arg0: i32) -> (i32, i32) {
    %c0_i32 = arith.constant 0 : i32
    %c0_i32_0 = arith.constant 0 : i32
    %c0_i32_1 = arith.constant 0 : i32
    return %c0_i32, %c0_i32_0 : i32, i32
  }
  func.func @transform_2(%arg0: i32) -> (i32, i32) {
    %c0_i32 = arith.constant 0 : i32
    %c0_i32_0 = arith.constant 0 : i32
    %c0_i32_1 = arith.constant 0 : i32
    return %c0_i32, %c0_i32_0 : i32, i32
  }
  func.func @transform_3(%arg0: i32) -> (i32, i32) {
    %c0_i32 = arith.constant 0 : i32
    %c0_i32_0 = arith.constant 0 : i32
    return %arg0, %c0_i32 : i32, i32
  }
  func.func @transform_4(%arg0: i32) -> (i32, i32) {
    %c0_i32 = arith.constant 0 : i32
    %c0_i32_0 = arith.constant 0 : i32
    %c0_i32_1 = arith.constant 0 : i32
    return %c0_i32, %c0_i32_0 : i32, i32
  }
  func.func @transform_5(%arg0: i32) -> (i32, i32) {
    %c0_i32 = arith.constant 0 : i32
    %c0_i32_0 = arith.constant 0 : i32
    %c0_i32_1 = arith.constant 0 : i32
    return %c0_i32, %c0_i32_0 : i32, i32
  }
  func.func @transform_6(%arg0: i32) -> (i32, i32) {
    %c0_i32 = arith.constant 0 : i32
    %c0_i32_0 = arith.constant 0 : i32
    %c0_i32_1 = arith.constant 0 : i32
    return %c0_i32, %c0_i32_0 : i32, i32
  }
}

</mosaic_0001>

<sc_bundles>
// kernel: kernel.15.cloned.1.call-start
scs
__scs_entry_jumppad:
0x0: {  	(pc) =	sbr.rel $0x88, $3  }
0x1: {  	(tag) =	ssettag $0x0;
	lr =	simm.s32 $0x1  }
0x2: {  	[smem:$0x3F73] =	sst lr;
	_ =	strace $0xD0000000  }
0x3: {  	_ = 	snop  }
0x4: {  	_ = 	snop  }
0x5: {  	_ = 	snop  }
0x6: {  	_ = 	snop  }
0x7: {  	_ = 	snop  }
__scs_overlays_trampoline_lowered:
0x8: {  	[smem:$0x3F82] =	sst s0  }
0x9: {  	[smem:$0x3F83] =	sst s1  }
0xa: {  	[smem:$0x3F84] =	sst s2  }
0xb: {  	[smem:$0x3F85] =	sst s3  }
0xc: {  	[smem:$0x3F86] =	sst s4  }
0xd: {  	[smem:$0x3F87] =	sst s5  }
0xe: {  	[smem:$0x3F88] =	sst s6  }
0xf: {  	[smem:$0x3F89] =	sst s7  }
0x10: {  	[smem:$0x3F8A] =	sst s8  }
0x11: {  	[smem:$0x3F8B] =	sst s9;
	s0 =	simm.s32 @!p0 $0x0  }
0x12: {  	s1 =	sld [smem:$0x3F71];
	s0 =	simm.s32 @p0 $0x1  }
0x13: {  	[smem:$0x3F8C] =	sst s0;
	s0 =	simm.s32 @!p1 $0x0  }
0x14: {  	s2 =	sld [smem:$0x3F70];
	s0 =	simm.s32 @p1 $0x1  }
0x15: {  	[smem:$0x3F8D] =	sst s0;
	s0 =	simm.s32 @!p2 $0x0  }
0x16: {  	s3 =	sld [smem:$0x3FDB];
	s0 =	simm.s32 @p2 $0x1  }
0x17: {  	s4 =	simm.s32 $0x1BF5;
	[smem:$0x3F8F] =	sst s0  }
0x18: {  	s0 =	sld [smem:$0x3F72];
	_ =	swait.ge [sflag:s4], $0x0  }
0x19: {  	s7 =	sld [smem:$0x3F73]  }
0x1a: {  	s8 =	sadd.s32 $0xFFFFE003, lr  }
0x1b: {  	s9 =	sadd.s32 $0xFFFFFEF7, lr;
	s5 =	simm.s32 $0xFFFFFFFF;
	p2 =	slt.u32 s8, $0xFFFFF086  }
0x1c: {  	p1 =	slt.u32 s9, $0xF7A;
	s5 =	simm.s32 @!p2 $0x0  }
0x1d: {  	s5 =	simm.s32 @p1 $0x1;
	p0 =	seq.s32 s7, s2  }
0x1e: {  	s7 =	smul.u32 @!p0 $0xF7A, s2;
	p2 =	seq.s32 @!p0 s5, $0x0  }
0x1f: {  	s9 =	smul.u32 $0xF7A, s1;
	s8 =	simm.s32 @!p0 $0x1BF5;
	p2 =	por !p2, p0  }
0x20: {  	[sflag:s8] =	ssyncset.s32 @!p0 $0xFFFFF086;
	s6 =	sadd.s32 @!p0 s3, s7;
	s7 =	simm.s32 @!p0 $0x108  }
0x21: {  	s3 =	sadd.s32 s3, s9;
	s6 =	sadd.s32 @!p0 $0x88, s6;
	s7 =	simm.s32 @p2 $0x1082  }
0x22: {  	[simem:s7], [sflag:s8] =	dma.local @!p0 [hbm:s6], $0xF7A  }
0x23: {  	s9 =	sor.u32 $0xD0000000, s2;
	s6 =	simm.s32 $0x108;
	_ =	swait.ge @!p0 [sflag:s8], $0x0  }
0x24: {  	s3 =	sadd.s32 $0x88, s3;
	s6 =	simm.s32 @!p1 $0x1082;
	[sflag:s4] =	ssyncset.s32 $0xFFFFF086  }
0x25: {  	[simem:s6], [sflag:s4] =	dma.local [hbm:s3], $0xF7A  }
0x26: {  	[smem:$0x3F73] =	sst s1;
	(tag) =	ssettag s2;
	_ =	strace s9  }
0x27: {  	s1 =	sld [smem:$0x3F83]  }
0x28: {  	s2 =	sld [smem:$0x3F84]  }
0x29: {  	s4 =	sld [smem:$0x3F86]  }
0x2a: {  	p0 =	seq.s32 s5, $0x0;
	s5 =	sld [smem:$0x3F87]  }
0x2b: {  	s6 =	sld [smem:$0x3F88]  }
0x2c: {  	s7 =	sld [smem:$0x3F89]  }
0x2d: {  	s3 =	simm.s32 $0x108;
	s8 =	sld [smem:$0x3F8A]  }
0x2e: {  	s3 =	simm.s32 @!p0 $0x1082;
	s9 =	sld [smem:$0x3F8B]  }
0x2f: {  	lr =	sadd.s32 s0, s3;
	s0 =	sld [smem:$0x3F82]  }
0x30: {  	s3 =	sld [smem:$0x3F85]  }
0x31: {  	[smem:$0x3F8E] =	sst s10  }
0x32: {  	s10 =	sld [smem:$0x3F8C];
	_ =	sdelay $0x3  }
0x33: {  	p0 =	seq.s32 s10, $0x1;
	s10 =	sld [smem:$0x3F8E];
	_ =	sdelay $0x3  }
0x34: {  	[smem:$0x3F8E] =	sst s10  }
0x35: {  	s10 =	sld [smem:$0x3F8D];
	_ =	sdelay $0x3  }
0x36: {  	p1 =	seq.s32 s10, $0x1;
	s10 =	sld [smem:$0x3F8E];
	_ =	sdelay $0x3  }
0x37: {  	[smem:$0x3F8E] =	sst s10  }
0x38: {  	s10 =	sld [smem:$0x3F8F]  }
0x39: {  	_ = 	snop;
	(pc) =	sbr.ind lr, $3  }
0x3a: {  	_ = 	snop  }
0x3b: {  	_ = 	snop  }
0x3c: {  	p2 =	seq.s32 s10, $0x1;
	s10 =	sld [smem:$0x3F8E]  }
0x3d: {  	_ =	shalt  }
0x3e: {  	_ =	shalt  }
0x3f: {  	_ =	shalt  }
0x40: {  	_ =	shalt  }
0x41: {  	_ =	shalt  }
0x42: {  	_ =	shalt  }
0x43: {  	_ =	shalt  }
0x44: {  	_ =	shalt  }
0x45: {  	_ =	shalt  }
0x46: {  	_ =	shalt  }
0x47: {  	_ =	shalt  }
0x48: {  	_ =	shalt  }
0x49: {  	_ =	shalt  }
0x4a: {  	_ =	shalt  }
0x4b: {  	_ =	shalt  }
0x4c: {  	_ =	shalt  }
0x4d: {  	_ =	shalt  }
0x4e: {  	_ =	shalt  }
0x4f: {  	_ =	shalt  }
0x50: {  	_ =	shalt  }
0x51: {  	_ =	shalt  }
0x52: {  	_ =	shalt  }
0x53: {  	_ =	shalt  }
0x54: {  	_ =	shalt  }
0x55: {  	_ =	shalt  }
0x56: {  	_ =	shalt  }
0x57: {  	_ =	shalt  }
0x58: {  	_ =	shalt  }
0x59: {  	_ =	shalt  }
0x5a: {  	_ =	shalt  }
0x5b: {  	_ =	shalt  }
0x5c: {  	_ =	shalt  }
0x5d: {  	_ =	shalt  }
0x5e: {  	_ =	shalt  }
0x5f: {  	_ =	shalt  }
0x60: {  	_ =	shalt  }
0x61: {  	_ =	shalt  }
0x62: {  	_ =	shalt  }
0x63: {  	_ =	shalt  }
0x64: {  	_ =	shalt  }
0x65: {  	_ =	shalt  }
0x66: {  	_ =	shalt  }
0x67: {  	_ =	shalt  }
0x68: {  	_ =	shalt  }
0x69: {  	_ =	shalt  }
0x6a: {  	_ =	shalt  }
0x6b: {  	_ =	shalt  }
0x6c: {  	_ =	shalt  }
0x6d: {  	_ =	shalt  }
0x6e: {  	_ =	shalt  }
0x6f: {  	_ =	shalt  }
0x70: {  	_ =	shalt  }
0x71: {  	_ =	shalt  }
0x72: {  	_ =	shalt  }
0x73: {  	_ =	shalt  }
0x74: {  	_ =	shalt  }
0x75: {  	_ =	shalt  }
0x76: {  	_ =	shalt  }
0x77: {  	_ =	shalt  }
0x78: {  	_ =	shalt  }
0x79: {  	_ =	shalt  }
0x7a: {  	_ =	shalt  }
0x7b: {  	_ =	shalt  }
0x7c: {  	_ =	shalt  }
0x7d: {  	_ =	shalt  }
0x7e: {  	_ =	shalt  }
0x7f: {  	_ =	shalt  }
0x80: {  	_ =	shalt  }
0x81: {  	_ =	shalt  }
0x82: {  	_ =	shalt  }
0x83: {  	_ =	shalt  }
0x84: {  	_ =	shalt  }
0x85: {  	_ =	shalt  }
0x86: {  	_ =	shalt  }
0x87: {  	_ =	shalt  }
.Lfunc_end0:
.L_simem_size_0:
called_computation.4_lowered:
.L_overlay_start_0:
0x88: {  	s2 =	sld [smem:$0x3FD9]  }
0x89: {  	s3 =	sld [smem:$0x3FFE];
	_ =	sdelay $0x1  }
0x8a: {  	s1 =	srdreg.scid  }
0x8b: {  	s0 =	sand.u32 $0x1, s1  }
0x8c: {  	s16 =	sshll.u32 s0, $0xA;
	s2 =	sadd.s32 s3, s2  }
0x8d: {  	s2 =	sadd.s32 s2, s16  }
0x8e: {  	[smem:$0x3F9A] =	sst s2  }
0x8f: {  	_ = 	snop  }
0x90: {  	(tm) =	ssettm $0x1  }
0x91: {  	s17 =	sld [smem:$0x3FFB];
	_ =	sdelay $0x3  }
0x92: {  	_ =	strace s17  }
0x93: {  	s2 =	sld [smem:$0x3FFC];
	_ =	sdelay $0x3  }
0x94: {  	_ =	strace s2  }
0x95: {  	s2 =	sld [smem:$0x3FFD];
	_ =	sdelay $0x3  }
0x96: {  	_ =	strace s2  }
0x97: {  	_ =	strace $0x8FFFFFFF  }
0x98: {  	s18 =	sld [smem:$0x3FDB];
	_ =	sdelay $0x1  }
0x99: {  	s19 =	simm.s32 $_scs_section_size  }
0x9a: {  	s4 =	simm.s32 $_size__tile_overlayer_lowered;
	s5 =	simm.s32 $_tile_overlayer_lowered  }
0x9b: {  	s22 =	simm.s32 $0x1BFF;
	s21 =	sshll.u32 s5, $0x1;
	s2 =	sadd.s32 s19, s18  }
0x9c: {  	s6 =	simm.s32 $0x0;
	s20 =	sshll.u32 s4, $0x1;
	s4 =	sadd.s32 s21, s2  }
0x9d: {  	[timem:s6], [sflag:s22] =	dma.local [hbm:s4], s20  }
0x9e: {  	_ =	swait.ge [sflag:s22], s20  }
0x9f: {  	s3 =	ssub.s32 $0x0, s20;
	[sflag:s22] =	ssyncset.done $0x0  }
0xa0: {  	[sflag:s22] =	ssyncadd.s32 s3;
	_ =	sdelay $0x1  }
0xa1: {  	s23 =	simm.s32 $0x1B8B  }
0xa2: {  	_ =	swait.ge [sflag:s23], $0x1  }
0xa3: {  	[sflag:s23] =	ssyncset.done $0x0  }
0xa4: {  	s25 =	simm.s32 $0x1B8E;
	s24 =	sld [smem:$0x3FFE];
	[sflag:s23] =	ssyncadd.s32 $0xFFFFFFFF  }
0xa5: {  	s26 =	simm.s32 $execute0_lowered;
	[smem:$0x3FD2] =	sst s25  }
0xa6: {  	s4 =	sshll.u32 s26, $0x1;
	_ =	strace $0x80000049;
	[dreg:$0x1] =	wrdreg $0xFFFFFFFF  }
0xa7: {  	s28 =	simm.s32 $_size_execute0_lowered;
	s2 =	sadd.s32 s2, s4;
	[dreg:$0x0] =	wrdreg $0x0  }
0xa8: {  	s4 =	sshll.u32 s28, $0x1;
	[dreg:$0x2] =	wrdreg s2  }
0xa9: {  	[dreg:$0x3] =	wrdreg s4  }
0xaa: {  	[dreg:$0x4] =	wrdreg $0xC0  }
0xab: {  	_ =	task [dreg:s6], $0x5FFFF  }
0xac: {  	[dreg:$0x1] =	wrdreg $0xFFFFFFFF  }
0xad: {  	[dreg:$0x0] =	wrdreg $0x60  }
0xae: {  	[dreg:$0x2] =	wrdreg s24  }
0xaf: {  	[dreg:$0x3] =	wrdreg $0x80800  }
0xb0: {  	[dreg:$0x4] =	wrdreg $0x120800  }
0xb1: {  	[dreg:$0x5] =	wrdreg $0x9  }
0xb2: {  	_ =	task.clear_ibuf [dreg:s6], $0x6FFFF;
	_ =	strace $0x90000049  }
0xb3: {  	s29 =	simm.s32 $0x9;
	_ =	strace $0x8000004B  }
0xb4: {  	_ =	swait.ge [sflag:s29], $0x1  }
0xb5: {  	[sflag:s29] =	ssyncadd.s32 $0xFFFFFFFF  }
0xb6: {  	_ =	strace $0x9000004B  }
0xb7: {  	_ =	sfence  }
0xb8: {  	s30 =	sld [smem:$0x0];
	_ =	sdelay $0x2  }
0xb9: {  	s31 =	sshll.u32 s1, $0xD;
	s1 =	sshrl.u32 s1, $0x2  }
0xba: {  	s3 =	sand.u32 $0x4000, s31;
	s1 =	sadd.s32 s1, s30  }
0xbb: {  	s0 =	sor.u32 s3, s0;
	s1 =	sshll.u32 s1, $0x11  }
0xbc: {  	s0 =	sor.u32 s1, s0  }
0xbd: {  	s0 =	sadd.s32 $0x8F2B, s0  }
0xbe: {  	[sflag:s0] =	ssyncadd.remote.s32 $0x1  }
0xbf: {  	_ =	sfence.sel $0xFFFF  }
0xc0: {  	[dreg:$0x0] =	wrdreg $0xFFFFFFFF;
	(pc) =	sbr.abs _section_cstart, $3  }
0xc1: {  	[dreg:$0x1] =	wrdreg $0xFFFFFFFF  }
0xc2: {  	_ =	task.clear_ibuf [dreg:s6], $0x2FFFF;
	_ =	strace $0x9FFFFFFF  }
0xc3: {  	(tm) =	ssettm $0x7FFFFFFF  }
tec
execute0_lowered:
.L_overlay_start_1:
0x0: {  	(tag) =	ssettag $0x1  }
0x1: {  	s6 =	rddreg [dreg:$0x0]  }
0x2: {  	s2 =	rddreg [dreg:$0x1]  }
0x3: {  	s3 =	rddreg [dreg:$0x2]  }
0x4: {  	s0 =	rddreg [dreg:$0x3]  }
0x5: {  	s1 =	stileid.u32;
	s7 =	srdreg.scid;
	s4 =	simm.s32 $0x0  }
0x6: {  	s19 =	simm.s32 $0x4080;
	s20 =	simm.s32 $0x1;
	s5 =	smul.u32 $0x4E800, s1  }
0x7: {  	s21 =	simm.s32 $0x80;
	s22 =	simm.s32 $0x0;
	s8 =	smul.u32 $0xA000, s1  }
0x8: {  	s12 =	sand.u32 $0x1, s7;
	[smem:$0x7FF] =	sst s4;
	s18 =	smul.u32 $0x4E80, s1  }
0x9: {  	s7 =	smul.u32 $0xA0000, s12;
	_ =	strace $0x8000004A;
	s9 =	ssub.s32 $0x2, s12  }
0xa: {  	s12 =	smul.u32 $0x4E800, s12;
	s17 =	sadd.s32 s5, s6;
	s5 =	sadd.s32 $0x8FC00, s6  }
0xb: {  	s10 =	sshrl.u32 s9, $0x1;
	s31 =	sadd.s32 $0x4000, s8;
	s11 =	sadd.s32 $0x8000, s8  }
0xc: {  	s7 =	sadd.s32 s8, s7;
	s15 =	ssub.s32 s9, s10;
	s9 =	sadd.s32 s31, s3  }
0xd: {  	s10 =	sadd.s32 s11, s2;
	s11 =	sadd.s32 s11, s3;
	s16 =	sadd.s32 $0x105800, s17  }
0xe: {  	s17 =	sadd.s32 $0xFBD800, s17;
	s7 =	sshrl.u32 s7, $0x3;
	s15 =	smax.u32 s15, $0x1  }
0xf: {  	s14 =	sadd.s32 s7, s6;
	s6 =	sadd.s32 s8, s2;
	s7 =	sadd.s32 s8, s3  }
0x10: {  	v0 =	vimm.f32 $0.0e+00;
	s8 =	sadd.s32 s31, s2;
	s13 =	sadd.s32 $0x5ED800, s14;
	s14 =	sadd.s32 $0xA3600, s14  }
.LBB2_1:
0x11: {  	s23 =	simm.s32 $0x0;
	s24 =	simm.s32 $0x200  }
.LBB2_2:
0x12: {  	p0 =	sne.s32 s24, $0xFE00;
	[tilespmem:s23+$0x40F0] =	vst v0  }
0x13: {  	[tilespmem:s23+$0x4080] =	vst v0  }
0x14: {  	[tilespmem:s23+$0x4090] =	vst v0  }
.Ltmp0:
0x15: {  	[tilespmem:s23+$0x40A0] =	vst v0;
	(pc) =	sbr.rel @p0 .LBB2_2-.Ltmp0, $4  }
0x16: {  	[tilespmem:s23+$0x40B0] =	vst v0  }
0x17: {  	[tilespmem:s23+$0x40C0] =	vst v0  }
0x18: {  	[tilespmem:s23+$0x40D0] =	vst v0  }
0x19: {  	[tilespmem:s23+$0x40E0] =	vst v0;
	s23 =	sshra.s32 s24, $0x2;
	s24 =	sadd.s32 $0x200, s24  }
0x1a: {  	[tilespmem:s23+$0x40F0] =	vst v0  }
0x1b: {  	[tilespmem:s23+$0x4080] =	vst v0  }
0x1c: {  	[tilespmem:s23+$0x4090] =	vst v0  }
0x1d: {  	[tilespmem:s23+$0x40A0] =	vst v0  }
0x1e: {  	[tilespmem:s23+$0x40B0] =	vst v0  }
0x1f: {  	[tilespmem:s23+$0x40C0] =	vst v0  }
0x20: {  	[tilespmem:s23+$0x40D0] =	vst v0  }
0x21: {  	[tilespmem:s23+$0x40E0] =	vst v0  }
0x22: {  	[spmem:s6] =	stream.linear.scatter [tilespmem:s19], [sflag:$0x1], $0x4000, $0x38;
	[tilespmem:$0x1C080] =	vst v63  }
0x23: {  	_ =	swait.ge [sflag:s20], $0x4000  }
0x24: {  	[sflag:s20] =	ssyncset.done $0x0  }
0x25: {  	[sflag:s20] =	ssyncadd.s32 $0xFFFFC000  }
0x26: {  	[spmem:s7] =	stream.linear.scatter [tilespmem:s19], [sflag:$0x1], $0x4000, $0x38;
	[tilespmem:$0x1C080] =	vst v63  }
0x27: {  	_ =	swait.ge [sflag:s20], $0x4000  }
0x28: {  	[sflag:s20] =	ssyncset.done $0x0  }
0x29: {  	[sflag:s20] =	ssyncadd.s32 $0xFFFFC000  }
0x2a: {  	[spmem:s8] =	stream.linear.scatter [tilespmem:s19], [sflag:$0x1], $0x4000, $0x38;
	[tilespmem:$0x1C080] =	vst v63  }
0x2b: {  	_ =	swait.ge [sflag:s20], $0x4000  }
0x2c: {  	[sflag:s20] =	ssyncset.done $0x0  }
0x2d: {  	[sflag:s20] =	ssyncadd.s32 $0xFFFFC000  }
0x2e: {  	[spmem:s9] =	stream.linear.scatter [tilespmem:s19], [sflag:$0x1], $0x4000, $0x38;
	[tilespmem:$0x1C080] =	vst v63  }
0x2f: {  	_ =	swait.ge [sflag:s20], $0x4000  }
0x30: {  	[sflag:s20] =	ssyncset.done $0x0  }
0x31: {  	[sflag:s20] =	ssyncadd.s32 $0xFFFFC000  }
0x32: {  	[spmem:s10] =	stream.linear.scatter [tilespmem:s19], [sflag:$0x1], $0x2000, $0x38;
	[tilespmem:$0x1C080] =	vst v63  }
0x33: {  	_ =	swait.ge [sflag:s20], $0x2000  }
0x34: {  	[sflag:s20] =	ssyncset.done $0x0  }
0x35: {  	s29 =	sand.u32 $0xFFC00, s18;
	[sflag:s20] =	ssyncadd.s32 $0xFFFFE000  }
0x36: {  	[spmem:s11] =	stream.linear.scatter [tilespmem:s19], [sflag:$0x1], $0x2000, $0x38;
	[tilespmem:$0x1C080] =	vst v63  }
0x37: {  	s24 =	sand.u32 $0x380, s18;
	s23 =	sadd.s32 s12, s29;
	_ =	swait.ge [sflag:s20], $0x2000  }
0x38: {  	s23 =	sor.u32 s24, s23;
	[sflag:s20] =	ssyncset.done $0x0  }
0x39: {  	s23 =	sshrl.u32 s23, $0x3;
	[sflag:s20] =	ssyncadd.s32 $0xFFFFE000  }
0x3a: {  	s23 =	sadd.s32 s5, s23;
	[bflag:$0x0] =	sbarrier.arrive $0xFFFF  }
0x3b: {  	[tilespmem:s4], [sflag:$0x1] =	stream.linear.gather [hbm4b:s23+s4], $0x80, $0x38;
	[tilespmem:$0x1C080] =	vst v63  }
0x3c: {  	_ =	swait.ge [sflag:s20], $0x80  }
0x3d: {  	[sflag:s20] =	ssyncset.done $0x0  }
0x3e: {  	s30 =	sadd.s32 $0x0, s17;
	[sflag:s20] =	ssyncadd.s32 $0xFFFFFF80  }
0x3f: {  	[tilespmem:s21], [sflag:$0x1] =	stream.linear.gather [hbm4b:s30+s4], $0x4000, $0x38;
	[tilespmem:$0x1C080] =	vst v63  }
0x40: {  	_ =	swait.ge [sflag:s20], $0x4000  }
0x41: {  	[sflag:s20] =	ssyncset.done $0x0  }
0x42: {  	s31 =	sadd.s32 $0x0, s16;
	[sflag:s20] =	ssyncadd.s32 $0xFFFFC000  }
0x43: {  	[tilespmem:s19], [sflag:$0x1] =	stream.linear.gather [hbm4b:s31+s4], $0x4000, $0x38;
	[tilespmem:$0x1C080] =	vst v63  }
0x44: {  	_ =	swait.ge [sflag:s20], $0x4000  }
0x45: {  	[sflag:s20] =	ssyncset.done $0x0  }
0x46: {  	[sflag:s20] =	ssyncadd.s32 $0xFFFFC000  }
0x47: {  	[spmem:s3] =	stream.indirect.scatter.add.f32 [tilespmem:s21], [sflag:$0x1], $0x80, s4, s21, $0xb8;
	[tilespmem:$0x1C080] =	vst v63  }
0x48: {  	_ =	swait.ge [sflag:s20], $0x4000  }
0x49: {  	s24 =	sadd.s32 $0x80, s18;
	[sflag:s20] =	ssyncset.done $0x0  }
0x4a: {  	s25 =	sand.u32 $0xFFC00, s24;
	s28 =	sand.u32 $0x380, s24;
	[sflag:s20] =	ssyncadd.s32 $0xFFFFC000  }
0x4b: {  	[spmem:s2] =	stream.indirect.scatter.add.f32 [tilespmem:s19], [sflag:$0x1], $0x80, s4, s21, $0xb8;
	[tilespmem:$0x1C080] =	vst v63  }
0x4c: {  	s26 =	sadd.s32 s12, s25;
	s25 =	simm.s32 $0x1000;
	_ =	swait.ge [sflag:s20], $0x4000  }
0x4d: {  	s26 =	sor.u32 s28, s26;
	s23 =	simm.s32 $0x800;
	[sflag:s20] =	ssyncset.done $0x0  }
.LBB2_4:
0x4e: {  	p0 =	sne.s32 s25, $0x4E000;
	s26 =	sshrl.u32 s26, $0x3;
	[sflag:s20] =	ssyncadd.s32 $0xFFFFC000  }
0x4f: {  	s28 =	smov.u32 s25;
	s25 =	sadd.s32 $0x800, s25;
	s26 =	sadd.s32 s5, s26  }
0x50: {  	[tilespmem:s4], [sflag:$0x1] =	stream.linear.gather [hbm4b:s26+s4], $0x80, $0x38;
	[tilespmem:$0x1C080] =	vst v63  }
0x51: {  	_ =	swait.ge [sflag:s20], $0x80  }
0x52: {  	[sflag:s20] =	ssyncset.done $0x0  }
0x53: {  	s26 =	sadd.s32 s23, s17;
	[sflag:s20] =	ssyncadd.s32 $0xFFFFFF80  }
0x54: {  	[tilespmem:s21], [sflag:$0x1] =	stream.linear.gather [hbm4b:s26+s4], $0x4000, $0x38;
	[tilespmem:$0x1C080] =	vst v63  }
0x55: {  	_ =	swait.ge [sflag:s20], $0x4000  }
0x56: {  	[sflag:s20] =	ssyncset.done $0x0  }
0x57: {  	s26 =	sadd.s32 s23, s16;
	s23 =	smov.u32 s28;
	[sflag:s20] =	ssyncadd.s32 $0xFFFFC000  }
0x58: {  	[tilespmem:s19], [sflag:$0x1] =	stream.linear.gather [hbm4b:s26+s4], $0x4000, $0x38;
	[tilespmem:$0x1C080] =	vst v63  }
0x59: {  	_ =	swait.ge [sflag:s20], $0x4000  }
0x5a: {  	[sflag:s20] =	ssyncset.done $0x0  }
0x5b: {  	[sflag:s20] =	ssyncadd.s32 $0xFFFFC000  }
0x5c: {  	[spmem:s3] =	stream.indirect.scatter.add.f32 [tilespmem:s21], [sflag:$0x1], $0x80, s4, s21, $0xb8;
	[tilespmem:$0x1C080] =	vst v63  }
0x5d: {  	_ =	swait.ge [sflag:s20], $0x4000  }
.Ltmp1:
0x5e: {  	s24 =	sadd.s32 $0x80, s24;
	[sflag:s20] =	ssyncset.done $0x0;
	(pc) =	sbr.rel @p0 .LBB2_4-.Ltmp1, $4  }
0x5f: {  	s26 =	sand.u32 $0xFFC00, s24;
	[sflag:s20] =	ssyncadd.s32 $0xFFFFC000  }
0x60: {  	[spmem:s2] =	stream.indirect.scatter.add.f32 [tilespmem:s19], [sflag:$0x1], $0x80, s4, s21, $0xb8;
	[tilespmem:$0x1C080] =	vst v63  }
0x61: {  	s28 =	sand.u32 $0x380, s24;
	s26 =	sadd.s32 s12, s26;
	_ =	swait.ge [sflag:s20], $0x4000  }
0x62: {  	s26 =	sor.u32 s28, s26;
	[sflag:s20] =	ssyncset.done $0x0  }
0x63: {  	s24 =	sshrl.u32 s26, $0x3  }
0x64: {  	[sflag:s20] =	ssyncadd.s32 $0xFFFFC000;
	s24 =	sadd.s32 s5, s24  }
0x65: {  	[tilespmem:s4], [sflag:$0x1] =	stream.linear.gather [hbm4b:s24+s4], $0x80, $0x38;
	[tilespmem:$0x1C080] =	vst v63  }
0x66: {  	_ =	swait.ge [sflag:s20], $0x80  }
0x67: {  	[sflag:s20] =	ssyncset.done $0x0  }
0x68: {  	s26 =	sadd.s32 s23, s17;
	[sflag:s20] =	ssyncadd.s32 $0xFFFFFF80  }
0x69: {  	[tilespmem:s21], [sflag:$0x1] =	stream.linear.gather [hbm4b:s26+s4], $0x4000, $0x38;
	[tilespmem:$0x1C080] =	vst v63  }
0x6a: {  	_ =	swait.ge [sflag:s20], $0x4000  }
0x6b: {  	[sflag:s20] =	ssyncset.done $0x0  }
0x6c: {  	s28 =	sadd.s32 s23, s16;
	[sflag:s20] =	ssyncadd.s32 $0xFFFFC000  }
0x6d: {  	[tilespmem:s19], [sflag:$0x1] =	stream.linear.gather [hbm4b:s28+s4], $0x4000, $0x38;
	[tilespmem:$0x1C080] =	vst v63  }
0x6e: {  	_ =	swait.ge [sflag:s20], $0x4000  }
0x6f: {  	[sflag:s20] =	ssyncset.done $0x0  }
0x70: {  	[sflag:s20] =	ssyncadd.s32 $0xFFFFC000  }
0x71: {  	[spmem:s3] =	stream.indirect.scatter.add.f32 [tilespmem:s21], [sflag:$0x1], $0x80, s4, s21, $0xb8;
	[tilespmem:$0x1C080] =	vst v63  }
0x72: {  	_ =	swait.ge [sflag:s20], $0x4000  }
0x73: {  	[sflag:s20] =	ssyncset.done $0x0  }
0x74: {  	[sflag:s20] =	ssyncadd.s32 $0xFFFFC000  }
0x75: {  	[spmem:s2] =	stream.indirect.scatter.add.f32 [tilespmem:s19], [sflag:$0x1], $0x80, s4, s21, $0xb8;
	[tilespmem:$0x1C080] =	vst v63  }
0x76: {  	_ =	swait.ge [sflag:s20], $0x4000  }
0x77: {  	[sflag:s20] =	ssyncset.done $0x0  }
0x78: {  	s29 =	sshll.u32 s1, $0x6;
	[sflag:s20] =	ssyncadd.s32 $0xFFFFC000  }
0x79: {  	s30 =	sshrl.u32 s6, $0x3;
	s23 =	sor.u32 $0x1C01, s29;
	[bflag:$0x0] =	sbarrier.arrive $0xFFFF  }
0x7a: {  	[hbm:s13], [sflag:s23] =	dma.local [spmem:s30], $0x1400  }
0x7b: {  	s22 =	sadd.s32 $0x1, s22;
	_ =	swait.ge [sflag:s20], $0x1400  }
0x7c: {  	p0 =	sne.s32 s22, s15;
	[sflag:s20] =	ssyncset.done $0x0  }
.Ltmp2:
0x7d: {  	s31 =	sshrl.u32 s7, $0x3;
	[sflag:s20] =	ssyncadd.s32 $0xFFFFEC00;
	(pc) =	sbr.rel @p0 .LBB2_1-.Ltmp2, $4  }
0x7e: {  	[hbm:s14], [sflag:s23] =	dma.local [spmem:s31], $0x1400  }
0x7f: {  	_ =	swait.ge [sflag:s20], $0x1400  }
0x80: {  	[sflag:s20] =	ssyncset.done $0x0  }
0x81: {  	[sflag:s20] =	ssyncadd.s32 $0xFFFFEC00  }
0x82: {  	_ =	sfence.sel $0x180000  }
0x83: {  	[bflag:$0x0] =	sbarrier.arrive $0xFFFF  }
0x84: {  	p0 =	sne.s32 s1, $0x0;
	_ =	strace $0x9000004A  }
0x85: {  	s0 =	sadd.s32 @!p0 $0x100000, s0;
	[bflag:$0x2] =	sbarrier.arrive $0xFFFF  }
0x86: {  	[sflag:s0] =	ssyncadd.tile.s32 @!p0 $0x1;
	_ =	shalt  }
.Lfunc_end2:
_tile_overlayer_lowered:
.L_overlay_start_2:
0x87: {  	(tag) =	ssettag $0x2  }
0x88: {  	s0 =	rddreg [dreg:$0x0];
	s2 =	stileid.u32  }
0x89: {  	s1 =	rddreg [dreg:$0x1];
	p0 =	sne.s32 s2, $0x0  }
0x8a: {  	s3 =	rddreg [dreg:$0x2];
	[bflag:$0x3] =	sbarrier.arrive $0xFFFF;
	s2 =	simm.s32 @!p0 $0x1C01  }
0x8b: {  	[timem:s3], [sflag:s2] =	dma.local @!p0 [hbm:s0], s1  }
0x8c: {  	s0 =	simm.s32 @!p0 $0x1  }
0x8d: {  	_ =	swait.ge @!p0 [sflag:s0], s1  }
0x8e: {  	s1 =	ssub.s32 @!p0 $0x0, s1;
	[sflag:s0] =	ssyncset.done @!p0 $0x0  }
0x8f: {  	[sflag:s0] =	ssyncadd.s32 @!p0 s1  }
0x90: {  	[bflag:$0x3] =	sbarrier.arrive $0xFFFF  }
0x91: {  	_ =	shalt  }

// kernel: kernel.18.cloned.1.call-start
scs
__scs_entry_jumppad:
0x0: {  	(pc) =	sbr.rel $0x88, $3  }
0x1: {  	(tag) =	ssettag $0x0;
	lr =	simm.s32 $0x1  }
0x2: {  	[smem:$0x3F73] =	sst lr;
	_ =	strace $0xD0000000  }
0x3: {  	_ = 	snop  }
0x4: {  	_ = 	snop  }
0x5: {  	_ = 	snop  }
0x6: {  	_ = 	snop  }
0x7: {  	_ = 	snop  }
__scs_overlays_trampoline_lowered:
0x8: {  	[smem:$0x3F82] =	sst s0  }
0x9: {  	[smem:$0x3F83] =	sst s1  }
0xa: {  	[smem:$0x3F84] =	sst s2  }
0xb: {  	[smem:$0x3F85] =	sst s3  }
0xc: {  	[smem:$0x3F86] =	sst s4  }
0xd: {  	[smem:$0x3F87] =	sst s5  }
0xe: {  	[smem:$0x3F88] =	sst s6  }
0xf: {  	[smem:$0x3F89] =	sst s7  }
0x10: {  	[smem:$0x3F8A] =	sst s8  }
0x11: {  	[smem:$0x3F8B] =	sst s9;
	s0 =	simm.s32 @!p0 $0x0  }
0x12: {  	s1 =	sld [smem:$0x3F71];
	s0 =	simm.s32 @p0 $0x1  }
0x13: {  	[smem:$0x3F8C] =	sst s0;
	s0 =	simm.s32 @!p1 $0x0  }
0x14: {  	s2 =	sld [smem:$0x3F70];
	s0 =	simm.s32 @p1 $0x1  }
0x15: {  	[smem:$0x3F8D] =	sst s0;
	s0 =	simm.s32 @!p2 $0x0  }
0x16: {  	s3 =	sld [smem:$0x3FDB];
	s0 =	simm.s32 @p2 $0x1  }
0x17: {  	s4 =	simm.s32 $0x1BF5;
	[smem:$0x3F8F] =	sst s0  }
0x18: {  	s0 =	sld [smem:$0x3F72];
	_ =	swait.ge [sflag:s4], $0x0  }
0x19: {  	s7 =	sld [smem:$0x3F73]  }
0x1a: {  	s8 =	sadd.s32 $0xFFFFE003, lr  }
0x1b: {  	s9 =	sadd.s32 $0xFFFFFEF7, lr;
	s5 =	simm.s32 $0xFFFFFFFF;
	p2 =	slt.u32 s8, $0xFFFFF086  }
0x1c: {  	p1 =	slt.u32 s9, $0xF7A;
	s5 =	simm.s32 @!p2 $0x0  }
0x1d: {  	s5 =	simm.s32 @p1 $0x1;
	p0 =	seq.s32 s7, s2  }
0x1e: {  	s7 =	smul.u32 @!p0 $0xF7A, s2;
	p2 =	seq.s32 @!p0 s5, $0x0  }
0x1f: {  	s9 =	smul.u32 $0xF7A, s1;
	s8 =	simm.s32 @!p0 $0x1BF5;
	p2 =	por !p2, p0  }
0x20: {  	[sflag:s8] =	ssyncset.s32 @!p0 $0xFFFFF086;
	s6 =	sadd.s32 @!p0 s3, s7;
	s7 =	simm.s32 @!p0 $0x108  }
0x21: {  	s3 =	sadd.s32 s3, s9;
	s6 =	sadd.s32 @!p0 $0x88, s6;
	s7 =	simm.s32 @p2 $0x1082  }
0x22: {  	[simem:s7], [sflag:s8] =	dma.local @!p0 [hbm:s6], $0xF7A  }
0x23: {  	s9 =	sor.u32 $0xD0000000, s2;
	s6 =	simm.s32 $0x108;
	_ =	swait.ge @!p0 [sflag:s8], $0x0  }
0x24: {  	s3 =	sadd.s32 $0x88, s3;
	s6 =	simm.s32 @!p1 $0x1082;
	[sflag:s4] =	ssyncset.s32 $0xFFFFF086  }
0x25: {  	[simem:s6], [sflag:s4] =	dma.local [hbm:s3], $0xF7A  }
0x26: {  	[smem:$0x3F73] =	sst s1;
	(tag) =	ssettag s2;
	_ =	strace s9  }
0x27: {  	s1 =	sld [smem:$0x3F83]  }
0x28: {  	s2 =	sld [smem:$0x3F84]  }
0x29: {  	s4 =	sld [smem:$0x3F86]  }
0x2a: {  	p0 =	seq.s32 s5, $0x0;
	s5 =	sld [smem:$0x3F87]  }
0x2b: {  	s6 =	sld [smem:$0x3F88]  }
0x2c: {  	s7 =	sld [smem:$0x3F89]  }
0x2d: {  	s3 =	simm.s32 $0x108;
	s8 =	sld [smem:$0x3F8A]  }
0x2e: {  	s3 =	simm.s32 @!p0 $0x1082;
	s9 =	sld [smem:$0x3F8B]  }
0x2f: {  	lr =	sadd.s32 s0, s3;
	s0 =	sld [smem:$0x3F82]  }
0x30: {  	s3 =	sld [smem:$0x3F85]  }
0x31: {  	[smem:$0x3F8E] =	sst s10  }
0x32: {  	s10 =	sld [smem:$0x3F8C];
	_ =	sdelay $0x3  }
0x33: {  	p0 =	seq.s32 s10, $0x1;
	s10 =	sld [smem:$0x3F8E];
	_ =	sdelay $0x3  }
0x34: {  	[smem:$0x3F8E] =	sst s10  }
0x35: {  	s10 =	sld [smem:$0x3F8D];
	_ =	sdelay $0x3  }
0x36: {  	p1 =	seq.s32 s10, $0x1;
	s10 =	sld [smem:$0x3F8E];
	_ =	sdelay $0x3  }
0x37: {  	[smem:$0x3F8E] =	sst s10  }
0x38: {  	s10 =	sld [smem:$0x3F8F]  }
0x39: {  	_ = 	snop;
	(pc) =	sbr.ind lr, $3  }
0x3a: {  	_ = 	snop  }
0x3b: {  	_ = 	snop  }
0x3c: {  	p2 =	seq.s32 s10, $0x1;
	s10 =	sld [smem:$0x3F8E]  }
0x3d: {  	_ =	shalt  }
0x3e: {  	_ =	shalt  }
0x3f: {  	_ =	shalt  }
0x40: {  	_ =	shalt  }
0x41: {  	_ =	shalt  }
0x42: {  	_ =	shalt  }
0x43: {  	_ =	shalt  }
0x44: {  	_ =	shalt  }
0x45: {  	_ =	shalt  }
0x46: {  	_ =	shalt  }
0x47: {  	_ =	shalt  }
0x48: {  	_ =	shalt  }
0x49: {  	_ =	shalt  }
0x4a: {  	_ =	shalt  }
0x4b: {  	_ =	shalt  }
0x4c: {  	_ =	shalt  }
0x4d: {  	_ =	shalt  }
0x4e: {  	_ =	shalt  }
0x4f: {  	_ =	shalt  }
0x50: {  	_ =	shalt  }
0x51: {  	_ =	shalt  }
0x52: {  	_ =	shalt  }
0x53: {  	_ =	shalt  }
0x54: {  	_ =	shalt  }
0x55: {  	_ =	shalt  }
0x56: {  	_ =	shalt  }
0x57: {  	_ =	shalt  }
0x58: {  	_ =	shalt  }
0x59: {  	_ =	shalt  }
0x5a: {  	_ =	shalt  }
0x5b: {  	_ =	shalt  }
0x5c: {  	_ =	shalt  }
0x5d: {  	_ =	shalt  }
0x5e: {  	_ =	shalt  }
0x5f: {  	_ =	shalt  }
0x60: {  	_ =	shalt  }
0x61: {  	_ =	shalt  }
0x62: {  	_ =	shalt  }
0x63: {  	_ =	shalt  }
0x64: {  	_ =	shalt  }
0x65: {  	_ =	shalt  }
0x66: {  	_ =	shalt  }
0x67: {  	_ =	shalt  }
0x68: {  	_ =	shalt  }
0x69: {  	_ =	shalt  }
0x6a: {  	_ =	shalt  }
0x6b: {  	_ =	shalt  }
0x6c: {  	_ =	shalt  }
0x6d: {  	_ =	shalt  }
0x6e: {  	_ =	shalt  }
0x6f: {  	_ =	shalt  }
0x70: {  	_ =	shalt  }
0x71: {  	_ =	shalt  }
0x72: {  	_ =	shalt  }
0x73: {  	_ =	shalt  }
0x74: {  	_ =	shalt  }
0x75: {  	_ =	shalt  }
0x76: {  	_ =	shalt  }
0x77: {  	_ =	shalt  }
0x78: {  	_ =	shalt  }
0x79: {  	_ =	shalt  }
0x7a: {  	_ =	shalt  }
0x7b: {  	_ =	shalt  }
0x7c: {  	_ =	shalt  }
0x7d: {  	_ =	shalt  }
0x7e: {  	_ =	shalt  }
0x7f: {  	_ =	shalt  }
0x80: {  	_ =	shalt  }
0x81: {  	_ =	shalt  }
0x82: {  	_ =	shalt  }
0x83: {  	_ =	shalt  }
0x84: {  	_ =	shalt  }
0x85: {  	_ =	shalt  }
0x86: {  	_ =	shalt  }
0x87: {  	_ =	shalt  }
.Lfunc_end0:
.L_simem_size_0:
called_computation.5_lowered:
.L_overlay_start_0:
0x88: {  	s2 =	sld [smem:$0x3FD9]  }
0x89: {  	s3 =	sld [smem:$0x3FFE];
	_ =	sdelay $0x1  }
0x8a: {  	s1 =	srdreg.scid  }
0x8b: {  	s0 =	sand.u32 $0x1, s1  }
0x8c: {  	s16 =	sshll.u32 s0, $0xA;
	s2 =	sadd.s32 s3, s2  }
0x8d: {  	s2 =	sadd.s32 s2, s16  }
0x8e: {  	[smem:$0x3F9A] =	sst s2  }
0x8f: {  	_ = 	snop  }
0x90: {  	(tm) =	ssettm $0x1  }
0x91: {  	s17 =	sld [smem:$0x3FFB];
	_ =	sdelay $0x3  }
0x92: {  	_ =	strace s17  }
0x93: {  	s2 =	sld [smem:$0x3FFC];
	_ =	sdelay $0x3  }
0x94: {  	_ =	strace s2  }
0x95: {  	s2 =	sld [smem:$0x3FFD];
	_ =	sdelay $0x3  }
0x96: {  	_ =	strace s2  }
0x97: {  	_ =	strace $0x8FFFFFFF  }
0x98: {  	s18 =	sld [smem:$0x3FDB];
	_ =	sdelay $0x1  }
0x99: {  	s19 =	simm.s32 $_scs_section_size  }
0x9a: {  	s4 =	simm.s32 $_size__tile_overlayer_lowered;
	s5 =	simm.s32 $_tile_overlayer_lowered  }
0x9b: {  	s22 =	simm.s32 $0x1BFF;
	s21 =	sshll.u32 s5, $0x1;
	s2 =	sadd.s32 s19, s18  }
0x9c: {  	s6 =	simm.s32 $0x0;
	s20 =	sshll.u32 s4, $0x1;
	s4 =	sadd.s32 s21, s2  }
0x9d: {  	[timem:s6], [sflag:s22] =	dma.local [hbm:s4], s20  }
0x9e: {  	_ =	swait.ge [sflag:s22], s20  }
0x9f: {  	s3 =	ssub.s32 $0x0, s20;
	[sflag:s22] =	ssyncset.done $0x0  }
0xa0: {  	[sflag:s22] =	ssyncadd.s32 s3;
	_ =	sdelay $0x1  }
0xa1: {  	s23 =	simm.s32 $0x1B8B  }
0xa2: {  	_ =	swait.ge [sflag:s23], $0x1  }
0xa3: {  	[sflag:s23] =	ssyncset.done $0x0  }
0xa4: {  	s25 =	simm.s32 $0x1B8E;
	s24 =	sld [smem:$0x3FFE];
	[sflag:s23] =	ssyncadd.s32 $0xFFFFFFFF  }
0xa5: {  	s26 =	simm.s32 $execute0_lowered;
	[smem:$0x3FD2] =	sst s25  }
0xa6: {  	s4 =	sshll.u32 s26, $0x1;
	_ =	strace $0x8000004F;
	[dreg:$0x1] =	wrdreg $0xFFFFFFFF  }
0xa7: {  	s28 =	simm.s32 $_size_execute0_lowered;
	s2 =	sadd.s32 s2, s4;
	[dreg:$0x0] =	wrdreg $0x0  }
0xa8: {  	s4 =	sshll.u32 s28, $0x1;
	[dreg:$0x2] =	wrdreg s2  }
0xa9: {  	[dreg:$0x3] =	wrdreg s4  }
0xaa: {  	[dreg:$0x4] =	wrdreg $0xC0  }
0xab: {  	_ =	task [dreg:s6], $0x5FFFF  }
0xac: {  	[dreg:$0x1] =	wrdreg $0xFFFFFFFF  }
0xad: {  	[dreg:$0x0] =	wrdreg $0x60  }
0xae: {  	[dreg:$0x2] =	wrdreg s24  }
0xaf: {  	[dreg:$0x3] =	wrdreg $0x80800  }
0xb0: {  	[dreg:$0x4] =	wrdreg $0x120800  }
0xb1: {  	[dreg:$0x5] =	wrdreg $0x9  }
0xb2: {  	_ =	task.clear_ibuf [dreg:s6], $0x6FFFF;
	_ =	strace $0x9000004F  }
0xb3: {  	s29 =	simm.s32 $0x9;
	_ =	strace $0x80000051  }
0xb4: {  	_ =	swait.ge [sflag:s29], $0x1  }
0xb5: {  	[sflag:s29] =	ssyncadd.s32 $0xFFFFFFFF  }
0xb6: {  	_ =	strace $0x90000051  }
0xb7: {  	_ =	sfence  }
0xb8: {  	s30 =	sld [smem:$0x0];
	_ =	sdelay $0x2  }
0xb9: {  	s31 =	sshll.u32 s1, $0xD;
	s1 =	sshrl.u32 s1, $0x2  }
0xba: {  	s3 =	sand.u32 $0x4000, s31;
	s1 =	sadd.s32 s1, s30  }
0xbb: {  	s0 =	sor.u32 s3, s0;
	s1 =	sshll.u32 s1, $0x11  }
0xbc: {  	s0 =	sor.u32 s1, s0  }
0xbd: {  	s0 =	sadd.s32 $0x8F2B, s0  }
0xbe: {  	[sflag:s0] =	ssyncadd.remote.s32 $0x1  }
0xbf: {  	_ =	sfence.sel $0xFFFF  }
0xc0: {  	[dreg:$0x0] =	wrdreg $0xFFFFFFFF;
	(pc) =	sbr.abs _section_cstart, $3  }
0xc1: {  	[dreg:$0x1] =	wrdreg $0xFFFFFFFF  }
0xc2: {  	_ =	task.clear_ibuf [dreg:s6], $0x2FFFF;
	_ =	strace $0x9FFFFFFF  }
0xc3: {  	(tm) =	ssettm $0x7FFFFFFF  }
tec
execute0_lowered:
.L_overlay_start_1:
0x0: {  	(tag) =	ssettag $0x1  }
0x1: {  	s6 =	rddreg [dreg:$0x0]  }
0x2: {  	s2 =	rddreg [dreg:$0x1]  }
0x3: {  	s3 =	rddreg [dreg:$0x2]  }
0x4: {  	s0 =	rddreg [dreg:$0x3]  }
0x5: {  	s1 =	stileid.u32;
	s7 =	srdreg.scid;
	s4 =	simm.s32 $0x0  }
0x6: {  	s19 =	simm.s32 $0x4080;
	s20 =	simm.s32 $0x1;
	s5 =	smul.u32 $0x4E800, s1  }
0x7: {  	s21 =	simm.s32 $0x80;
	s22 =	simm.s32 $0x0;
	s8 =	smul.u32 $0xA000, s1  }
0x8: {  	s12 =	sand.u32 $0x1, s7;
	[smem:$0x7FF] =	sst s4;
	s18 =	smul.u32 $0x4E80, s1  }
0x9: {  	s7 =	smul.u32 $0xA0000, s12;
	_ =	strace $0x80000050;
	s9 =	ssub.s32 $0x2, s12  }
0xa: {  	s12 =	smul.u32 $0x4E800, s12;
	s17 =	sadd.s32 s5, s6;
	s5 =	sadd.s32 $0x8FC00, s6  }
0xb: {  	s10 =	sshrl.u32 s9, $0x1;
	s31 =	sadd.s32 $0x4000, s8;
	s11 =	sadd.s32 $0x8000, s8  }
0xc: {  	s7 =	sadd.s32 s8, s7;
	s15 =	ssub.s32 s9, s10;
	s9 =	sadd.s32 s31, s3  }
0xd: {  	s10 =	sadd.s32 s11, s2;
	s11 =	sadd.s32 s11, s3;
	s16 =	sadd.s32 $0x105800, s17  }
0xe: {  	s17 =	sadd.s32 $0xFE4A00, s17;
	s7 =	sshrl.u32 s7, $0x3;
	s15 =	smax.u32 s15, $0x1  }
0xf: {  	s14 =	sadd.s32 s7, s6;
	s6 =	sadd.s32 s8, s2;
	s7 =	sadd.s32 s8, s3  }
0x10: {  	v0 =	vimm.f32 $0.0e+00;
	s8 =	sadd.s32 s31, s2;
	s13 =	sadd.s32 $0x615800, s14;
	s14 =	sadd.s32 $0x5ED800, s14  }
.LBB2_1:
0x11: {  	s23 =	simm.s32 $0x0;
	s24 =	simm.s32 $0x200  }
.LBB2_2:
0x12: {  	p0 =	sne.s32 s24, $0xFE00;
	[tilespmem:s23+$0x40F0] =	vst v0  }
0x13: {  	[tilespmem:s23+$0x4080] =	vst v0  }
0x14: {  	[tilespmem:s23+$0x4090] =	vst v0  }
.Ltmp0:
0x15: {  	[tilespmem:s23+$0x40A0] =	vst v0;
	(pc) =	sbr.rel @p0 .LBB2_2-.Ltmp0, $4  }
0x16: {  	[tilespmem:s23+$0x40B0] =	vst v0  }
0x17: {  	[tilespmem:s23+$0x40C0] =	vst v0  }
0x18: {  	[tilespmem:s23+$0x40D0] =	vst v0  }
0x19: {  	[tilespmem:s23+$0x40E0] =	vst v0;
	s23 =	sshra.s32 s24, $0x2;
	s24 =	sadd.s32 $0x200, s24  }
0x1a: {  	[tilespmem:s23+$0x40F0] =	vst v0  }
0x1b: {  	[tilespmem:s23+$0x4080] =	vst v0  }
0x1c: {  	[tilespmem:s23+$0x4090] =	vst v0  }
0x1d: {  	[tilespmem:s23+$0x40A0] =	vst v0  }
0x1e: {  	[tilespmem:s23+$0x40B0] =	vst v0  }
0x1f: {  	[tilespmem:s23+$0x40C0] =	vst v0  }
0x20: {  	[tilespmem:s23+$0x40D0] =	vst v0  }
0x21: {  	[tilespmem:s23+$0x40E0] =	vst v0  }
0x22: {  	[spmem:s6] =	stream.linear.scatter [tilespmem:s19], [sflag:$0x1], $0x4000, $0x38;
	[tilespmem:$0x1C080] =	vst v63  }
0x23: {  	_ =	swait.ge [sflag:s20], $0x4000  }
0x24: {  	[sflag:s20] =	ssyncset.done $0x0  }
0x25: {  	[sflag:s20] =	ssyncadd.s32 $0xFFFFC000  }
0x26: {  	[spmem:s7] =	stream.linear.scatter [tilespmem:s19], [sflag:$0x1], $0x4000, $0x38;
	[tilespmem:$0x1C080] =	vst v63  }
0x27: {  	_ =	swait.ge [sflag:s20], $0x4000  }
0x28: {  	[sflag:s20] =	ssyncset.done $0x0  }
0x29: {  	[sflag:s20] =	ssyncadd.s32 $0xFFFFC000  }
0x2a: {  	[spmem:s8] =	stream.linear.scatter [tilespmem:s19], [sflag:$0x1], $0x4000, $0x38;
	[tilespmem:$0x1C080] =	vst v63  }
0x2b: {  	_ =	swait.ge [sflag:s20], $0x4000  }
0x2c: {  	[sflag:s20] =	ssyncset.done $0x0  }
0x2d: {  	[sflag:s20] =	ssyncadd.s32 $0xFFFFC000  }
0x2e: {  	[spmem:s9] =	stream.linear.scatter [tilespmem:s19], [sflag:$0x1], $0x4000, $0x38;
	[tilespmem:$0x1C080] =	vst v63  }
0x2f: {  	_ =	swait.ge [sflag:s20], $0x4000  }
0x30: {  	[sflag:s20] =	ssyncset.done $0x0  }
0x31: {  	[sflag:s20] =	ssyncadd.s32 $0xFFFFC000  }
0x32: {  	[spmem:s10] =	stream.linear.scatter [tilespmem:s19], [sflag:$0x1], $0x2000, $0x38;
	[tilespmem:$0x1C080] =	vst v63  }
0x33: {  	_ =	swait.ge [sflag:s20], $0x2000  }
0x34: {  	[sflag:s20] =	ssyncset.done $0x0  }
0x35: {  	s29 =	sand.u32 $0xFFC00, s18;
	[sflag:s20] =	ssyncadd.s32 $0xFFFFE000  }
0x36: {  	[spmem:s11] =	stream.linear.scatter [tilespmem:s19], [sflag:$0x1], $0x2000, $0x38;
	[tilespmem:$0x1C080] =	vst v63  }
0x37: {  	s24 =	sand.u32 $0x380, s18;
	s23 =	sadd.s32 s12, s29;
	_ =	swait.ge [sflag:s20], $0x2000  }
0x38: {  	s23 =	sor.u32 s24, s23;
	[sflag:s20] =	ssyncset.done $0x0  }
0x39: {  	s23 =	sshrl.u32 s23, $0x3;
	[sflag:s20] =	ssyncadd.s32 $0xFFFFE000  }
0x3a: {  	s23 =	sadd.s32 s5, s23;
	[bflag:$0x0] =	sbarrier.arrive $0xFFFF  }
0x3b: {  	[tilespmem:s4], [sflag:$0x1] =	stream.linear.gather [hbm4b:s23+s4], $0x80, $0x38;
	[tilespmem:$0x1C080] =	vst v63  }
0x3c: {  	_ =	swait.ge [sflag:s20], $0x80  }
0x3d: {  	[sflag:s20] =	ssyncset.done $0x0  }
0x3e: {  	s30 =	sadd.s32 $0x0, s17;
	[sflag:s20] =	ssyncadd.s32 $0xFFFFFF80  }
0x3f: {  	[tilespmem:s21], [sflag:$0x1] =	stream.linear.gather [hbm4b:s30+s4], $0x4000, $0x38;
	[tilespmem:$0x1C080] =	vst v63  }
0x40: {  	_ =	swait.ge [sflag:s20], $0x4000  }
0x41: {  	[sflag:s20] =	ssyncset.done $0x0  }
0x42: {  	s31 =	sadd.s32 $0x0, s16;
	[sflag:s20] =	ssyncadd.s32 $0xFFFFC000  }
0x43: {  	[tilespmem:s19], [sflag:$0x1] =	stream.linear.gather [hbm4b:s31+s4], $0x4000, $0x38;
	[tilespmem:$0x1C080] =	vst v63  }
0x44: {  	_ =	swait.ge [sflag:s20], $0x4000  }
0x45: {  	[sflag:s20] =	ssyncset.done $0x0  }
0x46: {  	[sflag:s20] =	ssyncadd.s32 $0xFFFFC000  }
0x47: {  	[spmem:s3] =	stream.indirect.scatter.add.f32 [tilespmem:s21], [sflag:$0x1], $0x80, s4, s21, $0xb8;
	[tilespmem:$0x1C080] =	vst v63  }
0x48: {  	_ =	swait.ge [sflag:s20], $0x4000  }
0x49: {  	s24 =	sadd.s32 $0x80, s18;
	[sflag:s20] =	ssyncset.done $0x0  }
0x4a: {  	s25 =	sand.u32 $0xFFC00, s24;
	s28 =	sand.u32 $0x380, s24;
	[sflag:s20] =	ssyncadd.s32 $0xFFFFC000  }
0x4b: {  	[spmem:s2] =	stream.indirect.scatter.add.f32 [tilespmem:s19], [sflag:$0x1], $0x80, s4, s21, $0xb8;
	[tilespmem:$0x1C080] =	vst v63  }
0x4c: {  	s26 =	sadd.s32 s12, s25;
	s25 =	simm.s32 $0x1000;
	_ =	swait.ge [sflag:s20], $0x4000  }
0x4d: {  	s26 =	sor.u32 s28, s26;
	s23 =	simm.s32 $0x800;
	[sflag:s20] =	ssyncset.done $0x0  }
.LBB2_4:
0x4e: {  	p0 =	sne.s32 s25, $0x4E000;
	s26 =	sshrl.u32 s26, $0x3;
	[sflag:s20] =	ssyncadd.s32 $0xFFFFC000  }
0x4f: {  	s28 =	smov.u32 s25;
	s25 =	sadd.s32 $0x800, s25;
	s26 =	sadd.s32 s5, s26  }
0x50: {  	[tilespmem:s4], [sflag:$0x1] =	stream.linear.gather [hbm4b:s26+s4], $0x80, $0x38;
	[tilespmem:$0x1C080] =	vst v63  }
0x51: {  	_ =	swait.ge [sflag:s20], $0x80  }
0x52: {  	[sflag:s20] =	ssyncset.done $0x0  }
0x53: {  	s26 =	sadd.s32 s23, s17;
	[sflag:s20] =	ssyncadd.s32 $0xFFFFFF80  }
0x54: {  	[tilespmem:s21], [sflag:$0x1] =	stream.linear.gather [hbm4b:s26+s4], $0x4000, $0x38;
	[tilespmem:$0x1C080] =	vst v63  }
0x55: {  	_ =	swait.ge [sflag:s20], $0x4000  }
0x56: {  	[sflag:s20] =	ssyncset.done $0x0  }
0x57: {  	s26 =	sadd.s32 s23, s16;
	s23 =	smov.u32 s28;
	[sflag:s20] =	ssyncadd.s32 $0xFFFFC000  }
0x58: {  	[tilespmem:s19], [sflag:$0x1] =	stream.linear.gather [hbm4b:s26+s4], $0x4000, $0x38;
	[tilespmem:$0x1C080] =	vst v63  }
0x59: {  	_ =	swait.ge [sflag:s20], $0x4000  }
0x5a: {  	[sflag:s20] =	ssyncset.done $0x0  }
0x5b: {  	[sflag:s20] =	ssyncadd.s32 $0xFFFFC000  }
0x5c: {  	[spmem:s3] =	stream.indirect.scatter.add.f32 [tilespmem:s21], [sflag:$0x1], $0x80, s4, s21, $0xb8;
	[tilespmem:$0x1C080] =	vst v63  }
0x5d: {  	_ =	swait.ge [sflag:s20], $0x4000  }
.Ltmp1:
0x5e: {  	s24 =	sadd.s32 $0x80, s24;
	[sflag:s20] =	ssyncset.done $0x0;
	(pc) =	sbr.rel @p0 .LBB2_4-.Ltmp1, $4  }
0x5f: {  	s26 =	sand.u32 $0xFFC00, s24;
	[sflag:s20] =	ssyncadd.s32 $0xFFFFC000  }
0x60: {  	[spmem:s2] =	stream.indirect.scatter.add.f32 [tilespmem:s19], [sflag:$0x1], $0x80, s4, s21, $0xb8;
	[tilespmem:$0x1C080] =	vst v63  }
0x61: {  	s28 =	sand.u32 $0x380, s24;
	s26 =	sadd.s32 s12, s26;
	_ =	swait.ge [sflag:s20], $0x4000  }
0x62: {  	s26 =	sor.u32 s28, s26;
	[sflag:s20] =	ssyncset.done $0x0  }
0x63: {  	s24 =	sshrl.u32 s26, $0x3  }
0x64: {  	[sflag:s20] =	ssyncadd.s32 $0xFFFFC000;
	s24 =	sadd.s32 s5, s24  }
0x65: {  	[tilespmem:s4], [sflag:$0x1] =	stream.linear.gather [hbm4b:s24+s4], $0x80, $0x38;
	[tilespmem:$0x1C080] =	vst v63  }
0x66: {  	_ =	swait.ge [sflag:s20], $0x80  }
0x67: {  	[sflag:s20] =	ssyncset.done $0x0  }
0x68: {  	s26 =	sadd.s32 s23, s17;
	[sflag:s20] =	ssyncadd.s32 $0xFFFFFF80  }
0x69: {  	[tilespmem:s21], [sflag:$0x1] =	stream.linear.gather [hbm4b:s26+s4], $0x4000, $0x38;
	[tilespmem:$0x1C080] =	vst v63  }
0x6a: {  	_ =	swait.ge [sflag:s20], $0x4000  }
0x6b: {  	[sflag:s20] =	ssyncset.done $0x0  }
0x6c: {  	s28 =	sadd.s32 s23, s16;
	[sflag:s20] =	ssyncadd.s32 $0xFFFFC000  }
0x6d: {  	[tilespmem:s19], [sflag:$0x1] =	stream.linear.gather [hbm4b:s28+s4], $0x4000, $0x38;
	[tilespmem:$0x1C080] =	vst v63  }
0x6e: {  	_ =	swait.ge [sflag:s20], $0x4000  }
0x6f: {  	[sflag:s20] =	ssyncset.done $0x0  }
0x70: {  	[sflag:s20] =	ssyncadd.s32 $0xFFFFC000  }
0x71: {  	[spmem:s3] =	stream.indirect.scatter.add.f32 [tilespmem:s21], [sflag:$0x1], $0x80, s4, s21, $0xb8;
	[tilespmem:$0x1C080] =	vst v63  }
0x72: {  	_ =	swait.ge [sflag:s20], $0x4000  }
0x73: {  	[sflag:s20] =	ssyncset.done $0x0  }
0x74: {  	[sflag:s20] =	ssyncadd.s32 $0xFFFFC000  }
0x75: {  	[spmem:s2] =	stream.indirect.scatter.add.f32 [tilespmem:s19], [sflag:$0x1], $0x80, s4, s21, $0xb8;
	[tilespmem:$0x1C080] =	vst v63  }
0x76: {  	_ =	swait.ge [sflag:s20], $0x4000  }
0x77: {  	[sflag:s20] =	ssyncset.done $0x0  }
0x78: {  	s29 =	sshll.u32 s1, $0x6;
	[sflag:s20] =	ssyncadd.s32 $0xFFFFC000  }
0x79: {  	s30 =	sshrl.u32 s6, $0x3;
	s23 =	sor.u32 $0x1C01, s29;
	[bflag:$0x0] =	sbarrier.arrive $0xFFFF  }
0x7a: {  	[hbm:s13], [sflag:s23] =	dma.local [spmem:s30], $0x1400  }
0x7b: {  	s22 =	sadd.s32 $0x1, s22;
	_ =	swait.ge [sflag:s20], $0x1400  }
0x7c: {  	p0 =	sne.s32 s22, s15;
	[sflag:s20] =	ssyncset.done $0x0  }
.Ltmp2:
0x7d: {  	s31 =	sshrl.u32 s7, $0x3;
	[sflag:s20] =	ssyncadd.s32 $0xFFFFEC00;
	(pc) =	sbr.rel @p0 .LBB2_1-.Ltmp2, $4  }
0x7e: {  	[hbm:s14], [sflag:s23] =	dma.local [spmem:s31], $0x1400  }
0x7f: {  	_ =	swait.ge [sflag:s20], $0x1400  }
0x80: {  	[sflag:s20] =	ssyncset.done $0x0  }
0x81: {  	[sflag:s20] =	ssyncadd.s32 $0xFFFFEC00  }
0x82: {  	_ =	sfence.sel $0x180000  }
0x83: {  	[bflag:$0x0] =	sbarrier.arrive $0xFFFF  }
0x84: {  	p0 =	sne.s32 s1, $0x0;
	_ =	strace $0x90000050  }
0x85: {  	s0 =	sadd.s32 @!p0 $0x100000, s0;
	[bflag:$0x2] =	sbarrier.arrive $0xFFFF  }
0x86: {  	[sflag:s0] =	ssyncadd.tile.s32 @!p0 $0x1;
	_ =	shalt  }
.Lfunc_end2:
_tile_overlayer_lowered:
.L_overlay_start_2:
0x87: {  	(tag) =	ssettag $0x2  }
0x88: {  	s0 =	rddreg [dreg:$0x0];
	s2 =	stileid.u32  }
0x89: {  	s1 =	rddreg [dreg:$0x1];
	p0 =	sne.s32 s2, $0x0  }
0x8a: {  	s3 =	rddreg [dreg:$0x2];
	[bflag:$0x3] =	sbarrier.arrive $0xFFFF;
	s2 =	simm.s32 @!p0 $0x1C01  }
0x8b: {  	[timem:s3], [sflag:s2] =	dma.local @!p0 [hbm:s0], s1  }
0x8c: {  	s0 =	simm.s32 @!p0 $0x1  }
0x8d: {  	_ =	swait.ge @!p0 [sflag:s0], s1  }
0x8e: {  	s1 =	ssub.s32 @!p0 $0x0, s1;
	[sflag:s0] =	ssyncset.done @!p0 $0x0  }
0x8f: {  	[sflag:s0] =	ssyncadd.s32 @!p0 s1  }
0x90: {  	[bflag:$0x3] =	sbarrier.arrive $0xFFFF  }
0x91: {  	_ =	shalt  }

// kernel: kernel.21.cloned.1.call-start
scs
__scs_entry_jumppad:
0x0: {  	(pc) =	sbr.rel $0x88, $3  }
0x1: {  	(tag) =	ssettag $0x0;
	lr =	simm.s32 $0x1  }
0x2: {  	[smem:$0x3F73] =	sst lr;
	_ =	strace $0xD0000000  }
0x3: {  	_ = 	snop  }
0x4: {  	_ = 	snop  }
0x5: {  	_ = 	snop  }
0x6: {  	_ = 	snop  }
0x7: {  	_ = 	snop  }
__scs_overlays_trampoline_lowered:
0x8: {  	[smem:$0x3F82] =	sst s0  }
0x9: {  	[smem:$0x3F83] =	sst s1  }
0xa: {  	[smem:$0x3F84] =	sst s2  }
0xb: {  	[smem:$0x3F85] =	sst s3  }
0xc: {  	[smem:$0x3F86] =	sst s4  }
0xd: {  	[smem:$0x3F87] =	sst s5  }
0xe: {  	[smem:$0x3F88] =	sst s6  }
0xf: {  	[smem:$0x3F89] =	sst s7  }
0x10: {  	[smem:$0x3F8A] =	sst s8  }
0x11: {  	[smem:$0x3F8B] =	sst s9;
	s0 =	simm.s32 @!p0 $0x0  }
0x12: {  	s1 =	sld [smem:$0x3F71];
	s0 =	simm.s32 @p0 $0x1  }
0x13: {  	[smem:$0x3F8C] =	sst s0;
	s0 =	simm.s32 @!p1 $0x0  }
0x14: {  	s2 =	sld [smem:$0x3F70];
	s0 =	simm.s32 @p1 $0x1  }
0x15: {  	[smem:$0x3F8D] =	sst s0;
	s0 =	simm.s32 @!p2 $0x0  }
0x16: {  	s3 =	sld [smem:$0x3FDB];
	s0 =	simm.s32 @p2 $0x1  }
0x17: {  	s4 =	simm.s32 $0x1BF5;
	[smem:$0x3F8F] =	sst s0  }
0x18: {  	s0 =	sld [smem:$0x3F72];
	_ =	swait.ge [sflag:s4], $0x0  }
0x19: {  	s7 =	sld [smem:$0x3F73]  }
0x1a: {  	s8 =	sadd.s32 $0xFFFFE003, lr  }
0x1b: {  	s9 =	sadd.s32 $0xFFFFFEF7, lr;
	s5 =	simm.s32 $0xFFFFFFFF;
	p2 =	slt.u32 s8, $0xFFFFF086  }
0x1c: {  	p1 =	slt.u32 s9, $0xF7A;
	s5 =	simm.s32 @!p2 $0x0  }
0x1d: {  	s5 =	simm.s32 @p1 $0x1;
	p0 =	seq.s32 s7, s2  }
0x1e: {  	s7 =	smul.u32 @!p0 $0xF7A, s2;
	p2 =	seq.s32 @!p0 s5, $0x0  }
0x1f: {  	s9 =	smul.u32 $0xF7A, s1;
	s8 =	simm.s32 @!p0 $0x1BF5;
	p2 =	por !p2, p0  }
0x20: {  	[sflag:s8] =	ssyncset.s32 @!p0 $0xFFFFF086;
	s6 =	sadd.s32 @!p0 s3, s7;
	s7 =	simm.s32 @!p0 $0x108  }
0x21: {  	s3 =	sadd.s32 s3, s9;
	s6 =	sadd.s32 @!p0 $0x88, s6;
	s7 =	simm.s32 @p2 $0x1082  }
0x22: {  	[simem:s7], [sflag:s8] =	dma.local @!p0 [hbm:s6], $0xF7A  }
0x23: {  	s9 =	sor.u32 $0xD0000000, s2;
	s6 =	simm.s32 $0x108;
	_ =	swait.ge @!p0 [sflag:s8], $0x0  }
0x24: {  	s3 =	sadd.s32 $0x88, s3;
	s6 =	simm.s32 @!p1 $0x1082;
	[sflag:s4] =	ssyncset.s32 $0xFFFFF086  }
0x25: {  	[simem:s6], [sflag:s4] =	dma.local [hbm:s3], $0xF7A  }
0x26: {  	[smem:$0x3F73] =	sst s1;
	(tag) =	ssettag s2;
	_ =	strace s9  }
0x27: {  	s1 =	sld [smem:$0x3F83]  }
0x28: {  	s2 =	sld [smem:$0x3F84]  }
0x29: {  	s4 =	sld [smem:$0x3F86]  }
0x2a: {  	p0 =	seq.s32 s5, $0x0;
	s5 =	sld [smem:$0x3F87]  }
0x2b: {  	s6 =	sld [smem:$0x3F88]  }
0x2c: {  	s7 =	sld [smem:$0x3F89]  }
0x2d: {  	s3 =	simm.s32 $0x108;
	s8 =	sld [smem:$0x3F8A]  }
0x2e: {  	s3 =	simm.s32 @!p0 $0x1082;
	s9 =	sld [smem:$0x3F8B]  }
0x2f: {  	lr =	sadd.s32 s0, s3;
	s0 =	sld [smem:$0x3F82]  }
0x30: {  	s3 =	sld [smem:$0x3F85]  }
0x31: {  	[smem:$0x3F8E] =	sst s10  }
0x32: {  	s10 =	sld [smem:$0x3F8C];
	_ =	sdelay $0x3  }
0x33: {  	p0 =	seq.s32 s10, $0x1;
	s10 =	sld [smem:$0x3F8E];
	_ =	sdelay $0x3  }
0x34: {  	[smem:$0x3F8E] =	sst s10  }
0x35: {  	s10 =	sld [smem:$0x3F8D];
	_ =	sdelay $0x3  }
0x36: {  	p1 =	seq.s32 s10, $0x1;
	s10 =	sld [smem:$0x3F8E];
	_ =	sdelay $0x3  }
0x37: {  	[smem:$0x3F8E] =	sst s10  }
0x38: {  	s10 =	sld [smem:$0x3F8F]  }
0x39: {  	_ = 	snop;
	(pc) =	sbr.ind lr, $3  }
0x3a: {  	_ = 	snop  }
0x3b: {  	_ = 	snop  }
0x3c: {  	p2 =	seq.s32 s10, $0x1;
	s10 =	sld [smem:$0x3F8E]  }
0x3d: {  	_ =	shalt  }
0x3e: {  	_ =	shalt  }
0x3f: {  	_ =	shalt  }
0x40: {  	_ =	shalt  }
0x41: {  	_ =	shalt  }
0x42: {  	_ =	shalt  }
0x43: {  	_ =	shalt  }
0x44: {  	_ =	shalt  }
0x45: {  	_ =	shalt  }
0x46: {  	_ =	shalt  }
0x47: {  	_ =	shalt  }
0x48: {  	_ =	shalt  }
0x49: {  	_ =	shalt  }
0x4a: {  	_ =	shalt  }
0x4b: {  	_ =	shalt  }
0x4c: {  	_ =	shalt  }
0x4d: {  	_ =	shalt  }
0x4e: {  	_ =	shalt  }
0x4f: {  	_ =	shalt  }
0x50: {  	_ =	shalt  }
0x51: {  	_ =	shalt  }
0x52: {  	_ =	shalt  }
0x53: {  	_ =	shalt  }
0x54: {  	_ =	shalt  }
0x55: {  	_ =	shalt  }
0x56: {  	_ =	shalt  }
0x57: {  	_ =	shalt  }
0x58: {  	_ =	shalt  }
0x59: {  	_ =	shalt  }
0x5a: {  	_ =	shalt  }
0x5b: {  	_ =	shalt  }
0x5c: {  	_ =	shalt  }
0x5d: {  	_ =	shalt  }
0x5e: {  	_ =	shalt  }
0x5f: {  	_ =	shalt  }
0x60: {  	_ =	shalt  }
0x61: {  	_ =	shalt  }
0x62: {  	_ =	shalt  }
0x63: {  	_ =	shalt  }
0x64: {  	_ =	shalt  }
0x65: {  	_ =	shalt  }
0x66: {  	_ =	shalt  }
0x67: {  	_ =	shalt  }
0x68: {  	_ =	shalt  }
0x69: {  	_ =	shalt  }
0x6a: {  	_ =	shalt  }
0x6b: {  	_ =	shalt  }
0x6c: {  	_ =	shalt  }
0x6d: {  	_ =	shalt  }
0x6e: {  	_ =	shalt  }
0x6f: {  	_ =	shalt  }
0x70: {  	_ =	shalt  }
0x71: {  	_ =	shalt  }
0x72: {  	_ =	shalt  }
0x73: {  	_ =	shalt  }
0x74: {  	_ =	shalt  }
0x75: {  	_ =	shalt  }
0x76: {  	_ =	shalt  }
0x77: {  	_ =	shalt  }
0x78: {  	_ =	shalt  }
0x79: {  	_ =	shalt  }
0x7a: {  	_ =	shalt  }
0x7b: {  	_ =	shalt  }
0x7c: {  	_ =	shalt  }
0x7d: {  	_ =	shalt  }
0x7e: {  	_ =	shalt  }
0x7f: {  	_ =	shalt  }
0x80: {  	_ =	shalt  }
0x81: {  	_ =	shalt  }
0x82: {  	_ =	shalt  }
0x83: {  	_ =	shalt  }
0x84: {  	_ =	shalt  }
0x85: {  	_ =	shalt  }
0x86: {  	_ =	shalt  }
0x87: {  	_ =	shalt  }
.Lfunc_end0:
.L_simem_size_0:
called_computation.6_lowered:
.L_overlay_start_0:
0x88: {  	s2 =	sld [smem:$0x3FD9]  }
0x89: {  	s3 =	sld [smem:$0x3FFE];
	_ =	sdelay $0x1  }
0x8a: {  	s1 =	srdreg.scid  }
0x8b: {  	s0 =	sand.u32 $0x1, s1  }
0x8c: {  	s16 =	sshll.u32 s0, $0xA;
	s2 =	sadd.s32 s3, s2  }
0x8d: {  	s2 =	sadd.s32 s2, s16  }
0x8e: {  	[smem:$0x3F9A] =	sst s2  }
0x8f: {  	_ = 	snop  }
0x90: {  	(tm) =	ssettm $0x1  }
0x91: {  	s17 =	sld [smem:$0x3FFB];
	_ =	sdelay $0x3  }
0x92: {  	_ =	strace s17  }
0x93: {  	s2 =	sld [smem:$0x3FFC];
	_ =	sdelay $0x3  }
0x94: {  	_ =	strace s2  }
0x95: {  	s2 =	sld [smem:$0x3FFD];
	_ =	sdelay $0x3  }
0x96: {  	_ =	strace s2  }
0x97: {  	_ =	strace $0x8FFFFFFF  }
0x98: {  	s18 =	sld [smem:$0x3FDB];
	_ =	sdelay $0x1  }
0x99: {  	s19 =	simm.s32 $_scs_section_size  }
0x9a: {  	s4 =	simm.s32 $_size__tile_overlayer_lowered;
	s5 =	simm.s32 $_tile_overlayer_lowered  }
0x9b: {  	s22 =	simm.s32 $0x1BFF;
	s21 =	sshll.u32 s5, $0x1;
	s2 =	sadd.s32 s19, s18  }
0x9c: {  	s6 =	simm.s32 $0x0;
	s20 =	sshll.u32 s4, $0x1;
	s4 =	sadd.s32 s21, s2  }
0x9d: {  	[timem:s6], [sflag:s22] =	dma.local [hbm:s4], s20  }
0x9e: {  	_ =	swait.ge [sflag:s22], s20  }
0x9f: {  	s3 =	ssub.s32 $0x0, s20;
	[sflag:s22] =	ssyncset.done $0x0  }
0xa0: {  	[sflag:s22] =	ssyncadd.s32 s3;
	_ =	sdelay $0x1  }
0xa1: {  	s23 =	simm.s32 $0x1B8B  }
0xa2: {  	_ =	swait.ge [sflag:s23], $0x1  }
0xa3: {  	[sflag:s23] =	ssyncset.done $0x0  }
0xa4: {  	s25 =	simm.s32 $0x1B8E;
	s24 =	sld [smem:$0x3FFE];
	[sflag:s23] =	ssyncadd.s32 $0xFFFFFFFF  }
0xa5: {  	s26 =	simm.s32 $execute0_lowered;
	[smem:$0x3FD2] =	sst s25  }
0xa6: {  	s4 =	sshll.u32 s26, $0x1;
	_ =	strace $0x80000055;
	[dreg:$0x1] =	wrdreg $0xFFFFFFFF  }
0xa7: {  	s28 =	simm.s32 $_size_execute0_lowered;
	s2 =	sadd.s32 s2, s4;
	[dreg:$0x0] =	wrdreg $0x0  }
0xa8: {  	s4 =	sshll.u32 s28, $0x1;
	[dreg:$0x2] =	wrdreg s2  }
0xa9: {  	[dreg:$0x3] =	wrdreg s4  }
0xaa: {  	[dreg:$0x4] =	wrdreg $0xC0  }
0xab: {  	_ =	task [dreg:s6], $0x5FFFF  }
0xac: {  	[dreg:$0x1] =	wrdreg $0xFFFFFFFF  }
0xad: {  	[dreg:$0x0] =	wrdreg $0x60  }
0xae: {  	[dreg:$0x2] =	wrdreg s24  }
0xaf: {  	[dreg:$0x3] =	wrdreg $0x80800  }
0xb0: {  	[dreg:$0x4] =	wrdreg $0x120800  }
0xb1: {  	[dreg:$0x5] =	wrdreg $0x9  }
0xb2: {  	_ =	task.clear_ibuf [dreg:s6], $0x6FFFF;
	_ =	strace $0x90000055  }
0xb3: {  	s29 =	simm.s32 $0x9;
	_ =	strace $0x80000057  }
0xb4: {  	_ =	swait.ge [sflag:s29], $0x1  }
0xb5: {  	[sflag:s29] =	ssyncadd.s32 $0xFFFFFFFF  }
0xb6: {  	_ =	strace $0x90000057  }
0xb7: {  	_ =	sfence  }
0xb8: {  	s30 =	sld [smem:$0x0];
	_ =	sdelay $0x2  }
0xb9: {  	s31 =	sshll.u32 s1, $0xD;
	s1 =	sshrl.u32 s1, $0x2  }
0xba: {  	s3 =	sand.u32 $0x4000, s31;
	s1 =	sadd.s32 s1, s30  }
0xbb: {  	s0 =	sor.u32 s3, s0;
	s1 =	sshll.u32 s1, $0x11  }
0xbc: {  	s0 =	sor.u32 s1, s0  }
0xbd: {  	s0 =	sadd.s32 $0x8F2B, s0  }
0xbe: {  	[sflag:s0] =	ssyncadd.remote.s32 $0x1  }
0xbf: {  	_ =	sfence.sel $0xFFFF  }
0xc0: {  	[dreg:$0x0] =	wrdreg $0xFFFFFFFF;
	(pc) =	sbr.abs _section_cstart, $3  }
0xc1: {  	[dreg:$0x1] =	wrdreg $0xFFFFFFFF  }
0xc2: {  	_ =	task.clear_ibuf [dreg:s6], $0x2FFFF;
	_ =	strace $0x9FFFFFFF  }
0xc3: {  	(tm) =	ssettm $0x7FFFFFFF  }
tec
execute0_lowered:
.L_overlay_start_1:
0x0: {  	(tag) =	ssettag $0x1  }
0x1: {  	s6 =	rddreg [dreg:$0x0]  }
0x2: {  	s2 =	rddreg [dreg:$0x1]  }
0x3: {  	s3 =	rddreg [dreg:$0x2]  }
0x4: {  	s0 =	rddreg [dreg:$0x3]  }
0x5: {  	s1 =	stileid.u32;
	s7 =	srdreg.scid;
	s4 =	simm.s32 $0x0  }
0x6: {  	s19 =	simm.s32 $0x4080;
	s20 =	simm.s32 $0x1;
	s5 =	smul.u32 $0x4E800, s1  }
0x7: {  	s21 =	simm.s32 $0x80;
	s22 =	simm.s32 $0x0;
	s8 =	smul.u32 $0xA000, s1  }
0x8: {  	s12 =	sand.u32 $0x1, s7;
	[smem:$0x7FF] =	sst s4;
	s18 =	smul.u32 $0x4E80, s1  }
0x9: {  	s7 =	smul.u32 $0xA0000, s12;
	_ =	strace $0x80000056;
	s9 =	ssub.s32 $0x2, s12  }
0xa: {  	s12 =	smul.u32 $0x4E800, s12;
	s17 =	sadd.s32 s5, s6;
	s5 =	sadd.s32 $0x8FC00, s6  }
0xb: {  	s10 =	sshrl.u32 s9, $0x1;
	s31 =	sadd.s32 $0x4000, s8;
	s11 =	sadd.s32 $0x8000, s8  }
0xc: {  	s7 =	sadd.s32 s8, s7;
	s15 =	ssub.s32 s9, s10;
	s9 =	sadd.s32 s31, s3  }
0xd: {  	s10 =	sadd.s32 s11, s2;
	s11 =	sadd.s32 s11, s3;
	s16 =	sadd.s32 $0x105800, s17  }
0xe: {  	s17 =	sadd.s32 $0xFBD800, s17;
	s7 =	sshrl.u32 s7, $0x3;
	s15 =	smax.u32 s15, $0x1  }
0xf: {  	s14 =	sadd.s32 s7, s6;
	s6 =	sadd.s32 s8, s2;
	s7 =	sadd.s32 s8, s3  }
0x10: {  	v0 =	vimm.f32 $0.0e+00;
	s8 =	sadd.s32 s31, s2;
	s13 =	sadd.s32 $0x5ED800, s14;
	s14 =	sadd.s32 $0x41800, s14  }
.LBB2_1:
0x11: {  	s23 =	simm.s32 $0x0;
	s24 =	simm.s32 $0x200  }
.LBB2_2:
0x12: {  	p0 =	sne.s32 s24, $0xFE00;
	[tilespmem:s23+$0x40F0] =	vst v0  }
0x13: {  	[tilespmem:s23+$0x4080] =	vst v0  }
0x14: {  	[tilespmem:s23+$0x4090] =	vst v0  }
.Ltmp0:
0x15: {  	[tilespmem:s23+$0x40A0] =	vst v0;
	(pc) =	sbr.rel @p0 .LBB2_2-.Ltmp0, $4  }
0x16: {  	[tilespmem:s23+$0x40B0] =	vst v0  }
0x17: {  	[tilespmem:s23+$0x40C0] =	vst v0  }
0x18: {  	[tilespmem:s23+$0x40D0] =	vst v0  }
0x19: {  	[tilespmem:s23+$0x40E0] =	vst v0;
	s23 =	sshra.s32 s24, $0x2;
	s24 =	sadd.s32 $0x200, s24  }
0x1a: {  	[tilespmem:s23+$0x40F0] =	vst v0  }
0x1b: {  	[tilespmem:s23+$0x4080] =	vst v0  }
0x1c: {  	[tilespmem:s23+$0x4090] =	vst v0  }
0x1d: {  	[tilespmem:s23+$0x40A0] =	vst v0  }
0x1e: {  	[tilespmem:s23+$0x40B0] =	vst v0  }
0x1f: {  	[tilespmem:s23+$0x40C0] =	vst v0  }
0x20: {  	[tilespmem:s23+$0x40D0] =	vst v0  }
0x21: {  	[tilespmem:s23+$0x40E0] =	vst v0  }
0x22: {  	[spmem:s6] =	stream.linear.scatter [tilespmem:s19], [sflag:$0x1], $0x4000, $0x38;
	[tilespmem:$0x1C080] =	vst v63  }
0x23: {  	_ =	swait.ge [sflag:s20], $0x4000  }
0x24: {  	[sflag:s20] =	ssyncset.done $0x0  }
0x25: {  	[sflag:s20] =	ssyncadd.s32 $0xFFFFC000  }
0x26: {  	[spmem:s7] =	stream.linear.scatter [tilespmem:s19], [sflag:$0x1], $0x4000, $0x38;
	[tilespmem:$0x1C080] =	vst v63  }
0x27: {  	_ =	swait.ge [sflag:s20], $0x4000  }
0x28: {  	[sflag:s20] =	ssyncset.done $0x0  }
0x29: {  	[sflag:s20] =	ssyncadd.s32 $0xFFFFC000  }
0x2a: {  	[spmem:s8] =	stream.linear.scatter [tilespmem:s19], [sflag:$0x1], $0x4000, $0x38;
	[tilespmem:$0x1C080] =	vst v63  }
0x2b: {  	_ =	swait.ge [sflag:s20], $0x4000  }
0x2c: {  	[sflag:s20] =	ssyncset.done $0x0  }
0x2d: {  	[sflag:s20] =	ssyncadd.s32 $0xFFFFC000  }
0x2e: {  	[spmem:s9] =	stream.linear.scatter [tilespmem:s19], [sflag:$0x1], $0x4000, $0x38;
	[tilespmem:$0x1C080] =	vst v63  }
0x2f: {  	_ =	swait.ge [sflag:s20], $0x4000  }
0x30: {  	[sflag:s20] =	ssyncset.done $0x0  }
0x31: {  	[sflag:s20] =	ssyncadd.s32 $0xFFFFC000  }
0x32: {  	[spmem:s10] =	stream.linear.scatter [tilespmem:s19], [sflag:$0x1], $0x2000, $0x38;
	[tilespmem:$0x1C080] =	vst v63  }
0x33: {  	_ =	swait.ge [sflag:s20], $0x2000  }
0x34: {  	[sflag:s20] =	ssyncset.done $0x0  }
0x35: {  	s29 =	sand.u32 $0xFFC00, s18;
	[sflag:s20] =	ssyncadd.s32 $0xFFFFE000  }
0x36: {  	[spmem:s11] =	stream.linear.scatter [tilespmem:s19], [sflag:$0x1], $0x2000, $0x38;
	[tilespmem:$0x1C080] =	vst v63  }
0x37: {  	s24 =	sand.u32 $0x380, s18;
	s23 =	sadd.s32 s12, s29;
	_ =	swait.ge [sflag:s20], $0x2000  }
0x38: {  	s23 =	sor.u32 s24, s23;
	[sflag:s20] =	ssyncset.done $0x0  }
0x39: {  	s23 =	sshrl.u32 s23, $0x3;
	[sflag:s20] =	ssyncadd.s32 $0xFFFFE000  }
0x3a: {  	s23 =	sadd.s32 s5, s23;
	[bflag:$0x0] =	sbarrier.arrive $0xFFFF  }
0x3b: {  	[tilespmem:s4], [sflag:$0x1] =	stream.linear.gather [hbm4b:s23+s4], $0x80, $0x38;
	[tilespmem:$0x1C080] =	vst v63  }
0x3c: {  	_ =	swait.ge [sflag:s20], $0x80  }
0x3d: {  	[sflag:s20] =	ssyncset.done $0x0  }
0x3e: {  	s30 =	sadd.s32 $0x0, s17;
	[sflag:s20] =	ssyncadd.s32 $0xFFFFFF80  }
0x3f: {  	[tilespmem:s21], [sflag:$0x1] =	stream.linear.gather [hbm4b:s30+s4], $0x4000, $0x38;
	[tilespmem:$0x1C080] =	vst v63  }
0x40: {  	_ =	swait.ge [sflag:s20], $0x4000  }
0x41: {  	[sflag:s20] =	ssyncset.done $0x0  }
0x42: {  	s31 =	sadd.s32 $0x0, s16;
	[sflag:s20] =	ssyncadd.s32 $0xFFFFC000  }
0x43: {  	[tilespmem:s19], [sflag:$0x1] =	stream.linear.gather [hbm4b:s31+s4], $0x4000, $0x38;
	[tilespmem:$0x1C080] =	vst v63  }
0x44: {  	_ =	swait.ge [sflag:s20], $0x4000  }
0x45: {  	[sflag:s20] =	ssyncset.done $0x0  }
0x46: {  	[sflag:s20] =	ssyncadd.s32 $0xFFFFC000  }
0x47: {  	[spmem:s3] =	stream.indirect.scatter.add.f32 [tilespmem:s21], [sflag:$0x1], $0x80, s4, s21, $0xb8;
	[tilespmem:$0x1C080] =	vst v63  }
0x48: {  	_ =	swait.ge [sflag:s20], $0x4000  }
0x49: {  	s24 =	sadd.s32 $0x80, s18;
	[sflag:s20] =	ssyncset.done $0x0  }
0x4a: {  	s25 =	sand.u32 $0xFFC00, s24;
	s28 =	sand.u32 $0x380, s24;
	[sflag:s20] =	ssyncadd.s32 $0xFFFFC000  }
0x4b: {  	[spmem:s2] =	stream.indirect.scatter.add.f32 [tilespmem:s19], [sflag:$0x1], $0x80, s4, s21, $0xb8;
	[tilespmem:$0x1C080] =	vst v63  }
0x4c: {  	s26 =	sadd.s32 s12, s25;
	s25 =	simm.s32 $0x1000;
	_ =	swait.ge [sflag:s20], $0x4000  }
0x4d: {  	s26 =	sor.u32 s28, s26;
	s23 =	simm.s32 $0x800;
	[sflag:s20] =	ssyncset.done $0x0  }
.LBB2_4:
0x4e: {  	p0 =	sne.s32 s25, $0x4E000;
	s26 =	sshrl.u32 s26, $0x3;
	[sflag:s20] =	ssyncadd.s32 $0xFFFFC000  }
0x4f: {  	s28 =	smov.u32 s25;
	s25 =	sadd.s32 $0x800, s25;
	s26 =	sadd.s32 s5, s26  }
0x50: {  	[tilespmem:s4], [sflag:$0x1] =	stream.linear.gather [hbm4b:s26+s4], $0x80, $0x38;
	[tilespmem:$0x1C080] =	vst v63  }
0x51: {  	_ =	swait.ge [sflag:s20], $0x80  }
0x52: {  	[sflag:s20] =	ssyncset.done $0x0  }
0x53: {  	s26 =	sadd.s32 s23, s17;
	[sflag:s20] =	ssyncadd.s32 $0xFFFFFF80  }
0x54: {  	[tilespmem:s21], [sflag:$0x1] =	stream.linear.gather [hbm4b:s26+s4], $0x4000, $0x38;
	[tilespmem:$0x1C080] =	vst v63  }
0x55: {  	_ =	swait.ge [sflag:s20], $0x4000  }
0x56: {  	[sflag:s20] =	ssyncset.done $0x0  }
0x57: {  	s26 =	sadd.s32 s23, s16;
	s23 =	smov.u32 s28;
	[sflag:s20] =	ssyncadd.s32 $0xFFFFC000  }
0x58: {  	[tilespmem:s19], [sflag:$0x1] =	stream.linear.gather [hbm4b:s26+s4], $0x4000, $0x38;
	[tilespmem:$0x1C080] =	vst v63  }
0x59: {  	_ =	swait.ge [sflag:s20], $0x4000  }
0x5a: {  	[sflag:s20] =	ssyncset.done $0x0  }
0x5b: {  	[sflag:s20] =	ssyncadd.s32 $0xFFFFC000  }
0x5c: {  	[spmem:s3] =	stream.indirect.scatter.add.f32 [tilespmem:s21], [sflag:$0x1], $0x80, s4, s21, $0xb8;
	[tilespmem:$0x1C080] =	vst v63  }
0x5d: {  	_ =	swait.ge [sflag:s20], $0x4000  }
.Ltmp1:
0x5e: {  	s24 =	sadd.s32 $0x80, s24;
	[sflag:s20] =	ssyncset.done $0x0;
	(pc) =	sbr.rel @p0 .LBB2_4-.Ltmp1, $4  }
0x5f: {  	s26 =	sand.u32 $0xFFC00, s24;
	[sflag:s20] =	ssyncadd.s32 $0xFFFFC000  }
0x60: {  	[spmem:s2] =	stream.indirect.scatter.add.f32 [tilespmem:s19], [sflag:$0x1], $0x80, s4, s21, $0xb8;
	[tilespmem:$0x1C080] =	vst v63  }
0x61: {  	s28 =	sand.u32 $0x380, s24;
	s26 =	sadd.s32 s12, s26;
	_ =	swait.ge [sflag:s20], $0x4000  }
0x62: {  	s26 =	sor.u32 s28, s26;
	[sflag:s20] =	ssyncset.done $0x0  }
0x63: {  	s24 =	sshrl.u32 s26, $0x3  }
0x64: {  	[sflag:s20] =	ssyncadd.s32 $0xFFFFC000;
	s24 =	sadd.s32 s5, s24  }
0x65: {  	[tilespmem:s4], [sflag:$0x1] =	stream.linear.gather [hbm4b:s24+s4], $0x80, $0x38;
	[tilespmem:$0x1C080] =	vst v63  }
0x66: {  	_ =	swait.ge [sflag:s20], $0x80  }
0x67: {  	[sflag:s20] =	ssyncset.done $0x0  }
0x68: {  	s26 =	sadd.s32 s23, s17;
	[sflag:s20] =	ssyncadd.s32 $0xFFFFFF80  }
0x69: {  	[tilespmem:s21], [sflag:$0x1] =	stream.linear.gather [hbm4b:s26+s4], $0x4000, $0x38;
	[tilespmem:$0x1C080] =	vst v63  }
0x6a: {  	_ =	swait.ge [sflag:s20], $0x4000  }
0x6b: {  	[sflag:s20] =	ssyncset.done $0x0  }
0x6c: {  	s28 =	sadd.s32 s23, s16;
	[sflag:s20] =	ssyncadd.s32 $0xFFFFC000  }
0x6d: {  	[tilespmem:s19], [sflag:$0x1] =	stream.linear.gather [hbm4b:s28+s4], $0x4000, $0x38;
	[tilespmem:$0x1C080] =	vst v63  }
0x6e: {  	_ =	swait.ge [sflag:s20], $0x4000  }
0x6f: {  	[sflag:s20] =	ssyncset.done $0x0  }
0x70: {  	[sflag:s20] =	ssyncadd.s32 $0xFFFFC000  }
0x71: {  	[spmem:s3] =	stream.indirect.scatter.add.f32 [tilespmem:s21], [sflag:$0x1], $0x80, s4, s21, $0xb8;
	[tilespmem:$0x1C080] =	vst v63  }
0x72: {  	_ =	swait.ge [sflag:s20], $0x4000  }
0x73: {  	[sflag:s20] =	ssyncset.done $0x0  }
0x74: {  	[sflag:s20] =	ssyncadd.s32 $0xFFFFC000  }
0x75: {  	[spmem:s2] =	stream.indirect.scatter.add.f32 [tilespmem:s19], [sflag:$0x1], $0x80, s4, s21, $0xb8;
	[tilespmem:$0x1C080] =	vst v63  }
0x76: {  	_ =	swait.ge [sflag:s20], $0x4000  }
0x77: {  	[sflag:s20] =	ssyncset.done $0x0  }
0x78: {  	s29 =	sshll.u32 s1, $0x6;
	[sflag:s20] =	ssyncadd.s32 $0xFFFFC000  }
0x79: {  	s30 =	sshrl.u32 s6, $0x3;
	s23 =	sor.u32 $0x1C01, s29;
	[bflag:$0x0] =	sbarrier.arrive $0xFFFF  }
0x7a: {  	[hbm:s13], [sflag:s23] =	dma.local [spmem:s30], $0x1400  }
0x7b: {  	s22 =	sadd.s32 $0x1, s22;
	_ =	swait.ge [sflag:s20], $0x1400  }
0x7c: {  	p0 =	sne.s32 s22, s15;
	[sflag:s20] =	ssyncset.done $0x0  }
.Ltmp2:
0x7d: {  	s31 =	sshrl.u32 s7, $0x3;
	[sflag:s20] =	ssyncadd.s32 $0xFFFFEC00;
	(pc) =	sbr.rel @p0 .LBB2_1-.Ltmp2, $4  }
0x7e: {  	[hbm:s14], [sflag:s23] =	dma.local [spmem:s31], $0x1400  }
0x7f: {  	_ =	swait.ge [sflag:s20], $0x1400  }
0x80: {  	[sflag:s20] =	ssyncset.done $0x0  }
0x81: {  	[sflag:s20] =	ssyncadd.s32 $0xFFFFEC00  }
0x82: {  	_ =	sfence.sel $0x180000  }
0x83: {  	[bflag:$0x0] =	sbarrier.arrive $0xFFFF  }
0x84: {  	p0 =	sne.s32 s1, $0x0;
	_ =	strace $0x90000056  }
0x85: {  	s0 =	sadd.s32 @!p0 $0x100000, s0;
	[bflag:$0x2] =	sbarrier.arrive $0xFFFF  }
0x86: {  	[sflag:s0] =	ssyncadd.tile.s32 @!p0 $0x1;
	_ =	shalt  }
.Lfunc_end2:
_tile_overlayer_lowered:
.L_overlay_start_2:
0x87: {  	(tag) =	ssettag $0x2  }
0x88: {  	s0 =	rddreg [dreg:$0x0];
	s2 =	stileid.u32  }
0x89: {  	s1 =	rddreg [dreg:$0x1];
	p0 =	sne.s32 s2, $0x0  }
0x8a: {  	s3 =	rddreg [dreg:$0x2];
	[bflag:$0x3] =	sbarrier.arrive $0xFFFF;
	s2 =	simm.s32 @!p0 $0x1C01  }
0x8b: {  	[timem:s3], [sflag:s2] =	dma.local @!p0 [hbm:s0], s1  }
0x8c: {  	s0 =	simm.s32 @!p0 $0x1  }
0x8d: {  	_ =	swait.ge @!p0 [sflag:s0], s1  }
0x8e: {  	s1 =	ssub.s32 @!p0 $0x0, s1;
	[sflag:s0] =	ssyncset.done @!p0 $0x0  }
0x8f: {  	[sflag:s0] =	ssyncadd.s32 @!p0 s1  }
0x90: {  	[bflag:$0x3] =	sbarrier.arrive $0xFFFF  }
0x91: {  	_ =	shalt  }

// kernel: kernel.24.cloned.1.call-start
scs
__scs_entry_jumppad:
0x0: {  	(pc) =	sbr.rel $0x88, $3  }
0x1: {  	(tag) =	ssettag $0x0;
	lr =	simm.s32 $0x1  }
0x2: {  	[smem:$0x3F73] =	sst lr;
	_ =	strace $0xD0000000  }
0x3: {  	_ = 	snop  }
0x4: {  	_ = 	snop  }
0x5: {  	_ = 	snop  }
0x6: {  	_ = 	snop  }
0x7: {  	_ = 	snop  }
__scs_overlays_trampoline_lowered:
0x8: {  	[smem:$0x3F82] =	sst s0  }
0x9: {  	[smem:$0x3F83] =	sst s1  }
0xa: {  	[smem:$0x3F84] =	sst s2  }
0xb: {  	[smem:$0x3F85] =	sst s3  }
0xc: {  	[smem:$0x3F86] =	sst s4  }
0xd: {  	[smem:$0x3F87] =	sst s5  }
0xe: {  	[smem:$0x3F88] =	sst s6  }
0xf: {  	[smem:$0x3F89] =	sst s7  }
0x10: {  	[smem:$0x3F8A] =	sst s8  }
0x11: {  	[smem:$0x3F8B] =	sst s9;
	s0 =	simm.s32 @!p0 $0x0  }
0x12: {  	s1 =	sld [smem:$0x3F71];
	s0 =	simm.s32 @p0 $0x1  }
0x13: {  	[smem:$0x3F8C] =	sst s0;
	s0 =	simm.s32 @!p1 $0x0  }
0x14: {  	s2 =	sld [smem:$0x3F70];
	s0 =	simm.s32 @p1 $0x1  }
0x15: {  	[smem:$0x3F8D] =	sst s0;
	s0 =	simm.s32 @!p2 $0x0  }
0x16: {  	s3 =	sld [smem:$0x3FDB];
	s0 =	simm.s32 @p2 $0x1  }
0x17: {  	s4 =	simm.s32 $0x1BF5;
	[smem:$0x3F8F] =	sst s0  }
0x18: {  	s0 =	sld [smem:$0x3F72];
	_ =	swait.ge [sflag:s4], $0x0  }
0x19: {  	s7 =	sld [smem:$0x3F73]  }
0x1a: {  	s8 =	sadd.s32 $0xFFFFE003, lr  }
0x1b: {  	s9 =	sadd.s32 $0xFFFFFEF7, lr;
	s5 =	simm.s32 $0xFFFFFFFF;
	p2 =	slt.u32 s8, $0xFFFFF086  }
0x1c: {  	p1 =	slt.u32 s9, $0xF7A;
	s5 =	simm.s32 @!p2 $0x0  }
0x1d: {  	s5 =	simm.s32 @p1 $0x1;
	p0 =	seq.s32 s7, s2  }
0x1e: {  	s7 =	smul.u32 @!p0 $0xF7A, s2;
	p2 =	seq.s32 @!p0 s5, $0x0  }
0x1f: {  	s9 =	smul.u32 $0xF7A, s1;
	s8 =	simm.s32 @!p0 $0x1BF5;
	p2 =	por !p2, p0  }
0x20: {  	[sflag:s8] =	ssyncset.s32 @!p0 $0xFFFFF086;
	s6 =	sadd.s32 @!p0 s3, s7;
	s7 =	simm.s32 @!p0 $0x108  }
0x21: {  	s3 =	sadd.s32 s3, s9;
	s6 =	sadd.s32 @!p0 $0x88, s6;
	s7 =	simm.s32 @p2 $0x1082  }
0x22: {  	[simem:s7], [sflag:s8] =	dma.local @!p0 [hbm:s6], $0xF7A  }
0x23: {  	s9 =	sor.u32 $0xD0000000, s2;
	s6 =	simm.s32 $0x108;
	_ =	swait.ge @!p0 [sflag:s8], $0x0  }
0x24: {  	s3 =	sadd.s32 $0x88, s3;
	s6 =	simm.s32 @!p1 $0x1082;
	[sflag:s4] =	ssyncset.s32 $0xFFFFF086  }
0x25: {  	[simem:s6], [sflag:s4] =	dma.local [hbm:s3], $0xF7A  }
0x26: {  	[smem:$0x3F73] =	sst s1;
	(tag) =	ssettag s2;
	_ =	strace s9  }
0x27: {  	s1 =	sld [smem:$0x3F83]  }
0x28: {  	s2 =	sld [smem:$0x3F84]  }
0x29: {  	s4 =	sld [smem:$0x3F86]  }
0x2a: {  	p0 =	seq.s32 s5, $0x0;
	s5 =	sld [smem:$0x3F87]  }
0x2b: {  	s6 =	sld [smem:$0x3F88]  }
0x2c: {  	s7 =	sld [smem:$0x3F89]  }
0x2d: {  	s3 =	simm.s32 $0x108;
	s8 =	sld [smem:$0x3F8A]  }
0x2e: {  	s3 =	simm.s32 @!p0 $0x1082;
	s9 =	sld [smem:$0x3F8B]  }
0x2f: {  	lr =	sadd.s32 s0, s3;
	s0 =	sld [smem:$0x3F82]  }
0x30: {  	s3 =	sld [smem:$0x3F85]  }
0x31: {  	[smem:$0x3F8E] =	sst s10  }
0x32: {  	s10 =	sld [smem:$0x3F8C];
	_ =	sdelay $0x3  }
0x33: {  	p0 =	seq.s32 s10, $0x1;
	s10 =	sld [smem:$0x3F8E];
	_ =	sdelay $0x3  }
0x34: {  	[smem:$0x3F8E] =	sst s10  }
0x35: {  	s10 =	sld [smem:$0x3F8D];
	_ =	sdelay $0x3  }
0x36: {  	p1 =	seq.s32 s10, $0x1;
	s10 =	sld [smem:$0x3F8E];
	_ =	sdelay $0x3  }
0x37: {  	[smem:$0x3F8E] =	sst s10  }
0x38: {  	s10 =	sld [smem:$0x3F8F]  }
0x39: {  	_ = 	snop;
	(pc) =	sbr.ind lr, $3  }
0x3a: {  	_ = 	snop  }
0x3b: {  	_ = 	snop  }
0x3c: {  	p2 =	seq.s32 s10, $0x1;
	s10 =	sld [smem:$0x3F8E]  }
0x3d: {  	_ =	shalt  }
0x3e: {  	_ =	shalt  }
0x3f: {  	_ =	shalt  }
0x40: {  	_ =	shalt  }
0x41: {  	_ =	shalt  }
0x42: {  	_ =	shalt  }
0x43: {  	_ =	shalt  }
0x44: {  	_ =	shalt  }
0x45: {  	_ =	shalt  }
0x46: {  	_ =	shalt  }
0x47: {  	_ =	shalt  }
0x48: {  	_ =	shalt  }
0x49: {  	_ =	shalt  }
0x4a: {  	_ =	shalt  }
0x4b: {  	_ =	shalt  }
0x4c: {  	_ =	shalt  }
0x4d: {  	_ =	shalt  }
0x4e: {  	_ =	shalt  }
0x4f: {  	_ =	shalt  }
0x50: {  	_ =	shalt  }
0x51: {  	_ =	shalt  }
0x52: {  	_ =	shalt  }
0x53: {  	_ =	shalt  }
0x54: {  	_ =	shalt  }
0x55: {  	_ =	shalt  }
0x56: {  	_ =	shalt  }
0x57: {  	_ =	shalt  }
0x58: {  	_ =	shalt  }
0x59: {  	_ =	shalt  }
0x5a: {  	_ =	shalt  }
0x5b: {  	_ =	shalt  }
0x5c: {  	_ =	shalt  }
0x5d: {  	_ =	shalt  }
0x5e: {  	_ =	shalt  }
0x5f: {  	_ =	shalt  }
0x60: {  	_ =	shalt  }
0x61: {  	_ =	shalt  }
0x62: {  	_ =	shalt  }
0x63: {  	_ =	shalt  }
0x64: {  	_ =	shalt  }
0x65: {  	_ =	shalt  }
0x66: {  	_ =	shalt  }
0x67: {  	_ =	shalt  }
0x68: {  	_ =	shalt  }
0x69: {  	_ =	shalt  }
0x6a: {  	_ =	shalt  }
0x6b: {  	_ =	shalt  }
0x6c: {  	_ =	shalt  }
0x6d: {  	_ =	shalt  }
0x6e: {  	_ =	shalt  }
0x6f: {  	_ =	shalt  }
0x70: {  	_ =	shalt  }
0x71: {  	_ =	shalt  }
0x72: {  	_ =	shalt  }
0x73: {  	_ =	shalt  }
0x74: {  	_ =	shalt  }
0x75: {  	_ =	shalt  }
0x76: {  	_ =	shalt  }
0x77: {  	_ =	shalt  }
0x78: {  	_ =	shalt  }
0x79: {  	_ =	shalt  }
0x7a: {  	_ =	shalt  }
0x7b: {  	_ =	shalt  }
0x7c: {  	_ =	shalt  }
0x7d: {  	_ =	shalt  }
0x7e: {  	_ =	shalt  }
0x7f: {  	_ =	shalt  }
0x80: {  	_ =	shalt  }
0x81: {  	_ =	shalt  }
0x82: {  	_ =	shalt  }
0x83: {  	_ =	shalt  }
0x84: {  	_ =	shalt  }
0x85: {  	_ =	shalt  }
0x86: {  	_ =	shalt  }
0x87: {  	_ =	shalt  }
.Lfunc_end0:
.L_simem_size_0:
called_computation.7_lowered:
.L_overlay_start_0:
0x88: {  	s2 =	sld [smem:$0x3FD9]  }
0x89: {  	s3 =	sld [smem:$0x3FFE];
	_ =	sdelay $0x1  }
0x8a: {  	s1 =	srdreg.scid  }
0x8b: {  	s0 =	sand.u32 $0x1, s1  }
0x8c: {  	s16 =	sshll.u32 s0, $0xA;
	s2 =	sadd.s32 s3, s2  }
0x8d: {  	s2 =	sadd.s32 s2, s16  }
0x8e: {  	[smem:$0x3F9A] =	sst s2  }
0x8f: {  	_ = 	snop  }
0x90: {  	(tm) =	ssettm $0x1  }
0x91: {  	s17 =	sld [smem:$0x3FFB];
	_ =	sdelay $0x3  }
0x92: {  	_ =	strace s17  }
0x93: {  	s2 =	sld [smem:$0x3FFC];
	_ =	sdelay $0x3  }
0x94: {  	_ =	strace s2  }
0x95: {  	s2 =	sld [smem:$0x3FFD];
	_ =	sdelay $0x3  }
0x96: {  	_ =	strace s2  }
0x97: {  	_ =	strace $0x8FFFFFFF  }
0x98: {  	s18 =	sld [smem:$0x3FDB];
	_ =	sdelay $0x1  }
0x99: {  	s19 =	simm.s32 $_scs_section_size  }
0x9a: {  	s4 =	simm.s32 $_size__tile_overlayer_lowered;
	s5 =	simm.s32 $_tile_overlayer_lowered  }
0x9b: {  	s22 =	simm.s32 $0x1BFF;
	s21 =	sshll.u32 s5, $0x1;
	s2 =	sadd.s32 s19, s18  }
0x9c: {  	s6 =	simm.s32 $0x0;
	s20 =	sshll.u32 s4, $0x1;
	s4 =	sadd.s32 s21, s2  }
0x9d: {  	[timem:s6], [sflag:s22] =	dma.local [hbm:s4], s20  }
0x9e: {  	_ =	swait.ge [sflag:s22], s20  }
0x9f: {  	s3 =	ssub.s32 $0x0, s20;
	[sflag:s22] =	ssyncset.done $0x0  }
0xa0: {  	[sflag:s22] =	ssyncadd.s32 s3;
	_ =	sdelay $0x1  }
0xa1: {  	s23 =	simm.s32 $0x1B8B  }
0xa2: {  	_ =	swait.ge [sflag:s23], $0x1  }
0xa3: {  	[sflag:s23] =	ssyncset.done $0x0  }
0xa4: {  	s25 =	simm.s32 $0x1B8E;
	s24 =	sld [smem:$0x3FFE];
	[sflag:s23] =	ssyncadd.s32 $0xFFFFFFFF  }
0xa5: {  	s26 =	simm.s32 $execute0_lowered;
	[smem:$0x3FD2] =	sst s25  }
0xa6: {  	s4 =	sshll.u32 s26, $0x1;
	_ =	strace $0x8000005B;
	[dreg:$0x1] =	wrdreg $0xFFFFFFFF  }
0xa7: {  	s28 =	simm.s32 $_size_execute0_lowered;
	s2 =	sadd.s32 s2, s4;
	[dreg:$0x0] =	wrdreg $0x0  }
0xa8: {  	s4 =	sshll.u32 s28, $0x1;
	[dreg:$0x2] =	wrdreg s2  }
0xa9: {  	[dreg:$0x3] =	wrdreg s4  }
0xaa: {  	[dreg:$0x4] =	wrdreg $0xC0  }
0xab: {  	_ =	task [dreg:s6], $0x5FFFF  }
0xac: {  	[dreg:$0x1] =	wrdreg $0xFFFFFFFF  }
0xad: {  	[dreg:$0x0] =	wrdreg $0x60  }
0xae: {  	[dreg:$0x2] =	wrdreg s24  }
0xaf: {  	[dreg:$0x3] =	wrdreg $0x80800  }
0xb0: {  	[dreg:$0x4] =	wrdreg $0x120800  }
0xb1: {  	[dreg:$0x5] =	wrdreg $0x9  }
0xb2: {  	_ =	task.clear_ibuf [dreg:s6], $0x6FFFF;
	_ =	strace $0x9000005B  }
0xb3: {  	s29 =	simm.s32 $0x9;
	_ =	strace $0x8000005D  }
0xb4: {  	_ =	swait.ge [sflag:s29], $0x1  }
0xb5: {  	[sflag:s29] =	ssyncadd.s32 $0xFFFFFFFF  }
0xb6: {  	_ =	strace $0x9000005D  }
0xb7: {  	_ =	sfence  }
0xb8: {  	s30 =	sld [smem:$0x0];
	_ =	sdelay $0x2  }
0xb9: {  	s31 =	sshll.u32 s1, $0xD;
	s1 =	sshrl.u32 s1, $0x2  }
0xba: {  	s3 =	sand.u32 $0x4000, s31;
	s1 =	sadd.s32 s1, s30  }
0xbb: {  	s0 =	sor.u32 s3, s0;
	s1 =	sshll.u32 s1, $0x11  }
0xbc: {  	s0 =	sor.u32 s1, s0  }
0xbd: {  	s0 =	sadd.s32 $0x8F2B, s0  }
0xbe: {  	[sflag:s0] =	ssyncadd.remote.s32 $0x1  }
0xbf: {  	_ =	sfence.sel $0xFFFF  }
0xc0: {  	[dreg:$0x0] =	wrdreg $0xFFFFFFFF;
	(pc) =	sbr.abs _section_cstart, $3  }
0xc1: {  	[dreg:$0x1] =	wrdreg $0xFFFFFFFF  }
0xc2: {  	_ =	task.clear_ibuf [dreg:s6], $0x2FFFF;
	_ =	strace $0x9FFFFFFF  }
0xc3: {  	(tm) =	ssettm $0x7FFFFFFF  }
tec
execute0_lowered:
.L_overlay_start_1:
0x0: {  	(tag) =	ssettag $0x1  }
0x1: {  	s6 =	rddreg [dreg:$0x0]  }
0x2: {  	s2 =	rddreg [dreg:$0x1]  }
0x3: {  	s3 =	rddreg [dreg:$0x2]  }
0x4: {  	s0 =	rddreg [dreg:$0x3]  }
0x5: {  	s1 =	stileid.u32;
	s7 =	srdreg.scid;
	s4 =	simm.s32 $0x0  }
0x6: {  	s19 =	simm.s32 $0x4080;
	s20 =	simm.s32 $0x1;
	s5 =	smul.u32 $0x4E800, s1  }
0x7: {  	s21 =	simm.s32 $0x80;
	s22 =	simm.s32 $0x0;
	s8 =	smul.u32 $0xA000, s1  }
0x8: {  	s12 =	sand.u32 $0x1, s7;
	[smem:$0x7FF] =	sst s4;
	s18 =	smul.u32 $0x4E80, s1  }
0x9: {  	s7 =	smul.u32 $0xA0000, s12;
	_ =	strace $0x8000005C;
	s9 =	ssub.s32 $0x2, s12  }
0xa: {  	s12 =	smul.u32 $0x4E800, s12;
	s17 =	sadd.s32 s5, s6;
	s5 =	sadd.s32 $0x8FC00, s6  }
0xb: {  	s10 =	sshrl.u32 s9, $0x1;
	s31 =	sadd.s32 $0x4000, s8;
	s11 =	sadd.s32 $0x8000, s8  }
0xc: {  	s7 =	sadd.s32 s8, s7;
	s15 =	ssub.s32 s9, s10;
	s9 =	sadd.s32 s31, s3  }
0xd: {  	s10 =	sadd.s32 s11, s2;
	s11 =	sadd.s32 s11, s3;
	s16 =	sadd.s32 $0xF1A00, s17  }
0xe: {  	s17 =	sadd.s32 $0xFBD800, s17;
	s7 =	sshrl.u32 s7, $0x3;
	s15 =	smax.u32 s15, $0x1  }
0xf: {  	s14 =	sadd.s32 s7, s6;
	s6 =	sadd.s32 s8, s2;
	s7 =	sadd.s32 s8, s3  }
0x10: {  	v0 =	vimm.f32 $0.0e+00;
	s8 =	sadd.s32 s31, s2;
	s13 =	sadd.s32 $0x66E00, s14;
	s14 =	sadd.s32 $0x3EE00, s14  }
.LBB2_1:
0x11: {  	s23 =	simm.s32 $0x0;
	s24 =	simm.s32 $0x200  }
.LBB2_2:
0x12: {  	p0 =	sne.s32 s24, $0xFE00;
	[tilespmem:s23+$0x40F0] =	vst v0  }
0x13: {  	[tilespmem:s23+$0x4080] =	vst v0  }
0x14: {  	[tilespmem:s23+$0x4090] =	vst v0  }
.Ltmp0:
0x15: {  	[tilespmem:s23+$0x40A0] =	vst v0;
	(pc) =	sbr.rel @p0 .LBB2_2-.Ltmp0, $4  }
0x16: {  	[tilespmem:s23+$0x40B0] =	vst v0  }
0x17: {  	[tilespmem:s23+$0x40C0] =	vst v0  }
0x18: {  	[tilespmem:s23+$0x40D0] =	vst v0  }
0x19: {  	[tilespmem:s23+$0x40E0] =	vst v0;
	s23 =	sshra.s32 s24, $0x2;
	s24 =	sadd.s32 $0x200, s24  }
0x1a: {  	[tilespmem:s23+$0x40F0] =	vst v0  }
0x1b: {  	[tilespmem:s23+$0x4080] =	vst v0  }
0x1c: {  	[tilespmem:s23+$0x4090] =	vst v0  }
0x1d: {  	[tilespmem:s23+$0x40A0] =	vst v0  }
0x1e: {  	[tilespmem:s23+$0x40B0] =	vst v0  }
0x1f: {  	[tilespmem:s23+$0x40C0] =	vst v0  }
0x20: {  	[tilespmem:s23+$0x40D0] =	vst v0  }
0x21: {  	[tilespmem:s23+$0x40E0] =	vst v0  }
0x22: {  	[spmem:s6] =	stream.linear.scatter [tilespmem:s19], [sflag:$0x1], $0x4000, $0x38;
	[tilespmem:$0x1C080] =	vst v63  }
0x23: {  	_ =	swait.ge [sflag:s20], $0x4000  }
0x24: {  	[sflag:s20] =	ssyncset.done $0x0  }
0x25: {  	[sflag:s20] =	ssyncadd.s32 $0xFFFFC000  }
0x26: {  	[spmem:s7] =	stream.linear.scatter [tilespmem:s19], [sflag:$0x1], $0x4000, $0x38;
	[tilespmem:$0x1C080] =	vst v63  }
0x27: {  	_ =	swait.ge [sflag:s20], $0x4000  }
0x28: {  	[sflag:s20] =	ssyncset.done $0x0  }
0x29: {  	[sflag:s20] =	ssyncadd.s32 $0xFFFFC000  }
0x2a: {  	[spmem:s8] =	stream.linear.scatter [tilespmem:s19], [sflag:$0x1], $0x4000, $0x38;
	[tilespmem:$0x1C080] =	vst v63  }
0x2b: {  	_ =	swait.ge [sflag:s20], $0x4000  }
0x2c: {  	[sflag:s20] =	ssyncset.done $0x0  }
0x2d: {  	[sflag:s20] =	ssyncadd.s32 $0xFFFFC000  }
0x2e: {  	[spmem:s9] =	stream.linear.scatter [tilespmem:s19], [sflag:$0x1], $0x4000, $0x38;
	[tilespmem:$0x1C080] =	vst v63  }
0x2f: {  	_ =	swait.ge [sflag:s20], $0x4000  }
0x30: {  	[sflag:s20] =	ssyncset.done $0x0  }
0x31: {  	[sflag:s20] =	ssyncadd.s32 $0xFFFFC000  }
0x32: {  	[spmem:s10] =	stream.linear.scatter [tilespmem:s19], [sflag:$0x1], $0x2000, $0x38;
	[tilespmem:$0x1C080] =	vst v63  }
0x33: {  	_ =	swait.ge [sflag:s20], $0x2000  }
0x34: {  	[sflag:s20] =	ssyncset.done $0x0  }
0x35: {  	s29 =	sand.u32 $0xFFC00, s18;
	[sflag:s20] =	ssyncadd.s32 $0xFFFFE000  }
0x36: {  	[spmem:s11] =	stream.linear.scatter [tilespmem:s19], [sflag:$0x1], $0x2000, $0x38;
	[tilespmem:$0x1C080] =	vst v63  }
0x37: {  	s24 =	sand.u32 $0x380, s18;
	s23 =	sadd.s32 s12, s29;
	_ =	swait.ge [sflag:s20], $0x2000  }
0x38: {  	s23 =	sor.u32 s24, s23;
	[sflag:s20] =	ssyncset.done $0x0  }
0x39: {  	s23 =	sshrl.u32 s23, $0x3;
	[sflag:s20] =	ssyncadd.s32 $0xFFFFE000  }
0x3a: {  	s23 =	sadd.s32 s5, s23;
	[bflag:$0x0] =	sbarrier.arrive $0xFFFF  }
0x3b: {  	[tilespmem:s4], [sflag:$0x1] =	stream.linear.gather [hbm4b:s23+s4], $0x80, $0x38;
	[tilespmem:$0x1C080] =	vst v63  }
0x3c: {  	_ =	swait.ge [sflag:s20], $0x80  }
0x3d: {  	[sflag:s20] =	ssyncset.done $0x0  }
0x3e: {  	s30 =	sadd.s32 $0x0, s17;
	[sflag:s20] =	ssyncadd.s32 $0xFFFFFF80  }
0x3f: {  	[tilespmem:s21], [sflag:$0x1] =	stream.linear.gather [hbm4b:s30+s4], $0x4000, $0x38;
	[tilespmem:$0x1C080] =	vst v63  }
0x40: {  	_ =	swait.ge [sflag:s20], $0x4000  }
0x41: {  	[sflag:s20] =	ssyncset.done $0x0  }
0x42: {  	s31 =	sadd.s32 $0x0, s16;
	[sflag:s20] =	ssyncadd.s32 $0xFFFFC000  }
0x43: {  	[tilespmem:s19], [sflag:$0x1] =	stream.linear.gather [hbm4b:s31+s4], $0x4000, $0x38;
	[tilespmem:$0x1C080] =	vst v63  }
0x44: {  	_ =	swait.ge [sflag:s20], $0x4000  }
0x45: {  	[sflag:s20] =	ssyncset.done $0x0  }
0x46: {  	[sflag:s20] =	ssyncadd.s32 $0xFFFFC000  }
0x47: {  	[spmem:s3] =	stream.indirect.scatter.add.f32 [tilespmem:s21], [sflag:$0x1], $0x80, s4, s21, $0xb8;
	[tilespmem:$0x1C080] =	vst v63  }
0x48: {  	_ =	swait.ge [sflag:s20], $0x4000  }
0x49: {  	s24 =	sadd.s32 $0x80, s18;
	[sflag:s20] =	ssyncset.done $0x0  }
0x4a: {  	s25 =	sand.u32 $0xFFC00, s24;
	s28 =	sand.u32 $0x380, s24;
	[sflag:s20] =	ssyncadd.s32 $0xFFFFC000  }
0x4b: {  	[spmem:s2] =	stream.indirect.scatter.add.f32 [tilespmem:s19], [sflag:$0x1], $0x80, s4, s21, $0xb8;
	[tilespmem:$0x1C080] =	vst v63  }
0x4c: {  	s26 =	sadd.s32 s12, s25;
	s25 =	simm.s32 $0x1000;
	_ =	swait.ge [sflag:s20], $0x4000  }
0x4d: {  	s26 =	sor.u32 s28, s26;
	s23 =	simm.s32 $0x800;
	[sflag:s20] =	ssyncset.done $0x0  }
.LBB2_4:
0x4e: {  	p0 =	sne.s32 s25, $0x4E000;
	s26 =	sshrl.u32 s26, $0x3;
	[sflag:s20] =	ssyncadd.s32 $0xFFFFC000  }
0x4f: {  	s28 =	smov.u32 s25;
	s25 =	sadd.s32 $0x800, s25;
	s26 =	sadd.s32 s5, s26  }
0x50: {  	[tilespmem:s4], [sflag:$0x1] =	stream.linear.gather [hbm4b:s26+s4], $0x80, $0x38;
	[tilespmem:$0x1C080] =	vst v63  }
0x51: {  	_ =	swait.ge [sflag:s20], $0x80  }
0x52: {  	[sflag:s20] =	ssyncset.done $0x0  }
0x53: {  	s26 =	sadd.s32 s23, s17;
	[sflag:s20] =	ssyncadd.s32 $0xFFFFFF80  }
0x54: {  	[tilespmem:s21], [sflag:$0x1] =	stream.linear.gather [hbm4b:s26+s4], $0x4000, $0x38;
	[tilespmem:$0x1C080] =	vst v63  }
0x55: {  	_ =	swait.ge [sflag:s20], $0x4000  }
0x56: {  	[sflag:s20] =	ssyncset.done $0x0  }
0x57: {  	s26 =	sadd.s32 s23, s16;
	s23 =	smov.u32 s28;
	[sflag:s20] =	ssyncadd.s32 $0xFFFFC000  }
0x58: {  	[tilespmem:s19], [sflag:$0x1] =	stream.linear.gather [hbm4b:s26+s4], $0x4000, $0x38;
	[tilespmem:$0x1C080] =	vst v63  }
0x59: {  	_ =	swait.ge [sflag:s20], $0x4000  }
0x5a: {  	[sflag:s20] =	ssyncset.done $0x0  }
0x5b: {  	[sflag:s20] =	ssyncadd.s32 $0xFFFFC000  }
0x5c: {  	[spmem:s3] =	stream.indirect.scatter.add.f32 [tilespmem:s21], [sflag:$0x1], $0x80, s4, s21, $0xb8;
	[tilespmem:$0x1C080] =	vst v63  }
0x5d: {  	_ =	swait.ge [sflag:s20], $0x4000  }
.Ltmp1:
0x5e: {  	s24 =	sadd.s32 $0x80, s24;
	[sflag:s20] =	ssyncset.done $0x0;
	(pc) =	sbr.rel @p0 .LBB2_4-.Ltmp1, $4  }
0x5f: {  	s26 =	sand.u32 $0xFFC00, s24;
	[sflag:s20] =	ssyncadd.s32 $0xFFFFC000  }
0x60: {  	[spmem:s2] =	stream.indirect.scatter.add.f32 [tilespmem:s19], [sflag:$0x1], $0x80, s4, s21, $0xb8;
	[tilespmem:$0x1C080] =	vst v63  }
0x61: {  	s28 =	sand.u32 $0x380, s24;
	s26 =	sadd.s32 s12, s26;
	_ =	swait.ge [sflag:s20], $0x4000  }
0x62: {  	s26 =	sor.u32 s28, s26;
	[sflag:s20] =	ssyncset.done $0x0  }
0x63: {  	s24 =	sshrl.u32 s26, $0x3  }
0x64: {  	[sflag:s20] =	ssyncadd.s32 $0xFFFFC000;
	s24 =	sadd.s32 s5, s24  }
0x65: {  	[tilespmem:s4], [sflag:$0x1] =	stream.linear.gather [hbm4b:s24+s4], $0x80, $0x38;
	[tilespmem:$0x1C080] =	vst v63  }
0x66: {  	_ =	swait.ge [sflag:s20], $0x80  }
0x67: {  	[sflag:s20] =	ssyncset.done $0x0  }
0x68: {  	s26 =	sadd.s32 s23, s17;
	[sflag:s20] =	ssyncadd.s32 $0xFFFFFF80  }
0x69: {  	[tilespmem:s21], [sflag:$0x1] =	stream.linear.gather [hbm4b:s26+s4], $0x4000, $0x38;
	[tilespmem:$0x1C080] =	vst v63  }
0x6a: {  	_ =	swait.ge [sflag:s20], $0x4000  }
0x6b: {  	[sflag:s20] =	ssyncset.done $0x0  }
0x6c: {  	s28 =	sadd.s32 s23, s16;
	[sflag:s20] =	ssyncadd.s32 $0xFFFFC000  }
0x6d: {  	[tilespmem:s19], [sflag:$0x1] =	stream.linear.gather [hbm4b:s28+s4], $0x4000, $0x38;
	[tilespmem:$0x1C080] =	vst v63  }
0x6e: {  	_ =	swait.ge [sflag:s20], $0x4000  }
0x6f: {  	[sflag:s20] =	ssyncset.done $0x0  }
0x70: {  	[sflag:s20] =	ssyncadd.s32 $0xFFFFC000  }
0x71: {  	[spmem:s3] =	stream.indirect.scatter.add.f32 [tilespmem:s21], [sflag:$0x1], $0x80, s4, s21, $0xb8;
	[tilespmem:$0x1C080] =	vst v63  }
0x72: {  	_ =	swait.ge [sflag:s20], $0x4000  }
0x73: {  	[sflag:s20] =	ssyncset.done $0x0  }
0x74: {  	[sflag:s20] =	ssyncadd.s32 $0xFFFFC000  }
0x75: {  	[spmem:s2] =	stream.indirect.scatter.add.f32 [tilespmem:s19], [sflag:$0x1], $0x80, s4, s21, $0xb8;
	[tilespmem:$0x1C080] =	vst v63  }
0x76: {  	_ =	swait.ge [sflag:s20], $0x4000  }
0x77: {  	[sflag:s20] =	ssyncset.done $0x0  }
0x78: {  	s29 =	sshll.u32 s1, $0x6;
	[sflag:s20] =	ssyncadd.s32 $0xFFFFC000  }
0x79: {  	s30 =	sshrl.u32 s6, $0x3;
	s23 =	sor.u32 $0x1C01, s29;
	[bflag:$0x0] =	sbarrier.arrive $0xFFFF  }
0x7a: {  	[hbm:s13], [sflag:s23] =	dma.local [spmem:s30], $0x1400  }
0x7b: {  	s22 =	sadd.s32 $0x1, s22;
	_ =	swait.ge [sflag:s20], $0x1400  }
0x7c: {  	p0 =	sne.s32 s22, s15;
	[sflag:s20] =	ssyncset.done $0x0  }
.Ltmp2:
0x7d: {  	s31 =	sshrl.u32 s7, $0x3;
	[sflag:s20] =	ssyncadd.s32 $0xFFFFEC00;
	(pc) =	sbr.rel @p0 .LBB2_1-.Ltmp2, $4  }
0x7e: {  	[hbm:s14], [sflag:s23] =	dma.local [spmem:s31], $0x1400  }
0x7f: {  	_ =	swait.ge [sflag:s20], $0x1400  }
0x80: {  	[sflag:s20] =	ssyncset.done $0x0  }
0x81: {  	[sflag:s20] =	ssyncadd.s32 $0xFFFFEC00  }
0x82: {  	_ =	sfence.sel $0x180000  }
0x83: {  	[bflag:$0x0] =	sbarrier.arrive $0xFFFF  }
0x84: {  	p0 =	sne.s32 s1, $0x0;
	_ =	strace $0x9000005C  }
0x85: {  	s0 =	sadd.s32 @!p0 $0x100000, s0;
	[bflag:$0x2] =	sbarrier.arrive $0xFFFF  }
0x86: {  	[sflag:s0] =	ssyncadd.tile.s32 @!p0 $0x1;
	_ =	shalt  }
.Lfunc_end2:
_tile_overlayer_lowered:
.L_overlay_start_2:
0x87: {  	(tag) =	ssettag $0x2  }
0x88: {  	s0 =	rddreg [dreg:$0x0];
	s2 =	stileid.u32  }
0x89: {  	s1 =	rddreg [dreg:$0x1];
	p0 =	sne.s32 s2, $0x0  }
0x8a: {  	s3 =	rddreg [dreg:$0x2];
	[bflag:$0x3] =	sbarrier.arrive $0xFFFF;
	s2 =	simm.s32 @!p0 $0x1C01  }
0x8b: {  	[timem:s3], [sflag:s2] =	dma.local @!p0 [hbm:s0], s1  }
0x8c: {  	s0 =	simm.s32 @!p0 $0x1  }
0x8d: {  	_ =	swait.ge @!p0 [sflag:s0], s1  }
0x8e: {  	s1 =	ssub.s32 @!p0 $0x0, s1;
	[sflag:s0] =	ssyncset.done @!p0 $0x0  }
0x8f: {  	[sflag:s0] =	ssyncadd.s32 @!p0 s1  }
0x90: {  	[bflag:$0x3] =	sbarrier.arrive $0xFFFF  }
0x91: {  	_ =	shalt  }

// kernel: sparse-core-data-format-call.1.cloned.1.call-start
scs
called_computation.1_lowered:
.L_overlay_start_0:
0x0: {  	s1 =	sld [smem:$0x3FD9]  }
0x1: {  	s2 =	sld [smem:$0x3FFE];
	_ =	sdelay $0x1  }
0x2: {  	s3 =	srdreg.scid  }
0x3: {  	s0 =	sand.u32 $0x1, s3  }
0x4: {  	s17 =	sshll.u32 s0, $0xA;
	s1 =	sadd.s32 s2, s1  }
0x5: {  	s1 =	sadd.s32 s1, s17  }
0x6: {  	[smem:$0x3F9A] =	sst s1  }
0x7: {  	_ = 	snop  }
0x8: {  	(tm) =	ssettm $0x1  }
0x9: {  	s18 =	sld [smem:$0x3FFB];
	_ =	sdelay $0x3  }
0xa: {  	_ =	strace s18  }
0xb: {  	s1 =	sld [smem:$0x3FFC];
	_ =	sdelay $0x3  }
0xc: {  	_ =	strace s1  }
0xd: {  	s1 =	sld [smem:$0x3FFD];
	_ =	sdelay $0x3  }
0xe: {  	_ =	strace s1  }
0xf: {  	_ =	strace $0x8FFFFFFF  }
0x10: {  	s19 =	sld [smem:$0x3FDB];
	_ =	sdelay $0x1  }
0x11: {  	s20 =	simm.s32 $_scs_section_size  }
0x12: {  	s4 =	simm.s32 $_size__tile_overlayer_lowered;
	s5 =	simm.s32 $_tile_overlayer_lowered  }
0x13: {  	s23 =	simm.s32 $0x1BFF;
	s22 =	sshll.u32 s5, $0x1;
	s1 =	sadd.s32 s20, s19  }
0x14: {  	s6 =	simm.s32 $0x0;
	s21 =	sshll.u32 s4, $0x1;
	s4 =	sadd.s32 s22, s1  }
0x15: {  	[timem:s6], [sflag:s23] =	dma.local [hbm:s4], s21  }
0x16: {  	_ =	swait.ge [sflag:s23], s21  }
0x17: {  	s2 =	ssub.s32 $0x0, s21;
	[sflag:s23] =	ssyncset.done $0x0  }
0x18: {  	[sflag:s23] =	ssyncadd.s32 s2;
	_ =	sdelay $0x1  }
0x19: {  	s24 =	simm.s32 $0x1B8B  }
0x1a: {  	_ =	swait.ge [sflag:s24], $0x1  }
0x1b: {  	[sflag:s24] =	ssyncset.done $0x0  }
0x1c: {  	s26 =	simm.s32 $0x1B8E;
	s25 =	sld [smem:$0x3FFE];
	[sflag:s24] =	ssyncadd.s32 $0xFFFFFFFF  }
0x1d: {  	s27 =	simm.s32 $execute0_lowered;
	[smem:$0x3FD2] =	sst s26  }
0x1e: {  	s4 =	sshll.u32 s27, $0x1;
	_ =	strace $0x80000052;
	[dreg:$0x1] =	wrdreg $0xFFFFFFFF  }
0x1f: {  	s28 =	simm.s32 $_size_execute0_lowered;
	s1 =	sadd.s32 s1, s4;
	[dreg:$0x0] =	wrdreg $0x0  }
0x20: {  	s4 =	sshll.u32 s28, $0x1;
	[dreg:$0x2] =	wrdreg s1  }
0x21: {  	[dreg:$0x3] =	wrdreg s4  }
0x22: {  	[dreg:$0x4] =	wrdreg $0xC0  }
0x23: {  	_ =	task [dreg:s6], $0x5FFFF  }
0x24: {  	[dreg:$0x1] =	wrdreg $0xFFFFFFFF  }
0x25: {  	[dreg:$0x0] =	wrdreg $0x60  }
0x26: {  	[dreg:$0x2] =	wrdreg s25  }
0x27: {  	[dreg:$0x3] =	wrdreg $0x9  }
0x28: {  	_ =	task.clear_ibuf [dreg:s6], $0x4FFFF;
	_ =	strace $0x90000052  }
0x29: {  	s29 =	simm.s32 $0x9;
	_ =	strace $0x80000054  }
0x2a: {  	_ =	swait.ge [sflag:s29], $0x1  }
0x2b: {  	[sflag:s29] =	ssyncadd.s32 $0xFFFFFFFF  }
0x2c: {  	_ =	strace $0x90000054  }
0x2d: {  	_ =	sfence  }
0x2e: {  	s30 =	sld [smem:$0x0];
	_ =	sdelay $0x2  }
0x2f: {  	s31 =	sshll.u32 s3, $0xD;
	s3 =	sshrl.u32 s3, $0x2  }
0x30: {  	s2 =	sand.u32 $0x4000, s31;
	s1 =	sadd.s32 s3, s30  }
0x31: {  	s0 =	sor.u32 s2, s0;
	s1 =	sshll.u32 s1, $0x11  }
0x32: {  	s0 =	sor.u32 s1, s0  }
0x33: {  	s0 =	sadd.s32 $0x8F2B, s0  }
0x34: {  	[sflag:s0] =	ssyncadd.remote.s32 $0x1  }
0x35: {  	_ =	sfence.sel $0xFFFF  }
0x36: {  	[dreg:$0x0] =	wrdreg $0xFFFFFFFF;
	(pc) =	sbr.abs _section_cstart, $3  }
0x37: {  	[dreg:$0x1] =	wrdreg $0xFFFFFFFF  }
0x38: {  	_ =	task.clear_ibuf [dreg:s6], $0x2FFFF;
	_ =	strace $0x9FFFFFFF  }
0x39: {  	(tm) =	ssettm $0x7FFFFFFF  }
tec
execute0_lowered:
.L_overlay_start_1:
0x0: {  	(tag) =	ssettag $0x1  }
0x1: {  	s0 =	srdreg.scid  }
0x2: {  	s5 =	rddreg [dreg:$0x0];
	s1 =	sshll.u32 s0, $0x4  }
0x3: {  	s4 =	simm.s32 $0x1;
	s0 =	stileid.u32;
	s1 =	sand.u32 $0x10, s1  }
0x4: {  	s8 =	simm.s32 $0x2;
	s12 =	simm.s32 $0x0;
	s2 =	sor.u32 s0, s1  }
0x5: {  	s11 =	simm.s32 $0x0;
	s9 =	simm.s32 $0x0;
	s2 =	sshll.u32 s2, $0x7  }
0x6: {  	s10 =	simm.s32 $0x0;
	s3 =	sadd.s32 $0x5ED800, s5;
	s6 =	ssub.s32 $0x4E800, s2  }
.Ltmp0:
0x7: {  	s1 =	rddreg [dreg:$0x1];
	s7 =	sand.u32 $0xF80, s6;
	(pc) =	sbr.rel .LBB1_1-.Ltmp0, $4  }
0x8: {  	_ =	strace $0x80000053;
	p0 =	sne.s32 s7, $0x0;
	s7 =	simm.s32 $0x1  }
0x9: {  	[sflag:s4] =	ssyncpa.u1 $0x0;
	s6 =	sshrl.u32 s6, $0xC;
	s7 =	simm.s32 @!p0 $0x0  }
0xa: {  	s5 =	sadd.s32 $0xAD5800, s5;
	[sflag:s8] =	ssyncpa.u1 $0x0;
	s6 =	sadd.s32 s7, s6  }
0xb: {  	s8 =	smov.u32 s2;
	p0 =	por $0x0, $0x0;
	s7 =	sadd.s32 $0x1, s6  }
.LBB1_4:
0xc: {  	s12 =	sshll.u32 s12, $0x7;
	s18 =	sshll.u32 s11, $0x3  }
0xd: {  	v5 =	vld [tilespmem:s16+$0xFFFFFFD0];
	[tilespmem:s15+$0x2040 ss:$0x81] =	vst.msk $0xffff, v4;
	s19 =	sand.u32 $0xFFFFFC00, s12;
	s18 =	sand.u32 $0xFFFFFC00, s18  }
0xe: {  	v58 =	vld [tilespmem:s16+$0xFFFFFFE0];
	[tilespmem:s15+$0x2850 ss:$0x81] =	vst.msk $0xffff, v3;
	s12 =	sand.u32 $0x380, s12;
	s18 =	sadd.s32 s18, s19  }
0xf: {  	s17 =	sshra.s32 s17, $0x2;
	v59 =	vld [tilespmem:s16+$0xFFFFFFF0];
	[tilespmem:s15+$0x3060 ss:$0x81] =	vst.msk $0xffff, v2;
	s12 =	sor.u32 s12, s18  }
0x10: {  	v60 =	vld [tilespmem:s16+$0x0];
	[tilespmem:s15+$0x0 ss:$0x81] =	vst.msk $0xffff, v0;
	s14 =	sadd.s32 s17, s14;
	s12 =	sshrl.u32 s12, $0x7  }
0x11: {  	v61 =	vld [tilespmem:s16+$0x10];
	[tilespmem:s14+$0x3870 ss:$0x81] =	vst.msk $0xffff, v1;
	s28 =	smulhi.u32 $0x685B5, s12  }
0x12: {  	v62 =	vld [tilespmem:s16+$0x20];
	[tilespmem:s14+$0x810 ss:$0x81] =	vst.msk $0xffff, v5  }
0x13: {  	v63 =	vld [tilespmem:s16+$0xFFFFFFC0];
	[tilespmem:s14+$0x1020 ss:$0x81] =	vst.msk $0xffff, v58;
	s15 =	sshrl.u32 s28, $0x5  }
0x14: {  	[tilespmem:s14+$0x1830 ss:$0x81] =	vst.msk $0xffff, v59;
	s15 =	smul.u32 $0x4E800, s15  }
0x15: {  	s29 =	sshrl.u32 s11, $0x3;
	[tilespmem:s14+$0x2040 ss:$0x81] =	vst.msk $0xffff, v60  }
0x16: {  	s30 =	sand.u32 $0xF, s29;
	[tilespmem:s14+$0x2850 ss:$0x81] =	vst.msk $0xffff, v61;
	s12 =	ssub.s32 s12, s15  }
0x17: {  	[tilespmem:s14+$0x3060 ss:$0x81] =	vst.msk $0xffff, v62;
	s15 =	sadd.s32 s5, s30;
	s12 =	sshll.u32 s12, $0x4  }
0x18: {  	s31 =	sand.u32 $0x7, s11;
	[tilespmem:s14+$0x0 ss:$0x81] =	vst.msk $0xffff, v63;
	s12 =	sadd.s32 s12, s15  }
0x19: {  	[hbm4b:s12+s31] =	stream.linear.scatter [tilespmem:s13], [sflag:$0x2], $0x4000, $0x20;
	[tilespmem:$0x10100] =	vst v63  }
.LBB1_5:
0x1a: {  	s13 =	sadd.s32 $0x1000, s8  }
0x1b: {  	s11 =	sadd.s32 $0x80, s9;
	s15 =	smov.u32 s9;
	p2 =	sgt.s32 s13, $0x4E7FF  }
0x1c: {  	s15 =	smov.u32 @p2 s11  }
0x1d: {  	s13 =	smov.u32 @p2 s2;
	p2 =	sgt.s32 s15, $0x7F  }
0x1e: {  	s15 =	simm.s32 @p2 $0x0;
	p2 =	sne.s32 s10, s7  }
.Ltmp1:
0x1f: {  	p1 =	slt.u32 s10, $0x2;
	(pc) =	sbr.rel @!p2 .LBB1_6-.Ltmp1, $4  }
0x20: {  	s14 =	simm.s32 @!p1 $0x2  }
0x21: {  	s12 =	smov.u32 s8;
	p0 =	por !p0, !p0;
	_ =	swait.ge @!p1 [sflag:s14], $0x4000  }
0x22: {  	s11 =	smov.u32 s9;
	[sflag:s14] =	ssyncset.done @!p1 $0x0;
	s8 =	smov.u32 s13  }
0x23: {  	s10 =	sadd.s32 $0x1, s10;
	[sflag:s14] =	ssyncadd.s32 @!p1 $0xFFFFC000;
	s9 =	smov.u32 s15  }
.LBB1_1:
0x24: {  	p1 =	sge.u32 s10, s6  }
0x25: {  	s13 =	sshrl.u32 @!p1 s9, $0x3  }
0x26: {  	s14 =	sshll.u32 @!p1 s8, $0x3;
	s15 =	sshll.u32 @!p1 s9, $0x7;
	s13 =	smul.u32 @!p1 $0x274000, s13  }
0x27: {  	s16 =	sand.u32 @!p1 $0x7F, s8;
	s14 =	sand.u32 @!p1 $0xFFFFFC00, s14;
	s15 =	sand.u32 @!p1 $0x380, s15  }
0x28: {  	s13 =	sadd.s32 @!p1 s13, s14;
	s14 =	sor.u32 @!p1 s16, s15  }
0x29: {  	s14 =	sor.u32 @!p1 s13, s14  }
0x2a: {  	s15 =	smulhi.u32 @!p1 $0x342DA7F3, s14;
	_ =	sdelay $0x1  }
0x2b: {  	s13 =	smulhi.u32 @!p1 $0x342DA7F3, s13;
	s15 =	sshrl.u32 @!p1 s15, $0x10  }
0x2c: {  	s15 =	smul.u32 @!p1 $0x4E800, s15  }
0x2d: {  	s31 =	sadd.s32 $0xFFFFFFFF, s10;
	s16 =	sxor.u32 @!p1 $0xFFFFFFFF, s10;
	s13 =	sshrl.u32 @!p1 s13, $0x10  }
0x2e: {  	s16 =	sshll.u32 @!p1 s16, $0xE;
	s13 =	sand.u32 @!p1 $0x7F, s13;
	s14 =	ssub.s32 @!p1 s14, s15  }
0x2f: {  	s13 =	smul.u32 @!p1 $0x9D00, s13;
	s15 =	sshrl.u32 @!p1 s14, $0x3;
	s14 =	sand.u32 @!p1 $0x7, s14  }
0x30: {  	s16 =	sand.u32 @!p1 $0x4000, s16;
	s15 =	sadd.s32 @!p1 s3, s15;
	s14 =	sshll.u32 @!p1 s14, $0x12  }
0x31: {  	s13 =	sadd.s32 @!p1 s13, s15;
	s14 =	sor.u32 @!p1 $0x400, s14;
	s15 =	simm.s32 @!p1 $0x274000  }
0x32: {  	[tilespmem:s16], [sflag:$0x1] =	stream.strided.gather @!p1 [hbm4b:s13+s14], $0x4000, s15, s14, $0x38;
	[tilespmem:$0x10100] =	vst v63  }
0x33: {  	p1 =	sge.u32 s31, s6  }
.Ltmp2:
0x34: {  	_ = 	snop;
	(pc) =	sbr.rel @p1 .LBB1_5-.Ltmp2, $1  }
0x35: {  	_ =	sdelay $0x3  }
0x36: {  	s13 =	simm.s32 $0x1  }
0x37: {  	_ =	swait.ge [sflag:s4], $0x4000;
	s13 =	simm.s32 @!p0 $0x0  }
0x38: {  	[sflag:s4] =	ssyncset.done $0x0;
	s14 =	sshll.u32 s13, $0xE  }
0x39: {  	[sflag:s4] =	ssyncadd.s32 $0xFFFFC000;
	s16 =	sor.u32 $0x40, s14  }
0x3a: {  	s13 =	smul.u32 $0x10200, s13;
	v0 =	vld [tilespmem:s16+$0x30]  }
0x3b: {  	v1 =	vld [tilespmem:s16+$0xFFFFFFD0]  }
0x3c: {  	s13 =	sshrl.u32 s13, $0x2;
	v5 =	vld [tilespmem:s16+$0xFFFFFFE0]  }
0x3d: {  	v6 =	vld [tilespmem:s16+$0xFFFFFFF0];
	s14 =	sor.u32 $0x8000, s13  }
0x3e: {  	s31 =	sand.u32 $0x1, s10;
	v4 =	vld [tilespmem:s16+$0x0];
	s15 =	sadd.s32 $0x0, s14  }
0x3f: {  	v3 =	vld [tilespmem:s16+$0x10];
	s13 =	smul.u32 $0x10200, s31;
	[tilespmem:s15+$0x3870 ss:$0x81] =	vst.msk $0xffff, v0  }
0x40: {  	v2 =	vld [tilespmem:s16+$0x20];
	[tilespmem:s15+$0x810 ss:$0x81] =	vst.msk $0xffff, v1  }
0x41: {  	s13 =	sshrl.u32 s13, $0x2;
	v0 =	vld [tilespmem:s16+$0xFFFFFFC0];
	[tilespmem:s15+$0x1020 ss:$0x81] =	vst.msk $0xffff, v5;
	s16 =	sadd.s32 $0x80, s16  }
0x42: {  	s17 =	simm.s32 $0x4;
	s18 =	simm.s32 $0x8;
	s13 =	sor.u32 $0x8000, s13;
	[tilespmem:s15+$0x1830 ss:$0x81] =	vst.msk $0xffff, v6;
	v1 =	vld [tilespmem:s16+$0x30]  }
.LBB1_3:
0x43: {  	p1 =	sne.s32 s18, $0x1FC;
	v5 =	vld [tilespmem:s16+$0xFFFFFFD0];
	[tilespmem:s15+$0x2040 ss:$0x81] =	vst.msk $0xffff, v4  }
0x44: {  	v6 =	vld [tilespmem:s16+$0xFFFFFFE0];
	[tilespmem:s15+$0x2850 ss:$0x81] =	vst.msk $0xffff, v3  }
0x45: {  	s19 =	sshra.s32 s17, $0x2;
	s17 =	smov.u32 s18;
	v7 =	vld [tilespmem:s16+$0xFFFFFFF0];
	[tilespmem:s15+$0x3060 ss:$0x81] =	vst.msk $0xffff, v2  }
.Ltmp3:
0x46: {  	v4 =	vld [tilespmem:s16+$0x0];
	[tilespmem:s15+$0x0 ss:$0x81] =	vst.msk $0xffff, v0;
	s15 =	sadd.s32 s19, s14;
	(pc) =	sbr.rel @p1 .LBB1_3-.Ltmp3, $4  }
0x47: {  	v3 =	vld [tilespmem:s16+$0x10];
	[tilespmem:s15+$0x3870 ss:$0x81] =	vst.msk $0xffff, v1  }
0x48: {  	[tilespmem:s15+$0x810 ss:$0x81] =	vst.msk $0xffff, v5;
	v2 =	vld [tilespmem:s16+$0x20]  }
0x49: {  	v0 =	vld [tilespmem:s16+$0xFFFFFFC0];
	[tilespmem:s15+$0x1020 ss:$0x81] =	vst.msk $0xffff, v6;
	s16 =	sadd.s32 $0x80, s16  }
0x4a: {  	s18 =	sadd.s32 $0x4, s18;
	v1 =	vld [tilespmem:s16+$0x30];
	[tilespmem:s15+$0x1830 ss:$0x81] =	vst.msk $0xffff, v7  }
.Ltmp4:
0x4b: {  	_ = 	snop;
	(pc) =	sbr.rel .LBB1_4-.Ltmp4, $1  }
0x4c: {  	_ =	sdelay $0x3  }
.LBB1_6:
0x4d: {  	_ =	sfence.sel $0x180000  }
0x4e: {  	s2 =	simm.s32 $0x1;
	[bflag:$0x0] =	sbarrier.arrive $0xFFFF  }
0x4f: {  	s31 =	simm.s32 $0x2;
	[sflag:s2] =	ssyncpa.u1 $0x1  }
0x50: {  	[sflag:s31] =	ssyncpa.u1 $0x1  }
0x51: {  	p0 =	sne.s32 s0, $0x0;
	_ =	strace $0x90000053  }
0x52: {  	s0 =	sadd.s32 @!p0 $0x100000, s1;
	[bflag:$0x2] =	sbarrier.arrive $0xFFFF  }
0x53: {  	[sflag:s0] =	ssyncadd.tile.s32 @!p0 $0x1;
	_ =	shalt  }
.Lfunc_end1:
_tile_overlayer_lowered:
.L_overlay_start_2:
0x54: {  	(tag) =	ssettag $0x2  }
0x55: {  	s0 =	rddreg [dreg:$0x0];
	s2 =	stileid.u32  }
0x56: {  	s1 =	rddreg [dreg:$0x1];
	p0 =	sne.s32 s2, $0x0  }
0x57: {  	s3 =	rddreg [dreg:$0x2];
	[bflag:$0x3] =	sbarrier.arrive $0xFFFF;
	s2 =	simm.s32 @!p0 $0x1C01  }
0x58: {  	[timem:s3], [sflag:s2] =	dma.local @!p0 [hbm:s0], s1  }
0x59: {  	s0 =	simm.s32 @!p0 $0x1  }
0x5a: {  	_ =	swait.ge @!p0 [sflag:s0], s1  }
0x5b: {  	s1 =	ssub.s32 @!p0 $0x0, s1;
	[sflag:s0] =	ssyncset.done @!p0 $0x0  }
0x5c: {  	[sflag:s0] =	ssyncadd.s32 @!p0 s1  }
0x5d: {  	[bflag:$0x3] =	sbarrier.arrive $0xFFFF  }
0x5e: {  	_ =	shalt  }

// kernel: sparse-core-data-format-call.2.cloned.1.call-start
scs
called_computation.2_lowered:
.L_overlay_start_0:
0x0: {  	s1 =	sld [smem:$0x3FD9]  }
0x1: {  	s2 =	sld [smem:$0x3FFE];
	_ =	sdelay $0x1  }
0x2: {  	s3 =	srdreg.scid  }
0x3: {  	s0 =	sand.u32 $0x1, s3  }
0x4: {  	s17 =	sshll.u32 s0, $0xA;
	s1 =	sadd.s32 s2, s1  }
0x5: {  	s1 =	sadd.s32 s1, s17  }
0x6: {  	[smem:$0x3F9A] =	sst s1  }
0x7: {  	_ = 	snop  }
0x8: {  	(tm) =	ssettm $0x1  }
0x9: {  	s18 =	sld [smem:$0x3FFB];
	_ =	sdelay $0x3  }
0xa: {  	_ =	strace s18  }
0xb: {  	s1 =	sld [smem:$0x3FFC];
	_ =	sdelay $0x3  }
0xc: {  	_ =	strace s1  }
0xd: {  	s1 =	sld [smem:$0x3FFD];
	_ =	sdelay $0x3  }
0xe: {  	_ =	strace s1  }
0xf: {  	_ =	strace $0x8FFFFFFF  }
0x10: {  	s19 =	sld [smem:$0x3FDB];
	_ =	sdelay $0x1  }
0x11: {  	s20 =	simm.s32 $_scs_section_size  }
0x12: {  	s4 =	simm.s32 $_size__tile_overlayer_lowered;
	s5 =	simm.s32 $_tile_overlayer_lowered  }
0x13: {  	s23 =	simm.s32 $0x1BFF;
	s22 =	sshll.u32 s5, $0x1;
	s1 =	sadd.s32 s20, s19  }
0x14: {  	s6 =	simm.s32 $0x0;
	s21 =	sshll.u32 s4, $0x1;
	s4 =	sadd.s32 s22, s1  }
0x15: {  	[timem:s6], [sflag:s23] =	dma.local [hbm:s4], s21  }
0x16: {  	_ =	swait.ge [sflag:s23], s21  }
0x17: {  	s2 =	ssub.s32 $0x0, s21;
	[sflag:s23] =	ssyncset.done $0x0  }
0x18: {  	[sflag:s23] =	ssyncadd.s32 s2;
	_ =	sdelay $0x1  }
0x19: {  	s24 =	simm.s32 $0x1B8B  }
0x1a: {  	_ =	swait.ge [sflag:s24], $0x1  }
0x1b: {  	[sflag:s24] =	ssyncset.done $0x0  }
0x1c: {  	s26 =	simm.s32 $0x1B8E;
	s25 =	sld [smem:$0x3FFE];
	[sflag:s24] =	ssyncadd.s32 $0xFFFFFFFF  }
0x1d: {  	s27 =	simm.s32 $execute0_lowered;
	[smem:$0x3FD2] =	sst s26  }
0x1e: {  	s4 =	sshll.u32 s27, $0x1;
	_ =	strace $0x8000004C;
	[dreg:$0x1] =	wrdreg $0xFFFFFFFF  }
0x1f: {  	s28 =	simm.s32 $_size_execute0_lowered;
	s1 =	sadd.s32 s1, s4;
	[dreg:$0x0] =	wrdreg $0x0  }
0x20: {  	s4 =	sshll.u32 s28, $0x1;
	[dreg:$0x2] =	wrdreg s1  }
0x21: {  	[dreg:$0x3] =	wrdreg s4  }
0x22: {  	[dreg:$0x4] =	wrdreg $0xC0  }
0x23: {  	_ =	task [dreg:s6], $0x5FFFF  }
0x24: {  	[dreg:$0x1] =	wrdreg $0xFFFFFFFF  }
0x25: {  	[dreg:$0x0] =	wrdreg $0x60  }
0x26: {  	[dreg:$0x2] =	wrdreg s25  }
0x27: {  	[dreg:$0x3] =	wrdreg $0x9  }
0x28: {  	_ =	task.clear_ibuf [dreg:s6], $0x4FFFF;
	_ =	strace $0x9000004C  }
0x29: {  	s29 =	simm.s32 $0x9;
	_ =	strace $0x8000004E  }
0x2a: {  	_ =	swait.ge [sflag:s29], $0x1  }
0x2b: {  	[sflag:s29] =	ssyncadd.s32 $0xFFFFFFFF  }
0x2c: {  	_ =	strace $0x9000004E  }
0x2d: {  	_ =	sfence  }
0x2e: {  	s30 =	sld [smem:$0x0];
	_ =	sdelay $0x2  }
0x2f: {  	s31 =	sshll.u32 s3, $0xD;
	s3 =	sshrl.u32 s3, $0x2  }
0x30: {  	s2 =	sand.u32 $0x4000, s31;
	s1 =	sadd.s32 s3, s30  }
0x31: {  	s0 =	sor.u32 s2, s0;
	s1 =	sshll.u32 s1, $0x11  }
0x32: {  	s0 =	sor.u32 s1, s0  }
0x33: {  	s0 =	sadd.s32 $0x8F2B, s0  }
0x34: {  	[sflag:s0] =	ssyncadd.remote.s32 $0x1  }
0x35: {  	_ =	sfence.sel $0xFFFF  }
0x36: {  	[dreg:$0x0] =	wrdreg $0xFFFFFFFF;
	(pc) =	sbr.abs _section_cstart, $3  }
0x37: {  	[dreg:$0x1] =	wrdreg $0xFFFFFFFF  }
0x38: {  	_ =	task.clear_ibuf [dreg:s6], $0x2FFFF;
	_ =	strace $0x9FFFFFFF  }
0x39: {  	(tm) =	ssettm $0x7FFFFFFF  }
tec
execute0_lowered:
.L_overlay_start_1:
0x0: {  	(tag) =	ssettag $0x1  }
0x1: {  	s0 =	srdreg.scid  }
0x2: {  	s5 =	rddreg [dreg:$0x0];
	s1 =	sshll.u32 s0, $0x4  }
0x3: {  	s4 =	simm.s32 $0x1;
	s0 =	stileid.u32;
	s1 =	sand.u32 $0x10, s1  }
0x4: {  	s8 =	simm.s32 $0x2;
	s12 =	simm.s32 $0x0;
	s2 =	sor.u32 s0, s1  }
0x5: {  	s11 =	simm.s32 $0x0;
	s9 =	simm.s32 $0x0;
	s2 =	sshll.u32 s2, $0x7  }
0x6: {  	s10 =	simm.s32 $0x0;
	s3 =	sadd.s32 $0x614A00, s5;
	s6 =	ssub.s32 $0x4E800, s2  }
.Ltmp0:
0x7: {  	s1 =	rddreg [dreg:$0x1];
	s7 =	sand.u32 $0xF80, s6;
	(pc) =	sbr.rel .LBB1_1-.Ltmp0, $4  }
0x8: {  	_ =	strace $0x8000004D;
	p0 =	sne.s32 s7, $0x0;
	s7 =	simm.s32 $0x1  }
0x9: {  	[sflag:s4] =	ssyncpa.u1 $0x0;
	s6 =	sshrl.u32 s6, $0xC;
	s7 =	simm.s32 @!p0 $0x0  }
0xa: {  	s5 =	sadd.s32 $0xAFCA00, s5;
	[sflag:s8] =	ssyncpa.u1 $0x0;
	s6 =	sadd.s32 s7, s6  }
0xb: {  	s8 =	smov.u32 s2;
	p0 =	por $0x0, $0x0;
	s7 =	sadd.s32 $0x1, s6  }
.LBB1_4:
0xc: {  	s12 =	sshll.u32 s12, $0x7;
	s18 =	sshll.u32 s11, $0x3  }
0xd: {  	v5 =	vld [tilespmem:s16+$0xFFFFFFD0];
	[tilespmem:s15+$0x2040 ss:$0x81] =	vst.msk $0xffff, v4;
	s19 =	sand.u32 $0xFFFFFC00, s12;
	s18 =	sand.u32 $0xFFFFFC00, s18  }
0xe: {  	v58 =	vld [tilespmem:s16+$0xFFFFFFE0];
	[tilespmem:s15+$0x2850 ss:$0x81] =	vst.msk $0xffff, v3;
	s12 =	sand.u32 $0x380, s12;
	s18 =	sadd.s32 s18, s19  }
0xf: {  	s17 =	sshra.s32 s17, $0x2;
	v59 =	vld [tilespmem:s16+$0xFFFFFFF0];
	[tilespmem:s15+$0x3060 ss:$0x81] =	vst.msk $0xffff, v2;
	s12 =	sor.u32 s12, s18  }
0x10: {  	v60 =	vld [tilespmem:s16+$0x0];
	[tilespmem:s15+$0x0 ss:$0x81] =	vst.msk $0xffff, v0;
	s14 =	sadd.s32 s17, s14;
	s12 =	sshrl.u32 s12, $0x7  }
0x11: {  	v61 =	vld [tilespmem:s16+$0x10];
	[tilespmem:s14+$0x3870 ss:$0x81] =	vst.msk $0xffff, v1;
	s28 =	smulhi.u32 $0x685B5, s12  }
0x12: {  	v62 =	vld [tilespmem:s16+$0x20];
	[tilespmem:s14+$0x810 ss:$0x81] =	vst.msk $0xffff, v5  }
0x13: {  	v63 =	vld [tilespmem:s16+$0xFFFFFFC0];
	[tilespmem:s14+$0x1020 ss:$0x81] =	vst.msk $0xffff, v58;
	s15 =	sshrl.u32 s28, $0x5  }
0x14: {  	[tilespmem:s14+$0x1830 ss:$0x81] =	vst.msk $0xffff, v59;
	s15 =	smul.u32 $0x4E800, s15  }
0x15: {  	s29 =	sshrl.u32 s11, $0x3;
	[tilespmem:s14+$0x2040 ss:$0x81] =	vst.msk $0xffff, v60  }
0x16: {  	s30 =	sand.u32 $0xF, s29;
	[tilespmem:s14+$0x2850 ss:$0x81] =	vst.msk $0xffff, v61;
	s12 =	ssub.s32 s12, s15  }
0x17: {  	[tilespmem:s14+$0x3060 ss:$0x81] =	vst.msk $0xffff, v62;
	s15 =	sadd.s32 s5, s30;
	s12 =	sshll.u32 s12, $0x4  }
0x18: {  	s31 =	sand.u32 $0x7, s11;
	[tilespmem:s14+$0x0 ss:$0x81] =	vst.msk $0xffff, v63;
	s12 =	sadd.s32 s12, s15  }
0x19: {  	[hbm4b:s12+s31] =	stream.linear.scatter [tilespmem:s13], [sflag:$0x2], $0x4000, $0x20;
	[tilespmem:$0x10100] =	vst v63  }
.LBB1_5:
0x1a: {  	s13 =	sadd.s32 $0x1000, s8  }
0x1b: {  	s11 =	sadd.s32 $0x80, s9;
	s15 =	smov.u32 s9;
	p2 =	sgt.s32 s13, $0x4E7FF  }
0x1c: {  	s15 =	smov.u32 @p2 s11  }
0x1d: {  	s13 =	smov.u32 @p2 s2;
	p2 =	sgt.s32 s15, $0x7F  }
0x1e: {  	s15 =	simm.s32 @p2 $0x0;
	p2 =	sne.s32 s10, s7  }
.Ltmp1:
0x1f: {  	p1 =	slt.u32 s10, $0x2;
	(pc) =	sbr.rel @!p2 .LBB1_6-.Ltmp1, $4  }
0x20: {  	s14 =	simm.s32 @!p1 $0x2  }
0x21: {  	s12 =	smov.u32 s8;
	p0 =	por !p0, !p0;
	_ =	swait.ge @!p1 [sflag:s14], $0x4000  }
0x22: {  	s11 =	smov.u32 s9;
	[sflag:s14] =	ssyncset.done @!p1 $0x0;
	s8 =	smov.u32 s13  }
0x23: {  	s10 =	sadd.s32 $0x1, s10;
	[sflag:s14] =	ssyncadd.s32 @!p1 $0xFFFFC000;
	s9 =	smov.u32 s15  }
.LBB1_1:
0x24: {  	p1 =	sge.u32 s10, s6  }
0x25: {  	s13 =	sshrl.u32 @!p1 s9, $0x3  }
0x26: {  	s14 =	sshll.u32 @!p1 s8, $0x3;
	s15 =	sshll.u32 @!p1 s9, $0x7;
	s13 =	smul.u32 @!p1 $0x274000, s13  }
0x27: {  	s16 =	sand.u32 @!p1 $0x7F, s8;
	s14 =	sand.u32 @!p1 $0xFFFFFC00, s14;
	s15 =	sand.u32 @!p1 $0x380, s15  }
0x28: {  	s13 =	sadd.s32 @!p1 s13, s14;
	s14 =	sor.u32 @!p1 s16, s15  }
0x29: {  	s14 =	sor.u32 @!p1 s13, s14  }
0x2a: {  	s15 =	smulhi.u32 @!p1 $0x342DA7F3, s14;
	_ =	sdelay $0x1  }
0x2b: {  	s13 =	smulhi.u32 @!p1 $0x342DA7F3, s13;
	s15 =	sshrl.u32 @!p1 s15, $0x10  }
0x2c: {  	s15 =	smul.u32 @!p1 $0x4E800, s15  }
0x2d: {  	s31 =	sadd.s32 $0xFFFFFFFF, s10;
	s16 =	sxor.u32 @!p1 $0xFFFFFFFF, s10;
	s13 =	sshrl.u32 @!p1 s13, $0x10  }
0x2e: {  	s16 =	sshll.u32 @!p1 s16, $0xE;
	s13 =	sand.u32 @!p1 $0x7F, s13;
	s14 =	ssub.s32 @!p1 s14, s15  }
0x2f: {  	s13 =	smul.u32 @!p1 $0x9D00, s13;
	s15 =	sshrl.u32 @!p1 s14, $0x3;
	s14 =	sand.u32 @!p1 $0x7, s14  }
0x30: {  	s16 =	sand.u32 @!p1 $0x4000, s16;
	s15 =	sadd.s32 @!p1 s3, s15;
	s14 =	sshll.u32 @!p1 s14, $0x12  }
0x31: {  	s13 =	sadd.s32 @!p1 s13, s15;
	s14 =	sor.u32 @!p1 $0x400, s14;
	s15 =	simm.s32 @!p1 $0x274000  }
0x32: {  	[tilespmem:s16], [sflag:$0x1] =	stream.strided.gather @!p1 [hbm4b:s13+s14], $0x4000, s15, s14, $0x38;
	[tilespmem:$0x10100] =	vst v63  }
0x33: {  	p1 =	sge.u32 s31, s6  }
.Ltmp2:
0x34: {  	_ = 	snop;
	(pc) =	sbr.rel @p1 .LBB1_5-.Ltmp2, $1  }
0x35: {  	_ =	sdelay $0x3  }
0x36: {  	s13 =	simm.s32 $0x1  }
0x37: {  	_ =	swait.ge [sflag:s4], $0x4000;
	s13 =	simm.s32 @!p0 $0x0  }
0x38: {  	[sflag:s4] =	ssyncset.done $0x0;
	s14 =	sshll.u32 s13, $0xE  }
0x39: {  	[sflag:s4] =	ssyncadd.s32 $0xFFFFC000;
	s16 =	sor.u32 $0x40, s14  }
0x3a: {  	s13 =	smul.u32 $0x10200, s13;
	v0 =	vld [tilespmem:s16+$0x30]  }
0x3b: {  	v1 =	vld [tilespmem:s16+$0xFFFFFFD0]  }
0x3c: {  	s13 =	sshrl.u32 s13, $0x2;
	v5 =	vld [tilespmem:s16+$0xFFFFFFE0]  }
0x3d: {  	v6 =	vld [tilespmem:s16+$0xFFFFFFF0];
	s14 =	sor.u32 $0x8000, s13  }
0x3e: {  	s31 =	sand.u32 $0x1, s10;
	v4 =	vld [tilespmem:s16+$0x0];
	s15 =	sadd.s32 $0x0, s14  }
0x3f: {  	v3 =	vld [tilespmem:s16+$0x10];
	s13 =	smul.u32 $0x10200, s31;
	[tilespmem:s15+$0x3870 ss:$0x81] =	vst.msk $0xffff, v0  }
0x40: {  	v2 =	vld [tilespmem:s16+$0x20];
	[tilespmem:s15+$0x810 ss:$0x81] =	vst.msk $0xffff, v1  }
0x41: {  	s13 =	sshrl.u32 s13, $0x2;
	v0 =	vld [tilespmem:s16+$0xFFFFFFC0];
	[tilespmem:s15+$0x1020 ss:$0x81] =	vst.msk $0xffff, v5;
	s16 =	sadd.s32 $0x80, s16  }
0x42: {  	s17 =	simm.s32 $0x4;
	s18 =	simm.s32 $0x8;
	s13 =	sor.u32 $0x8000, s13;
	[tilespmem:s15+$0x1830 ss:$0x81] =	vst.msk $0xffff, v6;
	v1 =	vld [tilespmem:s16+$0x30]  }
.LBB1_3:
0x43: {  	p1 =	sne.s32 s18, $0x1FC;
	v5 =	vld [tilespmem:s16+$0xFFFFFFD0];
	[tilespmem:s15+$0x2040 ss:$0x81] =	vst.msk $0xffff, v4  }
0x44: {  	v6 =	vld [tilespmem:s16+$0xFFFFFFE0];
	[tilespmem:s15+$0x2850 ss:$0x81] =	vst.msk $0xffff, v3  }
0x45: {  	s19 =	sshra.s32 s17, $0x2;
	s17 =	smov.u32 s18;
	v7 =	vld [tilespmem:s16+$0xFFFFFFF0];
	[tilespmem:s15+$0x3060 ss:$0x81] =	vst.msk $0xffff, v2  }
.Ltmp3:
0x46: {  	v4 =	vld [tilespmem:s16+$0x0];
	[tilespmem:s15+$0x0 ss:$0x81] =	vst.msk $0xffff, v0;
	s15 =	sadd.s32 s19, s14;
	(pc) =	sbr.rel @p1 .LBB1_3-.Ltmp3, $4  }
0x47: {  	v3 =	vld [tilespmem:s16+$0x10];
	[tilespmem:s15+$0x3870 ss:$0x81] =	vst.msk $0xffff, v1  }
0x48: {  	[tilespmem:s15+$0x810 ss:$0x81] =	vst.msk $0xffff, v5;
	v2 =	vld [tilespmem:s16+$0x20]  }
0x49: {  	v0 =	vld [tilespmem:s16+$0xFFFFFFC0];
	[tilespmem:s15+$0x1020 ss:$0x81] =	vst.msk $0xffff, v6;
	s16 =	sadd.s32 $0x80, s16  }
0x4a: {  	s18 =	sadd.s32 $0x4, s18;
	v1 =	vld [tilespmem:s16+$0x30];
	[tilespmem:s15+$0x1830 ss:$0x81] =	vst.msk $0xffff, v7  }
.Ltmp4:
0x4b: {  	_ = 	snop;
	(pc) =	sbr.rel .LBB1_4-.Ltmp4, $1  }
0x4c: {  	_ =	sdelay $0x3  }
.LBB1_6:
0x4d: {  	_ =	sfence.sel $0x180000  }
0x4e: {  	s2 =	simm.s32 $0x1;
	[bflag:$0x0] =	sbarrier.arrive $0xFFFF  }
0x4f: {  	s31 =	simm.s32 $0x2;
	[sflag:s2] =	ssyncpa.u1 $0x1  }
0x50: {  	[sflag:s31] =	ssyncpa.u1 $0x1  }
0x51: {  	p0 =	sne.s32 s0, $0x0;
	_ =	strace $0x9000004D  }
0x52: {  	s0 =	sadd.s32 @!p0 $0x100000, s1;
	[bflag:$0x2] =	sbarrier.arrive $0xFFFF  }
0x53: {  	[sflag:s0] =	ssyncadd.tile.s32 @!p0 $0x1;
	_ =	shalt  }
.Lfunc_end1:
_tile_overlayer_lowered:
.L_overlay_start_2:
0x54: {  	(tag) =	ssettag $0x2  }
0x55: {  	s0 =	rddreg [dreg:$0x0];
	s2 =	stileid.u32  }
0x56: {  	s1 =	rddreg [dreg:$0x1];
	p0 =	sne.s32 s2, $0x0  }
0x57: {  	s3 =	rddreg [dreg:$0x2];
	[bflag:$0x3] =	sbarrier.arrive $0xFFFF;
	s2 =	simm.s32 @!p0 $0x1C01  }
0x58: {  	[timem:s3], [sflag:s2] =	dma.local @!p0 [hbm:s0], s1  }
0x59: {  	s0 =	simm.s32 @!p0 $0x1  }
0x5a: {  	_ =	swait.ge @!p0 [sflag:s0], s1  }
0x5b: {  	s1 =	ssub.s32 @!p0 $0x0, s1;
	[sflag:s0] =	ssyncset.done @!p0 $0x0  }
0x5c: {  	[sflag:s0] =	ssyncadd.s32 @!p0 s1  }
0x5d: {  	[bflag:$0x3] =	sbarrier.arrive $0xFFFF  }
0x5e: {  	_ =	shalt  }

// kernel: sparse-core-data-format-call.3.cloned.1.call-start
scs
called_computation.3_lowered:
.L_overlay_start_0:
0x0: {  	s1 =	sld [smem:$0x3FD9]  }
0x1: {  	s2 =	sld [smem:$0x3FFE];
	_ =	sdelay $0x1  }
0x2: {  	s3 =	srdreg.scid  }
0x3: {  	s0 =	sand.u32 $0x1, s3  }
0x4: {  	s17 =	sshll.u32 s0, $0xA;
	s1 =	sadd.s32 s2, s1  }
0x5: {  	s1 =	sadd.s32 s1, s17  }
0x6: {  	[smem:$0x3F9A] =	sst s1  }
0x7: {  	_ = 	snop  }
0x8: {  	(tm) =	ssettm $0x1  }
0x9: {  	s18 =	sld [smem:$0x3FFB];
	_ =	sdelay $0x3  }
0xa: {  	_ =	strace s18  }
0xb: {  	s1 =	sld [smem:$0x3FFC];
	_ =	sdelay $0x3  }
0xc: {  	_ =	strace s1  }
0xd: {  	s1 =	sld [smem:$0x3FFD];
	_ =	sdelay $0x3  }
0xe: {  	_ =	strace s1  }
0xf: {  	_ =	strace $0x8FFFFFFF  }
0x10: {  	s19 =	sld [smem:$0x3FDB];
	_ =	sdelay $0x1  }
0x11: {  	s20 =	simm.s32 $_scs_section_size  }
0x12: {  	s4 =	simm.s32 $_size__tile_overlayer_lowered;
	s5 =	simm.s32 $_tile_overlayer_lowered  }
0x13: {  	s23 =	simm.s32 $0x1BFF;
	s22 =	sshll.u32 s5, $0x1;
	s1 =	sadd.s32 s20, s19  }
0x14: {  	s6 =	simm.s32 $0x0;
	s21 =	sshll.u32 s4, $0x1;
	s4 =	sadd.s32 s22, s1  }
0x15: {  	[timem:s6], [sflag:s23] =	dma.local [hbm:s4], s21  }
0x16: {  	_ =	swait.ge [sflag:s23], s21  }
0x17: {  	s2 =	ssub.s32 $0x0, s21;
	[sflag:s23] =	ssyncset.done $0x0  }
0x18: {  	[sflag:s23] =	ssyncadd.s32 s2;
	_ =	sdelay $0x1  }
0x19: {  	s24 =	simm.s32 $0x1B8B  }
0x1a: {  	_ =	swait.ge [sflag:s24], $0x1  }
0x1b: {  	[sflag:s24] =	ssyncset.done $0x0  }
0x1c: {  	s26 =	simm.s32 $0x1B8E;
	s25 =	sld [smem:$0x3FFE];
	[sflag:s24] =	ssyncadd.s32 $0xFFFFFFFF  }
0x1d: {  	s27 =	simm.s32 $execute0_lowered;
	[smem:$0x3FD2] =	sst s26  }
0x1e: {  	s4 =	sshll.u32 s27, $0x1;
	_ =	strace $0x80000046;
	[dreg:$0x1] =	wrdreg $0xFFFFFFFF  }
0x1f: {  	s28 =	simm.s32 $_size_execute0_lowered;
	s1 =	sadd.s32 s1, s4;
	[dreg:$0x0] =	wrdreg $0x0  }
0x20: {  	s4 =	sshll.u32 s28, $0x1;
	[dreg:$0x2] =	wrdreg s1  }
0x21: {  	[dreg:$0x3] =	wrdreg s4  }
0x22: {  	[dreg:$0x4] =	wrdreg $0xC0  }
0x23: {  	_ =	task [dreg:s6], $0x5FFFF  }
0x24: {  	[dreg:$0x1] =	wrdreg $0xFFFFFFFF  }
0x25: {  	[dreg:$0x0] =	wrdreg $0x60  }
0x26: {  	[dreg:$0x2] =	wrdreg s25  }
0x27: {  	[dreg:$0x3] =	wrdreg $0x9  }
0x28: {  	_ =	task.clear_ibuf [dreg:s6], $0x4FFFF;
	_ =	strace $0x90000046  }
0x29: {  	s29 =	simm.s32 $0x9;
	_ =	strace $0x80000048  }
0x2a: {  	_ =	swait.ge [sflag:s29], $0x1  }
0x2b: {  	[sflag:s29] =	ssyncadd.s32 $0xFFFFFFFF  }
0x2c: {  	_ =	strace $0x90000048  }
0x2d: {  	_ =	sfence  }
0x2e: {  	s30 =	sld [smem:$0x0];
	_ =	sdelay $0x2  }
0x2f: {  	s31 =	sshll.u32 s3, $0xD;
	s3 =	sshrl.u32 s3, $0x2  }
0x30: {  	s2 =	sand.u32 $0x4000, s31;
	s1 =	sadd.s32 s3, s30  }
0x31: {  	s0 =	sor.u32 s2, s0;
	s1 =	sshll.u32 s1, $0x11  }
0x32: {  	s0 =	sor.u32 s1, s0  }
0x33: {  	s0 =	sadd.s32 $0x8F2B, s0  }
0x34: {  	[sflag:s0] =	ssyncadd.remote.s32 $0x1  }
0x35: {  	_ =	sfence.sel $0xFFFF  }
0x36: {  	[dreg:$0x0] =	wrdreg $0xFFFFFFFF;
	(pc) =	sbr.abs _section_cstart, $3  }
0x37: {  	[dreg:$0x1] =	wrdreg $0xFFFFFFFF  }
0x38: {  	_ =	task.clear_ibuf [dreg:s6], $0x2FFFF;
	_ =	strace $0x9FFFFFFF  }
0x39: {  	(tm) =	ssettm $0x7FFFFFFF  }
tec
execute0_lowered:
.L_overlay_start_1:
0x0: {  	(tag) =	ssettag $0x1  }
0x1: {  	s0 =	srdreg.scid  }
0x2: {  	s5 =	rddreg [dreg:$0x0];
	s1 =	sshll.u32 s0, $0x4  }
0x3: {  	s4 =	simm.s32 $0x1;
	s0 =	stileid.u32;
	s1 =	sand.u32 $0x10, s1  }
0x4: {  	s8 =	simm.s32 $0x2;
	s12 =	simm.s32 $0x0;
	s2 =	sor.u32 s0, s1  }
0x5: {  	s11 =	simm.s32 $0x0;
	s9 =	simm.s32 $0x0;
	s2 =	sshll.u32 s2, $0x7  }
0x6: {  	s10 =	simm.s32 $0x0;
	s3 =	sadd.s32 $0x5ED800, s5;
	s6 =	ssub.s32 $0x4E800, s2  }
.Ltmp0:
0x7: {  	s1 =	rddreg [dreg:$0x1];
	s7 =	sand.u32 $0xF80, s6;
	(pc) =	sbr.rel .LBB1_1-.Ltmp0, $4  }
0x8: {  	_ =	strace $0x80000047;
	p0 =	sne.s32 s7, $0x0;
	s7 =	simm.s32 $0x1  }
0x9: {  	[sflag:s4] =	ssyncpa.u1 $0x0;
	s6 =	sshrl.u32 s6, $0xC;
	s7 =	simm.s32 @!p0 $0x0  }
0xa: {  	s5 =	sadd.s32 $0xAD5800, s5;
	[sflag:s8] =	ssyncpa.u1 $0x0;
	s6 =	sadd.s32 s7, s6  }
0xb: {  	s8 =	smov.u32 s2;
	p0 =	por $0x0, $0x0;
	s7 =	sadd.s32 $0x1, s6  }
.LBB1_4:
0xc: {  	s12 =	sshll.u32 s12, $0x7;
	s18 =	sshll.u32 s11, $0x3  }
0xd: {  	v5 =	vld [tilespmem:s16+$0xFFFFFFD0];
	[tilespmem:s15+$0x2040 ss:$0x81] =	vst.msk $0xffff, v4;
	s19 =	sand.u32 $0xFFFFFC00, s12;
	s18 =	sand.u32 $0xFFFFFC00, s18  }
0xe: {  	v58 =	vld [tilespmem:s16+$0xFFFFFFE0];
	[tilespmem:s15+$0x2850 ss:$0x81] =	vst.msk $0xffff, v3;
	s12 =	sand.u32 $0x380, s12;
	s18 =	sadd.s32 s18, s19  }
0xf: {  	s17 =	sshra.s32 s17, $0x2;
	v59 =	vld [tilespmem:s16+$0xFFFFFFF0];
	[tilespmem:s15+$0x3060 ss:$0x81] =	vst.msk $0xffff, v2;
	s12 =	sor.u32 s12, s18  }
0x10: {  	v60 =	vld [tilespmem:s16+$0x0];
	[tilespmem:s15+$0x0 ss:$0x81] =	vst.msk $0xffff, v0;
	s14 =	sadd.s32 s17, s14;
	s12 =	sshrl.u32 s12, $0x7  }
0x11: {  	v61 =	vld [tilespmem:s16+$0x10];
	[tilespmem:s14+$0x3870 ss:$0x81] =	vst.msk $0xffff, v1;
	s28 =	smulhi.u32 $0x685B5, s12  }
0x12: {  	v62 =	vld [tilespmem:s16+$0x20];
	[tilespmem:s14+$0x810 ss:$0x81] =	vst.msk $0xffff, v5  }
0x13: {  	v63 =	vld [tilespmem:s16+$0xFFFFFFC0];
	[tilespmem:s14+$0x1020 ss:$0x81] =	vst.msk $0xffff, v58;
	s15 =	sshrl.u32 s28, $0x5  }
0x14: {  	[tilespmem:s14+$0x1830 ss:$0x81] =	vst.msk $0xffff, v59;
	s15 =	smul.u32 $0x4E800, s15  }
0x15: {  	s29 =	sshrl.u32 s11, $0x3;
	[tilespmem:s14+$0x2040 ss:$0x81] =	vst.msk $0xffff, v60  }
0x16: {  	s30 =	sand.u32 $0xF, s29;
	[tilespmem:s14+$0x2850 ss:$0x81] =	vst.msk $0xffff, v61;
	s12 =	ssub.s32 s12, s15  }
0x17: {  	[tilespmem:s14+$0x3060 ss:$0x81] =	vst.msk $0xffff, v62;
	s15 =	sadd.s32 s5, s30;
	s12 =	sshll.u32 s12, $0x4  }
0x18: {  	s31 =	sand.u32 $0x7, s11;
	[tilespmem:s14+$0x0 ss:$0x81] =	vst.msk $0xffff, v63;
	s12 =	sadd.s32 s12, s15  }
0x19: {  	[hbm4b:s12+s31] =	stream.linear.scatter [tilespmem:s13], [sflag:$0x2], $0x4000, $0x20;
	[tilespmem:$0x10100] =	vst v63  }
.LBB1_5:
0x1a: {  	s13 =	sadd.s32 $0x1000, s8  }
0x1b: {  	s11 =	sadd.s32 $0x80, s9;
	s15 =	smov.u32 s9;
	p2 =	sgt.s32 s13, $0x4E7FF  }
0x1c: {  	s15 =	smov.u32 @p2 s11  }
0x1d: {  	s13 =	smov.u32 @p2 s2;
	p2 =	sgt.s32 s15, $0x7F  }
0x1e: {  	s15 =	simm.s32 @p2 $0x0;
	p2 =	sne.s32 s10, s7  }
.Ltmp1:
0x1f: {  	p1 =	slt.u32 s10, $0x2;
	(pc) =	sbr.rel @!p2 .LBB1_6-.Ltmp1, $4  }
0x20: {  	s14 =	simm.s32 @!p1 $0x2  }
0x21: {  	s12 =	smov.u32 s8;
	p0 =	por !p0, !p0;
	_ =	swait.ge @!p1 [sflag:s14], $0x4000  }
0x22: {  	s11 =	smov.u32 s9;
	[sflag:s14] =	ssyncset.done @!p1 $0x0;
	s8 =	smov.u32 s13  }
0x23: {  	s10 =	sadd.s32 $0x1, s10;
	[sflag:s14] =	ssyncadd.s32 @!p1 $0xFFFFC000;
	s9 =	smov.u32 s15  }
.LBB1_1:
0x24: {  	p1 =	sge.u32 s10, s6  }
0x25: {  	s13 =	sshrl.u32 @!p1 s9, $0x3  }
0x26: {  	s14 =	sshll.u32 @!p1 s8, $0x3;
	s15 =	sshll.u32 @!p1 s9, $0x7;
	s13 =	smul.u32 @!p1 $0x274000, s13  }
0x27: {  	s16 =	sand.u32 @!p1 $0x7F, s8;
	s14 =	sand.u32 @!p1 $0xFFFFFC00, s14;
	s15 =	sand.u32 @!p1 $0x380, s15  }
0x28: {  	s13 =	sadd.s32 @!p1 s13, s14;
	s14 =	sor.u32 @!p1 s16, s15  }
0x29: {  	s14 =	sor.u32 @!p1 s13, s14  }
0x2a: {  	s15 =	smulhi.u32 @!p1 $0x342DA7F3, s14;
	_ =	sdelay $0x1  }
0x2b: {  	s13 =	smulhi.u32 @!p1 $0x342DA7F3, s13;
	s15 =	sshrl.u32 @!p1 s15, $0x10  }
0x2c: {  	s15 =	smul.u32 @!p1 $0x4E800, s15  }
0x2d: {  	s31 =	sadd.s32 $0xFFFFFFFF, s10;
	s16 =	sxor.u32 @!p1 $0xFFFFFFFF, s10;
	s13 =	sshrl.u32 @!p1 s13, $0x10  }
0x2e: {  	s16 =	sshll.u32 @!p1 s16, $0xE;
	s13 =	sand.u32 @!p1 $0x7F, s13;
	s14 =	ssub.s32 @!p1 s14, s15  }
0x2f: {  	s13 =	smul.u32 @!p1 $0x9D00, s13;
	s15 =	sshrl.u32 @!p1 s14, $0x3;
	s14 =	sand.u32 @!p1 $0x7, s14  }
0x30: {  	s16 =	sand.u32 @!p1 $0x4000, s16;
	s15 =	sadd.s32 @!p1 s3, s15;
	s14 =	sshll.u32 @!p1 s14, $0x12  }
0x31: {  	s13 =	sadd.s32 @!p1 s13, s15;
	s14 =	sor.u32 @!p1 $0x400, s14;
	s15 =	simm.s32 @!p1 $0x274000  }
0x32: {  	[tilespmem:s16], [sflag:$0x1] =	stream.strided.gather @!p1 [hbm4b:s13+s14], $0x4000, s15, s14, $0x38;
	[tilespmem:$0x10100] =	vst v63  }
0x33: {  	p1 =	sge.u32 s31, s6  }
.Ltmp2:
0x34: {  	_ = 	snop;
	(pc) =	sbr.rel @p1 .LBB1_5-.Ltmp2, $1  }
0x35: {  	_ =	sdelay $0x3  }
0x36: {  	s13 =	simm.s32 $0x1  }
0x37: {  	_ =	swait.ge [sflag:s4], $0x4000;
	s13 =	simm.s32 @!p0 $0x0  }
0x38: {  	[sflag:s4] =	ssyncset.done $0x0;
	s14 =	sshll.u32 s13, $0xE  }
0x39: {  	[sflag:s4] =	ssyncadd.s32 $0xFFFFC000;
	s16 =	sor.u32 $0x40, s14  }
0x3a: {  	s13 =	smul.u32 $0x10200, s13;
	v0 =	vld [tilespmem:s16+$0x30]  }
0x3b: {  	v1 =	vld [tilespmem:s16+$0xFFFFFFD0]  }
0x3c: {  	s13 =	sshrl.u32 s13, $0x2;
	v5 =	vld [tilespmem:s16+$0xFFFFFFE0]  }
0x3d: {  	v6 =	vld [tilespmem:s16+$0xFFFFFFF0];
	s14 =	sor.u32 $0x8000, s13  }
0x3e: {  	s31 =	sand.u32 $0x1, s10;
	v4 =	vld [tilespmem:s16+$0x0];
	s15 =	sadd.s32 $0x0, s14  }
0x3f: {  	v3 =	vld [tilespmem:s16+$0x10];
	s13 =	smul.u32 $0x10200, s31;
	[tilespmem:s15+$0x3870 ss:$0x81] =	vst.msk $0xffff, v0  }
0x40: {  	v2 =	vld [tilespmem:s16+$0x20];
	[tilespmem:s15+$0x810 ss:$0x81] =	vst.msk $0xffff, v1  }
0x41: {  	s13 =	sshrl.u32 s13, $0x2;
	v0 =	vld [tilespmem:s16+$0xFFFFFFC0];
	[tilespmem:s15+$0x1020 ss:$0x81] =	vst.msk $0xffff, v5;
	s16 =	sadd.s32 $0x80, s16  }
0x42: {  	s17 =	simm.s32 $0x4;
	s18 =	simm.s32 $0x8;
	s13 =	sor.u32 $0x8000, s13;
	[tilespmem:s15+$0x1830 ss:$0x81] =	vst.msk $0xffff, v6;
	v1 =	vld [tilespmem:s16+$0x30]  }
.LBB1_3:
0x43: {  	p1 =	sne.s32 s18, $0x1FC;
	v5 =	vld [tilespmem:s16+$0xFFFFFFD0];
	[tilespmem:s15+$0x2040 ss:$0x81] =	vst.msk $0xffff, v4  }
0x44: {  	v6 =	vld [tilespmem:s16+$0xFFFFFFE0];
	[tilespmem:s15+$0x2850 ss:$0x81] =	vst.msk $0xffff, v3  }
0x45: {  	s19 =	sshra.s32 s17, $0x2;
	s17 =	smov.u32 s18;
	v7 =	vld [tilespmem:s16+$0xFFFFFFF0];
	[tilespmem:s15+$0x3060 ss:$0x81] =	vst.msk $0xffff, v2  }
.Ltmp3:
0x46: {  	v4 =	vld [tilespmem:s16+$0x0];
	[tilespmem:s15+$0x0 ss:$0x81] =	vst.msk $0xffff, v0;
	s15 =	sadd.s32 s19, s14;
	(pc) =	sbr.rel @p1 .LBB1_3-.Ltmp3, $4  }
0x47: {  	v3 =	vld [tilespmem:s16+$0x10];
	[tilespmem:s15+$0x3870 ss:$0x81] =	vst.msk $0xffff, v1  }
0x48: {  	[tilespmem:s15+$0x810 ss:$0x81] =	vst.msk $0xffff, v5;
	v2 =	vld [tilespmem:s16+$0x20]  }
0x49: {  	v0 =	vld [tilespmem:s16+$0xFFFFFFC0];
	[tilespmem:s15+$0x1020 ss:$0x81] =	vst.msk $0xffff, v6;
	s16 =	sadd.s32 $0x80, s16  }
0x4a: {  	s18 =	sadd.s32 $0x4, s18;
	v1 =	vld [tilespmem:s16+$0x30];
	[tilespmem:s15+$0x1830 ss:$0x81] =	vst.msk $0xffff, v7  }
.Ltmp4:
0x4b: {  	_ = 	snop;
	(pc) =	sbr.rel .LBB1_4-.Ltmp4, $1  }
0x4c: {  	_ =	sdelay $0x3  }
.LBB1_6:
0x4d: {  	_ =	sfence.sel $0x180000  }
0x4e: {  	s2 =	simm.s32 $0x1;
	[bflag:$0x0] =	sbarrier.arrive $0xFFFF  }
0x4f: {  	s31 =	simm.s32 $0x2;
	[sflag:s2] =	ssyncpa.u1 $0x1  }
0x50: {  	[sflag:s31] =	ssyncpa.u1 $0x1  }
0x51: {  	p0 =	sne.s32 s0, $0x0;
	_ =	strace $0x90000047  }
0x52: {  	s0 =	sadd.s32 @!p0 $0x100000, s1;
	[bflag:$0x2] =	sbarrier.arrive $0xFFFF  }
0x53: {  	[sflag:s0] =	ssyncadd.tile.s32 @!p0 $0x1;
	_ =	shalt  }
.Lfunc_end1:
_tile_overlayer_lowered:
.L_overlay_start_2:
0x54: {  	(tag) =	ssettag $0x2  }
0x55: {  	s0 =	rddreg [dreg:$0x0];
	s2 =	stileid.u32  }
0x56: {  	s1 =	rddreg [dreg:$0x1];
	p0 =	sne.s32 s2, $0x0  }
0x57: {  	s3 =	rddreg [dreg:$0x2];
	[bflag:$0x3] =	sbarrier.arrive $0xFFFF;
	s2 =	simm.s32 @!p0 $0x1C01  }
0x58: {  	[timem:s3], [sflag:s2] =	dma.local @!p0 [hbm:s0], s1  }
0x59: {  	s0 =	simm.s32 @!p0 $0x1  }
0x5a: {  	_ =	swait.ge @!p0 [sflag:s0], s1  }
0x5b: {  	s1 =	ssub.s32 @!p0 $0x0, s1;
	[sflag:s0] =	ssyncset.done @!p0 $0x0  }
0x5c: {  	[sflag:s0] =	ssyncadd.s32 @!p0 s1  }
0x5d: {  	[bflag:$0x3] =	sbarrier.arrive $0xFFFF  }
0x5e: {  	_ =	shalt  }

// kernel: sparse-core-data-format-call.cloned.1.call-start
scs
called_computation_lowered:
.L_overlay_start_0:
0x0: {  	s1 =	sld [smem:$0x3FD9]  }
0x1: {  	s2 =	sld [smem:$0x3FFE];
	_ =	sdelay $0x1  }
0x2: {  	s3 =	srdreg.scid  }
0x3: {  	s0 =	sand.u32 $0x1, s3  }
0x4: {  	s17 =	sshll.u32 s0, $0xA;
	s1 =	sadd.s32 s2, s1  }
0x5: {  	s1 =	sadd.s32 s1, s17  }
0x6: {  	[smem:$0x3F9A] =	sst s1  }
0x7: {  	_ = 	snop  }
0x8: {  	(tm) =	ssettm $0x1  }
0x9: {  	s18 =	sld [smem:$0x3FFB];
	_ =	sdelay $0x3  }
0xa: {  	_ =	strace s18  }
0xb: {  	s1 =	sld [smem:$0x3FFC];
	_ =	sdelay $0x3  }
0xc: {  	_ =	strace s1  }
0xd: {  	s1 =	sld [smem:$0x3FFD];
	_ =	sdelay $0x3  }
0xe: {  	_ =	strace s1  }
0xf: {  	_ =	strace $0x8FFFFFFF  }
0x10: {  	s19 =	sld [smem:$0x3FDB];
	_ =	sdelay $0x1  }
0x11: {  	s20 =	simm.s32 $_scs_section_size  }
0x12: {  	s4 =	simm.s32 $_size__tile_overlayer_lowered;
	s5 =	simm.s32 $_tile_overlayer_lowered  }
0x13: {  	s23 =	simm.s32 $0x1BFF;
	s22 =	sshll.u32 s5, $0x1;
	s1 =	sadd.s32 s20, s19  }
0x14: {  	s6 =	simm.s32 $0x0;
	s21 =	sshll.u32 s4, $0x1;
	s4 =	sadd.s32 s22, s1  }
0x15: {  	[timem:s6], [sflag:s23] =	dma.local [hbm:s4], s21  }
0x16: {  	_ =	swait.ge [sflag:s23], s21  }
0x17: {  	s2 =	ssub.s32 $0x0, s21;
	[sflag:s23] =	ssyncset.done $0x0  }
0x18: {  	[sflag:s23] =	ssyncadd.s32 s2;
	_ =	sdelay $0x1  }
0x19: {  	s24 =	simm.s32 $0x1B8B  }
0x1a: {  	_ =	swait.ge [sflag:s24], $0x1  }
0x1b: {  	[sflag:s24] =	ssyncset.done $0x0  }
0x1c: {  	s26 =	simm.s32 $0x1B8E;
	s25 =	sld [smem:$0x3FFE];
	[sflag:s24] =	ssyncadd.s32 $0xFFFFFFFF  }
0x1d: {  	s27 =	simm.s32 $execute0_lowered;
	[smem:$0x3FD2] =	sst s26  }
0x1e: {  	s4 =	sshll.u32 s27, $0x1;
	_ =	strace $0x80000058;
	[dreg:$0x1] =	wrdreg $0xFFFFFFFF  }
0x1f: {  	s28 =	simm.s32 $_size_execute0_lowered;
	s1 =	sadd.s32 s1, s4;
	[dreg:$0x0] =	wrdreg $0x0  }
0x20: {  	s4 =	sshll.u32 s28, $0x1;
	[dreg:$0x2] =	wrdreg s1  }
0x21: {  	[dreg:$0x3] =	wrdreg s4  }
0x22: {  	[dreg:$0x4] =	wrdreg $0xC0  }
0x23: {  	_ =	task [dreg:s6], $0x5FFFF  }
0x24: {  	[dreg:$0x1] =	wrdreg $0xFFFFFFFF  }
0x25: {  	[dreg:$0x0] =	wrdreg $0x60  }
0x26: {  	[dreg:$0x2] =	wrdreg s25  }
0x27: {  	[dreg:$0x3] =	wrdreg $0x9  }
0x28: {  	_ =	task.clear_ibuf [dreg:s6], $0x4FFFF;
	_ =	strace $0x90000058  }
0x29: {  	s29 =	simm.s32 $0x9;
	_ =	strace $0x8000005A  }
0x2a: {  	_ =	swait.ge [sflag:s29], $0x1  }
0x2b: {  	[sflag:s29] =	ssyncadd.s32 $0xFFFFFFFF  }
0x2c: {  	_ =	strace $0x9000005A  }
0x2d: {  	_ =	sfence  }
0x2e: {  	s30 =	sld [smem:$0x0];
	_ =	sdelay $0x2  }
0x2f: {  	s31 =	sshll.u32 s3, $0xD;
	s3 =	sshrl.u32 s3, $0x2  }
0x30: {  	s2 =	sand.u32 $0x4000, s31;
	s1 =	sadd.s32 s3, s30  }
0x31: {  	s0 =	sor.u32 s2, s0;
	s1 =	sshll.u32 s1, $0x11  }
0x32: {  	s0 =	sor.u32 s1, s0  }
0x33: {  	s0 =	sadd.s32 $0x8F2B, s0  }
0x34: {  	[sflag:s0] =	ssyncadd.remote.s32 $0x1  }
0x35: {  	_ =	sfence.sel $0xFFFF  }
0x36: {  	[dreg:$0x0] =	wrdreg $0xFFFFFFFF;
	(pc) =	sbr.abs _section_cstart, $3  }
0x37: {  	[dreg:$0x1] =	wrdreg $0xFFFFFFFF  }
0x38: {  	_ =	task.clear_ibuf [dreg:s6], $0x2FFFF;
	_ =	strace $0x9FFFFFFF  }
0x39: {  	(tm) =	ssettm $0x7FFFFFFF  }
tec
execute0_lowered:
.L_overlay_start_1:
0x0: {  	(tag) =	ssettag $0x1  }
0x1: {  	s0 =	srdreg.scid  }
0x2: {  	s5 =	rddreg [dreg:$0x0];
	s1 =	sshll.u32 s0, $0x4  }
0x3: {  	s4 =	simm.s32 $0x1;
	s0 =	stileid.u32;
	s1 =	sand.u32 $0x10, s1  }
0x4: {  	s8 =	simm.s32 $0x2;
	s12 =	simm.s32 $0x0;
	s2 =	sor.u32 s0, s1  }
0x5: {  	s11 =	simm.s32 $0x0;
	s9 =	simm.s32 $0x0;
	s2 =	sshll.u32 s2, $0x7  }
0x6: {  	s10 =	simm.s32 $0x0;
	s3 =	sadd.s32 $0x5ED800, s5;
	s6 =	ssub.s32 $0x4E800, s2  }
.Ltmp0:
0x7: {  	s1 =	rddreg [dreg:$0x1];
	s7 =	sand.u32 $0xF80, s6;
	(pc) =	sbr.rel .LBB1_1-.Ltmp0, $4  }
0x8: {  	_ =	strace $0x80000059;
	p0 =	sne.s32 s7, $0x0;
	s7 =	simm.s32 $0x1  }
0x9: {  	[sflag:s4] =	ssyncpa.u1 $0x0;
	s6 =	sshrl.u32 s6, $0xC;
	s7 =	simm.s32 @!p0 $0x0  }
0xa: {  	s5 =	sadd.s32 $0xAD5800, s5;
	[sflag:s8] =	ssyncpa.u1 $0x0;
	s6 =	sadd.s32 s7, s6  }
0xb: {  	s8 =	smov.u32 s2;
	p0 =	por $0x0, $0x0;
	s7 =	sadd.s32 $0x1, s6  }
.LBB1_4:
0xc: {  	s12 =	sshll.u32 s12, $0x7;
	s18 =	sshll.u32 s11, $0x3  }
0xd: {  	v5 =	vld [tilespmem:s16+$0xFFFFFFD0];
	[tilespmem:s15+$0x2040 ss:$0x81] =	vst.msk $0xffff, v4;
	s19 =	sand.u32 $0xFFFFFC00, s12;
	s18 =	sand.u32 $0xFFFFFC00, s18  }
0xe: {  	v58 =	vld [tilespmem:s16+$0xFFFFFFE0];
	[tilespmem:s15+$0x2850 ss:$0x81] =	vst.msk $0xffff, v3;
	s12 =	sand.u32 $0x380, s12;
	s18 =	sadd.s32 s18, s19  }
0xf: {  	s17 =	sshra.s32 s17, $0x2;
	v59 =	vld [tilespmem:s16+$0xFFFFFFF0];
	[tilespmem:s15+$0x3060 ss:$0x81] =	vst.msk $0xffff, v2;
	s12 =	sor.u32 s12, s18  }
0x10: {  	v60 =	vld [tilespmem:s16+$0x0];
	[tilespmem:s15+$0x0 ss:$0x81] =	vst.msk $0xffff, v0;
	s14 =	sadd.s32 s17, s14;
	s12 =	sshrl.u32 s12, $0x7  }
0x11: {  	v61 =	vld [tilespmem:s16+$0x10];
	[tilespmem:s14+$0x3870 ss:$0x81] =	vst.msk $0xffff, v1;
	s28 =	smulhi.u32 $0x685B5, s12  }
0x12: {  	v62 =	vld [tilespmem:s16+$0x20];
	[tilespmem:s14+$0x810 ss:$0x81] =	vst.msk $0xffff, v5  }
0x13: {  	v63 =	vld [tilespmem:s16+$0xFFFFFFC0];
	[tilespmem:s14+$0x1020 ss:$0x81] =	vst.msk $0xffff, v58;
	s15 =	sshrl.u32 s28, $0x5  }
0x14: {  	[tilespmem:s14+$0x1830 ss:$0x81] =	vst.msk $0xffff, v59;
	s15 =	smul.u32 $0x4E800, s15  }
0x15: {  	s29 =	sshrl.u32 s11, $0x3;
	[tilespmem:s14+$0x2040 ss:$0x81] =	vst.msk $0xffff, v60  }
0x16: {  	s30 =	sand.u32 $0xF, s29;
	[tilespmem:s14+$0x2850 ss:$0x81] =	vst.msk $0xffff, v61;
	s12 =	ssub.s32 s12, s15  }
0x17: {  	[tilespmem:s14+$0x3060 ss:$0x81] =	vst.msk $0xffff, v62;
	s15 =	sadd.s32 s5, s30;
	s12 =	sshll.u32 s12, $0x4  }
0x18: {  	s31 =	sand.u32 $0x7, s11;
	[tilespmem:s14+$0x0 ss:$0x81] =	vst.msk $0xffff, v63;
	s12 =	sadd.s32 s12, s15  }
0x19: {  	[hbm4b:s12+s31] =	stream.linear.scatter [tilespmem:s13], [sflag:$0x2], $0x4000, $0x20;
	[tilespmem:$0x10100] =	vst v63  }
.LBB1_5:
0x1a: {  	s13 =	sadd.s32 $0x1000, s8  }
0x1b: {  	s11 =	sadd.s32 $0x80, s9;
	s15 =	smov.u32 s9;
	p2 =	sgt.s32 s13, $0x4E7FF  }
0x1c: {  	s15 =	smov.u32 @p2 s11  }
0x1d: {  	s13 =	smov.u32 @p2 s2;
	p2 =	sgt.s32 s15, $0x7F  }
0x1e: {  	s15 =	simm.s32 @p2 $0x0;
	p2 =	sne.s32 s10, s7  }
.Ltmp1:
0x1f: {  	p1 =	slt.u32 s10, $0x2;
	(pc) =	sbr.rel @!p2 .LBB1_6-.Ltmp1, $4  }
0x20: {  	s14 =	simm.s32 @!p1 $0x2  }
0x21: {  	s12 =	smov.u32 s8;
	p0 =	por !p0, !p0;
	_ =	swait.ge @!p1 [sflag:s14], $0x4000  }
0x22: {  	s11 =	smov.u32 s9;
	[sflag:s14] =	ssyncset.done @!p1 $0x0;
	s8 =	smov.u32 s13  }
0x23: {  	s10 =	sadd.s32 $0x1, s10;
	[sflag:s14] =	ssyncadd.s32 @!p1 $0xFFFFC000;
	s9 =	smov.u32 s15  }
.LBB1_1:
0x24: {  	p1 =	sge.u32 s10, s6  }
0x25: {  	s13 =	sshrl.u32 @!p1 s9, $0x3  }
0x26: {  	s14 =	sshll.u32 @!p1 s8, $0x3;
	s15 =	sshll.u32 @!p1 s9, $0x7;
	s13 =	smul.u32 @!p1 $0x274000, s13  }
0x27: {  	s16 =	sand.u32 @!p1 $0x7F, s8;
	s14 =	sand.u32 @!p1 $0xFFFFFC00, s14;
	s15 =	sand.u32 @!p1 $0x380, s15  }
0x28: {  	s13 =	sadd.s32 @!p1 s13, s14;
	s14 =	sor.u32 @!p1 s16, s15  }
0x29: {  	s14 =	sor.u32 @!p1 s13, s14  }
0x2a: {  	s15 =	smulhi.u32 @!p1 $0x342DA7F3, s14;
	_ =	sdelay $0x1  }
0x2b: {  	s13 =	smulhi.u32 @!p1 $0x342DA7F3, s13;
	s15 =	sshrl.u32 @!p1 s15, $0x10  }
0x2c: {  	s15 =	smul.u32 @!p1 $0x4E800, s15  }
0x2d: {  	s31 =	sadd.s32 $0xFFFFFFFF, s10;
	s16 =	sxor.u32 @!p1 $0xFFFFFFFF, s10;
	s13 =	sshrl.u32 @!p1 s13, $0x10  }
0x2e: {  	s16 =	sshll.u32 @!p1 s16, $0xE;
	s13 =	sand.u32 @!p1 $0x7F, s13;
	s14 =	ssub.s32 @!p1 s14, s15  }
0x2f: {  	s13 =	smul.u32 @!p1 $0x9D00, s13;
	s15 =	sshrl.u32 @!p1 s14, $0x3;
	s14 =	sand.u32 @!p1 $0x7, s14  }
0x30: {  	s16 =	sand.u32 @!p1 $0x4000, s16;
	s15 =	sadd.s32 @!p1 s3, s15;
	s14 =	sshll.u32 @!p1 s14, $0x12  }
0x31: {  	s13 =	sadd.s32 @!p1 s13, s15;
	s14 =	sor.u32 @!p1 $0x400, s14;
	s15 =	simm.s32 @!p1 $0x274000  }
0x32: {  	[tilespmem:s16], [sflag:$0x1] =	stream.strided.gather @!p1 [hbm4b:s13+s14], $0x4000, s15, s14, $0x38;
	[tilespmem:$0x10100] =	vst v63  }
0x33: {  	p1 =	sge.u32 s31, s6  }
.Ltmp2:
0x34: {  	_ = 	snop;
	(pc) =	sbr.rel @p1 .LBB1_5-.Ltmp2, $1  }
0x35: {  	_ =	sdelay $0x3  }
0x36: {  	s13 =	simm.s32 $0x1  }
0x37: {  	_ =	swait.ge [sflag:s4], $0x4000;
	s13 =	simm.s32 @!p0 $0x0  }
0x38: {  	[sflag:s4] =	ssyncset.done $0x0;
	s14 =	sshll.u32 s13, $0xE  }
0x39: {  	[sflag:s4] =	ssyncadd.s32 $0xFFFFC000;
	s16 =	sor.u32 $0x40, s14  }
0x3a: {  	s13 =	smul.u32 $0x10200, s13;
	v0 =	vld [tilespmem:s16+$0x30]  }
0x3b: {  	v1 =	vld [tilespmem:s16+$0xFFFFFFD0]  }
0x3c: {  	s13 =	sshrl.u32 s13, $0x2;
	v5 =	vld [tilespmem:s16+$0xFFFFFFE0]  }
0x3d: {  	v6 =	vld [tilespmem:s16+$0xFFFFFFF0];
	s14 =	sor.u32 $0x8000, s13  }
0x3e: {  	s31 =	sand.u32 $0x1, s10;
	v4 =	vld [tilespmem:s16+$0x0];
	s15 =	sadd.s32 $0x0, s14  }
0x3f: {  	v3 =	vld [tilespmem:s16+$0x10];
	s13 =	smul.u32 $0x10200, s31;
	[tilespmem:s15+$0x3870 ss:$0x81] =	vst.msk $0xffff, v0  }
0x40: {  	v2 =	vld [tilespmem:s16+$0x20];
	[tilespmem:s15+$0x810 ss:$0x81] =	vst.msk $0xffff, v1  }
0x41: {  	s13 =	sshrl.u32 s13, $0x2;
	v0 =	vld [tilespmem:s16+$0xFFFFFFC0];
	[tilespmem:s15+$0x1020 ss:$0x81] =	vst.msk $0xffff, v5;
	s16 =	sadd.s32 $0x80, s16  }
0x42: {  	s17 =	simm.s32 $0x4;
	s18 =	simm.s32 $0x8;
	s13 =	sor.u32 $0x8000, s13;
	[tilespmem:s15+$0x1830 ss:$0x81] =	vst.msk $0xffff, v6;
	v1 =	vld [tilespmem:s16+$0x30]  }
.LBB1_3:
0x43: {  	p1 =	sne.s32 s18, $0x1FC;
	v5 =	vld [tilespmem:s16+$0xFFFFFFD0];
	[tilespmem:s15+$0x2040 ss:$0x81] =	vst.msk $0xffff, v4  }
0x44: {  	v6 =	vld [tilespmem:s16+$0xFFFFFFE0];
	[tilespmem:s15+$0x2850 ss:$0x81] =	vst.msk $0xffff, v3  }
0x45: {  	s19 =	sshra.s32 s17, $0x2;
	s17 =	smov.u32 s18;
	v7 =	vld [tilespmem:s16+$0xFFFFFFF0];
	[tilespmem:s15+$0x3060 ss:$0x81] =	vst.msk $0xffff, v2  }
.Ltmp3:
0x46: {  	v4 =	vld [tilespmem:s16+$0x0];
	[tilespmem:s15+$0x0 ss:$0x81] =	vst.msk $0xffff, v0;
	s15 =	sadd.s32 s19, s14;
	(pc) =	sbr.rel @p1 .LBB1_3-.Ltmp3, $4  }
0x47: {  	v3 =	vld [tilespmem:s16+$0x10];
	[tilespmem:s15+$0x3870 ss:$0x81] =	vst.msk $0xffff, v1  }
0x48: {  	[tilespmem:s15+$0x810 ss:$0x81] =	vst.msk $0xffff, v5;
	v2 =	vld [tilespmem:s16+$0x20]  }
0x49: {  	v0 =	vld [tilespmem:s16+$0xFFFFFFC0];
	[tilespmem:s15+$0x1020 ss:$0x81] =	vst.msk $0xffff, v6;
	s16 =	sadd.s32 $0x80, s16  }
0x4a: {  	s18 =	sadd.s32 $0x4, s18;
	v1 =	vld [tilespmem:s16+$0x30];
	[tilespmem:s15+$0x1830 ss:$0x81] =	vst.msk $0xffff, v7  }
.Ltmp4:
0x4b: {  	_ = 	snop;
	(pc) =	sbr.rel .LBB1_4-.Ltmp4, $1  }
0x4c: {  	_ =	sdelay $0x3  }
.LBB1_6:
0x4d: {  	_ =	sfence.sel $0x180000  }
0x4e: {  	s2 =	simm.s32 $0x1;
	[bflag:$0x0] =	sbarrier.arrive $0xFFFF  }
0x4f: {  	s31 =	simm.s32 $0x2;
	[sflag:s2] =	ssyncpa.u1 $0x1  }
0x50: {  	[sflag:s31] =	ssyncpa.u1 $0x1  }
0x51: {  	p0 =	sne.s32 s0, $0x0;
	_ =	strace $0x90000059  }
0x52: {  	s0 =	sadd.s32 @!p0 $0x100000, s1;
	[bflag:$0x2] =	sbarrier.arrive $0xFFFF  }
0x53: {  	[sflag:s0] =	ssyncadd.tile.s32 @!p0 $0x1;
	_ =	shalt  }
.Lfunc_end1:
_tile_overlayer_lowered:
.L_overlay_start_2:
0x54: {  	(tag) =	ssettag $0x2  }
0x55: {  	s0 =	rddreg [dreg:$0x0];
	s2 =	stileid.u32  }
0x56: {  	s1 =	rddreg [dreg:$0x1];
	p0 =	sne.s32 s2, $0x0  }
0x57: {  	s3 =	rddreg [dreg:$0x2];
	[bflag:$0x3] =	sbarrier.arrive $0xFFFF;
	s2 =	simm.s32 @!p0 $0x1C01  }
0x58: {  	[timem:s3], [sflag:s2] =	dma.local @!p0 [hbm:s0], s1  }
0x59: {  	s0 =	simm.s32 @!p0 $0x1  }
0x5a: {  	_ =	swait.ge @!p0 [sflag:s0], s1  }
0x5b: {  	s1 =	ssub.s32 @!p0 $0x0, s1;
	[sflag:s0] =	ssyncset.done @!p0 $0x0  }
0x5c: {  	[sflag:s0] =	ssyncadd.s32 @!p0 s1  }
0x5d: {  	[bflag:$0x3] =	sbarrier.arrive $0xFFFF  }
0x5e: {  	_ =	shalt  }

</sc_bundles>
